<compile_context>
chip_gen: v7x
topology: tpu7x:2x2x1
jax: 0.10.2.dev20260603
libtpu: 0.0.44.dev20260713+nightly
codegen_flags: <defaults>
</compile_context>

<pallas_src>
import functools

import jax
import jax.numpy as jnp
from jax import lax
from jax.experimental import pallas as pl
from jax.experimental.pallas import tpu as pltpu
from jax.experimental.pallas import tpu_sc as plsc

B = 16
L = 2048
D = 256
LANES = 16
VPR = D // LANES
ROWS_PER_W = 1024
CHUNK = 128
N_CHUNKS = ROWS_PER_W // CHUNK
NBUF = 3
PF = NBUF - 1
ZROWS = CHUNK // 2
HALF = 1024


def _body(table, idxr, lens, out, mask, idx_v, buf0, buf1, buf2, zbuf,
          mask_v, len_v, sg0, sg1, sg2, so0, so1, so2, sm):
    b = lax.axis_index("s")
    half = (b + lax.axis_index("c")) % 2
    col = half * HALF

    pltpu.async_copy(idxr.at[b, pl.ds(col, ROWS_PER_W)], idx_v, sg0)
    pltpu.async_copy(lens, len_v.at[pl.ds(0, LANES)], sg1)
    pltpu.make_async_copy(lens, len_v.at[pl.ds(0, LANES)], sg1).wait()

    iota = lax.broadcasted_iota(jnp.int32, (LANES,), 0)
    thresh = len_v[pl.ds(b, LANES)][0]
    v = jnp.clip(thresh - col, 0, ROWS_PER_W)

    zeros16 = jnp.zeros((LANES,), jnp.float32)
    ones16 = jnp.ones((LANES,), jnp.float32)

    bufs = [buf0, buf1, buf2]
    sgs = [sg0, sg1, sg2]
    sos = [so0, so1, so2]
    anyv = [v > c * CHUNK for c in range(N_CHUNKS)]
    fullv = [v >= (c + 1) * CHUNK for c in range(N_CHUNKS)]

    def gather_start(c):
        p = c % NBUF
        pltpu.async_copy(table.at[idx_v.at[pl.ds(c * CHUNK, CHUNK)]],
                         bufs[p], sgs[p])

    def gather_wait(c):
        p = c % NBUF
        pltpu.make_async_copy(table.at[idx_v.at[pl.ds(c * CHUNK, CHUNK)]],
                              bufs[p], sgs[p]).wait()

    def out_start(c):
        p = c % NBUF
        pltpu.async_copy(bufs[p], out.at[b, pl.ds(col + c * CHUNK, CHUNK)],
                         sos[p])

    def zout_start(c):
        p = c % NBUF
        lo = col + c * CHUNK
        pltpu.async_copy(zbuf, out.at[b, pl.ds(lo, ZROWS)], sos[p])
        pltpu.async_copy(zbuf, out.at[b, pl.ds(lo + ZROWS, ZROWS)], sos[p])

    def out_wait(c):
        p = c % NBUF
        pltpu.make_async_copy(
            bufs[p], out.at[b, pl.ds(col + c * CHUNK, CHUNK)], sos[p]).wait()

    pltpu.make_async_copy(idxr.at[b, pl.ds(col, ROWS_PER_W)], idx_v,
                          sg0).wait()
    for k in range(PF):
        @pl.when(anyv[k])
        def _(k=k):
            gather_start(k)

    @pl.when(v <= (N_CHUNKS - 1) * CHUNK)
    def _():
        def zrow(r, carry):
            for i in range(VPR):
                zbuf[r, pl.ds(i * LANES, LANES)] = zeros16
            return carry

        lax.fori_loop(0, ZROWS, zrow, 0)

    for c in range(N_CHUNKS):
        @pl.when(anyv[c])
        def _(c=c):
            gather_wait(c)

            @pl.when(jnp.logical_not(fullv[c]))
            def _():
                buf = bufs[c % NBUF]

                def zsuf(r, carry):
                    for i in range(VPR):
                        buf[r, pl.ds(i * LANES, LANES)] = zeros16
                    return carry

                lax.fori_loop(v - c * CHUNK, CHUNK, zsuf, 0)

            out_start(c)

        @pl.when(jnp.logical_not(anyv[c]))
        def _(c=c):
            zout_start(c)

        n = c + PF
        if n < N_CHUNKS:
            if c + PF - NBUF >= 0:
                out_wait(c + PF - NBUF)

            @pl.when(anyv[n])
            def _(n=n):
                gather_start(n)

        if c == 0:
            def mrow(i, carry):
                j = iota + (col + i * LANES)
                mask_v[pl.ds(i * LANES, LANES)] = jnp.where(
                    j < thresh, ones16, zeros16)
                return carry

            lax.fori_loop(0, ROWS_PER_W // LANES, mrow, 0)
            pltpu.async_copy(mask_v, mask.at[b, pl.ds(col, ROWS_PER_W)], sm)

    for c in range(N_CHUNKS - NBUF, N_CHUNKS):
        out_wait(c)
    pltpu.make_async_copy(mask_v, mask.at[b, pl.ds(col, ROWS_PER_W)],
                          sm).wait()


@jax.jit
def _sampler(table, idxr, lens):
    mesh = plsc.VectorSubcoreMesh(core_axis_name="c", subcore_axis_name="s")
    f = functools.partial(
        pl.kernel,
        mesh=mesh,
        out_type=[
            jax.ShapeDtypeStruct((B, L, D), jnp.float32),
            jax.ShapeDtypeStruct((B, L), jnp.float32),
        ],
        scratch_types=[
            pltpu.VMEM((ROWS_PER_W,), jnp.int32),
            pltpu.VMEM((CHUNK, D), jnp.float32),
            pltpu.VMEM((CHUNK, D), jnp.float32),
            pltpu.VMEM((CHUNK, D), jnp.float32),
            pltpu.VMEM((ZROWS, D), jnp.float32),
            pltpu.VMEM((ROWS_PER_W,), jnp.float32),
            pltpu.VMEM((2 * LANES,), jnp.int32),
            pltpu.SemaphoreType.DMA,
            pltpu.SemaphoreType.DMA,
            pltpu.SemaphoreType.DMA,
            pltpu.SemaphoreType.DMA,
            pltpu.SemaphoreType.DMA,
            pltpu.SemaphoreType.DMA,
            pltpu.SemaphoreType.DMA,
        ],
    )(_body)
    return f(table, idxr, lens)


def kernel(item_universe, indices, lengths):
    out, mask = _sampler(item_universe, indices.astype(jnp.int32),
                         lengths.astype(jnp.int32))
    return out, mask

# --- scband reference (transcript-rebuilt; emitter-appended) ---
"""Pipeline reference for scband-synthetic-sampler-57750130262311 (READ-ONLY COPY).

The authoritative reference and input builder live on the scoring server;
editing this copy changes nothing except your own understanding.
"""

import jax, jax.numpy as jnp
import numpy as np

N_POOL = 100000
D = 256
B = 16
L = 2048
RHO = 0.1
MIN_SIZE = 256


def setup_inputs(seed: int = 0) -> dict:
    key = jax.random.key(seed)
    k1, k2, k3 = jax.random.split(key, 3)
    # Correlated item universe: z ~ N(0, I), x = z @ chol(cov)^T so that cov(x) = cov
    cov = np.full((D, D), RHO, dtype=np.float64)
    np.fill_diagonal(cov, 1.0)
    chol = np.linalg.cholesky(cov).astype(np.float32)
    z = jax.random.normal(k1, (N_POOL, D), dtype=jnp.float32)
    item_universe = z @ jnp.asarray(chol).T
    # Per-sample chosen item indices (padded to max_len = L)
    indices = jax.random.randint(k2, (B, L), 0, N_POOL, dtype=jnp.int64)
    # Per-sample assortment sizes in [MIN_SIZE, L]
    lengths = jax.random.randint(k3, (B,), MIN_SIZE, L + 1, dtype=jnp.int64)
    return {"item_universe": item_universe, "indices": indices, "lengths": lengths}


def reference(item_universe, indices, lengths):
    # Faithful translation of SyntheticSampler.sample():
    #   batch_items[i, :k, :] = item_universe[chosen_idx]; batch_mask[i, :k] = 1.0
    # vectorized as a gather followed by a ragged mask.
    Bsz, max_len = indices.shape
    mask = (jnp.arange(max_len)[None, :] < lengths[:, None]).astype(item_universe.dtype)
    gathered = jnp.take(item_universe, indices, axis=0)  # (B, L, D)
    batch_items = gathered * mask[:, :, None]  # zero out padding, as in the torch zeros-init
    return batch_items, mask

if __name__ == "__main__":
    import jax
    _d = setup_inputs()
    print(jax.jit(kernel)(*tuple(_d.values())))

</pallas_src>

<mosaic_0001>
#map = affine_map<(d0, d1) -> (0, 0)>
#map1 = affine_map<(d0, d1) -> (0)>
#map2 = affine_map<(d0, d1) -> (0, 0, 0)>
module attributes {stable_mosaic.version = 14 : i64} {
  func.func @_body(%arg0: i32, %arg1: i32, %arg2: memref<100000x256xf32, #tpu.memory_space<hbm>>, %arg3: memref<16x2048xi32, #tpu.memory_space<hbm>>, %arg4: memref<16xi32, #tpu.memory_space<hbm>>, %arg5: memref<16x2048x256xf32, #tpu.memory_space<hbm>>, %arg6: memref<16x2048xf32, #tpu.memory_space<hbm>>, %arg7: memref<1024xi32, #tpu.memory_space<vmem>>, %arg8: memref<128x256xf32, #tpu.memory_space<vmem>>, %arg9: memref<128x256xf32, #tpu.memory_space<vmem>>, %arg10: memref<128x256xf32, #tpu.memory_space<vmem>>, %arg11: memref<64x256xf32, #tpu.memory_space<vmem>>, %arg12: memref<1024xf32, #tpu.memory_space<vmem>>, %arg13: memref<32xi32, #tpu.memory_space<vmem>>, %arg14: memref<!tpu.dma_semaphore, #tpu.memory_space<semaphore_mem>>, %arg15: memref<!tpu.dma_semaphore, #tpu.memory_space<semaphore_mem>>, %arg16: memref<!tpu.dma_semaphore, #tpu.memory_space<semaphore_mem>>, %arg17: memref<!tpu.dma_semaphore, #tpu.memory_space<semaphore_mem>>, %arg18: memref<!tpu.dma_semaphore, #tpu.memory_space<semaphore_mem>>, %arg19: memref<!tpu.dma_semaphore, #tpu.memory_space<semaphore_mem>>, %arg20: memref<!tpu.dma_semaphore, #tpu.memory_space<semaphore_mem>>) attributes {dimension_semantics = [#tpu.dimension_semantics<core_parallel>, #tpu.dimension_semantics<subcore_parallel>], iteration_bounds = array<i64: 2, 16>, scalar_prefetch = 0 : i64, scratch_operands = 14 : i64, tpu.core_type = #tpu.core_type<sc_vector_subcore>, window_params = [{transform_indices = #map}, {transform_indices = #map}, {transform_indices = #map1}, {transform_indices = #map2}, {transform_indices = #map}]} {
    %add3A = arith.addi %arg1, %arg0 : i32
    %jit3A = arith.constant 2 : i32
    %eq3A = arith.constant 0 : i32
    %eq3A_0 = arith.cmpi eq, %jit3A, %eq3A : i32
    %jit3A_1 = arith.constant 1 : i32
    %select_n3A = arith.select %eq3A_0, %jit3A_1, %jit3A : i32
    %rem3A = arith.remsi %add3A, %select_n3A : i32
    %ne3A = arith.constant 0 : i32
    %ne3A_2 = arith.cmpi ne, %rem3A, %ne3A : i32
    %lt3A = arith.constant 0 : i32
    %lt3A_3 = arith.cmpi slt, %rem3A, %lt3A : i32
    %lt3A_4 = arith.constant 0 : i32
    %lt3A_5 = arith.cmpi slt, %select_n3A, %lt3A_4 : i32
    %ne3A_6 = arith.xori %lt3A_3, %lt3A_5 : i1
    %and3A = arith.andi %ne3A_6, %ne3A_2 : i1
    %add3A_7 = arith.addi %rem3A, %select_n3A : i32
    %select_n3A_8 = arith.select %and3A, %add3A_7, %rem3A : i32
    %mul3A = arith.constant 1024 : i32
    %mul3A_9 = arith.muli %select_n3A_8, %mul3A : i32
    %dma_start3A = tpu.memref_slice %arg3[%arg1, %mul3A_9] : memref<16x2048xi32, #tpu.memory_space<hbm>> -> memref<1x1024xi32, #tpu.memory_space<hbm>>
    %dma_start3A_10 = tpu.memref_squeeze %dma_start3A : memref<1x1024xi32, #tpu.memory_space<hbm>> -> memref<1024xi32, #tpu.memory_space<hbm>>
    %dma_start3A_11 = tpu.memref_slice %arg3[%arg1, %mul3A_9] : memref<16x2048xi32, #tpu.memory_space<hbm>> -> memref<1x1024xi32, #tpu.memory_space<hbm>>
    %dma_start3A_12 = tpu.memref_squeeze %dma_start3A_11 : memref<1x1024xi32, #tpu.memory_space<hbm>> -> memref<1024xi32, #tpu.memory_space<hbm>>
    tpu.enqueue_dma source(%dma_start3A_12 : memref<1024xi32, #tpu.memory_space<hbm>>) target(%arg7 : memref<1024xi32, #tpu.memory_space<vmem>>) target_semaphore(%arg14 : memref<!tpu.dma_semaphore, #tpu.memory_space<semaphore_mem>>)
    %dma_start3A_13 = arith.constant 0 : i32
    %dma_start3A_14 = tpu.memref_slice %arg13[%dma_start3A_13] : memref<32xi32, #tpu.memory_space<vmem>> -> memref<16xi32, #tpu.memory_space<vmem>>
    %dma_start3A_15 = arith.constant 0 : i32
    %dma_start3A_16 = tpu.memref_slice %arg13[%dma_start3A_15] : memref<32xi32, #tpu.memory_space<vmem>> -> memref<16xi32, #tpu.memory_space<vmem>>
    tpu.enqueue_dma source(%arg4 : memref<16xi32, #tpu.memory_space<hbm>>) target(%dma_start3A_16 : memref<16xi32, #tpu.memory_space<vmem>>) target_semaphore(%arg15 : memref<!tpu.dma_semaphore, #tpu.memory_space<semaphore_mem>>)
    %dma_wait3A = arith.constant 0 : i32
    %dma_wait3A_17 = tpu.memref_slice %arg13[%dma_wait3A] : memref<32xi32, #tpu.memory_space<vmem>> -> memref<16xi32, #tpu.memory_space<vmem>>
    %dma_wait3A_18 = arith.constant 0 : i32
    %dma_wait3A_19 = tpu.memref_slice %arg13[%dma_wait3A_18] : memref<32xi32, #tpu.memory_space<vmem>> -> memref<16xi32, #tpu.memory_space<vmem>>
    tpu.wait_dma2 semaphore(%arg15 : memref<!tpu.dma_semaphore, #tpu.memory_space<semaphore_mem>>) src(%arg4 : memref<16xi32, #tpu.memory_space<hbm>>) dst(%dma_wait3A_19 : memref<16xi32, #tpu.memory_space<vmem>>)
    %iota3A = tpu.iota {dimensions = array<i32: 0>} : vector<16xi32>
    %get3A = arith.index_cast %arg1 : i32 to index
    %get3A_20 = tpu.vector_load %arg13[%get3A] {strides = array<i32>} : memref<32xi32, #tpu.memory_space<vmem>>, vector<16xi32>,
    %get3A_21 = vector.shape_cast %get3A_20 : vector<16xi32> to vector<16xi32>
    %slice3A = vector.extract_strided_slice %get3A_21 {offsets = [0], sizes = [1], strides = [1]} : vector<16xi32> to vector<1xi32>
    %squeeze3A = vector.extract %slice3A[0] : i32 from vector<1xi32>
    %sub3A = arith.subi %squeeze3A, %mul3A_9 : i32
    %jit3A_22 = arith.constant 0 : i32
    %jit3A_23 = arith.constant 1024 : i32
    %max3A = arith.maxsi %jit3A_22, %sub3A : i32
    %min3A = arith.minsi %jit3A_23, %max3A : i32
    %broadcast_in_dim3A = arith.constant 0.000000e+00 : f32
    %broadcast_in_dim3A_24 = vector.broadcast %broadcast_in_dim3A : f32 to vector<16xf32>
    %broadcast_in_dim3A_25 = arith.constant 1.000000e+00 : f32
    %broadcast_in_dim3A_26 = vector.broadcast %broadcast_in_dim3A_25 : f32 to vector<16xf32>
    %gt3A = arith.constant 0 : i32
    %gt3A_27 = arith.cmpi sgt, %min3A, %gt3A : i32
    %gt3A_28 = arith.constant 128 : i32
    %gt3A_29 = arith.cmpi sgt, %min3A, %gt3A_28 : i32
    %gt3A_30 = arith.constant 256 : i32
    %gt3A_31 = arith.cmpi sgt, %min3A, %gt3A_30 : i32
    %gt3A_32 = arith.constant 384 : i32
    %gt3A_33 = arith.cmpi sgt, %min3A, %gt3A_32 : i32
    %gt3A_34 = arith.constant 512 : i32
    %gt3A_35 = arith.cmpi sgt, %min3A, %gt3A_34 : i32
    %gt3A_36 = arith.constant 640 : i32
    %gt3A_37 = arith.cmpi sgt, %min3A, %gt3A_36 : i32
    %gt3A_38 = arith.constant 768 : i32
    %gt3A_39 = arith.cmpi sgt, %min3A, %gt3A_38 : i32
    %gt3A_40 = arith.constant 896 : i32
    %gt3A_41 = arith.cmpi sgt, %min3A, %gt3A_40 : i32
    %ge3A = arith.constant 128 : i32
    %ge3A_42 = arith.cmpi sge, %min3A, %ge3A : i32
    %ge3A_43 = arith.constant 256 : i32
    %ge3A_44 = arith.cmpi sge, %min3A, %ge3A_43 : i32
    %ge3A_45 = arith.constant 384 : i32
    %ge3A_46 = arith.cmpi sge, %min3A, %ge3A_45 : i32
    %ge3A_47 = arith.constant 512 : i32
    %ge3A_48 = arith.cmpi sge, %min3A, %ge3A_47 : i32
    %ge3A_49 = arith.constant 640 : i32
    %ge3A_50 = arith.cmpi sge, %min3A, %ge3A_49 : i32
    %ge3A_51 = arith.constant 768 : i32
    %ge3A_52 = arith.cmpi sge, %min3A, %ge3A_51 : i32
    %ge3A_53 = arith.constant 896 : i32
    %ge3A_54 = arith.cmpi sge, %min3A, %ge3A_53 : i32
    %ge3A_55 = arith.constant 1024 : i32
    %ge3A_56 = arith.cmpi sge, %min3A, %ge3A_55 : i32
    %dma_wait3A_57 = tpu.memref_slice %arg3[%arg1, %mul3A_9] : memref<16x2048xi32, #tpu.memory_space<hbm>> -> memref<1x1024xi32, #tpu.memory_space<hbm>>
    %dma_wait3A_58 = tpu.memref_squeeze %dma_wait3A_57 : memref<1x1024xi32, #tpu.memory_space<hbm>> -> memref<1024xi32, #tpu.memory_space<hbm>>
    %dma_wait3A_59 = tpu.memref_slice %arg3[%arg1, %mul3A_9] : memref<16x2048xi32, #tpu.memory_space<hbm>> -> memref<1x1024xi32, #tpu.memory_space<hbm>>
    %dma_wait3A_60 = tpu.memref_squeeze %dma_wait3A_59 : memref<1x1024xi32, #tpu.memory_space<hbm>> -> memref<1024xi32, #tpu.memory_space<hbm>>
    tpu.wait_dma2 semaphore(%arg14 : memref<!tpu.dma_semaphore, #tpu.memory_space<semaphore_mem>>) src(%dma_wait3A_60 : memref<1024xi32, #tpu.memory_space<hbm>>) dst(%arg7 : memref<1024xi32, #tpu.memory_space<vmem>>)
    %convert_element_type3A = arith.extui %gt3A_27 : i1 to i32
    %cond3A = arith.constant 0 : i32
    %cond3A_61 = arith.cmpi ne, %convert_element_type3A, %cond3A : i32
    scf.if %cond3A_61 {
      %dma_start3A_227 = arith.constant 0 : i32
      %dma_start3A_228 = tpu.memref_slice %arg7[%dma_start3A_227] : memref<1024xi32, #tpu.memory_space<vmem>> -> memref<128xi32, #tpu.memory_space<vmem>>
      %dma_start3A_229 = arith.constant 0 : i32
      %dma_start3A_230 = arith.constant 0 : i32
      %dma_start3A_231 = tpu.memref_slice %arg2[%dma_start3A_229, %dma_start3A_230] : memref<100000x256xf32, #tpu.memory_space<hbm>> -> memref<100000x256xf32, #tpu.memory_space<hbm>>
      tpu.enqueue_indirect_dma source(%dma_start3A_231 : memref<100000x256xf32, #tpu.memory_space<hbm>>) target(%arg8 : memref<128x256xf32, #tpu.memory_space<vmem>>) offsets(%dma_start3A_228 : memref<128xi32, #tpu.memory_space<vmem>>) semaphore(%arg14 : memref<!tpu.dma_semaphore, #tpu.memory_space<semaphore_mem>>)
    } else {
    }
    %convert_element_type3A_62 = arith.extui %gt3A_29 : i1 to i32
    %cond3A_63 = arith.constant 0 : i32
    %cond3A_64 = arith.cmpi ne, %convert_element_type3A_62, %cond3A_63 : i32
    scf.if %cond3A_64 {
      %dma_start3A_227 = arith.constant 128 : i32
      %dma_start3A_228 = tpu.memref_slice %arg7[%dma_start3A_227] : memref<1024xi32, #tpu.memory_space<vmem>> -> memref<128xi32, #tpu.memory_space<vmem>>
      %dma_start3A_229 = arith.constant 0 : i32
      %dma_start3A_230 = arith.constant 0 : i32
      %dma_start3A_231 = tpu.memref_slice %arg2[%dma_start3A_229, %dma_start3A_230] : memref<100000x256xf32, #tpu.memory_space<hbm>> -> memref<100000x256xf32, #tpu.memory_space<hbm>>
      tpu.enqueue_indirect_dma source(%dma_start3A_231 : memref<100000x256xf32, #tpu.memory_space<hbm>>) target(%arg9 : memref<128x256xf32, #tpu.memory_space<vmem>>) offsets(%dma_start3A_228 : memref<128xi32, #tpu.memory_space<vmem>>) semaphore(%arg15 : memref<!tpu.dma_semaphore, #tpu.memory_space<semaphore_mem>>)
    } else {
    }
    %le3A = arith.constant 896 : i32
    %le3A_65 = arith.cmpi sle, %min3A, %le3A : i32
    %convert_element_type3A_66 = arith.extui %le3A_65 : i1 to i32
    %cond3A_67 = arith.constant 0 : i32
    %cond3A_68 = arith.cmpi ne, %convert_element_type3A_66, %cond3A_67 : i32
    scf.if %cond3A_68 {
      %scan3A_227 = arith.constant 0 : i32
      %scan3A_228 = arith.constant 0 : i32
      %scan3A_229 = arith.constant 64 : i32
      %scan3A_230 = arith.addi %scan3A_228, %scan3A_229 : i32
      %scan3A_231 = arith.constant 1 : i32
      scf.for %scan3A_233 = %scan3A_228 to %scan3A_230 step %scan3A_231  : i32 {
        %swap3A = arith.index_cast %scan3A_233 : i32 to index
        %swap3A_234 = arith.constant 0 : index
        %swap3A_235 = tpu.vector_load %arg11[%swap3A, %swap3A_234] {strides = array<i32>} : memref<64x256xf32, #tpu.memory_space<vmem>>, vector<1x16xf32>,
        %swap3A_236 = vector.shape_cast %swap3A_235 : vector<1x16xf32> to vector<16xf32>
        %swap3A_237 = vector.shape_cast %broadcast_in_dim3A_24 : vector<16xf32> to vector<1x16xf32>
        tpu.vector_store %arg11[%swap3A, %swap3A_234], %swap3A_237 {strides = array<i32>} : memref<64x256xf32, #tpu.memory_space<vmem>>, vector<1x16xf32>,
        %swap3A_238 = arith.index_cast %scan3A_233 : i32 to index
        %swap3A_239 = arith.constant 16 : index
        %swap3A_240 = tpu.vector_load %arg11[%swap3A_238, %swap3A_239] {strides = array<i32>} : memref<64x256xf32, #tpu.memory_space<vmem>>, vector<1x16xf32>,
        %swap3A_241 = vector.shape_cast %swap3A_240 : vector<1x16xf32> to vector<16xf32>
        %swap3A_242 = vector.shape_cast %broadcast_in_dim3A_24 : vector<16xf32> to vector<1x16xf32>
        tpu.vector_store %arg11[%swap3A_238, %swap3A_239], %swap3A_242 {strides = array<i32>} : memref<64x256xf32, #tpu.memory_space<vmem>>, vector<1x16xf32>,
        %swap3A_243 = arith.index_cast %scan3A_233 : i32 to index
        %swap3A_244 = arith.constant 32 : index
        %swap3A_245 = tpu.vector_load %arg11[%swap3A_243, %swap3A_244] {strides = array<i32>} : memref<64x256xf32, #tpu.memory_space<vmem>>, vector<1x16xf32>,
        %swap3A_246 = vector.shape_cast %swap3A_245 : vector<1x16xf32> to vector<16xf32>
        %swap3A_247 = vector.shape_cast %broadcast_in_dim3A_24 : vector<16xf32> to vector<1x16xf32>
        tpu.vector_store %arg11[%swap3A_243, %swap3A_244], %swap3A_247 {strides = array<i32>} : memref<64x256xf32, #tpu.memory_space<vmem>>, vector<1x16xf32>,
        %swap3A_248 = arith.index_cast %scan3A_233 : i32 to index
        %swap3A_249 = arith.constant 48 : index
        %swap3A_250 = tpu.vector_load %arg11[%swap3A_248, %swap3A_249] {strides = array<i32>} : memref<64x256xf32, #tpu.memory_space<vmem>>, vector<1x16xf32>,
        %swap3A_251 = vector.shape_cast %swap3A_250 : vector<1x16xf32> to vector<16xf32>
        %swap3A_252 = vector.shape_cast %broadcast_in_dim3A_24 : vector<16xf32> to vector<1x16xf32>
        tpu.vector_store %arg11[%swap3A_248, %swap3A_249], %swap3A_252 {strides = array<i32>} : memref<64x256xf32, #tpu.memory_space<vmem>>, vector<1x16xf32>,
        %swap3A_253 = arith.index_cast %scan3A_233 : i32 to index
        %swap3A_254 = arith.constant 64 : index
        %swap3A_255 = tpu.vector_load %arg11[%swap3A_253, %swap3A_254] {strides = array<i32>} : memref<64x256xf32, #tpu.memory_space<vmem>>, vector<1x16xf32>,
        %swap3A_256 = vector.shape_cast %swap3A_255 : vector<1x16xf32> to vector<16xf32>
        %swap3A_257 = vector.shape_cast %broadcast_in_dim3A_24 : vector<16xf32> to vector<1x16xf32>
        tpu.vector_store %arg11[%swap3A_253, %swap3A_254], %swap3A_257 {strides = array<i32>} : memref<64x256xf32, #tpu.memory_space<vmem>>, vector<1x16xf32>,
        %swap3A_258 = arith.index_cast %scan3A_233 : i32 to index
        %swap3A_259 = arith.constant 80 : index
        %swap3A_260 = tpu.vector_load %arg11[%swap3A_258, %swap3A_259] {strides = array<i32>} : memref<64x256xf32, #tpu.memory_space<vmem>>, vector<1x16xf32>,
        %swap3A_261 = vector.shape_cast %swap3A_260 : vector<1x16xf32> to vector<16xf32>
        %swap3A_262 = vector.shape_cast %broadcast_in_dim3A_24 : vector<16xf32> to vector<1x16xf32>
        tpu.vector_store %arg11[%swap3A_258, %swap3A_259], %swap3A_262 {strides = array<i32>} : memref<64x256xf32, #tpu.memory_space<vmem>>, vector<1x16xf32>,
        %swap3A_263 = arith.index_cast %scan3A_233 : i32 to index
        %swap3A_264 = arith.constant 96 : index
        %swap3A_265 = tpu.vector_load %arg11[%swap3A_263, %swap3A_264] {strides = array<i32>} : memref<64x256xf32, #tpu.memory_space<vmem>>, vector<1x16xf32>,
        %swap3A_266 = vector.shape_cast %swap3A_265 : vector<1x16xf32> to vector<16xf32>
        %swap3A_267 = vector.shape_cast %broadcast_in_dim3A_24 : vector<16xf32> to vector<1x16xf32>
        tpu.vector_store %arg11[%swap3A_263, %swap3A_264], %swap3A_267 {strides = array<i32>} : memref<64x256xf32, #tpu.memory_space<vmem>>, vector<1x16xf32>,
        %swap3A_268 = arith.index_cast %scan3A_233 : i32 to index
        %swap3A_269 = arith.constant 112 : index
        %swap3A_270 = tpu.vector_load %arg11[%swap3A_268, %swap3A_269] {strides = array<i32>} : memref<64x256xf32, #tpu.memory_space<vmem>>, vector<1x16xf32>,
        %swap3A_271 = vector.shape_cast %swap3A_270 : vector<1x16xf32> to vector<16xf32>
        %swap3A_272 = vector.shape_cast %broadcast_in_dim3A_24 : vector<16xf32> to vector<1x16xf32>
        tpu.vector_store %arg11[%swap3A_268, %swap3A_269], %swap3A_272 {strides = array<i32>} : memref<64x256xf32, #tpu.memory_space<vmem>>, vector<1x16xf32>,
        %swap3A_273 = arith.index_cast %scan3A_233 : i32 to index
        %swap3A_274 = arith.constant 128 : index
        %swap3A_275 = tpu.vector_load %arg11[%swap3A_273, %swap3A_274] {strides = array<i32>} : memref<64x256xf32, #tpu.memory_space<vmem>>, vector<1x16xf32>,
        %swap3A_276 = vector.shape_cast %swap3A_275 : vector<1x16xf32> to vector<16xf32>
        %swap3A_277 = vector.shape_cast %broadcast_in_dim3A_24 : vector<16xf32> to vector<1x16xf32>
        tpu.vector_store %arg11[%swap3A_273, %swap3A_274], %swap3A_277 {strides = array<i32>} : memref<64x256xf32, #tpu.memory_space<vmem>>, vector<1x16xf32>,
        %swap3A_278 = arith.index_cast %scan3A_233 : i32 to index
        %swap3A_279 = arith.constant 144 : index
        %swap3A_280 = tpu.vector_load %arg11[%swap3A_278, %swap3A_279] {strides = array<i32>} : memref<64x256xf32, #tpu.memory_space<vmem>>, vector<1x16xf32>,
        %swap3A_281 = vector.shape_cast %swap3A_280 : vector<1x16xf32> to vector<16xf32>
        %swap3A_282 = vector.shape_cast %broadcast_in_dim3A_24 : vector<16xf32> to vector<1x16xf32>
        tpu.vector_store %arg11[%swap3A_278, %swap3A_279], %swap3A_282 {strides = array<i32>} : memref<64x256xf32, #tpu.memory_space<vmem>>, vector<1x16xf32>,
        %swap3A_283 = arith.index_cast %scan3A_233 : i32 to index
        %swap3A_284 = arith.constant 160 : index
        %swap3A_285 = tpu.vector_load %arg11[%swap3A_283, %swap3A_284] {strides = array<i32>} : memref<64x256xf32, #tpu.memory_space<vmem>>, vector<1x16xf32>,
        %swap3A_286 = vector.shape_cast %swap3A_285 : vector<1x16xf32> to vector<16xf32>
        %swap3A_287 = vector.shape_cast %broadcast_in_dim3A_24 : vector<16xf32> to vector<1x16xf32>
        tpu.vector_store %arg11[%swap3A_283, %swap3A_284], %swap3A_287 {strides = array<i32>} : memref<64x256xf32, #tpu.memory_space<vmem>>, vector<1x16xf32>,
        %swap3A_288 = arith.index_cast %scan3A_233 : i32 to index
        %swap3A_289 = arith.constant 176 : index
        %swap3A_290 = tpu.vector_load %arg11[%swap3A_288, %swap3A_289] {strides = array<i32>} : memref<64x256xf32, #tpu.memory_space<vmem>>, vector<1x16xf32>,
        %swap3A_291 = vector.shape_cast %swap3A_290 : vector<1x16xf32> to vector<16xf32>
        %swap3A_292 = vector.shape_cast %broadcast_in_dim3A_24 : vector<16xf32> to vector<1x16xf32>
        tpu.vector_store %arg11[%swap3A_288, %swap3A_289], %swap3A_292 {strides = array<i32>} : memref<64x256xf32, #tpu.memory_space<vmem>>, vector<1x16xf32>,
        %swap3A_293 = arith.index_cast %scan3A_233 : i32 to index
        %swap3A_294 = arith.constant 192 : index
        %swap3A_295 = tpu.vector_load %arg11[%swap3A_293, %swap3A_294] {strides = array<i32>} : memref<64x256xf32, #tpu.memory_space<vmem>>, vector<1x16xf32>,
        %swap3A_296 = vector.shape_cast %swap3A_295 : vector<1x16xf32> to vector<16xf32>
        %swap3A_297 = vector.shape_cast %broadcast_in_dim3A_24 : vector<16xf32> to vector<1x16xf32>
        tpu.vector_store %arg11[%swap3A_293, %swap3A_294], %swap3A_297 {strides = array<i32>} : memref<64x256xf32, #tpu.memory_space<vmem>>, vector<1x16xf32>,
        %swap3A_298 = arith.index_cast %scan3A_233 : i32 to index
        %swap3A_299 = arith.constant 208 : index
        %swap3A_300 = tpu.vector_load %arg11[%swap3A_298, %swap3A_299] {strides = array<i32>} : memref<64x256xf32, #tpu.memory_space<vmem>>, vector<1x16xf32>,
        %swap3A_301 = vector.shape_cast %swap3A_300 : vector<1x16xf32> to vector<16xf32>
        %swap3A_302 = vector.shape_cast %broadcast_in_dim3A_24 : vector<16xf32> to vector<1x16xf32>
        tpu.vector_store %arg11[%swap3A_298, %swap3A_299], %swap3A_302 {strides = array<i32>} : memref<64x256xf32, #tpu.memory_space<vmem>>, vector<1x16xf32>,
        %swap3A_303 = arith.index_cast %scan3A_233 : i32 to index
        %swap3A_304 = arith.constant 224 : index
        %swap3A_305 = tpu.vector_load %arg11[%swap3A_303, %swap3A_304] {strides = array<i32>} : memref<64x256xf32, #tpu.memory_space<vmem>>, vector<1x16xf32>,
        %swap3A_306 = vector.shape_cast %swap3A_305 : vector<1x16xf32> to vector<16xf32>
        %swap3A_307 = vector.shape_cast %broadcast_in_dim3A_24 : vector<16xf32> to vector<1x16xf32>
        tpu.vector_store %arg11[%swap3A_303, %swap3A_304], %swap3A_307 {strides = array<i32>} : memref<64x256xf32, #tpu.memory_space<vmem>>, vector<1x16xf32>,
        %swap3A_308 = arith.index_cast %scan3A_233 : i32 to index
        %swap3A_309 = arith.constant 240 : index
        %swap3A_310 = tpu.vector_load %arg11[%swap3A_308, %swap3A_309] {strides = array<i32>} : memref<64x256xf32, #tpu.memory_space<vmem>>, vector<1x16xf32>,
        %swap3A_311 = vector.shape_cast %swap3A_310 : vector<1x16xf32> to vector<16xf32>
        %swap3A_312 = vector.shape_cast %broadcast_in_dim3A_24 : vector<16xf32> to vector<1x16xf32>
        tpu.vector_store %arg11[%swap3A_308, %swap3A_309], %swap3A_312 {strides = array<i32>} : memref<64x256xf32, #tpu.memory_space<vmem>>, vector<1x16xf32>,
      }
      %scan3A_232 = arith.constant 64 : i32
    } else {
    }
    %convert_element_type3A_69 = arith.extui %gt3A_27 : i1 to i32
    %cond3A_70 = arith.constant 0 : i32
    %cond3A_71 = arith.cmpi ne, %convert_element_type3A_69, %cond3A_70 : i32
    scf.if %cond3A_71 {
      %dma_wait3A_227 = arith.constant 0 : i32
      %dma_wait3A_228 = tpu.memref_slice %arg7[%dma_wait3A_227] : memref<1024xi32, #tpu.memory_space<vmem>> -> memref<128xi32, #tpu.memory_space<vmem>>
      %dma_wait3A_229 = arith.constant 0 : i32
      %dma_wait3A_230 = arith.constant 0 : i32
      %dma_wait3A_231 = tpu.memref_slice %arg2[%dma_wait3A_229, %dma_wait3A_230] : memref<100000x256xf32, #tpu.memory_space<hbm>> -> memref<100000x256xf32, #tpu.memory_space<hbm>>
      tpu.wait_indirect_dma semaphore(%arg14 : memref<!tpu.dma_semaphore, #tpu.memory_space<semaphore_mem>>) src(%dma_wait3A_231 : memref<100000x256xf32, #tpu.memory_space<hbm>>) dst(%arg8 : memref<128x256xf32, #tpu.memory_space<vmem>>)
      %not3A_232 = arith.constant true
      %not3A_233 = arith.xori %ge3A_42, %not3A_232 : i1
      %convert_element_type3A_234 = arith.extui %not3A_233 : i1 to i32
      %cond3A_235 = arith.constant 0 : i32
      %cond3A_236 = arith.cmpi ne, %convert_element_type3A_234, %cond3A_235 : i32
      scf.if %cond3A_236 {
        %sub3A_245 = arith.constant 0 : i32
        %sub3A_246 = arith.subi %min3A, %sub3A_245 : i32
        %while3A = arith.constant 0 : i32
        %while3A_247 = arith.constant 128 : i32
        %while3A_248 = arith.subi %while3A_247, %sub3A_246 : i32
        %while3A_249 = arith.addi %sub3A_246, %while3A_248 : i32
        %while3A_250 = arith.constant 1 : i32
        %while3A_251 = arith.divsi %while3A_248, %while3A_250 : i32
        %while3A_252 = arith.muli %while3A_251, %while3A_250 : i32
        %while3A_253 = arith.addi %sub3A_246, %while3A_252 : i32
        %while3A_254 = arith.constant 1 : i32
        scf.for %while3A_256 = %sub3A_246 to %while3A_253 step %while3A_254  : i32 {
          %swap3A = arith.index_cast %while3A_256 : i32 to index
          %swap3A_257 = arith.constant 0 : index
          %swap3A_258 = tpu.vector_load %arg8[%swap3A, %swap3A_257] {strides = array<i32>} : memref<128x256xf32, #tpu.memory_space<vmem>>, vector<1x16xf32>,
          %swap3A_259 = vector.shape_cast %swap3A_258 : vector<1x16xf32> to vector<16xf32>
          %swap3A_260 = vector.shape_cast %broadcast_in_dim3A_24 : vector<16xf32> to vector<1x16xf32>
          tpu.vector_store %arg8[%swap3A, %swap3A_257], %swap3A_260 {strides = array<i32>} : memref<128x256xf32, #tpu.memory_space<vmem>>, vector<1x16xf32>,
          %swap3A_261 = arith.index_cast %while3A_256 : i32 to index
          %swap3A_262 = arith.constant 16 : index
          %swap3A_263 = tpu.vector_load %arg8[%swap3A_261, %swap3A_262] {strides = array<i32>} : memref<128x256xf32, #tpu.memory_space<vmem>>, vector<1x16xf32>,
          %swap3A_264 = vector.shape_cast %swap3A_263 : vector<1x16xf32> to vector<16xf32>
          %swap3A_265 = vector.shape_cast %broadcast_in_dim3A_24 : vector<16xf32> to vector<1x16xf32>
          tpu.vector_store %arg8[%swap3A_261, %swap3A_262], %swap3A_265 {strides = array<i32>} : memref<128x256xf32, #tpu.memory_space<vmem>>, vector<1x16xf32>,
          %swap3A_266 = arith.index_cast %while3A_256 : i32 to index
          %swap3A_267 = arith.constant 32 : index
          %swap3A_268 = tpu.vector_load %arg8[%swap3A_266, %swap3A_267] {strides = array<i32>} : memref<128x256xf32, #tpu.memory_space<vmem>>, vector<1x16xf32>,
          %swap3A_269 = vector.shape_cast %swap3A_268 : vector<1x16xf32> to vector<16xf32>
          %swap3A_270 = vector.shape_cast %broadcast_in_dim3A_24 : vector<16xf32> to vector<1x16xf32>
          tpu.vector_store %arg8[%swap3A_266, %swap3A_267], %swap3A_270 {strides = array<i32>} : memref<128x256xf32, #tpu.memory_space<vmem>>, vector<1x16xf32>,
          %swap3A_271 = arith.index_cast %while3A_256 : i32 to index
          %swap3A_272 = arith.constant 48 : index
          %swap3A_273 = tpu.vector_load %arg8[%swap3A_271, %swap3A_272] {strides = array<i32>} : memref<128x256xf32, #tpu.memory_space<vmem>>, vector<1x16xf32>,
          %swap3A_274 = vector.shape_cast %swap3A_273 : vector<1x16xf32> to vector<16xf32>
          %swap3A_275 = vector.shape_cast %broadcast_in_dim3A_24 : vector<16xf32> to vector<1x16xf32>
          tpu.vector_store %arg8[%swap3A_271, %swap3A_272], %swap3A_275 {strides = array<i32>} : memref<128x256xf32, #tpu.memory_space<vmem>>, vector<1x16xf32>,
          %swap3A_276 = arith.index_cast %while3A_256 : i32 to index
          %swap3A_277 = arith.constant 64 : index
          %swap3A_278 = tpu.vector_load %arg8[%swap3A_276, %swap3A_277] {strides = array<i32>} : memref<128x256xf32, #tpu.memory_space<vmem>>, vector<1x16xf32>,
          %swap3A_279 = vector.shape_cast %swap3A_278 : vector<1x16xf32> to vector<16xf32>
          %swap3A_280 = vector.shape_cast %broadcast_in_dim3A_24 : vector<16xf32> to vector<1x16xf32>
          tpu.vector_store %arg8[%swap3A_276, %swap3A_277], %swap3A_280 {strides = array<i32>} : memref<128x256xf32, #tpu.memory_space<vmem>>, vector<1x16xf32>,
          %swap3A_281 = arith.index_cast %while3A_256 : i32 to index
          %swap3A_282 = arith.constant 80 : index
          %swap3A_283 = tpu.vector_load %arg8[%swap3A_281, %swap3A_282] {strides = array<i32>} : memref<128x256xf32, #tpu.memory_space<vmem>>, vector<1x16xf32>,
          %swap3A_284 = vector.shape_cast %swap3A_283 : vector<1x16xf32> to vector<16xf32>
          %swap3A_285 = vector.shape_cast %broadcast_in_dim3A_24 : vector<16xf32> to vector<1x16xf32>
          tpu.vector_store %arg8[%swap3A_281, %swap3A_282], %swap3A_285 {strides = array<i32>} : memref<128x256xf32, #tpu.memory_space<vmem>>, vector<1x16xf32>,
          %swap3A_286 = arith.index_cast %while3A_256 : i32 to index
          %swap3A_287 = arith.constant 96 : index
          %swap3A_288 = tpu.vector_load %arg8[%swap3A_286, %swap3A_287] {strides = array<i32>} : memref<128x256xf32, #tpu.memory_space<vmem>>, vector<1x16xf32>,
          %swap3A_289 = vector.shape_cast %swap3A_288 : vector<1x16xf32> to vector<16xf32>
          %swap3A_290 = vector.shape_cast %broadcast_in_dim3A_24 : vector<16xf32> to vector<1x16xf32>
          tpu.vector_store %arg8[%swap3A_286, %swap3A_287], %swap3A_290 {strides = array<i32>} : memref<128x256xf32, #tpu.memory_space<vmem>>, vector<1x16xf32>,
          %swap3A_291 = arith.index_cast %while3A_256 : i32 to index
          %swap3A_292 = arith.constant 112 : index
          %swap3A_293 = tpu.vector_load %arg8[%swap3A_291, %swap3A_292] {strides = array<i32>} : memref<128x256xf32, #tpu.memory_space<vmem>>, vector<1x16xf32>,
          %swap3A_294 = vector.shape_cast %swap3A_293 : vector<1x16xf32> to vector<16xf32>
          %swap3A_295 = vector.shape_cast %broadcast_in_dim3A_24 : vector<16xf32> to vector<1x16xf32>
          tpu.vector_store %arg8[%swap3A_291, %swap3A_292], %swap3A_295 {strides = array<i32>} : memref<128x256xf32, #tpu.memory_space<vmem>>, vector<1x16xf32>,
          %swap3A_296 = arith.index_cast %while3A_256 : i32 to index
          %swap3A_297 = arith.constant 128 : index
          %swap3A_298 = tpu.vector_load %arg8[%swap3A_296, %swap3A_297] {strides = array<i32>} : memref<128x256xf32, #tpu.memory_space<vmem>>, vector<1x16xf32>,
          %swap3A_299 = vector.shape_cast %swap3A_298 : vector<1x16xf32> to vector<16xf32>
          %swap3A_300 = vector.shape_cast %broadcast_in_dim3A_24 : vector<16xf32> to vector<1x16xf32>
          tpu.vector_store %arg8[%swap3A_296, %swap3A_297], %swap3A_300 {strides = array<i32>} : memref<128x256xf32, #tpu.memory_space<vmem>>, vector<1x16xf32>,
          %swap3A_301 = arith.index_cast %while3A_256 : i32 to index
          %swap3A_302 = arith.constant 144 : index
          %swap3A_303 = tpu.vector_load %arg8[%swap3A_301, %swap3A_302] {strides = array<i32>} : memref<128x256xf32, #tpu.memory_space<vmem>>, vector<1x16xf32>,
          %swap3A_304 = vector.shape_cast %swap3A_303 : vector<1x16xf32> to vector<16xf32>
          %swap3A_305 = vector.shape_cast %broadcast_in_dim3A_24 : vector<16xf32> to vector<1x16xf32>
          tpu.vector_store %arg8[%swap3A_301, %swap3A_302], %swap3A_305 {strides = array<i32>} : memref<128x256xf32, #tpu.memory_space<vmem>>, vector<1x16xf32>,
          %swap3A_306 = arith.index_cast %while3A_256 : i32 to index
          %swap3A_307 = arith.constant 160 : index
          %swap3A_308 = tpu.vector_load %arg8[%swap3A_306, %swap3A_307] {strides = array<i32>} : memref<128x256xf32, #tpu.memory_space<vmem>>, vector<1x16xf32>,
          %swap3A_309 = vector.shape_cast %swap3A_308 : vector<1x16xf32> to vector<16xf32>
          %swap3A_310 = vector.shape_cast %broadcast_in_dim3A_24 : vector<16xf32> to vector<1x16xf32>
          tpu.vector_store %arg8[%swap3A_306, %swap3A_307], %swap3A_310 {strides = array<i32>} : memref<128x256xf32, #tpu.memory_space<vmem>>, vector<1x16xf32>,
          %swap3A_311 = arith.index_cast %while3A_256 : i32 to index
          %swap3A_312 = arith.constant 176 : index
          %swap3A_313 = tpu.vector_load %arg8[%swap3A_311, %swap3A_312] {strides = array<i32>} : memref<128x256xf32, #tpu.memory_space<vmem>>, vector<1x16xf32>,
          %swap3A_314 = vector.shape_cast %swap3A_313 : vector<1x16xf32> to vector<16xf32>
          %swap3A_315 = vector.shape_cast %broadcast_in_dim3A_24 : vector<16xf32> to vector<1x16xf32>
          tpu.vector_store %arg8[%swap3A_311, %swap3A_312], %swap3A_315 {strides = array<i32>} : memref<128x256xf32, #tpu.memory_space<vmem>>, vector<1x16xf32>,
          %swap3A_316 = arith.index_cast %while3A_256 : i32 to index
          %swap3A_317 = arith.constant 192 : index
          %swap3A_318 = tpu.vector_load %arg8[%swap3A_316, %swap3A_317] {strides = array<i32>} : memref<128x256xf32, #tpu.memory_space<vmem>>, vector<1x16xf32>,
          %swap3A_319 = vector.shape_cast %swap3A_318 : vector<1x16xf32> to vector<16xf32>
          %swap3A_320 = vector.shape_cast %broadcast_in_dim3A_24 : vector<16xf32> to vector<1x16xf32>
          tpu.vector_store %arg8[%swap3A_316, %swap3A_317], %swap3A_320 {strides = array<i32>} : memref<128x256xf32, #tpu.memory_space<vmem>>, vector<1x16xf32>,
          %swap3A_321 = arith.index_cast %while3A_256 : i32 to index
          %swap3A_322 = arith.constant 208 : index
          %swap3A_323 = tpu.vector_load %arg8[%swap3A_321, %swap3A_322] {strides = array<i32>} : memref<128x256xf32, #tpu.memory_space<vmem>>, vector<1x16xf32>,
          %swap3A_324 = vector.shape_cast %swap3A_323 : vector<1x16xf32> to vector<16xf32>
          %swap3A_325 = vector.shape_cast %broadcast_in_dim3A_24 : vector<16xf32> to vector<1x16xf32>
          tpu.vector_store %arg8[%swap3A_321, %swap3A_322], %swap3A_325 {strides = array<i32>} : memref<128x256xf32, #tpu.memory_space<vmem>>, vector<1x16xf32>,
          %swap3A_326 = arith.index_cast %while3A_256 : i32 to index
          %swap3A_327 = arith.constant 224 : index
          %swap3A_328 = tpu.vector_load %arg8[%swap3A_326, %swap3A_327] {strides = array<i32>} : memref<128x256xf32, #tpu.memory_space<vmem>>, vector<1x16xf32>,
          %swap3A_329 = vector.shape_cast %swap3A_328 : vector<1x16xf32> to vector<16xf32>
          %swap3A_330 = vector.shape_cast %broadcast_in_dim3A_24 : vector<16xf32> to vector<1x16xf32>
          tpu.vector_store %arg8[%swap3A_326, %swap3A_327], %swap3A_330 {strides = array<i32>} : memref<128x256xf32, #tpu.memory_space<vmem>>, vector<1x16xf32>,
          %swap3A_331 = arith.index_cast %while3A_256 : i32 to index
          %swap3A_332 = arith.constant 240 : index
          %swap3A_333 = tpu.vector_load %arg8[%swap3A_331, %swap3A_332] {strides = array<i32>} : memref<128x256xf32, #tpu.memory_space<vmem>>, vector<1x16xf32>,
          %swap3A_334 = vector.shape_cast %swap3A_333 : vector<1x16xf32> to vector<16xf32>
          %swap3A_335 = vector.shape_cast %broadcast_in_dim3A_24 : vector<16xf32> to vector<1x16xf32>
          tpu.vector_store %arg8[%swap3A_331, %swap3A_332], %swap3A_335 {strides = array<i32>} : memref<128x256xf32, #tpu.memory_space<vmem>>, vector<1x16xf32>,
        }
        %while3A_255 = arith.constant 1 : i32
        scf.for %while3A_256 = %while3A_253 to %while3A_249 step %while3A_255  : i32 {
          %swap3A = arith.index_cast %while3A_256 : i32 to index
          %swap3A_257 = arith.constant 0 : index
          %swap3A_258 = tpu.vector_load %arg8[%swap3A, %swap3A_257] {strides = array<i32>} : memref<128x256xf32, #tpu.memory_space<vmem>>, vector<1x16xf32>,
          %swap3A_259 = vector.shape_cast %swap3A_258 : vector<1x16xf32> to vector<16xf32>
          %swap3A_260 = vector.shape_cast %broadcast_in_dim3A_24 : vector<16xf32> to vector<1x16xf32>
          tpu.vector_store %arg8[%swap3A, %swap3A_257], %swap3A_260 {strides = array<i32>} : memref<128x256xf32, #tpu.memory_space<vmem>>, vector<1x16xf32>,
          %swap3A_261 = arith.index_cast %while3A_256 : i32 to index
          %swap3A_262 = arith.constant 16 : index
          %swap3A_263 = tpu.vector_load %arg8[%swap3A_261, %swap3A_262] {strides = array<i32>} : memref<128x256xf32, #tpu.memory_space<vmem>>, vector<1x16xf32>,
          %swap3A_264 = vector.shape_cast %swap3A_263 : vector<1x16xf32> to vector<16xf32>
          %swap3A_265 = vector.shape_cast %broadcast_in_dim3A_24 : vector<16xf32> to vector<1x16xf32>
          tpu.vector_store %arg8[%swap3A_261, %swap3A_262], %swap3A_265 {strides = array<i32>} : memref<128x256xf32, #tpu.memory_space<vmem>>, vector<1x16xf32>,
          %swap3A_266 = arith.index_cast %while3A_256 : i32 to index
          %swap3A_267 = arith.constant 32 : index
          %swap3A_268 = tpu.vector_load %arg8[%swap3A_266, %swap3A_267] {strides = array<i32>} : memref<128x256xf32, #tpu.memory_space<vmem>>, vector<1x16xf32>,
          %swap3A_269 = vector.shape_cast %swap3A_268 : vector<1x16xf32> to vector<16xf32>
          %swap3A_270 = vector.shape_cast %broadcast_in_dim3A_24 : vector<16xf32> to vector<1x16xf32>
          tpu.vector_store %arg8[%swap3A_266, %swap3A_267], %swap3A_270 {strides = array<i32>} : memref<128x256xf32, #tpu.memory_space<vmem>>, vector<1x16xf32>,
          %swap3A_271 = arith.index_cast %while3A_256 : i32 to index
          %swap3A_272 = arith.constant 48 : index
          %swap3A_273 = tpu.vector_load %arg8[%swap3A_271, %swap3A_272] {strides = array<i32>} : memref<128x256xf32, #tpu.memory_space<vmem>>, vector<1x16xf32>,
          %swap3A_274 = vector.shape_cast %swap3A_273 : vector<1x16xf32> to vector<16xf32>
          %swap3A_275 = vector.shape_cast %broadcast_in_dim3A_24 : vector<16xf32> to vector<1x16xf32>
          tpu.vector_store %arg8[%swap3A_271, %swap3A_272], %swap3A_275 {strides = array<i32>} : memref<128x256xf32, #tpu.memory_space<vmem>>, vector<1x16xf32>,
          %swap3A_276 = arith.index_cast %while3A_256 : i32 to index
          %swap3A_277 = arith.constant 64 : index
          %swap3A_278 = tpu.vector_load %arg8[%swap3A_276, %swap3A_277] {strides = array<i32>} : memref<128x256xf32, #tpu.memory_space<vmem>>, vector<1x16xf32>,
          %swap3A_279 = vector.shape_cast %swap3A_278 : vector<1x16xf32> to vector<16xf32>
          %swap3A_280 = vector.shape_cast %broadcast_in_dim3A_24 : vector<16xf32> to vector<1x16xf32>
          tpu.vector_store %arg8[%swap3A_276, %swap3A_277], %swap3A_280 {strides = array<i32>} : memref<128x256xf32, #tpu.memory_space<vmem>>, vector<1x16xf32>,
          %swap3A_281 = arith.index_cast %while3A_256 : i32 to index
          %swap3A_282 = arith.constant 80 : index
          %swap3A_283 = tpu.vector_load %arg8[%swap3A_281, %swap3A_282] {strides = array<i32>} : memref<128x256xf32, #tpu.memory_space<vmem>>, vector<1x16xf32>,
          %swap3A_284 = vector.shape_cast %swap3A_283 : vector<1x16xf32> to vector<16xf32>
          %swap3A_285 = vector.shape_cast %broadcast_in_dim3A_24 : vector<16xf32> to vector<1x16xf32>
          tpu.vector_store %arg8[%swap3A_281, %swap3A_282], %swap3A_285 {strides = array<i32>} : memref<128x256xf32, #tpu.memory_space<vmem>>, vector<1x16xf32>,
          %swap3A_286 = arith.index_cast %while3A_256 : i32 to index
          %swap3A_287 = arith.constant 96 : index
          %swap3A_288 = tpu.vector_load %arg8[%swap3A_286, %swap3A_287] {strides = array<i32>} : memref<128x256xf32, #tpu.memory_space<vmem>>, vector<1x16xf32>,
          %swap3A_289 = vector.shape_cast %swap3A_288 : vector<1x16xf32> to vector<16xf32>
          %swap3A_290 = vector.shape_cast %broadcast_in_dim3A_24 : vector<16xf32> to vector<1x16xf32>
          tpu.vector_store %arg8[%swap3A_286, %swap3A_287], %swap3A_290 {strides = array<i32>} : memref<128x256xf32, #tpu.memory_space<vmem>>, vector<1x16xf32>,
          %swap3A_291 = arith.index_cast %while3A_256 : i32 to index
          %swap3A_292 = arith.constant 112 : index
          %swap3A_293 = tpu.vector_load %arg8[%swap3A_291, %swap3A_292] {strides = array<i32>} : memref<128x256xf32, #tpu.memory_space<vmem>>, vector<1x16xf32>,
          %swap3A_294 = vector.shape_cast %swap3A_293 : vector<1x16xf32> to vector<16xf32>
          %swap3A_295 = vector.shape_cast %broadcast_in_dim3A_24 : vector<16xf32> to vector<1x16xf32>
          tpu.vector_store %arg8[%swap3A_291, %swap3A_292], %swap3A_295 {strides = array<i32>} : memref<128x256xf32, #tpu.memory_space<vmem>>, vector<1x16xf32>,
          %swap3A_296 = arith.index_cast %while3A_256 : i32 to index
          %swap3A_297 = arith.constant 128 : index
          %swap3A_298 = tpu.vector_load %arg8[%swap3A_296, %swap3A_297] {strides = array<i32>} : memref<128x256xf32, #tpu.memory_space<vmem>>, vector<1x16xf32>,
          %swap3A_299 = vector.shape_cast %swap3A_298 : vector<1x16xf32> to vector<16xf32>
          %swap3A_300 = vector.shape_cast %broadcast_in_dim3A_24 : vector<16xf32> to vector<1x16xf32>
          tpu.vector_store %arg8[%swap3A_296, %swap3A_297], %swap3A_300 {strides = array<i32>} : memref<128x256xf32, #tpu.memory_space<vmem>>, vector<1x16xf32>,
          %swap3A_301 = arith.index_cast %while3A_256 : i32 to index
          %swap3A_302 = arith.constant 144 : index
          %swap3A_303 = tpu.vector_load %arg8[%swap3A_301, %swap3A_302] {strides = array<i32>} : memref<128x256xf32, #tpu.memory_space<vmem>>, vector<1x16xf32>,
          %swap3A_304 = vector.shape_cast %swap3A_303 : vector<1x16xf32> to vector<16xf32>
          %swap3A_305 = vector.shape_cast %broadcast_in_dim3A_24 : vector<16xf32> to vector<1x16xf32>
          tpu.vector_store %arg8[%swap3A_301, %swap3A_302], %swap3A_305 {strides = array<i32>} : memref<128x256xf32, #tpu.memory_space<vmem>>, vector<1x16xf32>,
          %swap3A_306 = arith.index_cast %while3A_256 : i32 to index
          %swap3A_307 = arith.constant 160 : index
          %swap3A_308 = tpu.vector_load %arg8[%swap3A_306, %swap3A_307] {strides = array<i32>} : memref<128x256xf32, #tpu.memory_space<vmem>>, vector<1x16xf32>,
          %swap3A_309 = vector.shape_cast %swap3A_308 : vector<1x16xf32> to vector<16xf32>
          %swap3A_310 = vector.shape_cast %broadcast_in_dim3A_24 : vector<16xf32> to vector<1x16xf32>
          tpu.vector_store %arg8[%swap3A_306, %swap3A_307], %swap3A_310 {strides = array<i32>} : memref<128x256xf32, #tpu.memory_space<vmem>>, vector<1x16xf32>,
          %swap3A_311 = arith.index_cast %while3A_256 : i32 to index
          %swap3A_312 = arith.constant 176 : index
          %swap3A_313 = tpu.vector_load %arg8[%swap3A_311, %swap3A_312] {strides = array<i32>} : memref<128x256xf32, #tpu.memory_space<vmem>>, vector<1x16xf32>,
          %swap3A_314 = vector.shape_cast %swap3A_313 : vector<1x16xf32> to vector<16xf32>
          %swap3A_315 = vector.shape_cast %broadcast_in_dim3A_24 : vector<16xf32> to vector<1x16xf32>
          tpu.vector_store %arg8[%swap3A_311, %swap3A_312], %swap3A_315 {strides = array<i32>} : memref<128x256xf32, #tpu.memory_space<vmem>>, vector<1x16xf32>,
          %swap3A_316 = arith.index_cast %while3A_256 : i32 to index
          %swap3A_317 = arith.constant 192 : index
          %swap3A_318 = tpu.vector_load %arg8[%swap3A_316, %swap3A_317] {strides = array<i32>} : memref<128x256xf32, #tpu.memory_space<vmem>>, vector<1x16xf32>,
          %swap3A_319 = vector.shape_cast %swap3A_318 : vector<1x16xf32> to vector<16xf32>
          %swap3A_320 = vector.shape_cast %broadcast_in_dim3A_24 : vector<16xf32> to vector<1x16xf32>
          tpu.vector_store %arg8[%swap3A_316, %swap3A_317], %swap3A_320 {strides = array<i32>} : memref<128x256xf32, #tpu.memory_space<vmem>>, vector<1x16xf32>,
          %swap3A_321 = arith.index_cast %while3A_256 : i32 to index
          %swap3A_322 = arith.constant 208 : index
          %swap3A_323 = tpu.vector_load %arg8[%swap3A_321, %swap3A_322] {strides = array<i32>} : memref<128x256xf32, #tpu.memory_space<vmem>>, vector<1x16xf32>,
          %swap3A_324 = vector.shape_cast %swap3A_323 : vector<1x16xf32> to vector<16xf32>
          %swap3A_325 = vector.shape_cast %broadcast_in_dim3A_24 : vector<16xf32> to vector<1x16xf32>
          tpu.vector_store %arg8[%swap3A_321, %swap3A_322], %swap3A_325 {strides = array<i32>} : memref<128x256xf32, #tpu.memory_space<vmem>>, vector<1x16xf32>,
          %swap3A_326 = arith.index_cast %while3A_256 : i32 to index
          %swap3A_327 = arith.constant 224 : index
          %swap3A_328 = tpu.vector_load %arg8[%swap3A_326, %swap3A_327] {strides = array<i32>} : memref<128x256xf32, #tpu.memory_space<vmem>>, vector<1x16xf32>,
          %swap3A_329 = vector.shape_cast %swap3A_328 : vector<1x16xf32> to vector<16xf32>
          %swap3A_330 = vector.shape_cast %broadcast_in_dim3A_24 : vector<16xf32> to vector<1x16xf32>
          tpu.vector_store %arg8[%swap3A_326, %swap3A_327], %swap3A_330 {strides = array<i32>} : memref<128x256xf32, #tpu.memory_space<vmem>>, vector<1x16xf32>,
          %swap3A_331 = arith.index_cast %while3A_256 : i32 to index
          %swap3A_332 = arith.constant 240 : index
          %swap3A_333 = tpu.vector_load %arg8[%swap3A_331, %swap3A_332] {strides = array<i32>} : memref<128x256xf32, #tpu.memory_space<vmem>>, vector<1x16xf32>,
          %swap3A_334 = vector.shape_cast %swap3A_333 : vector<1x16xf32> to vector<16xf32>
          %swap3A_335 = vector.shape_cast %broadcast_in_dim3A_24 : vector<16xf32> to vector<1x16xf32>
          tpu.vector_store %arg8[%swap3A_331, %swap3A_332], %swap3A_335 {strides = array<i32>} : memref<128x256xf32, #tpu.memory_space<vmem>>, vector<1x16xf32>,
        }
      } else {
      }
      %add3A_237 = arith.constant 0 : i32
      %add3A_238 = arith.addi %mul3A_9, %add3A_237 : i32
      %dma_start3A_239 = arith.constant 0 : i32
      %dma_start3A_240 = tpu.memref_slice %arg5[%arg1, %add3A_238, %dma_start3A_239] : memref<16x2048x256xf32, #tpu.memory_space<hbm>> -> memref<1x128x256xf32, #tpu.memory_space<hbm>>
      %dma_start3A_241 = tpu.memref_squeeze %dma_start3A_240 : memref<1x128x256xf32, #tpu.memory_space<hbm>> -> memref<128x256xf32, #tpu.memory_space<hbm>>
      %dma_start3A_242 = arith.constant 0 : i32
      %dma_start3A_243 = tpu.memref_slice %arg5[%arg1, %add3A_238, %dma_start3A_242] : memref<16x2048x256xf32, #tpu.memory_space<hbm>> -> memref<1x128x256xf32, #tpu.memory_space<hbm>>
      %dma_start3A_244 = tpu.memref_squeeze %dma_start3A_243 : memref<1x128x256xf32, #tpu.memory_space<hbm>> -> memref<128x256xf32, #tpu.memory_space<hbm>>
      tpu.enqueue_dma source(%arg8 : memref<128x256xf32, #tpu.memory_space<vmem>>) target(%dma_start3A_244 : memref<128x256xf32, #tpu.memory_space<hbm>>) target_semaphore(%arg17 : memref<!tpu.dma_semaphore, #tpu.memory_space<semaphore_mem>>)
    } else {
    }
    %not3A = arith.constant true
    %not3A_72 = arith.xori %gt3A_27, %not3A : i1
    %convert_element_type3A_73 = arith.extui %not3A_72 : i1 to i32
    %cond3A_74 = arith.constant 0 : i32
    %cond3A_75 = arith.cmpi ne, %convert_element_type3A_73, %cond3A_74 : i32
    scf.if %cond3A_75 {
      %add3A_227 = arith.constant 0 : i32
      %add3A_228 = arith.addi %mul3A_9, %add3A_227 : i32
      %dma_start3A_229 = arith.constant 0 : i32
      %dma_start3A_230 = tpu.memref_slice %arg5[%arg1, %add3A_228, %dma_start3A_229] : memref<16x2048x256xf32, #tpu.memory_space<hbm>> -> memref<1x64x256xf32, #tpu.memory_space<hbm>>
      %dma_start3A_231 = tpu.memref_squeeze %dma_start3A_230 : memref<1x64x256xf32, #tpu.memory_space<hbm>> -> memref<64x256xf32, #tpu.memory_space<hbm>>
      %dma_start3A_232 = arith.constant 0 : i32
      %dma_start3A_233 = tpu.memref_slice %arg5[%arg1, %add3A_228, %dma_start3A_232] : memref<16x2048x256xf32, #tpu.memory_space<hbm>> -> memref<1x64x256xf32, #tpu.memory_space<hbm>>
      %dma_start3A_234 = tpu.memref_squeeze %dma_start3A_233 : memref<1x64x256xf32, #tpu.memory_space<hbm>> -> memref<64x256xf32, #tpu.memory_space<hbm>>
      tpu.enqueue_dma source(%arg11 : memref<64x256xf32, #tpu.memory_space<vmem>>) target(%dma_start3A_234 : memref<64x256xf32, #tpu.memory_space<hbm>>) target_semaphore(%arg17 : memref<!tpu.dma_semaphore, #tpu.memory_space<semaphore_mem>>)
      %add3A_235 = arith.constant 64 : i32
      %add3A_236 = arith.addi %add3A_228, %add3A_235 : i32
      %dma_start3A_237 = arith.constant 0 : i32
      %dma_start3A_238 = tpu.memref_slice %arg5[%arg1, %add3A_236, %dma_start3A_237] : memref<16x2048x256xf32, #tpu.memory_space<hbm>> -> memref<1x64x256xf32, #tpu.memory_space<hbm>>
      %dma_start3A_239 = tpu.memref_squeeze %dma_start3A_238 : memref<1x64x256xf32, #tpu.memory_space<hbm>> -> memref<64x256xf32, #tpu.memory_space<hbm>>
      %dma_start3A_240 = arith.constant 0 : i32
      %dma_start3A_241 = tpu.memref_slice %arg5[%arg1, %add3A_236, %dma_start3A_240] : memref<16x2048x256xf32, #tpu.memory_space<hbm>> -> memref<1x64x256xf32, #tpu.memory_space<hbm>>
      %dma_start3A_242 = tpu.memref_squeeze %dma_start3A_241 : memref<1x64x256xf32, #tpu.memory_space<hbm>> -> memref<64x256xf32, #tpu.memory_space<hbm>>
      tpu.enqueue_dma source(%arg11 : memref<64x256xf32, #tpu.memory_space<vmem>>) target(%dma_start3A_242 : memref<64x256xf32, #tpu.memory_space<hbm>>) target_semaphore(%arg17 : memref<!tpu.dma_semaphore, #tpu.memory_space<semaphore_mem>>)
    } else {
    }
    %convert_element_type3A_76 = arith.extui %gt3A_31 : i1 to i32
    %cond3A_77 = arith.constant 0 : i32
    %cond3A_78 = arith.cmpi ne, %convert_element_type3A_76, %cond3A_77 : i32
    scf.if %cond3A_78 {
      %dma_start3A_227 = arith.constant 256 : i32
      %dma_start3A_228 = tpu.memref_slice %arg7[%dma_start3A_227] : memref<1024xi32, #tpu.memory_space<vmem>> -> memref<128xi32, #tpu.memory_space<vmem>>
      %dma_start3A_229 = arith.constant 0 : i32
      %dma_start3A_230 = arith.constant 0 : i32
      %dma_start3A_231 = tpu.memref_slice %arg2[%dma_start3A_229, %dma_start3A_230] : memref<100000x256xf32, #tpu.memory_space<hbm>> -> memref<100000x256xf32, #tpu.memory_space<hbm>>
      tpu.enqueue_indirect_dma source(%dma_start3A_231 : memref<100000x256xf32, #tpu.memory_space<hbm>>) target(%arg10 : memref<128x256xf32, #tpu.memory_space<vmem>>) offsets(%dma_start3A_228 : memref<128xi32, #tpu.memory_space<vmem>>) semaphore(%arg16 : memref<!tpu.dma_semaphore, #tpu.memory_space<semaphore_mem>>)
    } else {
    }
    %scan3A = arith.constant 0 : i32
    %scan3A_79 = arith.constant 0 : i32
    %scan3A_80 = arith.constant 64 : i32
    %scan3A_81 = arith.addi %scan3A_79, %scan3A_80 : i32
    %scan3A_82 = arith.constant 1 : i32
    scf.for %scan3A_227 = %scan3A_79 to %scan3A_81 step %scan3A_82  : i32 {
      %mul3A_228 = arith.constant 16 : i32
      %mul3A_229 = arith.muli %scan3A_227, %mul3A_228 : i32
      %add3A_230 = arith.addi %mul3A_9, %mul3A_229 : i32
      %add3A_231 = vector.broadcast %add3A_230 : i32 to vector<16xi32>
      %add3A_232 = arith.addi %iota3A, %add3A_231 : vector<16xi32>
      %lt3A_233 = vector.broadcast %squeeze3A : i32 to vector<16xi32>
      %lt3A_234 = arith.cmpi slt, %add3A_232, %lt3A_233 : vector<16xi32>
      %select_n3A_235 = arith.select %lt3A_234, %broadcast_in_dim3A_26, %broadcast_in_dim3A_24 : vector<16xi1>, vector<16xf32>
      %mul3A_236 = arith.constant 16 : i32
      %mul3A_237 = arith.muli %scan3A_227, %mul3A_236 : i32
      %swap3A = arith.index_cast %mul3A_237 : i32 to index
      %swap3A_238 = tpu.vector_load %arg12[%swap3A] {strides = array<i32>} : memref<1024xf32, #tpu.memory_space<vmem>>, vector<16xf32>,
      %swap3A_239 = vector.shape_cast %swap3A_238 : vector<16xf32> to vector<16xf32>
      %swap3A_240 = vector.shape_cast %select_n3A_235 : vector<16xf32> to vector<16xf32>
      tpu.vector_store %arg12[%swap3A], %swap3A_240 {strides = array<i32>} : memref<1024xf32, #tpu.memory_space<vmem>>, vector<16xf32>,
    }
    %scan3A_83 = arith.constant 64 : i32
    %dma_start3A_84 = tpu.memref_slice %arg6[%arg1, %mul3A_9] : memref<16x2048xf32, #tpu.memory_space<hbm>> -> memref<1x1024xf32, #tpu.memory_space<hbm>>
    %dma_start3A_85 = tpu.memref_squeeze %dma_start3A_84 : memref<1x1024xf32, #tpu.memory_space<hbm>> -> memref<1024xf32, #tpu.memory_space<hbm>>
    %dma_start3A_86 = tpu.memref_slice %arg6[%arg1, %mul3A_9] : memref<16x2048xf32, #tpu.memory_space<hbm>> -> memref<1x1024xf32, #tpu.memory_space<hbm>>
    %dma_start3A_87 = tpu.memref_squeeze %dma_start3A_86 : memref<1x1024xf32, #tpu.memory_space<hbm>> -> memref<1024xf32, #tpu.memory_space<hbm>>
    tpu.enqueue_dma source(%arg12 : memref<1024xf32, #tpu.memory_space<vmem>>) target(%dma_start3A_87 : memref<1024xf32, #tpu.memory_space<hbm>>) target_semaphore(%arg20 : memref<!tpu.dma_semaphore, #tpu.memory_space<semaphore_mem>>)
    %convert_element_type3A_88 = arith.extui %gt3A_29 : i1 to i32
    %cond3A_89 = arith.constant 0 : i32
    %cond3A_90 = arith.cmpi ne, %convert_element_type3A_88, %cond3A_89 : i32
    scf.if %cond3A_90 {
      %dma_wait3A_227 = arith.constant 128 : i32
      %dma_wait3A_228 = tpu.memref_slice %arg7[%dma_wait3A_227] : memref<1024xi32, #tpu.memory_space<vmem>> -> memref<128xi32, #tpu.memory_space<vmem>>
      %dma_wait3A_229 = arith.constant 0 : i32
      %dma_wait3A_230 = arith.constant 0 : i32
      %dma_wait3A_231 = tpu.memref_slice %arg2[%dma_wait3A_229, %dma_wait3A_230] : memref<100000x256xf32, #tpu.memory_space<hbm>> -> memref<100000x256xf32, #tpu.memory_space<hbm>>
      tpu.wait_indirect_dma semaphore(%arg15 : memref<!tpu.dma_semaphore, #tpu.memory_space<semaphore_mem>>) src(%dma_wait3A_231 : memref<100000x256xf32, #tpu.memory_space<hbm>>) dst(%arg9 : memref<128x256xf32, #tpu.memory_space<vmem>>)
      %not3A_232 = arith.constant true
      %not3A_233 = arith.xori %ge3A_44, %not3A_232 : i1
      %convert_element_type3A_234 = arith.extui %not3A_233 : i1 to i32
      %cond3A_235 = arith.constant 0 : i32
      %cond3A_236 = arith.cmpi ne, %convert_element_type3A_234, %cond3A_235 : i32
      scf.if %cond3A_236 {
        %sub3A_245 = arith.constant 128 : i32
        %sub3A_246 = arith.subi %min3A, %sub3A_245 : i32
        %while3A = arith.constant 0 : i32
        %while3A_247 = arith.constant 128 : i32
        %while3A_248 = arith.subi %while3A_247, %sub3A_246 : i32
        %while3A_249 = arith.addi %sub3A_246, %while3A_248 : i32
        %while3A_250 = arith.constant 1 : i32
        %while3A_251 = arith.divsi %while3A_248, %while3A_250 : i32
        %while3A_252 = arith.muli %while3A_251, %while3A_250 : i32
        %while3A_253 = arith.addi %sub3A_246, %while3A_252 : i32
        %while3A_254 = arith.constant 1 : i32
        scf.for %while3A_256 = %sub3A_246 to %while3A_253 step %while3A_254  : i32 {
          %swap3A = arith.index_cast %while3A_256 : i32 to index
          %swap3A_257 = arith.constant 0 : index
          %swap3A_258 = tpu.vector_load %arg9[%swap3A, %swap3A_257] {strides = array<i32>} : memref<128x256xf32, #tpu.memory_space<vmem>>, vector<1x16xf32>,
          %swap3A_259 = vector.shape_cast %swap3A_258 : vector<1x16xf32> to vector<16xf32>
          %swap3A_260 = vector.shape_cast %broadcast_in_dim3A_24 : vector<16xf32> to vector<1x16xf32>
          tpu.vector_store %arg9[%swap3A, %swap3A_257], %swap3A_260 {strides = array<i32>} : memref<128x256xf32, #tpu.memory_space<vmem>>, vector<1x16xf32>,
          %swap3A_261 = arith.index_cast %while3A_256 : i32 to index
          %swap3A_262 = arith.constant 16 : index
          %swap3A_263 = tpu.vector_load %arg9[%swap3A_261, %swap3A_262] {strides = array<i32>} : memref<128x256xf32, #tpu.memory_space<vmem>>, vector<1x16xf32>,
          %swap3A_264 = vector.shape_cast %swap3A_263 : vector<1x16xf32> to vector<16xf32>
          %swap3A_265 = vector.shape_cast %broadcast_in_dim3A_24 : vector<16xf32> to vector<1x16xf32>
          tpu.vector_store %arg9[%swap3A_261, %swap3A_262], %swap3A_265 {strides = array<i32>} : memref<128x256xf32, #tpu.memory_space<vmem>>, vector<1x16xf32>,
          %swap3A_266 = arith.index_cast %while3A_256 : i32 to index
          %swap3A_267 = arith.constant 32 : index
          %swap3A_268 = tpu.vector_load %arg9[%swap3A_266, %swap3A_267] {strides = array<i32>} : memref<128x256xf32, #tpu.memory_space<vmem>>, vector<1x16xf32>,
          %swap3A_269 = vector.shape_cast %swap3A_268 : vector<1x16xf32> to vector<16xf32>
          %swap3A_270 = vector.shape_cast %broadcast_in_dim3A_24 : vector<16xf32> to vector<1x16xf32>
          tpu.vector_store %arg9[%swap3A_266, %swap3A_267], %swap3A_270 {strides = array<i32>} : memref<128x256xf32, #tpu.memory_space<vmem>>, vector<1x16xf32>,
          %swap3A_271 = arith.index_cast %while3A_256 : i32 to index
          %swap3A_272 = arith.constant 48 : index
          %swap3A_273 = tpu.vector_load %arg9[%swap3A_271, %swap3A_272] {strides = array<i32>} : memref<128x256xf32, #tpu.memory_space<vmem>>, vector<1x16xf32>,
          %swap3A_274 = vector.shape_cast %swap3A_273 : vector<1x16xf32> to vector<16xf32>
          %swap3A_275 = vector.shape_cast %broadcast_in_dim3A_24 : vector<16xf32> to vector<1x16xf32>
          tpu.vector_store %arg9[%swap3A_271, %swap3A_272], %swap3A_275 {strides = array<i32>} : memref<128x256xf32, #tpu.memory_space<vmem>>, vector<1x16xf32>,
          %swap3A_276 = arith.index_cast %while3A_256 : i32 to index
          %swap3A_277 = arith.constant 64 : index
          %swap3A_278 = tpu.vector_load %arg9[%swap3A_276, %swap3A_277] {strides = array<i32>} : memref<128x256xf32, #tpu.memory_space<vmem>>, vector<1x16xf32>,
          %swap3A_279 = vector.shape_cast %swap3A_278 : vector<1x16xf32> to vector<16xf32>
          %swap3A_280 = vector.shape_cast %broadcast_in_dim3A_24 : vector<16xf32> to vector<1x16xf32>
          tpu.vector_store %arg9[%swap3A_276, %swap3A_277], %swap3A_280 {strides = array<i32>} : memref<128x256xf32, #tpu.memory_space<vmem>>, vector<1x16xf32>,
          %swap3A_281 = arith.index_cast %while3A_256 : i32 to index
          %swap3A_282 = arith.constant 80 : index
          %swap3A_283 = tpu.vector_load %arg9[%swap3A_281, %swap3A_282] {strides = array<i32>} : memref<128x256xf32, #tpu.memory_space<vmem>>, vector<1x16xf32>,
          %swap3A_284 = vector.shape_cast %swap3A_283 : vector<1x16xf32> to vector<16xf32>
          %swap3A_285 = vector.shape_cast %broadcast_in_dim3A_24 : vector<16xf32> to vector<1x16xf32>
          tpu.vector_store %arg9[%swap3A_281, %swap3A_282], %swap3A_285 {strides = array<i32>} : memref<128x256xf32, #tpu.memory_space<vmem>>, vector<1x16xf32>,
          %swap3A_286 = arith.index_cast %while3A_256 : i32 to index
          %swap3A_287 = arith.constant 96 : index
          %swap3A_288 = tpu.vector_load %arg9[%swap3A_286, %swap3A_287] {strides = array<i32>} : memref<128x256xf32, #tpu.memory_space<vmem>>, vector<1x16xf32>,
          %swap3A_289 = vector.shape_cast %swap3A_288 : vector<1x16xf32> to vector<16xf32>
          %swap3A_290 = vector.shape_cast %broadcast_in_dim3A_24 : vector<16xf32> to vector<1x16xf32>
          tpu.vector_store %arg9[%swap3A_286, %swap3A_287], %swap3A_290 {strides = array<i32>} : memref<128x256xf32, #tpu.memory_space<vmem>>, vector<1x16xf32>,
          %swap3A_291 = arith.index_cast %while3A_256 : i32 to index
          %swap3A_292 = arith.constant 112 : index
          %swap3A_293 = tpu.vector_load %arg9[%swap3A_291, %swap3A_292] {strides = array<i32>} : memref<128x256xf32, #tpu.memory_space<vmem>>, vector<1x16xf32>,
          %swap3A_294 = vector.shape_cast %swap3A_293 : vector<1x16xf32> to vector<16xf32>
          %swap3A_295 = vector.shape_cast %broadcast_in_dim3A_24 : vector<16xf32> to vector<1x16xf32>
          tpu.vector_store %arg9[%swap3A_291, %swap3A_292], %swap3A_295 {strides = array<i32>} : memref<128x256xf32, #tpu.memory_space<vmem>>, vector<1x16xf32>,
          %swap3A_296 = arith.index_cast %while3A_256 : i32 to index
          %swap3A_297 = arith.constant 128 : index
          %swap3A_298 = tpu.vector_load %arg9[%swap3A_296, %swap3A_297] {strides = array<i32>} : memref<128x256xf32, #tpu.memory_space<vmem>>, vector<1x16xf32>,
          %swap3A_299 = vector.shape_cast %swap3A_298 : vector<1x16xf32> to vector<16xf32>
          %swap3A_300 = vector.shape_cast %broadcast_in_dim3A_24 : vector<16xf32> to vector<1x16xf32>
          tpu.vector_store %arg9[%swap3A_296, %swap3A_297], %swap3A_300 {strides = array<i32>} : memref<128x256xf32, #tpu.memory_space<vmem>>, vector<1x16xf32>,
          %swap3A_301 = arith.index_cast %while3A_256 : i32 to index
          %swap3A_302 = arith.constant 144 : index
          %swap3A_303 = tpu.vector_load %arg9[%swap3A_301, %swap3A_302] {strides = array<i32>} : memref<128x256xf32, #tpu.memory_space<vmem>>, vector<1x16xf32>,
          %swap3A_304 = vector.shape_cast %swap3A_303 : vector<1x16xf32> to vector<16xf32>
          %swap3A_305 = vector.shape_cast %broadcast_in_dim3A_24 : vector<16xf32> to vector<1x16xf32>
          tpu.vector_store %arg9[%swap3A_301, %swap3A_302], %swap3A_305 {strides = array<i32>} : memref<128x256xf32, #tpu.memory_space<vmem>>, vector<1x16xf32>,
          %swap3A_306 = arith.index_cast %while3A_256 : i32 to index
          %swap3A_307 = arith.constant 160 : index
          %swap3A_308 = tpu.vector_load %arg9[%swap3A_306, %swap3A_307] {strides = array<i32>} : memref<128x256xf32, #tpu.memory_space<vmem>>, vector<1x16xf32>,
          %swap3A_309 = vector.shape_cast %swap3A_308 : vector<1x16xf32> to vector<16xf32>
          %swap3A_310 = vector.shape_cast %broadcast_in_dim3A_24 : vector<16xf32> to vector<1x16xf32>
          tpu.vector_store %arg9[%swap3A_306, %swap3A_307], %swap3A_310 {strides = array<i32>} : memref<128x256xf32, #tpu.memory_space<vmem>>, vector<1x16xf32>,
          %swap3A_311 = arith.index_cast %while3A_256 : i32 to index
          %swap3A_312 = arith.constant 176 : index
          %swap3A_313 = tpu.vector_load %arg9[%swap3A_311, %swap3A_312] {strides = array<i32>} : memref<128x256xf32, #tpu.memory_space<vmem>>, vector<1x16xf32>,
          %swap3A_314 = vector.shape_cast %swap3A_313 : vector<1x16xf32> to vector<16xf32>
          %swap3A_315 = vector.shape_cast %broadcast_in_dim3A_24 : vector<16xf32> to vector<1x16xf32>
          tpu.vector_store %arg9[%swap3A_311, %swap3A_312], %swap3A_315 {strides = array<i32>} : memref<128x256xf32, #tpu.memory_space<vmem>>, vector<1x16xf32>,
          %swap3A_316 = arith.index_cast %while3A_256 : i32 to index
          %swap3A_317 = arith.constant 192 : index
          %swap3A_318 = tpu.vector_load %arg9[%swap3A_316, %swap3A_317] {strides = array<i32>} : memref<128x256xf32, #tpu.memory_space<vmem>>, vector<1x16xf32>,
          %swap3A_319 = vector.shape_cast %swap3A_318 : vector<1x16xf32> to vector<16xf32>
          %swap3A_320 = vector.shape_cast %broadcast_in_dim3A_24 : vector<16xf32> to vector<1x16xf32>
          tpu.vector_store %arg9[%swap3A_316, %swap3A_317], %swap3A_320 {strides = array<i32>} : memref<128x256xf32, #tpu.memory_space<vmem>>, vector<1x16xf32>,
          %swap3A_321 = arith.index_cast %while3A_256 : i32 to index
          %swap3A_322 = arith.constant 208 : index
          %swap3A_323 = tpu.vector_load %arg9[%swap3A_321, %swap3A_322] {strides = array<i32>} : memref<128x256xf32, #tpu.memory_space<vmem>>, vector<1x16xf32>,
          %swap3A_324 = vector.shape_cast %swap3A_323 : vector<1x16xf32> to vector<16xf32>
          %swap3A_325 = vector.shape_cast %broadcast_in_dim3A_24 : vector<16xf32> to vector<1x16xf32>
          tpu.vector_store %arg9[%swap3A_321, %swap3A_322], %swap3A_325 {strides = array<i32>} : memref<128x256xf32, #tpu.memory_space<vmem>>, vector<1x16xf32>,
          %swap3A_326 = arith.index_cast %while3A_256 : i32 to index
          %swap3A_327 = arith.constant 224 : index
          %swap3A_328 = tpu.vector_load %arg9[%swap3A_326, %swap3A_327] {strides = array<i32>} : memref<128x256xf32, #tpu.memory_space<vmem>>, vector<1x16xf32>,
          %swap3A_329 = vector.shape_cast %swap3A_328 : vector<1x16xf32> to vector<16xf32>
          %swap3A_330 = vector.shape_cast %broadcast_in_dim3A_24 : vector<16xf32> to vector<1x16xf32>
          tpu.vector_store %arg9[%swap3A_326, %swap3A_327], %swap3A_330 {strides = array<i32>} : memref<128x256xf32, #tpu.memory_space<vmem>>, vector<1x16xf32>,
          %swap3A_331 = arith.index_cast %while3A_256 : i32 to index
          %swap3A_332 = arith.constant 240 : index
          %swap3A_333 = tpu.vector_load %arg9[%swap3A_331, %swap3A_332] {strides = array<i32>} : memref<128x256xf32, #tpu.memory_space<vmem>>, vector<1x16xf32>,
          %swap3A_334 = vector.shape_cast %swap3A_333 : vector<1x16xf32> to vector<16xf32>
          %swap3A_335 = vector.shape_cast %broadcast_in_dim3A_24 : vector<16xf32> to vector<1x16xf32>
          tpu.vector_store %arg9[%swap3A_331, %swap3A_332], %swap3A_335 {strides = array<i32>} : memref<128x256xf32, #tpu.memory_space<vmem>>, vector<1x16xf32>,
        }
        %while3A_255 = arith.constant 1 : i32
        scf.for %while3A_256 = %while3A_253 to %while3A_249 step %while3A_255  : i32 {
          %swap3A = arith.index_cast %while3A_256 : i32 to index
          %swap3A_257 = arith.constant 0 : index
          %swap3A_258 = tpu.vector_load %arg9[%swap3A, %swap3A_257] {strides = array<i32>} : memref<128x256xf32, #tpu.memory_space<vmem>>, vector<1x16xf32>,
          %swap3A_259 = vector.shape_cast %swap3A_258 : vector<1x16xf32> to vector<16xf32>
          %swap3A_260 = vector.shape_cast %broadcast_in_dim3A_24 : vector<16xf32> to vector<1x16xf32>
          tpu.vector_store %arg9[%swap3A, %swap3A_257], %swap3A_260 {strides = array<i32>} : memref<128x256xf32, #tpu.memory_space<vmem>>, vector<1x16xf32>,
          %swap3A_261 = arith.index_cast %while3A_256 : i32 to index
          %swap3A_262 = arith.constant 16 : index
          %swap3A_263 = tpu.vector_load %arg9[%swap3A_261, %swap3A_262] {strides = array<i32>} : memref<128x256xf32, #tpu.memory_space<vmem>>, vector<1x16xf32>,
          %swap3A_264 = vector.shape_cast %swap3A_263 : vector<1x16xf32> to vector<16xf32>
          %swap3A_265 = vector.shape_cast %broadcast_in_dim3A_24 : vector<16xf32> to vector<1x16xf32>
          tpu.vector_store %arg9[%swap3A_261, %swap3A_262], %swap3A_265 {strides = array<i32>} : memref<128x256xf32, #tpu.memory_space<vmem>>, vector<1x16xf32>,
          %swap3A_266 = arith.index_cast %while3A_256 : i32 to index
          %swap3A_267 = arith.constant 32 : index
          %swap3A_268 = tpu.vector_load %arg9[%swap3A_266, %swap3A_267] {strides = array<i32>} : memref<128x256xf32, #tpu.memory_space<vmem>>, vector<1x16xf32>,
          %swap3A_269 = vector.shape_cast %swap3A_268 : vector<1x16xf32> to vector<16xf32>
          %swap3A_270 = vector.shape_cast %broadcast_in_dim3A_24 : vector<16xf32> to vector<1x16xf32>
          tpu.vector_store %arg9[%swap3A_266, %swap3A_267], %swap3A_270 {strides = array<i32>} : memref<128x256xf32, #tpu.memory_space<vmem>>, vector<1x16xf32>,
          %swap3A_271 = arith.index_cast %while3A_256 : i32 to index
          %swap3A_272 = arith.constant 48 : index
          %swap3A_273 = tpu.vector_load %arg9[%swap3A_271, %swap3A_272] {strides = array<i32>} : memref<128x256xf32, #tpu.memory_space<vmem>>, vector<1x16xf32>,
          %swap3A_274 = vector.shape_cast %swap3A_273 : vector<1x16xf32> to vector<16xf32>
          %swap3A_275 = vector.shape_cast %broadcast_in_dim3A_24 : vector<16xf32> to vector<1x16xf32>
          tpu.vector_store %arg9[%swap3A_271, %swap3A_272], %swap3A_275 {strides = array<i32>} : memref<128x256xf32, #tpu.memory_space<vmem>>, vector<1x16xf32>,
          %swap3A_276 = arith.index_cast %while3A_256 : i32 to index
          %swap3A_277 = arith.constant 64 : index
          %swap3A_278 = tpu.vector_load %arg9[%swap3A_276, %swap3A_277] {strides = array<i32>} : memref<128x256xf32, #tpu.memory_space<vmem>>, vector<1x16xf32>,
          %swap3A_279 = vector.shape_cast %swap3A_278 : vector<1x16xf32> to vector<16xf32>
          %swap3A_280 = vector.shape_cast %broadcast_in_dim3A_24 : vector<16xf32> to vector<1x16xf32>
          tpu.vector_store %arg9[%swap3A_276, %swap3A_277], %swap3A_280 {strides = array<i32>} : memref<128x256xf32, #tpu.memory_space<vmem>>, vector<1x16xf32>,
          %swap3A_281 = arith.index_cast %while3A_256 : i32 to index
          %swap3A_282 = arith.constant 80 : index
          %swap3A_283 = tpu.vector_load %arg9[%swap3A_281, %swap3A_282] {strides = array<i32>} : memref<128x256xf32, #tpu.memory_space<vmem>>, vector<1x16xf32>,
          %swap3A_284 = vector.shape_cast %swap3A_283 : vector<1x16xf32> to vector<16xf32>
          %swap3A_285 = vector.shape_cast %broadcast_in_dim3A_24 : vector<16xf32> to vector<1x16xf32>
          tpu.vector_store %arg9[%swap3A_281, %swap3A_282], %swap3A_285 {strides = array<i32>} : memref<128x256xf32, #tpu.memory_space<vmem>>, vector<1x16xf32>,
          %swap3A_286 = arith.index_cast %while3A_256 : i32 to index
          %swap3A_287 = arith.constant 96 : index
          %swap3A_288 = tpu.vector_load %arg9[%swap3A_286, %swap3A_287] {strides = array<i32>} : memref<128x256xf32, #tpu.memory_space<vmem>>, vector<1x16xf32>,
          %swap3A_289 = vector.shape_cast %swap3A_288 : vector<1x16xf32> to vector<16xf32>
          %swap3A_290 = vector.shape_cast %broadcast_in_dim3A_24 : vector<16xf32> to vector<1x16xf32>
          tpu.vector_store %arg9[%swap3A_286, %swap3A_287], %swap3A_290 {strides = array<i32>} : memref<128x256xf32, #tpu.memory_space<vmem>>, vector<1x16xf32>,
          %swap3A_291 = arith.index_cast %while3A_256 : i32 to index
          %swap3A_292 = arith.constant 112 : index
          %swap3A_293 = tpu.vector_load %arg9[%swap3A_291, %swap3A_292] {strides = array<i32>} : memref<128x256xf32, #tpu.memory_space<vmem>>, vector<1x16xf32>,
          %swap3A_294 = vector.shape_cast %swap3A_293 : vector<1x16xf32> to vector<16xf32>
          %swap3A_295 = vector.shape_cast %broadcast_in_dim3A_24 : vector<16xf32> to vector<1x16xf32>
          tpu.vector_store %arg9[%swap3A_291, %swap3A_292], %swap3A_295 {strides = array<i32>} : memref<128x256xf32, #tpu.memory_space<vmem>>, vector<1x16xf32>,
          %swap3A_296 = arith.index_cast %while3A_256 : i32 to index
          %swap3A_297 = arith.constant 128 : index
          %swap3A_298 = tpu.vector_load %arg9[%swap3A_296, %swap3A_297] {strides = array<i32>} : memref<128x256xf32, #tpu.memory_space<vmem>>, vector<1x16xf32>,
          %swap3A_299 = vector.shape_cast %swap3A_298 : vector<1x16xf32> to vector<16xf32>
          %swap3A_300 = vector.shape_cast %broadcast_in_dim3A_24 : vector<16xf32> to vector<1x16xf32>
          tpu.vector_store %arg9[%swap3A_296, %swap3A_297], %swap3A_300 {strides = array<i32>} : memref<128x256xf32, #tpu.memory_space<vmem>>, vector<1x16xf32>,
          %swap3A_301 = arith.index_cast %while3A_256 : i32 to index
          %swap3A_302 = arith.constant 144 : index
          %swap3A_303 = tpu.vector_load %arg9[%swap3A_301, %swap3A_302] {strides = array<i32>} : memref<128x256xf32, #tpu.memory_space<vmem>>, vector<1x16xf32>,
          %swap3A_304 = vector.shape_cast %swap3A_303 : vector<1x16xf32> to vector<16xf32>
          %swap3A_305 = vector.shape_cast %broadcast_in_dim3A_24 : vector<16xf32> to vector<1x16xf32>
          tpu.vector_store %arg9[%swap3A_301, %swap3A_302], %swap3A_305 {strides = array<i32>} : memref<128x256xf32, #tpu.memory_space<vmem>>, vector<1x16xf32>,
          %swap3A_306 = arith.index_cast %while3A_256 : i32 to index
          %swap3A_307 = arith.constant 160 : index
          %swap3A_308 = tpu.vector_load %arg9[%swap3A_306, %swap3A_307] {strides = array<i32>} : memref<128x256xf32, #tpu.memory_space<vmem>>, vector<1x16xf32>,
          %swap3A_309 = vector.shape_cast %swap3A_308 : vector<1x16xf32> to vector<16xf32>
          %swap3A_310 = vector.shape_cast %broadcast_in_dim3A_24 : vector<16xf32> to vector<1x16xf32>
          tpu.vector_store %arg9[%swap3A_306, %swap3A_307], %swap3A_310 {strides = array<i32>} : memref<128x256xf32, #tpu.memory_space<vmem>>, vector<1x16xf32>,
          %swap3A_311 = arith.index_cast %while3A_256 : i32 to index
          %swap3A_312 = arith.constant 176 : index
          %swap3A_313 = tpu.vector_load %arg9[%swap3A_311, %swap3A_312] {strides = array<i32>} : memref<128x256xf32, #tpu.memory_space<vmem>>, vector<1x16xf32>,
          %swap3A_314 = vector.shape_cast %swap3A_313 : vector<1x16xf32> to vector<16xf32>
          %swap3A_315 = vector.shape_cast %broadcast_in_dim3A_24 : vector<16xf32> to vector<1x16xf32>
          tpu.vector_store %arg9[%swap3A_311, %swap3A_312], %swap3A_315 {strides = array<i32>} : memref<128x256xf32, #tpu.memory_space<vmem>>, vector<1x16xf32>,
          %swap3A_316 = arith.index_cast %while3A_256 : i32 to index
          %swap3A_317 = arith.constant 192 : index
          %swap3A_318 = tpu.vector_load %arg9[%swap3A_316, %swap3A_317] {strides = array<i32>} : memref<128x256xf32, #tpu.memory_space<vmem>>, vector<1x16xf32>,
          %swap3A_319 = vector.shape_cast %swap3A_318 : vector<1x16xf32> to vector<16xf32>
          %swap3A_320 = vector.shape_cast %broadcast_in_dim3A_24 : vector<16xf32> to vector<1x16xf32>
          tpu.vector_store %arg9[%swap3A_316, %swap3A_317], %swap3A_320 {strides = array<i32>} : memref<128x256xf32, #tpu.memory_space<vmem>>, vector<1x16xf32>,
          %swap3A_321 = arith.index_cast %while3A_256 : i32 to index
          %swap3A_322 = arith.constant 208 : index
          %swap3A_323 = tpu.vector_load %arg9[%swap3A_321, %swap3A_322] {strides = array<i32>} : memref<128x256xf32, #tpu.memory_space<vmem>>, vector<1x16xf32>,
          %swap3A_324 = vector.shape_cast %swap3A_323 : vector<1x16xf32> to vector<16xf32>
          %swap3A_325 = vector.shape_cast %broadcast_in_dim3A_24 : vector<16xf32> to vector<1x16xf32>
          tpu.vector_store %arg9[%swap3A_321, %swap3A_322], %swap3A_325 {strides = array<i32>} : memref<128x256xf32, #tpu.memory_space<vmem>>, vector<1x16xf32>,
          %swap3A_326 = arith.index_cast %while3A_256 : i32 to index
          %swap3A_327 = arith.constant 224 : index
          %swap3A_328 = tpu.vector_load %arg9[%swap3A_326, %swap3A_327] {strides = array<i32>} : memref<128x256xf32, #tpu.memory_space<vmem>>, vector<1x16xf32>,
          %swap3A_329 = vector.shape_cast %swap3A_328 : vector<1x16xf32> to vector<16xf32>
          %swap3A_330 = vector.shape_cast %broadcast_in_dim3A_24 : vector<16xf32> to vector<1x16xf32>
          tpu.vector_store %arg9[%swap3A_326, %swap3A_327], %swap3A_330 {strides = array<i32>} : memref<128x256xf32, #tpu.memory_space<vmem>>, vector<1x16xf32>,
          %swap3A_331 = arith.index_cast %while3A_256 : i32 to index
          %swap3A_332 = arith.constant 240 : index
          %swap3A_333 = tpu.vector_load %arg9[%swap3A_331, %swap3A_332] {strides = array<i32>} : memref<128x256xf32, #tpu.memory_space<vmem>>, vector<1x16xf32>,
          %swap3A_334 = vector.shape_cast %swap3A_333 : vector<1x16xf32> to vector<16xf32>
          %swap3A_335 = vector.shape_cast %broadcast_in_dim3A_24 : vector<16xf32> to vector<1x16xf32>
          tpu.vector_store %arg9[%swap3A_331, %swap3A_332], %swap3A_335 {strides = array<i32>} : memref<128x256xf32, #tpu.memory_space<vmem>>, vector<1x16xf32>,
        }
      } else {
      }
      %add3A_237 = arith.constant 128 : i32
      %add3A_238 = arith.addi %mul3A_9, %add3A_237 : i32
      %dma_start3A_239 = arith.constant 0 : i32
      %dma_start3A_240 = tpu.memref_slice %arg5[%arg1, %add3A_238, %dma_start3A_239] : memref<16x2048x256xf32, #tpu.memory_space<hbm>> -> memref<1x128x256xf32, #tpu.memory_space<hbm>>
      %dma_start3A_241 = tpu.memref_squeeze %dma_start3A_240 : memref<1x128x256xf32, #tpu.memory_space<hbm>> -> memref<128x256xf32, #tpu.memory_space<hbm>>
      %dma_start3A_242 = arith.constant 0 : i32
      %dma_start3A_243 = tpu.memref_slice %arg5[%arg1, %add3A_238, %dma_start3A_242] : memref<16x2048x256xf32, #tpu.memory_space<hbm>> -> memref<1x128x256xf32, #tpu.memory_space<hbm>>
      %dma_start3A_244 = tpu.memref_squeeze %dma_start3A_243 : memref<1x128x256xf32, #tpu.memory_space<hbm>> -> memref<128x256xf32, #tpu.memory_space<hbm>>
      tpu.enqueue_dma source(%arg9 : memref<128x256xf32, #tpu.memory_space<vmem>>) target(%dma_start3A_244 : memref<128x256xf32, #tpu.memory_space<hbm>>) target_semaphore(%arg18 : memref<!tpu.dma_semaphore, #tpu.memory_space<semaphore_mem>>)
    } else {
    }
    %not3A_91 = arith.constant true
    %not3A_92 = arith.xori %gt3A_29, %not3A_91 : i1
    %convert_element_type3A_93 = arith.extui %not3A_92 : i1 to i32
    %cond3A_94 = arith.constant 0 : i32
    %cond3A_95 = arith.cmpi ne, %convert_element_type3A_93, %cond3A_94 : i32
    scf.if %cond3A_95 {
      %add3A_227 = arith.constant 128 : i32
      %add3A_228 = arith.addi %mul3A_9, %add3A_227 : i32
      %dma_start3A_229 = arith.constant 0 : i32
      %dma_start3A_230 = tpu.memref_slice %arg5[%arg1, %add3A_228, %dma_start3A_229] : memref<16x2048x256xf32, #tpu.memory_space<hbm>> -> memref<1x64x256xf32, #tpu.memory_space<hbm>>
      %dma_start3A_231 = tpu.memref_squeeze %dma_start3A_230 : memref<1x64x256xf32, #tpu.memory_space<hbm>> -> memref<64x256xf32, #tpu.memory_space<hbm>>
      %dma_start3A_232 = arith.constant 0 : i32
      %dma_start3A_233 = tpu.memref_slice %arg5[%arg1, %add3A_228, %dma_start3A_232] : memref<16x2048x256xf32, #tpu.memory_space<hbm>> -> memref<1x64x256xf32, #tpu.memory_space<hbm>>
      %dma_start3A_234 = tpu.memref_squeeze %dma_start3A_233 : memref<1x64x256xf32, #tpu.memory_space<hbm>> -> memref<64x256xf32, #tpu.memory_space<hbm>>
      tpu.enqueue_dma source(%arg11 : memref<64x256xf32, #tpu.memory_space<vmem>>) target(%dma_start3A_234 : memref<64x256xf32, #tpu.memory_space<hbm>>) target_semaphore(%arg18 : memref<!tpu.dma_semaphore, #tpu.memory_space<semaphore_mem>>)
      %add3A_235 = arith.constant 64 : i32
      %add3A_236 = arith.addi %add3A_228, %add3A_235 : i32
      %dma_start3A_237 = arith.constant 0 : i32
      %dma_start3A_238 = tpu.memref_slice %arg5[%arg1, %add3A_236, %dma_start3A_237] : memref<16x2048x256xf32, #tpu.memory_space<hbm>> -> memref<1x64x256xf32, #tpu.memory_space<hbm>>
      %dma_start3A_239 = tpu.memref_squeeze %dma_start3A_238 : memref<1x64x256xf32, #tpu.memory_space<hbm>> -> memref<64x256xf32, #tpu.memory_space<hbm>>
      %dma_start3A_240 = arith.constant 0 : i32
      %dma_start3A_241 = tpu.memref_slice %arg5[%arg1, %add3A_236, %dma_start3A_240] : memref<16x2048x256xf32, #tpu.memory_space<hbm>> -> memref<1x64x256xf32, #tpu.memory_space<hbm>>
      %dma_start3A_242 = tpu.memref_squeeze %dma_start3A_241 : memref<1x64x256xf32, #tpu.memory_space<hbm>> -> memref<64x256xf32, #tpu.memory_space<hbm>>
      tpu.enqueue_dma source(%arg11 : memref<64x256xf32, #tpu.memory_space<vmem>>) target(%dma_start3A_242 : memref<64x256xf32, #tpu.memory_space<hbm>>) target_semaphore(%arg18 : memref<!tpu.dma_semaphore, #tpu.memory_space<semaphore_mem>>)
    } else {
    }
    %add3A_96 = arith.constant 0 : i32
    %add3A_97 = arith.addi %mul3A_9, %add3A_96 : i32
    %dma_wait3A_98 = arith.constant 0 : i32
    %dma_wait3A_99 = tpu.memref_slice %arg5[%arg1, %add3A_97, %dma_wait3A_98] : memref<16x2048x256xf32, #tpu.memory_space<hbm>> -> memref<1x128x256xf32, #tpu.memory_space<hbm>>
    %dma_wait3A_100 = tpu.memref_squeeze %dma_wait3A_99 : memref<1x128x256xf32, #tpu.memory_space<hbm>> -> memref<128x256xf32, #tpu.memory_space<hbm>>
    %dma_wait3A_101 = arith.constant 0 : i32
    %dma_wait3A_102 = tpu.memref_slice %arg5[%arg1, %add3A_97, %dma_wait3A_101] : memref<16x2048x256xf32, #tpu.memory_space<hbm>> -> memref<1x128x256xf32, #tpu.memory_space<hbm>>
    %dma_wait3A_103 = tpu.memref_squeeze %dma_wait3A_102 : memref<1x128x256xf32, #tpu.memory_space<hbm>> -> memref<128x256xf32, #tpu.memory_space<hbm>>
    tpu.wait_dma2 semaphore(%arg17 : memref<!tpu.dma_semaphore, #tpu.memory_space<semaphore_mem>>) src(%arg8 : memref<128x256xf32, #tpu.memory_space<vmem>>) dst(%dma_wait3A_103 : memref<128x256xf32, #tpu.memory_space<hbm>>)
    %convert_element_type3A_104 = arith.extui %gt3A_33 : i1 to i32
    %cond3A_105 = arith.constant 0 : i32
    %cond3A_106 = arith.cmpi ne, %convert_element_type3A_104, %cond3A_105 : i32
    scf.if %cond3A_106 {
      %dma_start3A_227 = arith.constant 384 : i32
      %dma_start3A_228 = tpu.memref_slice %arg7[%dma_start3A_227] : memref<1024xi32, #tpu.memory_space<vmem>> -> memref<128xi32, #tpu.memory_space<vmem>>
      %dma_start3A_229 = arith.constant 0 : i32
      %dma_start3A_230 = arith.constant 0 : i32
      %dma_start3A_231 = tpu.memref_slice %arg2[%dma_start3A_229, %dma_start3A_230] : memref<100000x256xf32, #tpu.memory_space<hbm>> -> memref<100000x256xf32, #tpu.memory_space<hbm>>
      tpu.enqueue_indirect_dma source(%dma_start3A_231 : memref<100000x256xf32, #tpu.memory_space<hbm>>) target(%arg8 : memref<128x256xf32, #tpu.memory_space<vmem>>) offsets(%dma_start3A_228 : memref<128xi32, #tpu.memory_space<vmem>>) semaphore(%arg14 : memref<!tpu.dma_semaphore, #tpu.memory_space<semaphore_mem>>)
    } else {
    }
    %convert_element_type3A_107 = arith.extui %gt3A_31 : i1 to i32
    %cond3A_108 = arith.constant 0 : i32
    %cond3A_109 = arith.cmpi ne, %convert_element_type3A_107, %cond3A_108 : i32
    scf.if %cond3A_109 {
      %dma_wait3A_227 = arith.constant 256 : i32
      %dma_wait3A_228 = tpu.memref_slice %arg7[%dma_wait3A_227] : memref<1024xi32, #tpu.memory_space<vmem>> -> memref<128xi32, #tpu.memory_space<vmem>>
      %dma_wait3A_229 = arith.constant 0 : i32
      %dma_wait3A_230 = arith.constant 0 : i32
      %dma_wait3A_231 = tpu.memref_slice %arg2[%dma_wait3A_229, %dma_wait3A_230] : memref<100000x256xf32, #tpu.memory_space<hbm>> -> memref<100000x256xf32, #tpu.memory_space<hbm>>
      tpu.wait_indirect_dma semaphore(%arg16 : memref<!tpu.dma_semaphore, #tpu.memory_space<semaphore_mem>>) src(%dma_wait3A_231 : memref<100000x256xf32, #tpu.memory_space<hbm>>) dst(%arg10 : memref<128x256xf32, #tpu.memory_space<vmem>>)
      %not3A_232 = arith.constant true
      %not3A_233 = arith.xori %ge3A_46, %not3A_232 : i1
      %convert_element_type3A_234 = arith.extui %not3A_233 : i1 to i32
      %cond3A_235 = arith.constant 0 : i32
      %cond3A_236 = arith.cmpi ne, %convert_element_type3A_234, %cond3A_235 : i32
      scf.if %cond3A_236 {
        %sub3A_245 = arith.constant 256 : i32
        %sub3A_246 = arith.subi %min3A, %sub3A_245 : i32
        %while3A = arith.constant 0 : i32
        %while3A_247 = arith.constant 128 : i32
        %while3A_248 = arith.subi %while3A_247, %sub3A_246 : i32
        %while3A_249 = arith.addi %sub3A_246, %while3A_248 : i32
        %while3A_250 = arith.constant 1 : i32
        %while3A_251 = arith.divsi %while3A_248, %while3A_250 : i32
        %while3A_252 = arith.muli %while3A_251, %while3A_250 : i32
        %while3A_253 = arith.addi %sub3A_246, %while3A_252 : i32
        %while3A_254 = arith.constant 1 : i32
        scf.for %while3A_256 = %sub3A_246 to %while3A_253 step %while3A_254  : i32 {
          %swap3A = arith.index_cast %while3A_256 : i32 to index
          %swap3A_257 = arith.constant 0 : index
          %swap3A_258 = tpu.vector_load %arg10[%swap3A, %swap3A_257] {strides = array<i32>} : memref<128x256xf32, #tpu.memory_space<vmem>>, vector<1x16xf32>,
          %swap3A_259 = vector.shape_cast %swap3A_258 : vector<1x16xf32> to vector<16xf32>
          %swap3A_260 = vector.shape_cast %broadcast_in_dim3A_24 : vector<16xf32> to vector<1x16xf32>
          tpu.vector_store %arg10[%swap3A, %swap3A_257], %swap3A_260 {strides = array<i32>} : memref<128x256xf32, #tpu.memory_space<vmem>>, vector<1x16xf32>,
          %swap3A_261 = arith.index_cast %while3A_256 : i32 to index
          %swap3A_262 = arith.constant 16 : index
          %swap3A_263 = tpu.vector_load %arg10[%swap3A_261, %swap3A_262] {strides = array<i32>} : memref<128x256xf32, #tpu.memory_space<vmem>>, vector<1x16xf32>,
          %swap3A_264 = vector.shape_cast %swap3A_263 : vector<1x16xf32> to vector<16xf32>
          %swap3A_265 = vector.shape_cast %broadcast_in_dim3A_24 : vector<16xf32> to vector<1x16xf32>
          tpu.vector_store %arg10[%swap3A_261, %swap3A_262], %swap3A_265 {strides = array<i32>} : memref<128x256xf32, #tpu.memory_space<vmem>>, vector<1x16xf32>,
          %swap3A_266 = arith.index_cast %while3A_256 : i32 to index
          %swap3A_267 = arith.constant 32 : index
          %swap3A_268 = tpu.vector_load %arg10[%swap3A_266, %swap3A_267] {strides = array<i32>} : memref<128x256xf32, #tpu.memory_space<vmem>>, vector<1x16xf32>,
          %swap3A_269 = vector.shape_cast %swap3A_268 : vector<1x16xf32> to vector<16xf32>
          %swap3A_270 = vector.shape_cast %broadcast_in_dim3A_24 : vector<16xf32> to vector<1x16xf32>
          tpu.vector_store %arg10[%swap3A_266, %swap3A_267], %swap3A_270 {strides = array<i32>} : memref<128x256xf32, #tpu.memory_space<vmem>>, vector<1x16xf32>,
          %swap3A_271 = arith.index_cast %while3A_256 : i32 to index
          %swap3A_272 = arith.constant 48 : index
          %swap3A_273 = tpu.vector_load %arg10[%swap3A_271, %swap3A_272] {strides = array<i32>} : memref<128x256xf32, #tpu.memory_space<vmem>>, vector<1x16xf32>,
          %swap3A_274 = vector.shape_cast %swap3A_273 : vector<1x16xf32> to vector<16xf32>
          %swap3A_275 = vector.shape_cast %broadcast_in_dim3A_24 : vector<16xf32> to vector<1x16xf32>
          tpu.vector_store %arg10[%swap3A_271, %swap3A_272], %swap3A_275 {strides = array<i32>} : memref<128x256xf32, #tpu.memory_space<vmem>>, vector<1x16xf32>,
          %swap3A_276 = arith.index_cast %while3A_256 : i32 to index
          %swap3A_277 = arith.constant 64 : index
          %swap3A_278 = tpu.vector_load %arg10[%swap3A_276, %swap3A_277] {strides = array<i32>} : memref<128x256xf32, #tpu.memory_space<vmem>>, vector<1x16xf32>,
          %swap3A_279 = vector.shape_cast %swap3A_278 : vector<1x16xf32> to vector<16xf32>
          %swap3A_280 = vector.shape_cast %broadcast_in_dim3A_24 : vector<16xf32> to vector<1x16xf32>
          tpu.vector_store %arg10[%swap3A_276, %swap3A_277], %swap3A_280 {strides = array<i32>} : memref<128x256xf32, #tpu.memory_space<vmem>>, vector<1x16xf32>,
          %swap3A_281 = arith.index_cast %while3A_256 : i32 to index
          %swap3A_282 = arith.constant 80 : index
          %swap3A_283 = tpu.vector_load %arg10[%swap3A_281, %swap3A_282] {strides = array<i32>} : memref<128x256xf32, #tpu.memory_space<vmem>>, vector<1x16xf32>,
          %swap3A_284 = vector.shape_cast %swap3A_283 : vector<1x16xf32> to vector<16xf32>
          %swap3A_285 = vector.shape_cast %broadcast_in_dim3A_24 : vector<16xf32> to vector<1x16xf32>
          tpu.vector_store %arg10[%swap3A_281, %swap3A_282], %swap3A_285 {strides = array<i32>} : memref<128x256xf32, #tpu.memory_space<vmem>>, vector<1x16xf32>,
          %swap3A_286 = arith.index_cast %while3A_256 : i32 to index
          %swap3A_287 = arith.constant 96 : index
          %swap3A_288 = tpu.vector_load %arg10[%swap3A_286, %swap3A_287] {strides = array<i32>} : memref<128x256xf32, #tpu.memory_space<vmem>>, vector<1x16xf32>,
          %swap3A_289 = vector.shape_cast %swap3A_288 : vector<1x16xf32> to vector<16xf32>
          %swap3A_290 = vector.shape_cast %broadcast_in_dim3A_24 : vector<16xf32> to vector<1x16xf32>
          tpu.vector_store %arg10[%swap3A_286, %swap3A_287], %swap3A_290 {strides = array<i32>} : memref<128x256xf32, #tpu.memory_space<vmem>>, vector<1x16xf32>,
          %swap3A_291 = arith.index_cast %while3A_256 : i32 to index
          %swap3A_292 = arith.constant 112 : index
          %swap3A_293 = tpu.vector_load %arg10[%swap3A_291, %swap3A_292] {strides = array<i32>} : memref<128x256xf32, #tpu.memory_space<vmem>>, vector<1x16xf32>,
          %swap3A_294 = vector.shape_cast %swap3A_293 : vector<1x16xf32> to vector<16xf32>
          %swap3A_295 = vector.shape_cast %broadcast_in_dim3A_24 : vector<16xf32> to vector<1x16xf32>
          tpu.vector_store %arg10[%swap3A_291, %swap3A_292], %swap3A_295 {strides = array<i32>} : memref<128x256xf32, #tpu.memory_space<vmem>>, vector<1x16xf32>,
          %swap3A_296 = arith.index_cast %while3A_256 : i32 to index
          %swap3A_297 = arith.constant 128 : index
          %swap3A_298 = tpu.vector_load %arg10[%swap3A_296, %swap3A_297] {strides = array<i32>} : memref<128x256xf32, #tpu.memory_space<vmem>>, vector<1x16xf32>,
          %swap3A_299 = vector.shape_cast %swap3A_298 : vector<1x16xf32> to vector<16xf32>
          %swap3A_300 = vector.shape_cast %broadcast_in_dim3A_24 : vector<16xf32> to vector<1x16xf32>
          tpu.vector_store %arg10[%swap3A_296, %swap3A_297], %swap3A_300 {strides = array<i32>} : memref<128x256xf32, #tpu.memory_space<vmem>>, vector<1x16xf32>,
          %swap3A_301 = arith.index_cast %while3A_256 : i32 to index
          %swap3A_302 = arith.constant 144 : index
          %swap3A_303 = tpu.vector_load %arg10[%swap3A_301, %swap3A_302] {strides = array<i32>} : memref<128x256xf32, #tpu.memory_space<vmem>>, vector<1x16xf32>,
          %swap3A_304 = vector.shape_cast %swap3A_303 : vector<1x16xf32> to vector<16xf32>
          %swap3A_305 = vector.shape_cast %broadcast_in_dim3A_24 : vector<16xf32> to vector<1x16xf32>
          tpu.vector_store %arg10[%swap3A_301, %swap3A_302], %swap3A_305 {strides = array<i32>} : memref<128x256xf32, #tpu.memory_space<vmem>>, vector<1x16xf32>,
          %swap3A_306 = arith.index_cast %while3A_256 : i32 to index
          %swap3A_307 = arith.constant 160 : index
          %swap3A_308 = tpu.vector_load %arg10[%swap3A_306, %swap3A_307] {strides = array<i32>} : memref<128x256xf32, #tpu.memory_space<vmem>>, vector<1x16xf32>,
          %swap3A_309 = vector.shape_cast %swap3A_308 : vector<1x16xf32> to vector<16xf32>
          %swap3A_310 = vector.shape_cast %broadcast_in_dim3A_24 : vector<16xf32> to vector<1x16xf32>
          tpu.vector_store %arg10[%swap3A_306, %swap3A_307], %swap3A_310 {strides = array<i32>} : memref<128x256xf32, #tpu.memory_space<vmem>>, vector<1x16xf32>,
          %swap3A_311 = arith.index_cast %while3A_256 : i32 to index
          %swap3A_312 = arith.constant 176 : index
          %swap3A_313 = tpu.vector_load %arg10[%swap3A_311, %swap3A_312] {strides = array<i32>} : memref<128x256xf32, #tpu.memory_space<vmem>>, vector<1x16xf32>,
          %swap3A_314 = vector.shape_cast %swap3A_313 : vector<1x16xf32> to vector<16xf32>
          %swap3A_315 = vector.shape_cast %broadcast_in_dim3A_24 : vector<16xf32> to vector<1x16xf32>
          tpu.vector_store %arg10[%swap3A_311, %swap3A_312], %swap3A_315 {strides = array<i32>} : memref<128x256xf32, #tpu.memory_space<vmem>>, vector<1x16xf32>,
          %swap3A_316 = arith.index_cast %while3A_256 : i32 to index
          %swap3A_317 = arith.constant 192 : index
          %swap3A_318 = tpu.vector_load %arg10[%swap3A_316, %swap3A_317] {strides = array<i32>} : memref<128x256xf32, #tpu.memory_space<vmem>>, vector<1x16xf32>,
          %swap3A_319 = vector.shape_cast %swap3A_318 : vector<1x16xf32> to vector<16xf32>
          %swap3A_320 = vector.shape_cast %broadcast_in_dim3A_24 : vector<16xf32> to vector<1x16xf32>
          tpu.vector_store %arg10[%swap3A_316, %swap3A_317], %swap3A_320 {strides = array<i32>} : memref<128x256xf32, #tpu.memory_space<vmem>>, vector<1x16xf32>,
          %swap3A_321 = arith.index_cast %while3A_256 : i32 to index
          %swap3A_322 = arith.constant 208 : index
          %swap3A_323 = tpu.vector_load %arg10[%swap3A_321, %swap3A_322] {strides = array<i32>} : memref<128x256xf32, #tpu.memory_space<vmem>>, vector<1x16xf32>,
          %swap3A_324 = vector.shape_cast %swap3A_323 : vector<1x16xf32> to vector<16xf32>
          %swap3A_325 = vector.shape_cast %broadcast_in_dim3A_24 : vector<16xf32> to vector<1x16xf32>
          tpu.vector_store %arg10[%swap3A_321, %swap3A_322], %swap3A_325 {strides = array<i32>} : memref<128x256xf32, #tpu.memory_space<vmem>>, vector<1x16xf32>,
          %swap3A_326 = arith.index_cast %while3A_256 : i32 to index
          %swap3A_327 = arith.constant 224 : index
          %swap3A_328 = tpu.vector_load %arg10[%swap3A_326, %swap3A_327] {strides = array<i32>} : memref<128x256xf32, #tpu.memory_space<vmem>>, vector<1x16xf32>,
          %swap3A_329 = vector.shape_cast %swap3A_328 : vector<1x16xf32> to vector<16xf32>
          %swap3A_330 = vector.shape_cast %broadcast_in_dim3A_24 : vector<16xf32> to vector<1x16xf32>
          tpu.vector_store %arg10[%swap3A_326, %swap3A_327], %swap3A_330 {strides = array<i32>} : memref<128x256xf32, #tpu.memory_space<vmem>>, vector<1x16xf32>,
          %swap3A_331 = arith.index_cast %while3A_256 : i32 to index
          %swap3A_332 = arith.constant 240 : index
          %swap3A_333 = tpu.vector_load %arg10[%swap3A_331, %swap3A_332] {strides = array<i32>} : memref<128x256xf32, #tpu.memory_space<vmem>>, vector<1x16xf32>,
          %swap3A_334 = vector.shape_cast %swap3A_333 : vector<1x16xf32> to vector<16xf32>
          %swap3A_335 = vector.shape_cast %broadcast_in_dim3A_24 : vector<16xf32> to vector<1x16xf32>
          tpu.vector_store %arg10[%swap3A_331, %swap3A_332], %swap3A_335 {strides = array<i32>} : memref<128x256xf32, #tpu.memory_space<vmem>>, vector<1x16xf32>,
        }
        %while3A_255 = arith.constant 1 : i32
        scf.for %while3A_256 = %while3A_253 to %while3A_249 step %while3A_255  : i32 {
          %swap3A = arith.index_cast %while3A_256 : i32 to index
          %swap3A_257 = arith.constant 0 : index
          %swap3A_258 = tpu.vector_load %arg10[%swap3A, %swap3A_257] {strides = array<i32>} : memref<128x256xf32, #tpu.memory_space<vmem>>, vector<1x16xf32>,
          %swap3A_259 = vector.shape_cast %swap3A_258 : vector<1x16xf32> to vector<16xf32>
          %swap3A_260 = vector.shape_cast %broadcast_in_dim3A_24 : vector<16xf32> to vector<1x16xf32>
          tpu.vector_store %arg10[%swap3A, %swap3A_257], %swap3A_260 {strides = array<i32>} : memref<128x256xf32, #tpu.memory_space<vmem>>, vector<1x16xf32>,
          %swap3A_261 = arith.index_cast %while3A_256 : i32 to index
          %swap3A_262 = arith.constant 16 : index
          %swap3A_263 = tpu.vector_load %arg10[%swap3A_261, %swap3A_262] {strides = array<i32>} : memref<128x256xf32, #tpu.memory_space<vmem>>, vector<1x16xf32>,
          %swap3A_264 = vector.shape_cast %swap3A_263 : vector<1x16xf32> to vector<16xf32>
          %swap3A_265 = vector.shape_cast %broadcast_in_dim3A_24 : vector<16xf32> to vector<1x16xf32>
          tpu.vector_store %arg10[%swap3A_261, %swap3A_262], %swap3A_265 {strides = array<i32>} : memref<128x256xf32, #tpu.memory_space<vmem>>, vector<1x16xf32>,
          %swap3A_266 = arith.index_cast %while3A_256 : i32 to index
          %swap3A_267 = arith.constant 32 : index
          %swap3A_268 = tpu.vector_load %arg10[%swap3A_266, %swap3A_267] {strides = array<i32>} : memref<128x256xf32, #tpu.memory_space<vmem>>, vector<1x16xf32>,
          %swap3A_269 = vector.shape_cast %swap3A_268 : vector<1x16xf32> to vector<16xf32>
          %swap3A_270 = vector.shape_cast %broadcast_in_dim3A_24 : vector<16xf32> to vector<1x16xf32>
          tpu.vector_store %arg10[%swap3A_266, %swap3A_267], %swap3A_270 {strides = array<i32>} : memref<128x256xf32, #tpu.memory_space<vmem>>, vector<1x16xf32>,
          %swap3A_271 = arith.index_cast %while3A_256 : i32 to index
          %swap3A_272 = arith.constant 48 : index
          %swap3A_273 = tpu.vector_load %arg10[%swap3A_271, %swap3A_272] {strides = array<i32>} : memref<128x256xf32, #tpu.memory_space<vmem>>, vector<1x16xf32>,
          %swap3A_274 = vector.shape_cast %swap3A_273 : vector<1x16xf32> to vector<16xf32>
          %swap3A_275 = vector.shape_cast %broadcast_in_dim3A_24 : vector<16xf32> to vector<1x16xf32>
          tpu.vector_store %arg10[%swap3A_271, %swap3A_272], %swap3A_275 {strides = array<i32>} : memref<128x256xf32, #tpu.memory_space<vmem>>, vector<1x16xf32>,
          %swap3A_276 = arith.index_cast %while3A_256 : i32 to index
          %swap3A_277 = arith.constant 64 : index
          %swap3A_278 = tpu.vector_load %arg10[%swap3A_276, %swap3A_277] {strides = array<i32>} : memref<128x256xf32, #tpu.memory_space<vmem>>, vector<1x16xf32>,
          %swap3A_279 = vector.shape_cast %swap3A_278 : vector<1x16xf32> to vector<16xf32>
          %swap3A_280 = vector.shape_cast %broadcast_in_dim3A_24 : vector<16xf32> to vector<1x16xf32>
          tpu.vector_store %arg10[%swap3A_276, %swap3A_277], %swap3A_280 {strides = array<i32>} : memref<128x256xf32, #tpu.memory_space<vmem>>, vector<1x16xf32>,
          %swap3A_281 = arith.index_cast %while3A_256 : i32 to index
          %swap3A_282 = arith.constant 80 : index
          %swap3A_283 = tpu.vector_load %arg10[%swap3A_281, %swap3A_282] {strides = array<i32>} : memref<128x256xf32, #tpu.memory_space<vmem>>, vector<1x16xf32>,
          %swap3A_284 = vector.shape_cast %swap3A_283 : vector<1x16xf32> to vector<16xf32>
          %swap3A_285 = vector.shape_cast %broadcast_in_dim3A_24 : vector<16xf32> to vector<1x16xf32>
          tpu.vector_store %arg10[%swap3A_281, %swap3A_282], %swap3A_285 {strides = array<i32>} : memref<128x256xf32, #tpu.memory_space<vmem>>, vector<1x16xf32>,
          %swap3A_286 = arith.index_cast %while3A_256 : i32 to index
          %swap3A_287 = arith.constant 96 : index
          %swap3A_288 = tpu.vector_load %arg10[%swap3A_286, %swap3A_287] {strides = array<i32>} : memref<128x256xf32, #tpu.memory_space<vmem>>, vector<1x16xf32>,
          %swap3A_289 = vector.shape_cast %swap3A_288 : vector<1x16xf32> to vector<16xf32>
          %swap3A_290 = vector.shape_cast %broadcast_in_dim3A_24 : vector<16xf32> to vector<1x16xf32>
          tpu.vector_store %arg10[%swap3A_286, %swap3A_287], %swap3A_290 {strides = array<i32>} : memref<128x256xf32, #tpu.memory_space<vmem>>, vector<1x16xf32>,
          %swap3A_291 = arith.index_cast %while3A_256 : i32 to index
          %swap3A_292 = arith.constant 112 : index
          %swap3A_293 = tpu.vector_load %arg10[%swap3A_291, %swap3A_292] {strides = array<i32>} : memref<128x256xf32, #tpu.memory_space<vmem>>, vector<1x16xf32>,
          %swap3A_294 = vector.shape_cast %swap3A_293 : vector<1x16xf32> to vector<16xf32>
          %swap3A_295 = vector.shape_cast %broadcast_in_dim3A_24 : vector<16xf32> to vector<1x16xf32>
          tpu.vector_store %arg10[%swap3A_291, %swap3A_292], %swap3A_295 {strides = array<i32>} : memref<128x256xf32, #tpu.memory_space<vmem>>, vector<1x16xf32>,
          %swap3A_296 = arith.index_cast %while3A_256 : i32 to index
          %swap3A_297 = arith.constant 128 : index
          %swap3A_298 = tpu.vector_load %arg10[%swap3A_296, %swap3A_297] {strides = array<i32>} : memref<128x256xf32, #tpu.memory_space<vmem>>, vector<1x16xf32>,
          %swap3A_299 = vector.shape_cast %swap3A_298 : vector<1x16xf32> to vector<16xf32>
          %swap3A_300 = vector.shape_cast %broadcast_in_dim3A_24 : vector<16xf32> to vector<1x16xf32>
          tpu.vector_store %arg10[%swap3A_296, %swap3A_297], %swap3A_300 {strides = array<i32>} : memref<128x256xf32, #tpu.memory_space<vmem>>, vector<1x16xf32>,
          %swap3A_301 = arith.index_cast %while3A_256 : i32 to index
          %swap3A_302 = arith.constant 144 : index
          %swap3A_303 = tpu.vector_load %arg10[%swap3A_301, %swap3A_302] {strides = array<i32>} : memref<128x256xf32, #tpu.memory_space<vmem>>, vector<1x16xf32>,
          %swap3A_304 = vector.shape_cast %swap3A_303 : vector<1x16xf32> to vector<16xf32>
          %swap3A_305 = vector.shape_cast %broadcast_in_dim3A_24 : vector<16xf32> to vector<1x16xf32>
          tpu.vector_store %arg10[%swap3A_301, %swap3A_302], %swap3A_305 {strides = array<i32>} : memref<128x256xf32, #tpu.memory_space<vmem>>, vector<1x16xf32>,
          %swap3A_306 = arith.index_cast %while3A_256 : i32 to index
          %swap3A_307 = arith.constant 160 : index
          %swap3A_308 = tpu.vector_load %arg10[%swap3A_306, %swap3A_307] {strides = array<i32>} : memref<128x256xf32, #tpu.memory_space<vmem>>, vector<1x16xf32>,
          %swap3A_309 = vector.shape_cast %swap3A_308 : vector<1x16xf32> to vector<16xf32>
          %swap3A_310 = vector.shape_cast %broadcast_in_dim3A_24 : vector<16xf32> to vector<1x16xf32>
          tpu.vector_store %arg10[%swap3A_306, %swap3A_307], %swap3A_310 {strides = array<i32>} : memref<128x256xf32, #tpu.memory_space<vmem>>, vector<1x16xf32>,
          %swap3A_311 = arith.index_cast %while3A_256 : i32 to index
          %swap3A_312 = arith.constant 176 : index
          %swap3A_313 = tpu.vector_load %arg10[%swap3A_311, %swap3A_312] {strides = array<i32>} : memref<128x256xf32, #tpu.memory_space<vmem>>, vector<1x16xf32>,
          %swap3A_314 = vector.shape_cast %swap3A_313 : vector<1x16xf32> to vector<16xf32>
          %swap3A_315 = vector.shape_cast %broadcast_in_dim3A_24 : vector<16xf32> to vector<1x16xf32>
          tpu.vector_store %arg10[%swap3A_311, %swap3A_312], %swap3A_315 {strides = array<i32>} : memref<128x256xf32, #tpu.memory_space<vmem>>, vector<1x16xf32>,
          %swap3A_316 = arith.index_cast %while3A_256 : i32 to index
          %swap3A_317 = arith.constant 192 : index
          %swap3A_318 = tpu.vector_load %arg10[%swap3A_316, %swap3A_317] {strides = array<i32>} : memref<128x256xf32, #tpu.memory_space<vmem>>, vector<1x16xf32>,
          %swap3A_319 = vector.shape_cast %swap3A_318 : vector<1x16xf32> to vector<16xf32>
          %swap3A_320 = vector.shape_cast %broadcast_in_dim3A_24 : vector<16xf32> to vector<1x16xf32>
          tpu.vector_store %arg10[%swap3A_316, %swap3A_317], %swap3A_320 {strides = array<i32>} : memref<128x256xf32, #tpu.memory_space<vmem>>, vector<1x16xf32>,
          %swap3A_321 = arith.index_cast %while3A_256 : i32 to index
          %swap3A_322 = arith.constant 208 : index
          %swap3A_323 = tpu.vector_load %arg10[%swap3A_321, %swap3A_322] {strides = array<i32>} : memref<128x256xf32, #tpu.memory_space<vmem>>, vector<1x16xf32>,
          %swap3A_324 = vector.shape_cast %swap3A_323 : vector<1x16xf32> to vector<16xf32>
          %swap3A_325 = vector.shape_cast %broadcast_in_dim3A_24 : vector<16xf32> to vector<1x16xf32>
          tpu.vector_store %arg10[%swap3A_321, %swap3A_322], %swap3A_325 {strides = array<i32>} : memref<128x256xf32, #tpu.memory_space<vmem>>, vector<1x16xf32>,
          %swap3A_326 = arith.index_cast %while3A_256 : i32 to index
          %swap3A_327 = arith.constant 224 : index
          %swap3A_328 = tpu.vector_load %arg10[%swap3A_326, %swap3A_327] {strides = array<i32>} : memref<128x256xf32, #tpu.memory_space<vmem>>, vector<1x16xf32>,
          %swap3A_329 = vector.shape_cast %swap3A_328 : vector<1x16xf32> to vector<16xf32>
          %swap3A_330 = vector.shape_cast %broadcast_in_dim3A_24 : vector<16xf32> to vector<1x16xf32>
          tpu.vector_store %arg10[%swap3A_326, %swap3A_327], %swap3A_330 {strides = array<i32>} : memref<128x256xf32, #tpu.memory_space<vmem>>, vector<1x16xf32>,
          %swap3A_331 = arith.index_cast %while3A_256 : i32 to index
          %swap3A_332 = arith.constant 240 : index
          %swap3A_333 = tpu.vector_load %arg10[%swap3A_331, %swap3A_332] {strides = array<i32>} : memref<128x256xf32, #tpu.memory_space<vmem>>, vector<1x16xf32>,
          %swap3A_334 = vector.shape_cast %swap3A_333 : vector<1x16xf32> to vector<16xf32>
          %swap3A_335 = vector.shape_cast %broadcast_in_dim3A_24 : vector<16xf32> to vector<1x16xf32>
          tpu.vector_store %arg10[%swap3A_331, %swap3A_332], %swap3A_335 {strides = array<i32>} : memref<128x256xf32, #tpu.memory_space<vmem>>, vector<1x16xf32>,
        }
      } else {
      }
      %add3A_237 = arith.constant 256 : i32
      %add3A_238 = arith.addi %mul3A_9, %add3A_237 : i32
      %dma_start3A_239 = arith.constant 0 : i32
      %dma_start3A_240 = tpu.memref_slice %arg5[%arg1, %add3A_238, %dma_start3A_239] : memref<16x2048x256xf32, #tpu.memory_space<hbm>> -> memref<1x128x256xf32, #tpu.memory_space<hbm>>
      %dma_start3A_241 = tpu.memref_squeeze %dma_start3A_240 : memref<1x128x256xf32, #tpu.memory_space<hbm>> -> memref<128x256xf32, #tpu.memory_space<hbm>>
      %dma_start3A_242 = arith.constant 0 : i32
      %dma_start3A_243 = tpu.memref_slice %arg5[%arg1, %add3A_238, %dma_start3A_242] : memref<16x2048x256xf32, #tpu.memory_space<hbm>> -> memref<1x128x256xf32, #tpu.memory_space<hbm>>
      %dma_start3A_244 = tpu.memref_squeeze %dma_start3A_243 : memref<1x128x256xf32, #tpu.memory_space<hbm>> -> memref<128x256xf32, #tpu.memory_space<hbm>>
      tpu.enqueue_dma source(%arg10 : memref<128x256xf32, #tpu.memory_space<vmem>>) target(%dma_start3A_244 : memref<128x256xf32, #tpu.memory_space<hbm>>) target_semaphore(%arg19 : memref<!tpu.dma_semaphore, #tpu.memory_space<semaphore_mem>>)
    } else {
    }
    %not3A_110 = arith.constant true
    %not3A_111 = arith.xori %gt3A_31, %not3A_110 : i1
    %convert_element_type3A_112 = arith.extui %not3A_111 : i1 to i32
    %cond3A_113 = arith.constant 0 : i32
    %cond3A_114 = arith.cmpi ne, %convert_element_type3A_112, %cond3A_113 : i32
    scf.if %cond3A_114 {
      %add3A_227 = arith.constant 256 : i32
      %add3A_228 = arith.addi %mul3A_9, %add3A_227 : i32
      %dma_start3A_229 = arith.constant 0 : i32
      %dma_start3A_230 = tpu.memref_slice %arg5[%arg1, %add3A_228, %dma_start3A_229] : memref<16x2048x256xf32, #tpu.memory_space<hbm>> -> memref<1x64x256xf32, #tpu.memory_space<hbm>>
      %dma_start3A_231 = tpu.memref_squeeze %dma_start3A_230 : memref<1x64x256xf32, #tpu.memory_space<hbm>> -> memref<64x256xf32, #tpu.memory_space<hbm>>
      %dma_start3A_232 = arith.constant 0 : i32
      %dma_start3A_233 = tpu.memref_slice %arg5[%arg1, %add3A_228, %dma_start3A_232] : memref<16x2048x256xf32, #tpu.memory_space<hbm>> -> memref<1x64x256xf32, #tpu.memory_space<hbm>>
      %dma_start3A_234 = tpu.memref_squeeze %dma_start3A_233 : memref<1x64x256xf32, #tpu.memory_space<hbm>> -> memref<64x256xf32, #tpu.memory_space<hbm>>
      tpu.enqueue_dma source(%arg11 : memref<64x256xf32, #tpu.memory_space<vmem>>) target(%dma_start3A_234 : memref<64x256xf32, #tpu.memory_space<hbm>>) target_semaphore(%arg19 : memref<!tpu.dma_semaphore, #tpu.memory_space<semaphore_mem>>)
      %add3A_235 = arith.constant 64 : i32
      %add3A_236 = arith.addi %add3A_228, %add3A_235 : i32
      %dma_start3A_237 = arith.constant 0 : i32
      %dma_start3A_238 = tpu.memref_slice %arg5[%arg1, %add3A_236, %dma_start3A_237] : memref<16x2048x256xf32, #tpu.memory_space<hbm>> -> memref<1x64x256xf32, #tpu.memory_space<hbm>>
      %dma_start3A_239 = tpu.memref_squeeze %dma_start3A_238 : memref<1x64x256xf32, #tpu.memory_space<hbm>> -> memref<64x256xf32, #tpu.memory_space<hbm>>
      %dma_start3A_240 = arith.constant 0 : i32
      %dma_start3A_241 = tpu.memref_slice %arg5[%arg1, %add3A_236, %dma_start3A_240] : memref<16x2048x256xf32, #tpu.memory_space<hbm>> -> memref<1x64x256xf32, #tpu.memory_space<hbm>>
      %dma_start3A_242 = tpu.memref_squeeze %dma_start3A_241 : memref<1x64x256xf32, #tpu.memory_space<hbm>> -> memref<64x256xf32, #tpu.memory_space<hbm>>
      tpu.enqueue_dma source(%arg11 : memref<64x256xf32, #tpu.memory_space<vmem>>) target(%dma_start3A_242 : memref<64x256xf32, #tpu.memory_space<hbm>>) target_semaphore(%arg19 : memref<!tpu.dma_semaphore, #tpu.memory_space<semaphore_mem>>)
    } else {
    }
    %add3A_115 = arith.constant 128 : i32
    %add3A_116 = arith.addi %mul3A_9, %add3A_115 : i32
    %dma_wait3A_117 = arith.constant 0 : i32
    %dma_wait3A_118 = tpu.memref_slice %arg5[%arg1, %add3A_116, %dma_wait3A_117] : memref<16x2048x256xf32, #tpu.memory_space<hbm>> -> memref<1x128x256xf32, #tpu.memory_space<hbm>>
    %dma_wait3A_119 = tpu.memref_squeeze %dma_wait3A_118 : memref<1x128x256xf32, #tpu.memory_space<hbm>> -> memref<128x256xf32, #tpu.memory_space<hbm>>
    %dma_wait3A_120 = arith.constant 0 : i32
    %dma_wait3A_121 = tpu.memref_slice %arg5[%arg1, %add3A_116, %dma_wait3A_120] : memref<16x2048x256xf32, #tpu.memory_space<hbm>> -> memref<1x128x256xf32, #tpu.memory_space<hbm>>
    %dma_wait3A_122 = tpu.memref_squeeze %dma_wait3A_121 : memref<1x128x256xf32, #tpu.memory_space<hbm>> -> memref<128x256xf32, #tpu.memory_space<hbm>>
    tpu.wait_dma2 semaphore(%arg18 : memref<!tpu.dma_semaphore, #tpu.memory_space<semaphore_mem>>) src(%arg9 : memref<128x256xf32, #tpu.memory_space<vmem>>) dst(%dma_wait3A_122 : memref<128x256xf32, #tpu.memory_space<hbm>>)
    %convert_element_type3A_123 = arith.extui %gt3A_35 : i1 to i32
    %cond3A_124 = arith.constant 0 : i32
    %cond3A_125 = arith.cmpi ne, %convert_element_type3A_123, %cond3A_124 : i32
    scf.if %cond3A_125 {
      %dma_start3A_227 = arith.constant 512 : i32
      %dma_start3A_228 = tpu.memref_slice %arg7[%dma_start3A_227] : memref<1024xi32, #tpu.memory_space<vmem>> -> memref<128xi32, #tpu.memory_space<vmem>>
      %dma_start3A_229 = arith.constant 0 : i32
      %dma_start3A_230 = arith.constant 0 : i32
      %dma_start3A_231 = tpu.memref_slice %arg2[%dma_start3A_229, %dma_start3A_230] : memref<100000x256xf32, #tpu.memory_space<hbm>> -> memref<100000x256xf32, #tpu.memory_space<hbm>>
      tpu.enqueue_indirect_dma source(%dma_start3A_231 : memref<100000x256xf32, #tpu.memory_space<hbm>>) target(%arg9 : memref<128x256xf32, #tpu.memory_space<vmem>>) offsets(%dma_start3A_228 : memref<128xi32, #tpu.memory_space<vmem>>) semaphore(%arg15 : memref<!tpu.dma_semaphore, #tpu.memory_space<semaphore_mem>>)
    } else {
    }
    %convert_element_type3A_126 = arith.extui %gt3A_33 : i1 to i32
    %cond3A_127 = arith.constant 0 : i32
    %cond3A_128 = arith.cmpi ne, %convert_element_type3A_126, %cond3A_127 : i32
    scf.if %cond3A_128 {
      %dma_wait3A_227 = arith.constant 384 : i32
      %dma_wait3A_228 = tpu.memref_slice %arg7[%dma_wait3A_227] : memref<1024xi32, #tpu.memory_space<vmem>> -> memref<128xi32, #tpu.memory_space<vmem>>
      %dma_wait3A_229 = arith.constant 0 : i32
      %dma_wait3A_230 = arith.constant 0 : i32
      %dma_wait3A_231 = tpu.memref_slice %arg2[%dma_wait3A_229, %dma_wait3A_230] : memref<100000x256xf32, #tpu.memory_space<hbm>> -> memref<100000x256xf32, #tpu.memory_space<hbm>>
      tpu.wait_indirect_dma semaphore(%arg14 : memref<!tpu.dma_semaphore, #tpu.memory_space<semaphore_mem>>) src(%dma_wait3A_231 : memref<100000x256xf32, #tpu.memory_space<hbm>>) dst(%arg8 : memref<128x256xf32, #tpu.memory_space<vmem>>)
      %not3A_232 = arith.constant true
      %not3A_233 = arith.xori %ge3A_48, %not3A_232 : i1
      %convert_element_type3A_234 = arith.extui %not3A_233 : i1 to i32
      %cond3A_235 = arith.constant 0 : i32
      %cond3A_236 = arith.cmpi ne, %convert_element_type3A_234, %cond3A_235 : i32
      scf.if %cond3A_236 {
        %sub3A_245 = arith.constant 384 : i32
        %sub3A_246 = arith.subi %min3A, %sub3A_245 : i32
        %while3A = arith.constant 0 : i32
        %while3A_247 = arith.constant 128 : i32
        %while3A_248 = arith.subi %while3A_247, %sub3A_246 : i32
        %while3A_249 = arith.addi %sub3A_246, %while3A_248 : i32
        %while3A_250 = arith.constant 1 : i32
        %while3A_251 = arith.divsi %while3A_248, %while3A_250 : i32
        %while3A_252 = arith.muli %while3A_251, %while3A_250 : i32
        %while3A_253 = arith.addi %sub3A_246, %while3A_252 : i32
        %while3A_254 = arith.constant 1 : i32
        scf.for %while3A_256 = %sub3A_246 to %while3A_253 step %while3A_254  : i32 {
          %swap3A = arith.index_cast %while3A_256 : i32 to index
          %swap3A_257 = arith.constant 0 : index
          %swap3A_258 = tpu.vector_load %arg8[%swap3A, %swap3A_257] {strides = array<i32>} : memref<128x256xf32, #tpu.memory_space<vmem>>, vector<1x16xf32>,
          %swap3A_259 = vector.shape_cast %swap3A_258 : vector<1x16xf32> to vector<16xf32>
          %swap3A_260 = vector.shape_cast %broadcast_in_dim3A_24 : vector<16xf32> to vector<1x16xf32>
          tpu.vector_store %arg8[%swap3A, %swap3A_257], %swap3A_260 {strides = array<i32>} : memref<128x256xf32, #tpu.memory_space<vmem>>, vector<1x16xf32>,
          %swap3A_261 = arith.index_cast %while3A_256 : i32 to index
          %swap3A_262 = arith.constant 16 : index
          %swap3A_263 = tpu.vector_load %arg8[%swap3A_261, %swap3A_262] {strides = array<i32>} : memref<128x256xf32, #tpu.memory_space<vmem>>, vector<1x16xf32>,
          %swap3A_264 = vector.shape_cast %swap3A_263 : vector<1x16xf32> to vector<16xf32>
          %swap3A_265 = vector.shape_cast %broadcast_in_dim3A_24 : vector<16xf32> to vector<1x16xf32>
          tpu.vector_store %arg8[%swap3A_261, %swap3A_262], %swap3A_265 {strides = array<i32>} : memref<128x256xf32, #tpu.memory_space<vmem>>, vector<1x16xf32>,
          %swap3A_266 = arith.index_cast %while3A_256 : i32 to index
          %swap3A_267 = arith.constant 32 : index
          %swap3A_268 = tpu.vector_load %arg8[%swap3A_266, %swap3A_267] {strides = array<i32>} : memref<128x256xf32, #tpu.memory_space<vmem>>, vector<1x16xf32>,
          %swap3A_269 = vector.shape_cast %swap3A_268 : vector<1x16xf32> to vector<16xf32>
          %swap3A_270 = vector.shape_cast %broadcast_in_dim3A_24 : vector<16xf32> to vector<1x16xf32>
          tpu.vector_store %arg8[%swap3A_266, %swap3A_267], %swap3A_270 {strides = array<i32>} : memref<128x256xf32, #tpu.memory_space<vmem>>, vector<1x16xf32>,
          %swap3A_271 = arith.index_cast %while3A_256 : i32 to index
          %swap3A_272 = arith.constant 48 : index
          %swap3A_273 = tpu.vector_load %arg8[%swap3A_271, %swap3A_272] {strides = array<i32>} : memref<128x256xf32, #tpu.memory_space<vmem>>, vector<1x16xf32>,
          %swap3A_274 = vector.shape_cast %swap3A_273 : vector<1x16xf32> to vector<16xf32>
          %swap3A_275 = vector.shape_cast %broadcast_in_dim3A_24 : vector<16xf32> to vector<1x16xf32>
          tpu.vector_store %arg8[%swap3A_271, %swap3A_272], %swap3A_275 {strides = array<i32>} : memref<128x256xf32, #tpu.memory_space<vmem>>, vector<1x16xf32>,
          %swap3A_276 = arith.index_cast %while3A_256 : i32 to index
          %swap3A_277 = arith.constant 64 : index
          %swap3A_278 = tpu.vector_load %arg8[%swap3A_276, %swap3A_277] {strides = array<i32>} : memref<128x256xf32, #tpu.memory_space<vmem>>, vector<1x16xf32>,
          %swap3A_279 = vector.shape_cast %swap3A_278 : vector<1x16xf32> to vector<16xf32>
          %swap3A_280 = vector.shape_cast %broadcast_in_dim3A_24 : vector<16xf32> to vector<1x16xf32>
          tpu.vector_store %arg8[%swap3A_276, %swap3A_277], %swap3A_280 {strides = array<i32>} : memref<128x256xf32, #tpu.memory_space<vmem>>, vector<1x16xf32>,
          %swap3A_281 = arith.index_cast %while3A_256 : i32 to index
          %swap3A_282 = arith.constant 80 : index
          %swap3A_283 = tpu.vector_load %arg8[%swap3A_281, %swap3A_282] {strides = array<i32>} : memref<128x256xf32, #tpu.memory_space<vmem>>, vector<1x16xf32>,
          %swap3A_284 = vector.shape_cast %swap3A_283 : vector<1x16xf32> to vector<16xf32>
          %swap3A_285 = vector.shape_cast %broadcast_in_dim3A_24 : vector<16xf32> to vector<1x16xf32>
          tpu.vector_store %arg8[%swap3A_281, %swap3A_282], %swap3A_285 {strides = array<i32>} : memref<128x256xf32, #tpu.memory_space<vmem>>, vector<1x16xf32>,
          %swap3A_286 = arith.index_cast %while3A_256 : i32 to index
          %swap3A_287 = arith.constant 96 : index
          %swap3A_288 = tpu.vector_load %arg8[%swap3A_286, %swap3A_287] {strides = array<i32>} : memref<128x256xf32, #tpu.memory_space<vmem>>, vector<1x16xf32>,
          %swap3A_289 = vector.shape_cast %swap3A_288 : vector<1x16xf32> to vector<16xf32>
          %swap3A_290 = vector.shape_cast %broadcast_in_dim3A_24 : vector<16xf32> to vector<1x16xf32>
          tpu.vector_store %arg8[%swap3A_286, %swap3A_287], %swap3A_290 {strides = array<i32>} : memref<128x256xf32, #tpu.memory_space<vmem>>, vector<1x16xf32>,
          %swap3A_291 = arith.index_cast %while3A_256 : i32 to index
          %swap3A_292 = arith.constant 112 : index
          %swap3A_293 = tpu.vector_load %arg8[%swap3A_291, %swap3A_292] {strides = array<i32>} : memref<128x256xf32, #tpu.memory_space<vmem>>, vector<1x16xf32>,
          %swap3A_294 = vector.shape_cast %swap3A_293 : vector<1x16xf32> to vector<16xf32>
          %swap3A_295 = vector.shape_cast %broadcast_in_dim3A_24 : vector<16xf32> to vector<1x16xf32>
          tpu.vector_store %arg8[%swap3A_291, %swap3A_292], %swap3A_295 {strides = array<i32>} : memref<128x256xf32, #tpu.memory_space<vmem>>, vector<1x16xf32>,
          %swap3A_296 = arith.index_cast %while3A_256 : i32 to index
          %swap3A_297 = arith.constant 128 : index
          %swap3A_298 = tpu.vector_load %arg8[%swap3A_296, %swap3A_297] {strides = array<i32>} : memref<128x256xf32, #tpu.memory_space<vmem>>, vector<1x16xf32>,
          %swap3A_299 = vector.shape_cast %swap3A_298 : vector<1x16xf32> to vector<16xf32>
          %swap3A_300 = vector.shape_cast %broadcast_in_dim3A_24 : vector<16xf32> to vector<1x16xf32>
          tpu.vector_store %arg8[%swap3A_296, %swap3A_297], %swap3A_300 {strides = array<i32>} : memref<128x256xf32, #tpu.memory_space<vmem>>, vector<1x16xf32>,
          %swap3A_301 = arith.index_cast %while3A_256 : i32 to index
          %swap3A_302 = arith.constant 144 : index
          %swap3A_303 = tpu.vector_load %arg8[%swap3A_301, %swap3A_302] {strides = array<i32>} : memref<128x256xf32, #tpu.memory_space<vmem>>, vector<1x16xf32>,
          %swap3A_304 = vector.shape_cast %swap3A_303 : vector<1x16xf32> to vector<16xf32>
          %swap3A_305 = vector.shape_cast %broadcast_in_dim3A_24 : vector<16xf32> to vector<1x16xf32>
          tpu.vector_store %arg8[%swap3A_301, %swap3A_302], %swap3A_305 {strides = array<i32>} : memref<128x256xf32, #tpu.memory_space<vmem>>, vector<1x16xf32>,
          %swap3A_306 = arith.index_cast %while3A_256 : i32 to index
          %swap3A_307 = arith.constant 160 : index
          %swap3A_308 = tpu.vector_load %arg8[%swap3A_306, %swap3A_307] {strides = array<i32>} : memref<128x256xf32, #tpu.memory_space<vmem>>, vector<1x16xf32>,
          %swap3A_309 = vector.shape_cast %swap3A_308 : vector<1x16xf32> to vector<16xf32>
          %swap3A_310 = vector.shape_cast %broadcast_in_dim3A_24 : vector<16xf32> to vector<1x16xf32>
          tpu.vector_store %arg8[%swap3A_306, %swap3A_307], %swap3A_310 {strides = array<i32>} : memref<128x256xf32, #tpu.memory_space<vmem>>, vector<1x16xf32>,
          %swap3A_311 = arith.index_cast %while3A_256 : i32 to index
          %swap3A_312 = arith.constant 176 : index
          %swap3A_313 = tpu.vector_load %arg8[%swap3A_311, %swap3A_312] {strides = array<i32>} : memref<128x256xf32, #tpu.memory_space<vmem>>, vector<1x16xf32>,
          %swap3A_314 = vector.shape_cast %swap3A_313 : vector<1x16xf32> to vector<16xf32>
          %swap3A_315 = vector.shape_cast %broadcast_in_dim3A_24 : vector<16xf32> to vector<1x16xf32>
          tpu.vector_store %arg8[%swap3A_311, %swap3A_312], %swap3A_315 {strides = array<i32>} : memref<128x256xf32, #tpu.memory_space<vmem>>, vector<1x16xf32>,
          %swap3A_316 = arith.index_cast %while3A_256 : i32 to index
          %swap3A_317 = arith.constant 192 : index
          %swap3A_318 = tpu.vector_load %arg8[%swap3A_316, %swap3A_317] {strides = array<i32>} : memref<128x256xf32, #tpu.memory_space<vmem>>, vector<1x16xf32>,
          %swap3A_319 = vector.shape_cast %swap3A_318 : vector<1x16xf32> to vector<16xf32>
          %swap3A_320 = vector.shape_cast %broadcast_in_dim3A_24 : vector<16xf32> to vector<1x16xf32>
          tpu.vector_store %arg8[%swap3A_316, %swap3A_317], %swap3A_320 {strides = array<i32>} : memref<128x256xf32, #tpu.memory_space<vmem>>, vector<1x16xf32>,
          %swap3A_321 = arith.index_cast %while3A_256 : i32 to index
          %swap3A_322 = arith.constant 208 : index
          %swap3A_323 = tpu.vector_load %arg8[%swap3A_321, %swap3A_322] {strides = array<i32>} : memref<128x256xf32, #tpu.memory_space<vmem>>, vector<1x16xf32>,
          %swap3A_324 = vector.shape_cast %swap3A_323 : vector<1x16xf32> to vector<16xf32>
          %swap3A_325 = vector.shape_cast %broadcast_in_dim3A_24 : vector<16xf32> to vector<1x16xf32>
          tpu.vector_store %arg8[%swap3A_321, %swap3A_322], %swap3A_325 {strides = array<i32>} : memref<128x256xf32, #tpu.memory_space<vmem>>, vector<1x16xf32>,
          %swap3A_326 = arith.index_cast %while3A_256 : i32 to index
          %swap3A_327 = arith.constant 224 : index
          %swap3A_328 = tpu.vector_load %arg8[%swap3A_326, %swap3A_327] {strides = array<i32>} : memref<128x256xf32, #tpu.memory_space<vmem>>, vector<1x16xf32>,
          %swap3A_329 = vector.shape_cast %swap3A_328 : vector<1x16xf32> to vector<16xf32>
          %swap3A_330 = vector.shape_cast %broadcast_in_dim3A_24 : vector<16xf32> to vector<1x16xf32>
          tpu.vector_store %arg8[%swap3A_326, %swap3A_327], %swap3A_330 {strides = array<i32>} : memref<128x256xf32, #tpu.memory_space<vmem>>, vector<1x16xf32>,
          %swap3A_331 = arith.index_cast %while3A_256 : i32 to index
          %swap3A_332 = arith.constant 240 : index
          %swap3A_333 = tpu.vector_load %arg8[%swap3A_331, %swap3A_332] {strides = array<i32>} : memref<128x256xf32, #tpu.memory_space<vmem>>, vector<1x16xf32>,
          %swap3A_334 = vector.shape_cast %swap3A_333 : vector<1x16xf32> to vector<16xf32>
          %swap3A_335 = vector.shape_cast %broadcast_in_dim3A_24 : vector<16xf32> to vector<1x16xf32>
          tpu.vector_store %arg8[%swap3A_331, %swap3A_332], %swap3A_335 {strides = array<i32>} : memref<128x256xf32, #tpu.memory_space<vmem>>, vector<1x16xf32>,
        }
        %while3A_255 = arith.constant 1 : i32
        scf.for %while3A_256 = %while3A_253 to %while3A_249 step %while3A_255  : i32 {
          %swap3A = arith.index_cast %while3A_256 : i32 to index
          %swap3A_257 = arith.constant 0 : index
          %swap3A_258 = tpu.vector_load %arg8[%swap3A, %swap3A_257] {strides = array<i32>} : memref<128x256xf32, #tpu.memory_space<vmem>>, vector<1x16xf32>,
          %swap3A_259 = vector.shape_cast %swap3A_258 : vector<1x16xf32> to vector<16xf32>
          %swap3A_260 = vector.shape_cast %broadcast_in_dim3A_24 : vector<16xf32> to vector<1x16xf32>
          tpu.vector_store %arg8[%swap3A, %swap3A_257], %swap3A_260 {strides = array<i32>} : memref<128x256xf32, #tpu.memory_space<vmem>>, vector<1x16xf32>,
          %swap3A_261 = arith.index_cast %while3A_256 : i32 to index
          %swap3A_262 = arith.constant 16 : index
          %swap3A_263 = tpu.vector_load %arg8[%swap3A_261, %swap3A_262] {strides = array<i32>} : memref<128x256xf32, #tpu.memory_space<vmem>>, vector<1x16xf32>,
          %swap3A_264 = vector.shape_cast %swap3A_263 : vector<1x16xf32> to vector<16xf32>
          %swap3A_265 = vector.shape_cast %broadcast_in_dim3A_24 : vector<16xf32> to vector<1x16xf32>
          tpu.vector_store %arg8[%swap3A_261, %swap3A_262], %swap3A_265 {strides = array<i32>} : memref<128x256xf32, #tpu.memory_space<vmem>>, vector<1x16xf32>,
          %swap3A_266 = arith.index_cast %while3A_256 : i32 to index
          %swap3A_267 = arith.constant 32 : index
          %swap3A_268 = tpu.vector_load %arg8[%swap3A_266, %swap3A_267] {strides = array<i32>} : memref<128x256xf32, #tpu.memory_space<vmem>>, vector<1x16xf32>,
          %swap3A_269 = vector.shape_cast %swap3A_268 : vector<1x16xf32> to vector<16xf32>
          %swap3A_270 = vector.shape_cast %broadcast_in_dim3A_24 : vector<16xf32> to vector<1x16xf32>
          tpu.vector_store %arg8[%swap3A_266, %swap3A_267], %swap3A_270 {strides = array<i32>} : memref<128x256xf32, #tpu.memory_space<vmem>>, vector<1x16xf32>,
          %swap3A_271 = arith.index_cast %while3A_256 : i32 to index
          %swap3A_272 = arith.constant 48 : index
          %swap3A_273 = tpu.vector_load %arg8[%swap3A_271, %swap3A_272] {strides = array<i32>} : memref<128x256xf32, #tpu.memory_space<vmem>>, vector<1x16xf32>,
          %swap3A_274 = vector.shape_cast %swap3A_273 : vector<1x16xf32> to vector<16xf32>
          %swap3A_275 = vector.shape_cast %broadcast_in_dim3A_24 : vector<16xf32> to vector<1x16xf32>
          tpu.vector_store %arg8[%swap3A_271, %swap3A_272], %swap3A_275 {strides = array<i32>} : memref<128x256xf32, #tpu.memory_space<vmem>>, vector<1x16xf32>,
          %swap3A_276 = arith.index_cast %while3A_256 : i32 to index
          %swap3A_277 = arith.constant 64 : index
          %swap3A_278 = tpu.vector_load %arg8[%swap3A_276, %swap3A_277] {strides = array<i32>} : memref<128x256xf32, #tpu.memory_space<vmem>>, vector<1x16xf32>,
          %swap3A_279 = vector.shape_cast %swap3A_278 : vector<1x16xf32> to vector<16xf32>
          %swap3A_280 = vector.shape_cast %broadcast_in_dim3A_24 : vector<16xf32> to vector<1x16xf32>
          tpu.vector_store %arg8[%swap3A_276, %swap3A_277], %swap3A_280 {strides = array<i32>} : memref<128x256xf32, #tpu.memory_space<vmem>>, vector<1x16xf32>,
          %swap3A_281 = arith.index_cast %while3A_256 : i32 to index
          %swap3A_282 = arith.constant 80 : index
          %swap3A_283 = tpu.vector_load %arg8[%swap3A_281, %swap3A_282] {strides = array<i32>} : memref<128x256xf32, #tpu.memory_space<vmem>>, vector<1x16xf32>,
          %swap3A_284 = vector.shape_cast %swap3A_283 : vector<1x16xf32> to vector<16xf32>
          %swap3A_285 = vector.shape_cast %broadcast_in_dim3A_24 : vector<16xf32> to vector<1x16xf32>
          tpu.vector_store %arg8[%swap3A_281, %swap3A_282], %swap3A_285 {strides = array<i32>} : memref<128x256xf32, #tpu.memory_space<vmem>>, vector<1x16xf32>,
          %swap3A_286 = arith.index_cast %while3A_256 : i32 to index
          %swap3A_287 = arith.constant 96 : index
          %swap3A_288 = tpu.vector_load %arg8[%swap3A_286, %swap3A_287] {strides = array<i32>} : memref<128x256xf32, #tpu.memory_space<vmem>>, vector<1x16xf32>,
          %swap3A_289 = vector.shape_cast %swap3A_288 : vector<1x16xf32> to vector<16xf32>
          %swap3A_290 = vector.shape_cast %broadcast_in_dim3A_24 : vector<16xf32> to vector<1x16xf32>
          tpu.vector_store %arg8[%swap3A_286, %swap3A_287], %swap3A_290 {strides = array<i32>} : memref<128x256xf32, #tpu.memory_space<vmem>>, vector<1x16xf32>,
          %swap3A_291 = arith.index_cast %while3A_256 : i32 to index
          %swap3A_292 = arith.constant 112 : index
          %swap3A_293 = tpu.vector_load %arg8[%swap3A_291, %swap3A_292] {strides = array<i32>} : memref<128x256xf32, #tpu.memory_space<vmem>>, vector<1x16xf32>,
          %swap3A_294 = vector.shape_cast %swap3A_293 : vector<1x16xf32> to vector<16xf32>
          %swap3A_295 = vector.shape_cast %broadcast_in_dim3A_24 : vector<16xf32> to vector<1x16xf32>
          tpu.vector_store %arg8[%swap3A_291, %swap3A_292], %swap3A_295 {strides = array<i32>} : memref<128x256xf32, #tpu.memory_space<vmem>>, vector<1x16xf32>,
          %swap3A_296 = arith.index_cast %while3A_256 : i32 to index
          %swap3A_297 = arith.constant 128 : index
          %swap3A_298 = tpu.vector_load %arg8[%swap3A_296, %swap3A_297] {strides = array<i32>} : memref<128x256xf32, #tpu.memory_space<vmem>>, vector<1x16xf32>,
          %swap3A_299 = vector.shape_cast %swap3A_298 : vector<1x16xf32> to vector<16xf32>
          %swap3A_300 = vector.shape_cast %broadcast_in_dim3A_24 : vector<16xf32> to vector<1x16xf32>
          tpu.vector_store %arg8[%swap3A_296, %swap3A_297], %swap3A_300 {strides = array<i32>} : memref<128x256xf32, #tpu.memory_space<vmem>>, vector<1x16xf32>,
          %swap3A_301 = arith.index_cast %while3A_256 : i32 to index
          %swap3A_302 = arith.constant 144 : index
          %swap3A_303 = tpu.vector_load %arg8[%swap3A_301, %swap3A_302] {strides = array<i32>} : memref<128x256xf32, #tpu.memory_space<vmem>>, vector<1x16xf32>,
          %swap3A_304 = vector.shape_cast %swap3A_303 : vector<1x16xf32> to vector<16xf32>
          %swap3A_305 = vector.shape_cast %broadcast_in_dim3A_24 : vector<16xf32> to vector<1x16xf32>
          tpu.vector_store %arg8[%swap3A_301, %swap3A_302], %swap3A_305 {strides = array<i32>} : memref<128x256xf32, #tpu.memory_space<vmem>>, vector<1x16xf32>,
          %swap3A_306 = arith.index_cast %while3A_256 : i32 to index
          %swap3A_307 = arith.constant 160 : index
          %swap3A_308 = tpu.vector_load %arg8[%swap3A_306, %swap3A_307] {strides = array<i32>} : memref<128x256xf32, #tpu.memory_space<vmem>>, vector<1x16xf32>,
          %swap3A_309 = vector.shape_cast %swap3A_308 : vector<1x16xf32> to vector<16xf32>
          %swap3A_310 = vector.shape_cast %broadcast_in_dim3A_24 : vector<16xf32> to vector<1x16xf32>
          tpu.vector_store %arg8[%swap3A_306, %swap3A_307], %swap3A_310 {strides = array<i32>} : memref<128x256xf32, #tpu.memory_space<vmem>>, vector<1x16xf32>,
          %swap3A_311 = arith.index_cast %while3A_256 : i32 to index
          %swap3A_312 = arith.constant 176 : index
          %swap3A_313 = tpu.vector_load %arg8[%swap3A_311, %swap3A_312] {strides = array<i32>} : memref<128x256xf32, #tpu.memory_space<vmem>>, vector<1x16xf32>,
          %swap3A_314 = vector.shape_cast %swap3A_313 : vector<1x16xf32> to vector<16xf32>
          %swap3A_315 = vector.shape_cast %broadcast_in_dim3A_24 : vector<16xf32> to vector<1x16xf32>
          tpu.vector_store %arg8[%swap3A_311, %swap3A_312], %swap3A_315 {strides = array<i32>} : memref<128x256xf32, #tpu.memory_space<vmem>>, vector<1x16xf32>,
          %swap3A_316 = arith.index_cast %while3A_256 : i32 to index
          %swap3A_317 = arith.constant 192 : index
          %swap3A_318 = tpu.vector_load %arg8[%swap3A_316, %swap3A_317] {strides = array<i32>} : memref<128x256xf32, #tpu.memory_space<vmem>>, vector<1x16xf32>,
          %swap3A_319 = vector.shape_cast %swap3A_318 : vector<1x16xf32> to vector<16xf32>
          %swap3A_320 = vector.shape_cast %broadcast_in_dim3A_24 : vector<16xf32> to vector<1x16xf32>
          tpu.vector_store %arg8[%swap3A_316, %swap3A_317], %swap3A_320 {strides = array<i32>} : memref<128x256xf32, #tpu.memory_space<vmem>>, vector<1x16xf32>,
          %swap3A_321 = arith.index_cast %while3A_256 : i32 to index
          %swap3A_322 = arith.constant 208 : index
          %swap3A_323 = tpu.vector_load %arg8[%swap3A_321, %swap3A_322] {strides = array<i32>} : memref<128x256xf32, #tpu.memory_space<vmem>>, vector<1x16xf32>,
          %swap3A_324 = vector.shape_cast %swap3A_323 : vector<1x16xf32> to vector<16xf32>
          %swap3A_325 = vector.shape_cast %broadcast_in_dim3A_24 : vector<16xf32> to vector<1x16xf32>
          tpu.vector_store %arg8[%swap3A_321, %swap3A_322], %swap3A_325 {strides = array<i32>} : memref<128x256xf32, #tpu.memory_space<vmem>>, vector<1x16xf32>,
          %swap3A_326 = arith.index_cast %while3A_256 : i32 to index
          %swap3A_327 = arith.constant 224 : index
          %swap3A_328 = tpu.vector_load %arg8[%swap3A_326, %swap3A_327] {strides = array<i32>} : memref<128x256xf32, #tpu.memory_space<vmem>>, vector<1x16xf32>,
          %swap3A_329 = vector.shape_cast %swap3A_328 : vector<1x16xf32> to vector<16xf32>
          %swap3A_330 = vector.shape_cast %broadcast_in_dim3A_24 : vector<16xf32> to vector<1x16xf32>
          tpu.vector_store %arg8[%swap3A_326, %swap3A_327], %swap3A_330 {strides = array<i32>} : memref<128x256xf32, #tpu.memory_space<vmem>>, vector<1x16xf32>,
          %swap3A_331 = arith.index_cast %while3A_256 : i32 to index
          %swap3A_332 = arith.constant 240 : index
          %swap3A_333 = tpu.vector_load %arg8[%swap3A_331, %swap3A_332] {strides = array<i32>} : memref<128x256xf32, #tpu.memory_space<vmem>>, vector<1x16xf32>,
          %swap3A_334 = vector.shape_cast %swap3A_333 : vector<1x16xf32> to vector<16xf32>
          %swap3A_335 = vector.shape_cast %broadcast_in_dim3A_24 : vector<16xf32> to vector<1x16xf32>
          tpu.vector_store %arg8[%swap3A_331, %swap3A_332], %swap3A_335 {strides = array<i32>} : memref<128x256xf32, #tpu.memory_space<vmem>>, vector<1x16xf32>,
        }
      } else {
      }
      %add3A_237 = arith.constant 384 : i32
      %add3A_238 = arith.addi %mul3A_9, %add3A_237 : i32
      %dma_start3A_239 = arith.constant 0 : i32
      %dma_start3A_240 = tpu.memref_slice %arg5[%arg1, %add3A_238, %dma_start3A_239] : memref<16x2048x256xf32, #tpu.memory_space<hbm>> -> memref<1x128x256xf32, #tpu.memory_space<hbm>>
      %dma_start3A_241 = tpu.memref_squeeze %dma_start3A_240 : memref<1x128x256xf32, #tpu.memory_space<hbm>> -> memref<128x256xf32, #tpu.memory_space<hbm>>
      %dma_start3A_242 = arith.constant 0 : i32
      %dma_start3A_243 = tpu.memref_slice %arg5[%arg1, %add3A_238, %dma_start3A_242] : memref<16x2048x256xf32, #tpu.memory_space<hbm>> -> memref<1x128x256xf32, #tpu.memory_space<hbm>>
      %dma_start3A_244 = tpu.memref_squeeze %dma_start3A_243 : memref<1x128x256xf32, #tpu.memory_space<hbm>> -> memref<128x256xf32, #tpu.memory_space<hbm>>
      tpu.enqueue_dma source(%arg8 : memref<128x256xf32, #tpu.memory_space<vmem>>) target(%dma_start3A_244 : memref<128x256xf32, #tpu.memory_space<hbm>>) target_semaphore(%arg17 : memref<!tpu.dma_semaphore, #tpu.memory_space<semaphore_mem>>)
    } else {
    }
    %not3A_129 = arith.constant true
    %not3A_130 = arith.xori %gt3A_33, %not3A_129 : i1
    %convert_element_type3A_131 = arith.extui %not3A_130 : i1 to i32
    %cond3A_132 = arith.constant 0 : i32
    %cond3A_133 = arith.cmpi ne, %convert_element_type3A_131, %cond3A_132 : i32
    scf.if %cond3A_133 {
      %add3A_227 = arith.constant 384 : i32
      %add3A_228 = arith.addi %mul3A_9, %add3A_227 : i32
      %dma_start3A_229 = arith.constant 0 : i32
      %dma_start3A_230 = tpu.memref_slice %arg5[%arg1, %add3A_228, %dma_start3A_229] : memref<16x2048x256xf32, #tpu.memory_space<hbm>> -> memref<1x64x256xf32, #tpu.memory_space<hbm>>
      %dma_start3A_231 = tpu.memref_squeeze %dma_start3A_230 : memref<1x64x256xf32, #tpu.memory_space<hbm>> -> memref<64x256xf32, #tpu.memory_space<hbm>>
      %dma_start3A_232 = arith.constant 0 : i32
      %dma_start3A_233 = tpu.memref_slice %arg5[%arg1, %add3A_228, %dma_start3A_232] : memref<16x2048x256xf32, #tpu.memory_space<hbm>> -> memref<1x64x256xf32, #tpu.memory_space<hbm>>
      %dma_start3A_234 = tpu.memref_squeeze %dma_start3A_233 : memref<1x64x256xf32, #tpu.memory_space<hbm>> -> memref<64x256xf32, #tpu.memory_space<hbm>>
      tpu.enqueue_dma source(%arg11 : memref<64x256xf32, #tpu.memory_space<vmem>>) target(%dma_start3A_234 : memref<64x256xf32, #tpu.memory_space<hbm>>) target_semaphore(%arg17 : memref<!tpu.dma_semaphore, #tpu.memory_space<semaphore_mem>>)
      %add3A_235 = arith.constant 64 : i32
      %add3A_236 = arith.addi %add3A_228, %add3A_235 : i32
      %dma_start3A_237 = arith.constant 0 : i32
      %dma_start3A_238 = tpu.memref_slice %arg5[%arg1, %add3A_236, %dma_start3A_237] : memref<16x2048x256xf32, #tpu.memory_space<hbm>> -> memref<1x64x256xf32, #tpu.memory_space<hbm>>
      %dma_start3A_239 = tpu.memref_squeeze %dma_start3A_238 : memref<1x64x256xf32, #tpu.memory_space<hbm>> -> memref<64x256xf32, #tpu.memory_space<hbm>>
      %dma_start3A_240 = arith.constant 0 : i32
      %dma_start3A_241 = tpu.memref_slice %arg5[%arg1, %add3A_236, %dma_start3A_240] : memref<16x2048x256xf32, #tpu.memory_space<hbm>> -> memref<1x64x256xf32, #tpu.memory_space<hbm>>
      %dma_start3A_242 = tpu.memref_squeeze %dma_start3A_241 : memref<1x64x256xf32, #tpu.memory_space<hbm>> -> memref<64x256xf32, #tpu.memory_space<hbm>>
      tpu.enqueue_dma source(%arg11 : memref<64x256xf32, #tpu.memory_space<vmem>>) target(%dma_start3A_242 : memref<64x256xf32, #tpu.memory_space<hbm>>) target_semaphore(%arg17 : memref<!tpu.dma_semaphore, #tpu.memory_space<semaphore_mem>>)
    } else {
    }
    %add3A_134 = arith.constant 256 : i32
    %add3A_135 = arith.addi %mul3A_9, %add3A_134 : i32
    %dma_wait3A_136 = arith.constant 0 : i32
    %dma_wait3A_137 = tpu.memref_slice %arg5[%arg1, %add3A_135, %dma_wait3A_136] : memref<16x2048x256xf32, #tpu.memory_space<hbm>> -> memref<1x128x256xf32, #tpu.memory_space<hbm>>
    %dma_wait3A_138 = tpu.memref_squeeze %dma_wait3A_137 : memref<1x128x256xf32, #tpu.memory_space<hbm>> -> memref<128x256xf32, #tpu.memory_space<hbm>>
    %dma_wait3A_139 = arith.constant 0 : i32
    %dma_wait3A_140 = tpu.memref_slice %arg5[%arg1, %add3A_135, %dma_wait3A_139] : memref<16x2048x256xf32, #tpu.memory_space<hbm>> -> memref<1x128x256xf32, #tpu.memory_space<hbm>>
    %dma_wait3A_141 = tpu.memref_squeeze %dma_wait3A_140 : memref<1x128x256xf32, #tpu.memory_space<hbm>> -> memref<128x256xf32, #tpu.memory_space<hbm>>
    tpu.wait_dma2 semaphore(%arg19 : memref<!tpu.dma_semaphore, #tpu.memory_space<semaphore_mem>>) src(%arg10 : memref<128x256xf32, #tpu.memory_space<vmem>>) dst(%dma_wait3A_141 : memref<128x256xf32, #tpu.memory_space<hbm>>)
    %convert_element_type3A_142 = arith.extui %gt3A_37 : i1 to i32
    %cond3A_143 = arith.constant 0 : i32
    %cond3A_144 = arith.cmpi ne, %convert_element_type3A_142, %cond3A_143 : i32
    scf.if %cond3A_144 {
      %dma_start3A_227 = arith.constant 640 : i32
      %dma_start3A_228 = tpu.memref_slice %arg7[%dma_start3A_227] : memref<1024xi32, #tpu.memory_space<vmem>> -> memref<128xi32, #tpu.memory_space<vmem>>
      %dma_start3A_229 = arith.constant 0 : i32
      %dma_start3A_230 = arith.constant 0 : i32
      %dma_start3A_231 = tpu.memref_slice %arg2[%dma_start3A_229, %dma_start3A_230] : memref<100000x256xf32, #tpu.memory_space<hbm>> -> memref<100000x256xf32, #tpu.memory_space<hbm>>
      tpu.enqueue_indirect_dma source(%dma_start3A_231 : memref<100000x256xf32, #tpu.memory_space<hbm>>) target(%arg10 : memref<128x256xf32, #tpu.memory_space<vmem>>) offsets(%dma_start3A_228 : memref<128xi32, #tpu.memory_space<vmem>>) semaphore(%arg16 : memref<!tpu.dma_semaphore, #tpu.memory_space<semaphore_mem>>)
    } else {
    }
    %convert_element_type3A_145 = arith.extui %gt3A_35 : i1 to i32
    %cond3A_146 = arith.constant 0 : i32
    %cond3A_147 = arith.cmpi ne, %convert_element_type3A_145, %cond3A_146 : i32
    scf.if %cond3A_147 {
      %dma_wait3A_227 = arith.constant 512 : i32
      %dma_wait3A_228 = tpu.memref_slice %arg7[%dma_wait3A_227] : memref<1024xi32, #tpu.memory_space<vmem>> -> memref<128xi32, #tpu.memory_space<vmem>>
      %dma_wait3A_229 = arith.constant 0 : i32
      %dma_wait3A_230 = arith.constant 0 : i32
      %dma_wait3A_231 = tpu.memref_slice %arg2[%dma_wait3A_229, %dma_wait3A_230] : memref<100000x256xf32, #tpu.memory_space<hbm>> -> memref<100000x256xf32, #tpu.memory_space<hbm>>
      tpu.wait_indirect_dma semaphore(%arg15 : memref<!tpu.dma_semaphore, #tpu.memory_space<semaphore_mem>>) src(%dma_wait3A_231 : memref<100000x256xf32, #tpu.memory_space<hbm>>) dst(%arg9 : memref<128x256xf32, #tpu.memory_space<vmem>>)
      %not3A_232 = arith.constant true
      %not3A_233 = arith.xori %ge3A_50, %not3A_232 : i1
      %convert_element_type3A_234 = arith.extui %not3A_233 : i1 to i32
      %cond3A_235 = arith.constant 0 : i32
      %cond3A_236 = arith.cmpi ne, %convert_element_type3A_234, %cond3A_235 : i32
      scf.if %cond3A_236 {
        %sub3A_245 = arith.constant 512 : i32
        %sub3A_246 = arith.subi %min3A, %sub3A_245 : i32
        %while3A = arith.constant 0 : i32
        %while3A_247 = arith.constant 128 : i32
        %while3A_248 = arith.subi %while3A_247, %sub3A_246 : i32
        %while3A_249 = arith.addi %sub3A_246, %while3A_248 : i32
        %while3A_250 = arith.constant 1 : i32
        %while3A_251 = arith.divsi %while3A_248, %while3A_250 : i32
        %while3A_252 = arith.muli %while3A_251, %while3A_250 : i32
        %while3A_253 = arith.addi %sub3A_246, %while3A_252 : i32
        %while3A_254 = arith.constant 1 : i32
        scf.for %while3A_256 = %sub3A_246 to %while3A_253 step %while3A_254  : i32 {
          %swap3A = arith.index_cast %while3A_256 : i32 to index
          %swap3A_257 = arith.constant 0 : index
          %swap3A_258 = tpu.vector_load %arg9[%swap3A, %swap3A_257] {strides = array<i32>} : memref<128x256xf32, #tpu.memory_space<vmem>>, vector<1x16xf32>,
          %swap3A_259 = vector.shape_cast %swap3A_258 : vector<1x16xf32> to vector<16xf32>
          %swap3A_260 = vector.shape_cast %broadcast_in_dim3A_24 : vector<16xf32> to vector<1x16xf32>
          tpu.vector_store %arg9[%swap3A, %swap3A_257], %swap3A_260 {strides = array<i32>} : memref<128x256xf32, #tpu.memory_space<vmem>>, vector<1x16xf32>,
          %swap3A_261 = arith.index_cast %while3A_256 : i32 to index
          %swap3A_262 = arith.constant 16 : index
          %swap3A_263 = tpu.vector_load %arg9[%swap3A_261, %swap3A_262] {strides = array<i32>} : memref<128x256xf32, #tpu.memory_space<vmem>>, vector<1x16xf32>,
          %swap3A_264 = vector.shape_cast %swap3A_263 : vector<1x16xf32> to vector<16xf32>
          %swap3A_265 = vector.shape_cast %broadcast_in_dim3A_24 : vector<16xf32> to vector<1x16xf32>
          tpu.vector_store %arg9[%swap3A_261, %swap3A_262], %swap3A_265 {strides = array<i32>} : memref<128x256xf32, #tpu.memory_space<vmem>>, vector<1x16xf32>,
          %swap3A_266 = arith.index_cast %while3A_256 : i32 to index
          %swap3A_267 = arith.constant 32 : index
          %swap3A_268 = tpu.vector_load %arg9[%swap3A_266, %swap3A_267] {strides = array<i32>} : memref<128x256xf32, #tpu.memory_space<vmem>>, vector<1x16xf32>,
          %swap3A_269 = vector.shape_cast %swap3A_268 : vector<1x16xf32> to vector<16xf32>
          %swap3A_270 = vector.shape_cast %broadcast_in_dim3A_24 : vector<16xf32> to vector<1x16xf32>
          tpu.vector_store %arg9[%swap3A_266, %swap3A_267], %swap3A_270 {strides = array<i32>} : memref<128x256xf32, #tpu.memory_space<vmem>>, vector<1x16xf32>,
          %swap3A_271 = arith.index_cast %while3A_256 : i32 to index
          %swap3A_272 = arith.constant 48 : index
          %swap3A_273 = tpu.vector_load %arg9[%swap3A_271, %swap3A_272] {strides = array<i32>} : memref<128x256xf32, #tpu.memory_space<vmem>>, vector<1x16xf32>,
          %swap3A_274 = vector.shape_cast %swap3A_273 : vector<1x16xf32> to vector<16xf32>
          %swap3A_275 = vector.shape_cast %broadcast_in_dim3A_24 : vector<16xf32> to vector<1x16xf32>
          tpu.vector_store %arg9[%swap3A_271, %swap3A_272], %swap3A_275 {strides = array<i32>} : memref<128x256xf32, #tpu.memory_space<vmem>>, vector<1x16xf32>,
          %swap3A_276 = arith.index_cast %while3A_256 : i32 to index
          %swap3A_277 = arith.constant 64 : index
          %swap3A_278 = tpu.vector_load %arg9[%swap3A_276, %swap3A_277] {strides = array<i32>} : memref<128x256xf32, #tpu.memory_space<vmem>>, vector<1x16xf32>,
          %swap3A_279 = vector.shape_cast %swap3A_278 : vector<1x16xf32> to vector<16xf32>
          %swap3A_280 = vector.shape_cast %broadcast_in_dim3A_24 : vector<16xf32> to vector<1x16xf32>
          tpu.vector_store %arg9[%swap3A_276, %swap3A_277], %swap3A_280 {strides = array<i32>} : memref<128x256xf32, #tpu.memory_space<vmem>>, vector<1x16xf32>,
          %swap3A_281 = arith.index_cast %while3A_256 : i32 to index
          %swap3A_282 = arith.constant 80 : index
          %swap3A_283 = tpu.vector_load %arg9[%swap3A_281, %swap3A_282] {strides = array<i32>} : memref<128x256xf32, #tpu.memory_space<vmem>>, vector<1x16xf32>,
          %swap3A_284 = vector.shape_cast %swap3A_283 : vector<1x16xf32> to vector<16xf32>
          %swap3A_285 = vector.shape_cast %broadcast_in_dim3A_24 : vector<16xf32> to vector<1x16xf32>
          tpu.vector_store %arg9[%swap3A_281, %swap3A_282], %swap3A_285 {strides = array<i32>} : memref<128x256xf32, #tpu.memory_space<vmem>>, vector<1x16xf32>,
          %swap3A_286 = arith.index_cast %while3A_256 : i32 to index
          %swap3A_287 = arith.constant 96 : index
          %swap3A_288 = tpu.vector_load %arg9[%swap3A_286, %swap3A_287] {strides = array<i32>} : memref<128x256xf32, #tpu.memory_space<vmem>>, vector<1x16xf32>,
          %swap3A_289 = vector.shape_cast %swap3A_288 : vector<1x16xf32> to vector<16xf32>
          %swap3A_290 = vector.shape_cast %broadcast_in_dim3A_24 : vector<16xf32> to vector<1x16xf32>
          tpu.vector_store %arg9[%swap3A_286, %swap3A_287], %swap3A_290 {strides = array<i32>} : memref<128x256xf32, #tpu.memory_space<vmem>>, vector<1x16xf32>,
          %swap3A_291 = arith.index_cast %while3A_256 : i32 to index
          %swap3A_292 = arith.constant 112 : index
          %swap3A_293 = tpu.vector_load %arg9[%swap3A_291, %swap3A_292] {strides = array<i32>} : memref<128x256xf32, #tpu.memory_space<vmem>>, vector<1x16xf32>,
          %swap3A_294 = vector.shape_cast %swap3A_293 : vector<1x16xf32> to vector<16xf32>
          %swap3A_295 = vector.shape_cast %broadcast_in_dim3A_24 : vector<16xf32> to vector<1x16xf32>
          tpu.vector_store %arg9[%swap3A_291, %swap3A_292], %swap3A_295 {strides = array<i32>} : memref<128x256xf32, #tpu.memory_space<vmem>>, vector<1x16xf32>,
          %swap3A_296 = arith.index_cast %while3A_256 : i32 to index
          %swap3A_297 = arith.constant 128 : index
          %swap3A_298 = tpu.vector_load %arg9[%swap3A_296, %swap3A_297] {strides = array<i32>} : memref<128x256xf32, #tpu.memory_space<vmem>>, vector<1x16xf32>,
          %swap3A_299 = vector.shape_cast %swap3A_298 : vector<1x16xf32> to vector<16xf32>
          %swap3A_300 = vector.shape_cast %broadcast_in_dim3A_24 : vector<16xf32> to vector<1x16xf32>
          tpu.vector_store %arg9[%swap3A_296, %swap3A_297], %swap3A_300 {strides = array<i32>} : memref<128x256xf32, #tpu.memory_space<vmem>>, vector<1x16xf32>,
          %swap3A_301 = arith.index_cast %while3A_256 : i32 to index
          %swap3A_302 = arith.constant 144 : index
          %swap3A_303 = tpu.vector_load %arg9[%swap3A_301, %swap3A_302] {strides = array<i32>} : memref<128x256xf32, #tpu.memory_space<vmem>>, vector<1x16xf32>,
          %swap3A_304 = vector.shape_cast %swap3A_303 : vector<1x16xf32> to vector<16xf32>
          %swap3A_305 = vector.shape_cast %broadcast_in_dim3A_24 : vector<16xf32> to vector<1x16xf32>
          tpu.vector_store %arg9[%swap3A_301, %swap3A_302], %swap3A_305 {strides = array<i32>} : memref<128x256xf32, #tpu.memory_space<vmem>>, vector<1x16xf32>,
          %swap3A_306 = arith.index_cast %while3A_256 : i32 to index
          %swap3A_307 = arith.constant 160 : index
          %swap3A_308 = tpu.vector_load %arg9[%swap3A_306, %swap3A_307] {strides = array<i32>} : memref<128x256xf32, #tpu.memory_space<vmem>>, vector<1x16xf32>,
          %swap3A_309 = vector.shape_cast %swap3A_308 : vector<1x16xf32> to vector<16xf32>
          %swap3A_310 = vector.shape_cast %broadcast_in_dim3A_24 : vector<16xf32> to vector<1x16xf32>
          tpu.vector_store %arg9[%swap3A_306, %swap3A_307], %swap3A_310 {strides = array<i32>} : memref<128x256xf32, #tpu.memory_space<vmem>>, vector<1x16xf32>,
          %swap3A_311 = arith.index_cast %while3A_256 : i32 to index
          %swap3A_312 = arith.constant 176 : index
          %swap3A_313 = tpu.vector_load %arg9[%swap3A_311, %swap3A_312] {strides = array<i32>} : memref<128x256xf32, #tpu.memory_space<vmem>>, vector<1x16xf32>,
          %swap3A_314 = vector.shape_cast %swap3A_313 : vector<1x16xf32> to vector<16xf32>
          %swap3A_315 = vector.shape_cast %broadcast_in_dim3A_24 : vector<16xf32> to vector<1x16xf32>
          tpu.vector_store %arg9[%swap3A_311, %swap3A_312], %swap3A_315 {strides = array<i32>} : memref<128x256xf32, #tpu.memory_space<vmem>>, vector<1x16xf32>,
          %swap3A_316 = arith.index_cast %while3A_256 : i32 to index
          %swap3A_317 = arith.constant 192 : index
          %swap3A_318 = tpu.vector_load %arg9[%swap3A_316, %swap3A_317] {strides = array<i32>} : memref<128x256xf32, #tpu.memory_space<vmem>>, vector<1x16xf32>,
          %swap3A_319 = vector.shape_cast %swap3A_318 : vector<1x16xf32> to vector<16xf32>
          %swap3A_320 = vector.shape_cast %broadcast_in_dim3A_24 : vector<16xf32> to vector<1x16xf32>
          tpu.vector_store %arg9[%swap3A_316, %swap3A_317], %swap3A_320 {strides = array<i32>} : memref<128x256xf32, #tpu.memory_space<vmem>>, vector<1x16xf32>,
          %swap3A_321 = arith.index_cast %while3A_256 : i32 to index
          %swap3A_322 = arith.constant 208 : index
          %swap3A_323 = tpu.vector_load %arg9[%swap3A_321, %swap3A_322] {strides = array<i32>} : memref<128x256xf32, #tpu.memory_space<vmem>>, vector<1x16xf32>,
          %swap3A_324 = vector.shape_cast %swap3A_323 : vector<1x16xf32> to vector<16xf32>
          %swap3A_325 = vector.shape_cast %broadcast_in_dim3A_24 : vector<16xf32> to vector<1x16xf32>
          tpu.vector_store %arg9[%swap3A_321, %swap3A_322], %swap3A_325 {strides = array<i32>} : memref<128x256xf32, #tpu.memory_space<vmem>>, vector<1x16xf32>,
          %swap3A_326 = arith.index_cast %while3A_256 : i32 to index
          %swap3A_327 = arith.constant 224 : index
          %swap3A_328 = tpu.vector_load %arg9[%swap3A_326, %swap3A_327] {strides = array<i32>} : memref<128x256xf32, #tpu.memory_space<vmem>>, vector<1x16xf32>,
          %swap3A_329 = vector.shape_cast %swap3A_328 : vector<1x16xf32> to vector<16xf32>
          %swap3A_330 = vector.shape_cast %broadcast_in_dim3A_24 : vector<16xf32> to vector<1x16xf32>
          tpu.vector_store %arg9[%swap3A_326, %swap3A_327], %swap3A_330 {strides = array<i32>} : memref<128x256xf32, #tpu.memory_space<vmem>>, vector<1x16xf32>,
          %swap3A_331 = arith.index_cast %while3A_256 : i32 to index
          %swap3A_332 = arith.constant 240 : index
          %swap3A_333 = tpu.vector_load %arg9[%swap3A_331, %swap3A_332] {strides = array<i32>} : memref<128x256xf32, #tpu.memory_space<vmem>>, vector<1x16xf32>,
          %swap3A_334 = vector.shape_cast %swap3A_333 : vector<1x16xf32> to vector<16xf32>
          %swap3A_335 = vector.shape_cast %broadcast_in_dim3A_24 : vector<16xf32> to vector<1x16xf32>
          tpu.vector_store %arg9[%swap3A_331, %swap3A_332], %swap3A_335 {strides = array<i32>} : memref<128x256xf32, #tpu.memory_space<vmem>>, vector<1x16xf32>,
        }
        %while3A_255 = arith.constant 1 : i32
        scf.for %while3A_256 = %while3A_253 to %while3A_249 step %while3A_255  : i32 {
          %swap3A = arith.index_cast %while3A_256 : i32 to index
          %swap3A_257 = arith.constant 0 : index
          %swap3A_258 = tpu.vector_load %arg9[%swap3A, %swap3A_257] {strides = array<i32>} : memref<128x256xf32, #tpu.memory_space<vmem>>, vector<1x16xf32>,
          %swap3A_259 = vector.shape_cast %swap3A_258 : vector<1x16xf32> to vector<16xf32>
          %swap3A_260 = vector.shape_cast %broadcast_in_dim3A_24 : vector<16xf32> to vector<1x16xf32>
          tpu.vector_store %arg9[%swap3A, %swap3A_257], %swap3A_260 {strides = array<i32>} : memref<128x256xf32, #tpu.memory_space<vmem>>, vector<1x16xf32>,
          %swap3A_261 = arith.index_cast %while3A_256 : i32 to index
          %swap3A_262 = arith.constant 16 : index
          %swap3A_263 = tpu.vector_load %arg9[%swap3A_261, %swap3A_262] {strides = array<i32>} : memref<128x256xf32, #tpu.memory_space<vmem>>, vector<1x16xf32>,
          %swap3A_264 = vector.shape_cast %swap3A_263 : vector<1x16xf32> to vector<16xf32>
          %swap3A_265 = vector.shape_cast %broadcast_in_dim3A_24 : vector<16xf32> to vector<1x16xf32>
          tpu.vector_store %arg9[%swap3A_261, %swap3A_262], %swap3A_265 {strides = array<i32>} : memref<128x256xf32, #tpu.memory_space<vmem>>, vector<1x16xf32>,
          %swap3A_266 = arith.index_cast %while3A_256 : i32 to index
          %swap3A_267 = arith.constant 32 : index
          %swap3A_268 = tpu.vector_load %arg9[%swap3A_266, %swap3A_267] {strides = array<i32>} : memref<128x256xf32, #tpu.memory_space<vmem>>, vector<1x16xf32>,
          %swap3A_269 = vector.shape_cast %swap3A_268 : vector<1x16xf32> to vector<16xf32>
          %swap3A_270 = vector.shape_cast %broadcast_in_dim3A_24 : vector<16xf32> to vector<1x16xf32>
          tpu.vector_store %arg9[%swap3A_266, %swap3A_267], %swap3A_270 {strides = array<i32>} : memref<128x256xf32, #tpu.memory_space<vmem>>, vector<1x16xf32>,
          %swap3A_271 = arith.index_cast %while3A_256 : i32 to index
          %swap3A_272 = arith.constant 48 : index
          %swap3A_273 = tpu.vector_load %arg9[%swap3A_271, %swap3A_272] {strides = array<i32>} : memref<128x256xf32, #tpu.memory_space<vmem>>, vector<1x16xf32>,
          %swap3A_274 = vector.shape_cast %swap3A_273 : vector<1x16xf32> to vector<16xf32>
          %swap3A_275 = vector.shape_cast %broadcast_in_dim3A_24 : vector<16xf32> to vector<1x16xf32>
          tpu.vector_store %arg9[%swap3A_271, %swap3A_272], %swap3A_275 {strides = array<i32>} : memref<128x256xf32, #tpu.memory_space<vmem>>, vector<1x16xf32>,
          %swap3A_276 = arith.index_cast %while3A_256 : i32 to index
          %swap3A_277 = arith.constant 64 : index
          %swap3A_278 = tpu.vector_load %arg9[%swap3A_276, %swap3A_277] {strides = array<i32>} : memref<128x256xf32, #tpu.memory_space<vmem>>, vector<1x16xf32>,
          %swap3A_279 = vector.shape_cast %swap3A_278 : vector<1x16xf32> to vector<16xf32>
          %swap3A_280 = vector.shape_cast %broadcast_in_dim3A_24 : vector<16xf32> to vector<1x16xf32>
          tpu.vector_store %arg9[%swap3A_276, %swap3A_277], %swap3A_280 {strides = array<i32>} : memref<128x256xf32, #tpu.memory_space<vmem>>, vector<1x16xf32>,
          %swap3A_281 = arith.index_cast %while3A_256 : i32 to index
          %swap3A_282 = arith.constant 80 : index
          %swap3A_283 = tpu.vector_load %arg9[%swap3A_281, %swap3A_282] {strides = array<i32>} : memref<128x256xf32, #tpu.memory_space<vmem>>, vector<1x16xf32>,
          %swap3A_284 = vector.shape_cast %swap3A_283 : vector<1x16xf32> to vector<16xf32>
          %swap3A_285 = vector.shape_cast %broadcast_in_dim3A_24 : vector<16xf32> to vector<1x16xf32>
          tpu.vector_store %arg9[%swap3A_281, %swap3A_282], %swap3A_285 {strides = array<i32>} : memref<128x256xf32, #tpu.memory_space<vmem>>, vector<1x16xf32>,
          %swap3A_286 = arith.index_cast %while3A_256 : i32 to index
          %swap3A_287 = arith.constant 96 : index
          %swap3A_288 = tpu.vector_load %arg9[%swap3A_286, %swap3A_287] {strides = array<i32>} : memref<128x256xf32, #tpu.memory_space<vmem>>, vector<1x16xf32>,
          %swap3A_289 = vector.shape_cast %swap3A_288 : vector<1x16xf32> to vector<16xf32>
          %swap3A_290 = vector.shape_cast %broadcast_in_dim3A_24 : vector<16xf32> to vector<1x16xf32>
          tpu.vector_store %arg9[%swap3A_286, %swap3A_287], %swap3A_290 {strides = array<i32>} : memref<128x256xf32, #tpu.memory_space<vmem>>, vector<1x16xf32>,
          %swap3A_291 = arith.index_cast %while3A_256 : i32 to index
          %swap3A_292 = arith.constant 112 : index
          %swap3A_293 = tpu.vector_load %arg9[%swap3A_291, %swap3A_292] {strides = array<i32>} : memref<128x256xf32, #tpu.memory_space<vmem>>, vector<1x16xf32>,
          %swap3A_294 = vector.shape_cast %swap3A_293 : vector<1x16xf32> to vector<16xf32>
          %swap3A_295 = vector.shape_cast %broadcast_in_dim3A_24 : vector<16xf32> to vector<1x16xf32>
          tpu.vector_store %arg9[%swap3A_291, %swap3A_292], %swap3A_295 {strides = array<i32>} : memref<128x256xf32, #tpu.memory_space<vmem>>, vector<1x16xf32>,
          %swap3A_296 = arith.index_cast %while3A_256 : i32 to index
          %swap3A_297 = arith.constant 128 : index
          %swap3A_298 = tpu.vector_load %arg9[%swap3A_296, %swap3A_297] {strides = array<i32>} : memref<128x256xf32, #tpu.memory_space<vmem>>, vector<1x16xf32>,
          %swap3A_299 = vector.shape_cast %swap3A_298 : vector<1x16xf32> to vector<16xf32>
          %swap3A_300 = vector.shape_cast %broadcast_in_dim3A_24 : vector<16xf32> to vector<1x16xf32>
          tpu.vector_store %arg9[%swap3A_296, %swap3A_297], %swap3A_300 {strides = array<i32>} : memref<128x256xf32, #tpu.memory_space<vmem>>, vector<1x16xf32>,
          %swap3A_301 = arith.index_cast %while3A_256 : i32 to index
          %swap3A_302 = arith.constant 144 : index
          %swap3A_303 = tpu.vector_load %arg9[%swap3A_301, %swap3A_302] {strides = array<i32>} : memref<128x256xf32, #tpu.memory_space<vmem>>, vector<1x16xf32>,
          %swap3A_304 = vector.shape_cast %swap3A_303 : vector<1x16xf32> to vector<16xf32>
          %swap3A_305 = vector.shape_cast %broadcast_in_dim3A_24 : vector<16xf32> to vector<1x16xf32>
          tpu.vector_store %arg9[%swap3A_301, %swap3A_302], %swap3A_305 {strides = array<i32>} : memref<128x256xf32, #tpu.memory_space<vmem>>, vector<1x16xf32>,
          %swap3A_306 = arith.index_cast %while3A_256 : i32 to index
          %swap3A_307 = arith.constant 160 : index
          %swap3A_308 = tpu.vector_load %arg9[%swap3A_306, %swap3A_307] {strides = array<i32>} : memref<128x256xf32, #tpu.memory_space<vmem>>, vector<1x16xf32>,
          %swap3A_309 = vector.shape_cast %swap3A_308 : vector<1x16xf32> to vector<16xf32>
          %swap3A_310 = vector.shape_cast %broadcast_in_dim3A_24 : vector<16xf32> to vector<1x16xf32>
          tpu.vector_store %arg9[%swap3A_306, %swap3A_307], %swap3A_310 {strides = array<i32>} : memref<128x256xf32, #tpu.memory_space<vmem>>, vector<1x16xf32>,
          %swap3A_311 = arith.index_cast %while3A_256 : i32 to index
          %swap3A_312 = arith.constant 176 : index
          %swap3A_313 = tpu.vector_load %arg9[%swap3A_311, %swap3A_312] {strides = array<i32>} : memref<128x256xf32, #tpu.memory_space<vmem>>, vector<1x16xf32>,
          %swap3A_314 = vector.shape_cast %swap3A_313 : vector<1x16xf32> to vector<16xf32>
          %swap3A_315 = vector.shape_cast %broadcast_in_dim3A_24 : vector<16xf32> to vector<1x16xf32>
          tpu.vector_store %arg9[%swap3A_311, %swap3A_312], %swap3A_315 {strides = array<i32>} : memref<128x256xf32, #tpu.memory_space<vmem>>, vector<1x16xf32>,
          %swap3A_316 = arith.index_cast %while3A_256 : i32 to index
          %swap3A_317 = arith.constant 192 : index
          %swap3A_318 = tpu.vector_load %arg9[%swap3A_316, %swap3A_317] {strides = array<i32>} : memref<128x256xf32, #tpu.memory_space<vmem>>, vector<1x16xf32>,
          %swap3A_319 = vector.shape_cast %swap3A_318 : vector<1x16xf32> to vector<16xf32>
          %swap3A_320 = vector.shape_cast %broadcast_in_dim3A_24 : vector<16xf32> to vector<1x16xf32>
          tpu.vector_store %arg9[%swap3A_316, %swap3A_317], %swap3A_320 {strides = array<i32>} : memref<128x256xf32, #tpu.memory_space<vmem>>, vector<1x16xf32>,
          %swap3A_321 = arith.index_cast %while3A_256 : i32 to index
          %swap3A_322 = arith.constant 208 : index
          %swap3A_323 = tpu.vector_load %arg9[%swap3A_321, %swap3A_322] {strides = array<i32>} : memref<128x256xf32, #tpu.memory_space<vmem>>, vector<1x16xf32>,
          %swap3A_324 = vector.shape_cast %swap3A_323 : vector<1x16xf32> to vector<16xf32>
          %swap3A_325 = vector.shape_cast %broadcast_in_dim3A_24 : vector<16xf32> to vector<1x16xf32>
          tpu.vector_store %arg9[%swap3A_321, %swap3A_322], %swap3A_325 {strides = array<i32>} : memref<128x256xf32, #tpu.memory_space<vmem>>, vector<1x16xf32>,
          %swap3A_326 = arith.index_cast %while3A_256 : i32 to index
          %swap3A_327 = arith.constant 224 : index
          %swap3A_328 = tpu.vector_load %arg9[%swap3A_326, %swap3A_327] {strides = array<i32>} : memref<128x256xf32, #tpu.memory_space<vmem>>, vector<1x16xf32>,
          %swap3A_329 = vector.shape_cast %swap3A_328 : vector<1x16xf32> to vector<16xf32>
          %swap3A_330 = vector.shape_cast %broadcast_in_dim3A_24 : vector<16xf32> to vector<1x16xf32>
          tpu.vector_store %arg9[%swap3A_326, %swap3A_327], %swap3A_330 {strides = array<i32>} : memref<128x256xf32, #tpu.memory_space<vmem>>, vector<1x16xf32>,
          %swap3A_331 = arith.index_cast %while3A_256 : i32 to index
          %swap3A_332 = arith.constant 240 : index
          %swap3A_333 = tpu.vector_load %arg9[%swap3A_331, %swap3A_332] {strides = array<i32>} : memref<128x256xf32, #tpu.memory_space<vmem>>, vector<1x16xf32>,
          %swap3A_334 = vector.shape_cast %swap3A_333 : vector<1x16xf32> to vector<16xf32>
          %swap3A_335 = vector.shape_cast %broadcast_in_dim3A_24 : vector<16xf32> to vector<1x16xf32>
          tpu.vector_store %arg9[%swap3A_331, %swap3A_332], %swap3A_335 {strides = array<i32>} : memref<128x256xf32, #tpu.memory_space<vmem>>, vector<1x16xf32>,
        }
      } else {
      }
      %add3A_237 = arith.constant 512 : i32
      %add3A_238 = arith.addi %mul3A_9, %add3A_237 : i32
      %dma_start3A_239 = arith.constant 0 : i32
      %dma_start3A_240 = tpu.memref_slice %arg5[%arg1, %add3A_238, %dma_start3A_239] : memref<16x2048x256xf32, #tpu.memory_space<hbm>> -> memref<1x128x256xf32, #tpu.memory_space<hbm>>
      %dma_start3A_241 = tpu.memref_squeeze %dma_start3A_240 : memref<1x128x256xf32, #tpu.memory_space<hbm>> -> memref<128x256xf32, #tpu.memory_space<hbm>>
      %dma_start3A_242 = arith.constant 0 : i32
      %dma_start3A_243 = tpu.memref_slice %arg5[%arg1, %add3A_238, %dma_start3A_242] : memref<16x2048x256xf32, #tpu.memory_space<hbm>> -> memref<1x128x256xf32, #tpu.memory_space<hbm>>
      %dma_start3A_244 = tpu.memref_squeeze %dma_start3A_243 : memref<1x128x256xf32, #tpu.memory_space<hbm>> -> memref<128x256xf32, #tpu.memory_space<hbm>>
      tpu.enqueue_dma source(%arg9 : memref<128x256xf32, #tpu.memory_space<vmem>>) target(%dma_start3A_244 : memref<128x256xf32, #tpu.memory_space<hbm>>) target_semaphore(%arg18 : memref<!tpu.dma_semaphore, #tpu.memory_space<semaphore_mem>>)
    } else {
    }
    %not3A_148 = arith.constant true
    %not3A_149 = arith.xori %gt3A_35, %not3A_148 : i1
    %convert_element_type3A_150 = arith.extui %not3A_149 : i1 to i32
    %cond3A_151 = arith.constant 0 : i32
    %cond3A_152 = arith.cmpi ne, %convert_element_type3A_150, %cond3A_151 : i32
    scf.if %cond3A_152 {
      %add3A_227 = arith.constant 512 : i32
      %add3A_228 = arith.addi %mul3A_9, %add3A_227 : i32
      %dma_start3A_229 = arith.constant 0 : i32
      %dma_start3A_230 = tpu.memref_slice %arg5[%arg1, %add3A_228, %dma_start3A_229] : memref<16x2048x256xf32, #tpu.memory_space<hbm>> -> memref<1x64x256xf32, #tpu.memory_space<hbm>>
      %dma_start3A_231 = tpu.memref_squeeze %dma_start3A_230 : memref<1x64x256xf32, #tpu.memory_space<hbm>> -> memref<64x256xf32, #tpu.memory_space<hbm>>
      %dma_start3A_232 = arith.constant 0 : i32
      %dma_start3A_233 = tpu.memref_slice %arg5[%arg1, %add3A_228, %dma_start3A_232] : memref<16x2048x256xf32, #tpu.memory_space<hbm>> -> memref<1x64x256xf32, #tpu.memory_space<hbm>>
      %dma_start3A_234 = tpu.memref_squeeze %dma_start3A_233 : memref<1x64x256xf32, #tpu.memory_space<hbm>> -> memref<64x256xf32, #tpu.memory_space<hbm>>
      tpu.enqueue_dma source(%arg11 : memref<64x256xf32, #tpu.memory_space<vmem>>) target(%dma_start3A_234 : memref<64x256xf32, #tpu.memory_space<hbm>>) target_semaphore(%arg18 : memref<!tpu.dma_semaphore, #tpu.memory_space<semaphore_mem>>)
      %add3A_235 = arith.constant 64 : i32
      %add3A_236 = arith.addi %add3A_228, %add3A_235 : i32
      %dma_start3A_237 = arith.constant 0 : i32
      %dma_start3A_238 = tpu.memref_slice %arg5[%arg1, %add3A_236, %dma_start3A_237] : memref<16x2048x256xf32, #tpu.memory_space<hbm>> -> memref<1x64x256xf32, #tpu.memory_space<hbm>>
      %dma_start3A_239 = tpu.memref_squeeze %dma_start3A_238 : memref<1x64x256xf32, #tpu.memory_space<hbm>> -> memref<64x256xf32, #tpu.memory_space<hbm>>
      %dma_start3A_240 = arith.constant 0 : i32
      %dma_start3A_241 = tpu.memref_slice %arg5[%arg1, %add3A_236, %dma_start3A_240] : memref<16x2048x256xf32, #tpu.memory_space<hbm>> -> memref<1x64x256xf32, #tpu.memory_space<hbm>>
      %dma_start3A_242 = tpu.memref_squeeze %dma_start3A_241 : memref<1x64x256xf32, #tpu.memory_space<hbm>> -> memref<64x256xf32, #tpu.memory_space<hbm>>
      tpu.enqueue_dma source(%arg11 : memref<64x256xf32, #tpu.memory_space<vmem>>) target(%dma_start3A_242 : memref<64x256xf32, #tpu.memory_space<hbm>>) target_semaphore(%arg18 : memref<!tpu.dma_semaphore, #tpu.memory_space<semaphore_mem>>)
    } else {
    }
    %add3A_153 = arith.constant 384 : i32
    %add3A_154 = arith.addi %mul3A_9, %add3A_153 : i32
    %dma_wait3A_155 = arith.constant 0 : i32
    %dma_wait3A_156 = tpu.memref_slice %arg5[%arg1, %add3A_154, %dma_wait3A_155] : memref<16x2048x256xf32, #tpu.memory_space<hbm>> -> memref<1x128x256xf32, #tpu.memory_space<hbm>>
    %dma_wait3A_157 = tpu.memref_squeeze %dma_wait3A_156 : memref<1x128x256xf32, #tpu.memory_space<hbm>> -> memref<128x256xf32, #tpu.memory_space<hbm>>
    %dma_wait3A_158 = arith.constant 0 : i32
    %dma_wait3A_159 = tpu.memref_slice %arg5[%arg1, %add3A_154, %dma_wait3A_158] : memref<16x2048x256xf32, #tpu.memory_space<hbm>> -> memref<1x128x256xf32, #tpu.memory_space<hbm>>
    %dma_wait3A_160 = tpu.memref_squeeze %dma_wait3A_159 : memref<1x128x256xf32, #tpu.memory_space<hbm>> -> memref<128x256xf32, #tpu.memory_space<hbm>>
    tpu.wait_dma2 semaphore(%arg17 : memref<!tpu.dma_semaphore, #tpu.memory_space<semaphore_mem>>) src(%arg8 : memref<128x256xf32, #tpu.memory_space<vmem>>) dst(%dma_wait3A_160 : memref<128x256xf32, #tpu.memory_space<hbm>>)
    %convert_element_type3A_161 = arith.extui %gt3A_39 : i1 to i32
    %cond3A_162 = arith.constant 0 : i32
    %cond3A_163 = arith.cmpi ne, %convert_element_type3A_161, %cond3A_162 : i32
    scf.if %cond3A_163 {
      %dma_start3A_227 = arith.constant 768 : i32
      %dma_start3A_228 = tpu.memref_slice %arg7[%dma_start3A_227] : memref<1024xi32, #tpu.memory_space<vmem>> -> memref<128xi32, #tpu.memory_space<vmem>>
      %dma_start3A_229 = arith.constant 0 : i32
      %dma_start3A_230 = arith.constant 0 : i32
      %dma_start3A_231 = tpu.memref_slice %arg2[%dma_start3A_229, %dma_start3A_230] : memref<100000x256xf32, #tpu.memory_space<hbm>> -> memref<100000x256xf32, #tpu.memory_space<hbm>>
      tpu.enqueue_indirect_dma source(%dma_start3A_231 : memref<100000x256xf32, #tpu.memory_space<hbm>>) target(%arg8 : memref<128x256xf32, #tpu.memory_space<vmem>>) offsets(%dma_start3A_228 : memref<128xi32, #tpu.memory_space<vmem>>) semaphore(%arg14 : memref<!tpu.dma_semaphore, #tpu.memory_space<semaphore_mem>>)
    } else {
    }
    %convert_element_type3A_164 = arith.extui %gt3A_37 : i1 to i32
    %cond3A_165 = arith.constant 0 : i32
    %cond3A_166 = arith.cmpi ne, %convert_element_type3A_164, %cond3A_165 : i32
    scf.if %cond3A_166 {
      %dma_wait3A_227 = arith.constant 640 : i32
      %dma_wait3A_228 = tpu.memref_slice %arg7[%dma_wait3A_227] : memref<1024xi32, #tpu.memory_space<vmem>> -> memref<128xi32, #tpu.memory_space<vmem>>
      %dma_wait3A_229 = arith.constant 0 : i32
      %dma_wait3A_230 = arith.constant 0 : i32
      %dma_wait3A_231 = tpu.memref_slice %arg2[%dma_wait3A_229, %dma_wait3A_230] : memref<100000x256xf32, #tpu.memory_space<hbm>> -> memref<100000x256xf32, #tpu.memory_space<hbm>>
      tpu.wait_indirect_dma semaphore(%arg16 : memref<!tpu.dma_semaphore, #tpu.memory_space<semaphore_mem>>) src(%dma_wait3A_231 : memref<100000x256xf32, #tpu.memory_space<hbm>>) dst(%arg10 : memref<128x256xf32, #tpu.memory_space<vmem>>)
      %not3A_232 = arith.constant true
      %not3A_233 = arith.xori %ge3A_52, %not3A_232 : i1
      %convert_element_type3A_234 = arith.extui %not3A_233 : i1 to i32
      %cond3A_235 = arith.constant 0 : i32
      %cond3A_236 = arith.cmpi ne, %convert_element_type3A_234, %cond3A_235 : i32
      scf.if %cond3A_236 {
        %sub3A_245 = arith.constant 640 : i32
        %sub3A_246 = arith.subi %min3A, %sub3A_245 : i32
        %while3A = arith.constant 0 : i32
        %while3A_247 = arith.constant 128 : i32
        %while3A_248 = arith.subi %while3A_247, %sub3A_246 : i32
        %while3A_249 = arith.addi %sub3A_246, %while3A_248 : i32
        %while3A_250 = arith.constant 1 : i32
        %while3A_251 = arith.divsi %while3A_248, %while3A_250 : i32
        %while3A_252 = arith.muli %while3A_251, %while3A_250 : i32
        %while3A_253 = arith.addi %sub3A_246, %while3A_252 : i32
        %while3A_254 = arith.constant 1 : i32
        scf.for %while3A_256 = %sub3A_246 to %while3A_253 step %while3A_254  : i32 {
          %swap3A = arith.index_cast %while3A_256 : i32 to index
          %swap3A_257 = arith.constant 0 : index
          %swap3A_258 = tpu.vector_load %arg10[%swap3A, %swap3A_257] {strides = array<i32>} : memref<128x256xf32, #tpu.memory_space<vmem>>, vector<1x16xf32>,
          %swap3A_259 = vector.shape_cast %swap3A_258 : vector<1x16xf32> to vector<16xf32>
          %swap3A_260 = vector.shape_cast %broadcast_in_dim3A_24 : vector<16xf32> to vector<1x16xf32>
          tpu.vector_store %arg10[%swap3A, %swap3A_257], %swap3A_260 {strides = array<i32>} : memref<128x256xf32, #tpu.memory_space<vmem>>, vector<1x16xf32>,
          %swap3A_261 = arith.index_cast %while3A_256 : i32 to index
          %swap3A_262 = arith.constant 16 : index
          %swap3A_263 = tpu.vector_load %arg10[%swap3A_261, %swap3A_262] {strides = array<i32>} : memref<128x256xf32, #tpu.memory_space<vmem>>, vector<1x16xf32>,
          %swap3A_264 = vector.shape_cast %swap3A_263 : vector<1x16xf32> to vector<16xf32>
          %swap3A_265 = vector.shape_cast %broadcast_in_dim3A_24 : vector<16xf32> to vector<1x16xf32>
          tpu.vector_store %arg10[%swap3A_261, %swap3A_262], %swap3A_265 {strides = array<i32>} : memref<128x256xf32, #tpu.memory_space<vmem>>, vector<1x16xf32>,
          %swap3A_266 = arith.index_cast %while3A_256 : i32 to index
          %swap3A_267 = arith.constant 32 : index
          %swap3A_268 = tpu.vector_load %arg10[%swap3A_266, %swap3A_267] {strides = array<i32>} : memref<128x256xf32, #tpu.memory_space<vmem>>, vector<1x16xf32>,
          %swap3A_269 = vector.shape_cast %swap3A_268 : vector<1x16xf32> to vector<16xf32>
          %swap3A_270 = vector.shape_cast %broadcast_in_dim3A_24 : vector<16xf32> to vector<1x16xf32>
          tpu.vector_store %arg10[%swap3A_266, %swap3A_267], %swap3A_270 {strides = array<i32>} : memref<128x256xf32, #tpu.memory_space<vmem>>, vector<1x16xf32>,
          %swap3A_271 = arith.index_cast %while3A_256 : i32 to index
          %swap3A_272 = arith.constant 48 : index
          %swap3A_273 = tpu.vector_load %arg10[%swap3A_271, %swap3A_272] {strides = array<i32>} : memref<128x256xf32, #tpu.memory_space<vmem>>, vector<1x16xf32>,
          %swap3A_274 = vector.shape_cast %swap3A_273 : vector<1x16xf32> to vector<16xf32>
          %swap3A_275 = vector.shape_cast %broadcast_in_dim3A_24 : vector<16xf32> to vector<1x16xf32>
          tpu.vector_store %arg10[%swap3A_271, %swap3A_272], %swap3A_275 {strides = array<i32>} : memref<128x256xf32, #tpu.memory_space<vmem>>, vector<1x16xf32>,
          %swap3A_276 = arith.index_cast %while3A_256 : i32 to index
          %swap3A_277 = arith.constant 64 : index
          %swap3A_278 = tpu.vector_load %arg10[%swap3A_276, %swap3A_277] {strides = array<i32>} : memref<128x256xf32, #tpu.memory_space<vmem>>, vector<1x16xf32>,
          %swap3A_279 = vector.shape_cast %swap3A_278 : vector<1x16xf32> to vector<16xf32>
          %swap3A_280 = vector.shape_cast %broadcast_in_dim3A_24 : vector<16xf32> to vector<1x16xf32>
          tpu.vector_store %arg10[%swap3A_276, %swap3A_277], %swap3A_280 {strides = array<i32>} : memref<128x256xf32, #tpu.memory_space<vmem>>, vector<1x16xf32>,
          %swap3A_281 = arith.index_cast %while3A_256 : i32 to index
          %swap3A_282 = arith.constant 80 : index
          %swap3A_283 = tpu.vector_load %arg10[%swap3A_281, %swap3A_282] {strides = array<i32>} : memref<128x256xf32, #tpu.memory_space<vmem>>, vector<1x16xf32>,
          %swap3A_284 = vector.shape_cast %swap3A_283 : vector<1x16xf32> to vector<16xf32>
          %swap3A_285 = vector.shape_cast %broadcast_in_dim3A_24 : vector<16xf32> to vector<1x16xf32>
          tpu.vector_store %arg10[%swap3A_281, %swap3A_282], %swap3A_285 {strides = array<i32>} : memref<128x256xf32, #tpu.memory_space<vmem>>, vector<1x16xf32>,
          %swap3A_286 = arith.index_cast %while3A_256 : i32 to index
          %swap3A_287 = arith.constant 96 : index
          %swap3A_288 = tpu.vector_load %arg10[%swap3A_286, %swap3A_287] {strides = array<i32>} : memref<128x256xf32, #tpu.memory_space<vmem>>, vector<1x16xf32>,
          %swap3A_289 = vector.shape_cast %swap3A_288 : vector<1x16xf32> to vector<16xf32>
          %swap3A_290 = vector.shape_cast %broadcast_in_dim3A_24 : vector<16xf32> to vector<1x16xf32>
          tpu.vector_store %arg10[%swap3A_286, %swap3A_287], %swap3A_290 {strides = array<i32>} : memref<128x256xf32, #tpu.memory_space<vmem>>, vector<1x16xf32>,
          %swap3A_291 = arith.index_cast %while3A_256 : i32 to index
          %swap3A_292 = arith.constant 112 : index
          %swap3A_293 = tpu.vector_load %arg10[%swap3A_291, %swap3A_292] {strides = array<i32>} : memref<128x256xf32, #tpu.memory_space<vmem>>, vector<1x16xf32>,
          %swap3A_294 = vector.shape_cast %swap3A_293 : vector<1x16xf32> to vector<16xf32>
          %swap3A_295 = vector.shape_cast %broadcast_in_dim3A_24 : vector<16xf32> to vector<1x16xf32>
          tpu.vector_store %arg10[%swap3A_291, %swap3A_292], %swap3A_295 {strides = array<i32>} : memref<128x256xf32, #tpu.memory_space<vmem>>, vector<1x16xf32>,
          %swap3A_296 = arith.index_cast %while3A_256 : i32 to index
          %swap3A_297 = arith.constant 128 : index
          %swap3A_298 = tpu.vector_load %arg10[%swap3A_296, %swap3A_297] {strides = array<i32>} : memref<128x256xf32, #tpu.memory_space<vmem>>, vector<1x16xf32>,
          %swap3A_299 = vector.shape_cast %swap3A_298 : vector<1x16xf32> to vector<16xf32>
          %swap3A_300 = vector.shape_cast %broadcast_in_dim3A_24 : vector<16xf32> to vector<1x16xf32>
          tpu.vector_store %arg10[%swap3A_296, %swap3A_297], %swap3A_300 {strides = array<i32>} : memref<128x256xf32, #tpu.memory_space<vmem>>, vector<1x16xf32>,
          %swap3A_301 = arith.index_cast %while3A_256 : i32 to index
          %swap3A_302 = arith.constant 144 : index
          %swap3A_303 = tpu.vector_load %arg10[%swap3A_301, %swap3A_302] {strides = array<i32>} : memref<128x256xf32, #tpu.memory_space<vmem>>, vector<1x16xf32>,
          %swap3A_304 = vector.shape_cast %swap3A_303 : vector<1x16xf32> to vector<16xf32>
          %swap3A_305 = vector.shape_cast %broadcast_in_dim3A_24 : vector<16xf32> to vector<1x16xf32>
          tpu.vector_store %arg10[%swap3A_301, %swap3A_302], %swap3A_305 {strides = array<i32>} : memref<128x256xf32, #tpu.memory_space<vmem>>, vector<1x16xf32>,
          %swap3A_306 = arith.index_cast %while3A_256 : i32 to index
          %swap3A_307 = arith.constant 160 : index
          %swap3A_308 = tpu.vector_load %arg10[%swap3A_306, %swap3A_307] {strides = array<i32>} : memref<128x256xf32, #tpu.memory_space<vmem>>, vector<1x16xf32>,
          %swap3A_309 = vector.shape_cast %swap3A_308 : vector<1x16xf32> to vector<16xf32>
          %swap3A_310 = vector.shape_cast %broadcast_in_dim3A_24 : vector<16xf32> to vector<1x16xf32>
          tpu.vector_store %arg10[%swap3A_306, %swap3A_307], %swap3A_310 {strides = array<i32>} : memref<128x256xf32, #tpu.memory_space<vmem>>, vector<1x16xf32>,
          %swap3A_311 = arith.index_cast %while3A_256 : i32 to index
          %swap3A_312 = arith.constant 176 : index
          %swap3A_313 = tpu.vector_load %arg10[%swap3A_311, %swap3A_312] {strides = array<i32>} : memref<128x256xf32, #tpu.memory_space<vmem>>, vector<1x16xf32>,
          %swap3A_314 = vector.shape_cast %swap3A_313 : vector<1x16xf32> to vector<16xf32>
          %swap3A_315 = vector.shape_cast %broadcast_in_dim3A_24 : vector<16xf32> to vector<1x16xf32>
          tpu.vector_store %arg10[%swap3A_311, %swap3A_312], %swap3A_315 {strides = array<i32>} : memref<128x256xf32, #tpu.memory_space<vmem>>, vector<1x16xf32>,
          %swap3A_316 = arith.index_cast %while3A_256 : i32 to index
          %swap3A_317 = arith.constant 192 : index
          %swap3A_318 = tpu.vector_load %arg10[%swap3A_316, %swap3A_317] {strides = array<i32>} : memref<128x256xf32, #tpu.memory_space<vmem>>, vector<1x16xf32>,
          %swap3A_319 = vector.shape_cast %swap3A_318 : vector<1x16xf32> to vector<16xf32>
          %swap3A_320 = vector.shape_cast %broadcast_in_dim3A_24 : vector<16xf32> to vector<1x16xf32>
          tpu.vector_store %arg10[%swap3A_316, %swap3A_317], %swap3A_320 {strides = array<i32>} : memref<128x256xf32, #tpu.memory_space<vmem>>, vector<1x16xf32>,
          %swap3A_321 = arith.index_cast %while3A_256 : i32 to index
          %swap3A_322 = arith.constant 208 : index
          %swap3A_323 = tpu.vector_load %arg10[%swap3A_321, %swap3A_322] {strides = array<i32>} : memref<128x256xf32, #tpu.memory_space<vmem>>, vector<1x16xf32>,
          %swap3A_324 = vector.shape_cast %swap3A_323 : vector<1x16xf32> to vector<16xf32>
          %swap3A_325 = vector.shape_cast %broadcast_in_dim3A_24 : vector<16xf32> to vector<1x16xf32>
          tpu.vector_store %arg10[%swap3A_321, %swap3A_322], %swap3A_325 {strides = array<i32>} : memref<128x256xf32, #tpu.memory_space<vmem>>, vector<1x16xf32>,
          %swap3A_326 = arith.index_cast %while3A_256 : i32 to index
          %swap3A_327 = arith.constant 224 : index
          %swap3A_328 = tpu.vector_load %arg10[%swap3A_326, %swap3A_327] {strides = array<i32>} : memref<128x256xf32, #tpu.memory_space<vmem>>, vector<1x16xf32>,
          %swap3A_329 = vector.shape_cast %swap3A_328 : vector<1x16xf32> to vector<16xf32>
          %swap3A_330 = vector.shape_cast %broadcast_in_dim3A_24 : vector<16xf32> to vector<1x16xf32>
          tpu.vector_store %arg10[%swap3A_326, %swap3A_327], %swap3A_330 {strides = array<i32>} : memref<128x256xf32, #tpu.memory_space<vmem>>, vector<1x16xf32>,
          %swap3A_331 = arith.index_cast %while3A_256 : i32 to index
          %swap3A_332 = arith.constant 240 : index
          %swap3A_333 = tpu.vector_load %arg10[%swap3A_331, %swap3A_332] {strides = array<i32>} : memref<128x256xf32, #tpu.memory_space<vmem>>, vector<1x16xf32>,
          %swap3A_334 = vector.shape_cast %swap3A_333 : vector<1x16xf32> to vector<16xf32>
          %swap3A_335 = vector.shape_cast %broadcast_in_dim3A_24 : vector<16xf32> to vector<1x16xf32>
          tpu.vector_store %arg10[%swap3A_331, %swap3A_332], %swap3A_335 {strides = array<i32>} : memref<128x256xf32, #tpu.memory_space<vmem>>, vector<1x16xf32>,
        }
        %while3A_255 = arith.constant 1 : i32
        scf.for %while3A_256 = %while3A_253 to %while3A_249 step %while3A_255  : i32 {
          %swap3A = arith.index_cast %while3A_256 : i32 to index
          %swap3A_257 = arith.constant 0 : index
          %swap3A_258 = tpu.vector_load %arg10[%swap3A, %swap3A_257] {strides = array<i32>} : memref<128x256xf32, #tpu.memory_space<vmem>>, vector<1x16xf32>,
          %swap3A_259 = vector.shape_cast %swap3A_258 : vector<1x16xf32> to vector<16xf32>
          %swap3A_260 = vector.shape_cast %broadcast_in_dim3A_24 : vector<16xf32> to vector<1x16xf32>
          tpu.vector_store %arg10[%swap3A, %swap3A_257], %swap3A_260 {strides = array<i32>} : memref<128x256xf32, #tpu.memory_space<vmem>>, vector<1x16xf32>,
          %swap3A_261 = arith.index_cast %while3A_256 : i32 to index
          %swap3A_262 = arith.constant 16 : index
          %swap3A_263 = tpu.vector_load %arg10[%swap3A_261, %swap3A_262] {strides = array<i32>} : memref<128x256xf32, #tpu.memory_space<vmem>>, vector<1x16xf32>,
          %swap3A_264 = vector.shape_cast %swap3A_263 : vector<1x16xf32> to vector<16xf32>
          %swap3A_265 = vector.shape_cast %broadcast_in_dim3A_24 : vector<16xf32> to vector<1x16xf32>
          tpu.vector_store %arg10[%swap3A_261, %swap3A_262], %swap3A_265 {strides = array<i32>} : memref<128x256xf32, #tpu.memory_space<vmem>>, vector<1x16xf32>,
          %swap3A_266 = arith.index_cast %while3A_256 : i32 to index
          %swap3A_267 = arith.constant 32 : index
          %swap3A_268 = tpu.vector_load %arg10[%swap3A_266, %swap3A_267] {strides = array<i32>} : memref<128x256xf32, #tpu.memory_space<vmem>>, vector<1x16xf32>,
          %swap3A_269 = vector.shape_cast %swap3A_268 : vector<1x16xf32> to vector<16xf32>
          %swap3A_270 = vector.shape_cast %broadcast_in_dim3A_24 : vector<16xf32> to vector<1x16xf32>
          tpu.vector_store %arg10[%swap3A_266, %swap3A_267], %swap3A_270 {strides = array<i32>} : memref<128x256xf32, #tpu.memory_space<vmem>>, vector<1x16xf32>,
          %swap3A_271 = arith.index_cast %while3A_256 : i32 to index
          %swap3A_272 = arith.constant 48 : index
          %swap3A_273 = tpu.vector_load %arg10[%swap3A_271, %swap3A_272] {strides = array<i32>} : memref<128x256xf32, #tpu.memory_space<vmem>>, vector<1x16xf32>,
          %swap3A_274 = vector.shape_cast %swap3A_273 : vector<1x16xf32> to vector<16xf32>
          %swap3A_275 = vector.shape_cast %broadcast_in_dim3A_24 : vector<16xf32> to vector<1x16xf32>
          tpu.vector_store %arg10[%swap3A_271, %swap3A_272], %swap3A_275 {strides = array<i32>} : memref<128x256xf32, #tpu.memory_space<vmem>>, vector<1x16xf32>,
          %swap3A_276 = arith.index_cast %while3A_256 : i32 to index
          %swap3A_277 = arith.constant 64 : index
          %swap3A_278 = tpu.vector_load %arg10[%swap3A_276, %swap3A_277] {strides = array<i32>} : memref<128x256xf32, #tpu.memory_space<vmem>>, vector<1x16xf32>,
          %swap3A_279 = vector.shape_cast %swap3A_278 : vector<1x16xf32> to vector<16xf32>
          %swap3A_280 = vector.shape_cast %broadcast_in_dim3A_24 : vector<16xf32> to vector<1x16xf32>
          tpu.vector_store %arg10[%swap3A_276, %swap3A_277], %swap3A_280 {strides = array<i32>} : memref<128x256xf32, #tpu.memory_space<vmem>>, vector<1x16xf32>,
          %swap3A_281 = arith.index_cast %while3A_256 : i32 to index
          %swap3A_282 = arith.constant 80 : index
          %swap3A_283 = tpu.vector_load %arg10[%swap3A_281, %swap3A_282] {strides = array<i32>} : memref<128x256xf32, #tpu.memory_space<vmem>>, vector<1x16xf32>,
          %swap3A_284 = vector.shape_cast %swap3A_283 : vector<1x16xf32> to vector<16xf32>
          %swap3A_285 = vector.shape_cast %broadcast_in_dim3A_24 : vector<16xf32> to vector<1x16xf32>
          tpu.vector_store %arg10[%swap3A_281, %swap3A_282], %swap3A_285 {strides = array<i32>} : memref<128x256xf32, #tpu.memory_space<vmem>>, vector<1x16xf32>,
          %swap3A_286 = arith.index_cast %while3A_256 : i32 to index
          %swap3A_287 = arith.constant 96 : index
          %swap3A_288 = tpu.vector_load %arg10[%swap3A_286, %swap3A_287] {strides = array<i32>} : memref<128x256xf32, #tpu.memory_space<vmem>>, vector<1x16xf32>,
          %swap3A_289 = vector.shape_cast %swap3A_288 : vector<1x16xf32> to vector<16xf32>
          %swap3A_290 = vector.shape_cast %broadcast_in_dim3A_24 : vector<16xf32> to vector<1x16xf32>
          tpu.vector_store %arg10[%swap3A_286, %swap3A_287], %swap3A_290 {strides = array<i32>} : memref<128x256xf32, #tpu.memory_space<vmem>>, vector<1x16xf32>,
          %swap3A_291 = arith.index_cast %while3A_256 : i32 to index
          %swap3A_292 = arith.constant 112 : index
          %swap3A_293 = tpu.vector_load %arg10[%swap3A_291, %swap3A_292] {strides = array<i32>} : memref<128x256xf32, #tpu.memory_space<vmem>>, vector<1x16xf32>,
          %swap3A_294 = vector.shape_cast %swap3A_293 : vector<1x16xf32> to vector<16xf32>
          %swap3A_295 = vector.shape_cast %broadcast_in_dim3A_24 : vector<16xf32> to vector<1x16xf32>
          tpu.vector_store %arg10[%swap3A_291, %swap3A_292], %swap3A_295 {strides = array<i32>} : memref<128x256xf32, #tpu.memory_space<vmem>>, vector<1x16xf32>,
          %swap3A_296 = arith.index_cast %while3A_256 : i32 to index
          %swap3A_297 = arith.constant 128 : index
          %swap3A_298 = tpu.vector_load %arg10[%swap3A_296, %swap3A_297] {strides = array<i32>} : memref<128x256xf32, #tpu.memory_space<vmem>>, vector<1x16xf32>,
          %swap3A_299 = vector.shape_cast %swap3A_298 : vector<1x16xf32> to vector<16xf32>
          %swap3A_300 = vector.shape_cast %broadcast_in_dim3A_24 : vector<16xf32> to vector<1x16xf32>
          tpu.vector_store %arg10[%swap3A_296, %swap3A_297], %swap3A_300 {strides = array<i32>} : memref<128x256xf32, #tpu.memory_space<vmem>>, vector<1x16xf32>,
          %swap3A_301 = arith.index_cast %while3A_256 : i32 to index
          %swap3A_302 = arith.constant 144 : index
          %swap3A_303 = tpu.vector_load %arg10[%swap3A_301, %swap3A_302] {strides = array<i32>} : memref<128x256xf32, #tpu.memory_space<vmem>>, vector<1x16xf32>,
          %swap3A_304 = vector.shape_cast %swap3A_303 : vector<1x16xf32> to vector<16xf32>
          %swap3A_305 = vector.shape_cast %broadcast_in_dim3A_24 : vector<16xf32> to vector<1x16xf32>
          tpu.vector_store %arg10[%swap3A_301, %swap3A_302], %swap3A_305 {strides = array<i32>} : memref<128x256xf32, #tpu.memory_space<vmem>>, vector<1x16xf32>,
          %swap3A_306 = arith.index_cast %while3A_256 : i32 to index
          %swap3A_307 = arith.constant 160 : index
          %swap3A_308 = tpu.vector_load %arg10[%swap3A_306, %swap3A_307] {strides = array<i32>} : memref<128x256xf32, #tpu.memory_space<vmem>>, vector<1x16xf32>,
          %swap3A_309 = vector.shape_cast %swap3A_308 : vector<1x16xf32> to vector<16xf32>
          %swap3A_310 = vector.shape_cast %broadcast_in_dim3A_24 : vector<16xf32> to vector<1x16xf32>
          tpu.vector_store %arg10[%swap3A_306, %swap3A_307], %swap3A_310 {strides = array<i32>} : memref<128x256xf32, #tpu.memory_space<vmem>>, vector<1x16xf32>,
          %swap3A_311 = arith.index_cast %while3A_256 : i32 to index
          %swap3A_312 = arith.constant 176 : index
          %swap3A_313 = tpu.vector_load %arg10[%swap3A_311, %swap3A_312] {strides = array<i32>} : memref<128x256xf32, #tpu.memory_space<vmem>>, vector<1x16xf32>,
          %swap3A_314 = vector.shape_cast %swap3A_313 : vector<1x16xf32> to vector<16xf32>
          %swap3A_315 = vector.shape_cast %broadcast_in_dim3A_24 : vector<16xf32> to vector<1x16xf32>
          tpu.vector_store %arg10[%swap3A_311, %swap3A_312], %swap3A_315 {strides = array<i32>} : memref<128x256xf32, #tpu.memory_space<vmem>>, vector<1x16xf32>,
          %swap3A_316 = arith.index_cast %while3A_256 : i32 to index
          %swap3A_317 = arith.constant 192 : index
          %swap3A_318 = tpu.vector_load %arg10[%swap3A_316, %swap3A_317] {strides = array<i32>} : memref<128x256xf32, #tpu.memory_space<vmem>>, vector<1x16xf32>,
          %swap3A_319 = vector.shape_cast %swap3A_318 : vector<1x16xf32> to vector<16xf32>
          %swap3A_320 = vector.shape_cast %broadcast_in_dim3A_24 : vector<16xf32> to vector<1x16xf32>
          tpu.vector_store %arg10[%swap3A_316, %swap3A_317], %swap3A_320 {strides = array<i32>} : memref<128x256xf32, #tpu.memory_space<vmem>>, vector<1x16xf32>,
          %swap3A_321 = arith.index_cast %while3A_256 : i32 to index
          %swap3A_322 = arith.constant 208 : index
          %swap3A_323 = tpu.vector_load %arg10[%swap3A_321, %swap3A_322] {strides = array<i32>} : memref<128x256xf32, #tpu.memory_space<vmem>>, vector<1x16xf32>,
          %swap3A_324 = vector.shape_cast %swap3A_323 : vector<1x16xf32> to vector<16xf32>
          %swap3A_325 = vector.shape_cast %broadcast_in_dim3A_24 : vector<16xf32> to vector<1x16xf32>
          tpu.vector_store %arg10[%swap3A_321, %swap3A_322], %swap3A_325 {strides = array<i32>} : memref<128x256xf32, #tpu.memory_space<vmem>>, vector<1x16xf32>,
          %swap3A_326 = arith.index_cast %while3A_256 : i32 to index
          %swap3A_327 = arith.constant 224 : index
          %swap3A_328 = tpu.vector_load %arg10[%swap3A_326, %swap3A_327] {strides = array<i32>} : memref<128x256xf32, #tpu.memory_space<vmem>>, vector<1x16xf32>,
          %swap3A_329 = vector.shape_cast %swap3A_328 : vector<1x16xf32> to vector<16xf32>
          %swap3A_330 = vector.shape_cast %broadcast_in_dim3A_24 : vector<16xf32> to vector<1x16xf32>
          tpu.vector_store %arg10[%swap3A_326, %swap3A_327], %swap3A_330 {strides = array<i32>} : memref<128x256xf32, #tpu.memory_space<vmem>>, vector<1x16xf32>,
          %swap3A_331 = arith.index_cast %while3A_256 : i32 to index
          %swap3A_332 = arith.constant 240 : index
          %swap3A_333 = tpu.vector_load %arg10[%swap3A_331, %swap3A_332] {strides = array<i32>} : memref<128x256xf32, #tpu.memory_space<vmem>>, vector<1x16xf32>,
          %swap3A_334 = vector.shape_cast %swap3A_333 : vector<1x16xf32> to vector<16xf32>
          %swap3A_335 = vector.shape_cast %broadcast_in_dim3A_24 : vector<16xf32> to vector<1x16xf32>
          tpu.vector_store %arg10[%swap3A_331, %swap3A_332], %swap3A_335 {strides = array<i32>} : memref<128x256xf32, #tpu.memory_space<vmem>>, vector<1x16xf32>,
        }
      } else {
      }
      %add3A_237 = arith.constant 640 : i32
      %add3A_238 = arith.addi %mul3A_9, %add3A_237 : i32
      %dma_start3A_239 = arith.constant 0 : i32
      %dma_start3A_240 = tpu.memref_slice %arg5[%arg1, %add3A_238, %dma_start3A_239] : memref<16x2048x256xf32, #tpu.memory_space<hbm>> -> memref<1x128x256xf32, #tpu.memory_space<hbm>>
      %dma_start3A_241 = tpu.memref_squeeze %dma_start3A_240 : memref<1x128x256xf32, #tpu.memory_space<hbm>> -> memref<128x256xf32, #tpu.memory_space<hbm>>
      %dma_start3A_242 = arith.constant 0 : i32
      %dma_start3A_243 = tpu.memref_slice %arg5[%arg1, %add3A_238, %dma_start3A_242] : memref<16x2048x256xf32, #tpu.memory_space<hbm>> -> memref<1x128x256xf32, #tpu.memory_space<hbm>>
      %dma_start3A_244 = tpu.memref_squeeze %dma_start3A_243 : memref<1x128x256xf32, #tpu.memory_space<hbm>> -> memref<128x256xf32, #tpu.memory_space<hbm>>
      tpu.enqueue_dma source(%arg10 : memref<128x256xf32, #tpu.memory_space<vmem>>) target(%dma_start3A_244 : memref<128x256xf32, #tpu.memory_space<hbm>>) target_semaphore(%arg19 : memref<!tpu.dma_semaphore, #tpu.memory_space<semaphore_mem>>)
    } else {
    }
    %not3A_167 = arith.constant true
    %not3A_168 = arith.xori %gt3A_37, %not3A_167 : i1
    %convert_element_type3A_169 = arith.extui %not3A_168 : i1 to i32
    %cond3A_170 = arith.constant 0 : i32
    %cond3A_171 = arith.cmpi ne, %convert_element_type3A_169, %cond3A_170 : i32
    scf.if %cond3A_171 {
      %add3A_227 = arith.constant 640 : i32
      %add3A_228 = arith.addi %mul3A_9, %add3A_227 : i32
      %dma_start3A_229 = arith.constant 0 : i32
      %dma_start3A_230 = tpu.memref_slice %arg5[%arg1, %add3A_228, %dma_start3A_229] : memref<16x2048x256xf32, #tpu.memory_space<hbm>> -> memref<1x64x256xf32, #tpu.memory_space<hbm>>
      %dma_start3A_231 = tpu.memref_squeeze %dma_start3A_230 : memref<1x64x256xf32, #tpu.memory_space<hbm>> -> memref<64x256xf32, #tpu.memory_space<hbm>>
      %dma_start3A_232 = arith.constant 0 : i32
      %dma_start3A_233 = tpu.memref_slice %arg5[%arg1, %add3A_228, %dma_start3A_232] : memref<16x2048x256xf32, #tpu.memory_space<hbm>> -> memref<1x64x256xf32, #tpu.memory_space<hbm>>
      %dma_start3A_234 = tpu.memref_squeeze %dma_start3A_233 : memref<1x64x256xf32, #tpu.memory_space<hbm>> -> memref<64x256xf32, #tpu.memory_space<hbm>>
      tpu.enqueue_dma source(%arg11 : memref<64x256xf32, #tpu.memory_space<vmem>>) target(%dma_start3A_234 : memref<64x256xf32, #tpu.memory_space<hbm>>) target_semaphore(%arg19 : memref<!tpu.dma_semaphore, #tpu.memory_space<semaphore_mem>>)
      %add3A_235 = arith.constant 64 : i32
      %add3A_236 = arith.addi %add3A_228, %add3A_235 : i32
      %dma_start3A_237 = arith.constant 0 : i32
      %dma_start3A_238 = tpu.memref_slice %arg5[%arg1, %add3A_236, %dma_start3A_237] : memref<16x2048x256xf32, #tpu.memory_space<hbm>> -> memref<1x64x256xf32, #tpu.memory_space<hbm>>
      %dma_start3A_239 = tpu.memref_squeeze %dma_start3A_238 : memref<1x64x256xf32, #tpu.memory_space<hbm>> -> memref<64x256xf32, #tpu.memory_space<hbm>>
      %dma_start3A_240 = arith.constant 0 : i32
      %dma_start3A_241 = tpu.memref_slice %arg5[%arg1, %add3A_236, %dma_start3A_240] : memref<16x2048x256xf32, #tpu.memory_space<hbm>> -> memref<1x64x256xf32, #tpu.memory_space<hbm>>
      %dma_start3A_242 = tpu.memref_squeeze %dma_start3A_241 : memref<1x64x256xf32, #tpu.memory_space<hbm>> -> memref<64x256xf32, #tpu.memory_space<hbm>>
      tpu.enqueue_dma source(%arg11 : memref<64x256xf32, #tpu.memory_space<vmem>>) target(%dma_start3A_242 : memref<64x256xf32, #tpu.memory_space<hbm>>) target_semaphore(%arg19 : memref<!tpu.dma_semaphore, #tpu.memory_space<semaphore_mem>>)
    } else {
    }
    %add3A_172 = arith.constant 512 : i32
    %add3A_173 = arith.addi %mul3A_9, %add3A_172 : i32
    %dma_wait3A_174 = arith.constant 0 : i32
    %dma_wait3A_175 = tpu.memref_slice %arg5[%arg1, %add3A_173, %dma_wait3A_174] : memref<16x2048x256xf32, #tpu.memory_space<hbm>> -> memref<1x128x256xf32, #tpu.memory_space<hbm>>
    %dma_wait3A_176 = tpu.memref_squeeze %dma_wait3A_175 : memref<1x128x256xf32, #tpu.memory_space<hbm>> -> memref<128x256xf32, #tpu.memory_space<hbm>>
    %dma_wait3A_177 = arith.constant 0 : i32
    %dma_wait3A_178 = tpu.memref_slice %arg5[%arg1, %add3A_173, %dma_wait3A_177] : memref<16x2048x256xf32, #tpu.memory_space<hbm>> -> memref<1x128x256xf32, #tpu.memory_space<hbm>>
    %dma_wait3A_179 = tpu.memref_squeeze %dma_wait3A_178 : memref<1x128x256xf32, #tpu.memory_space<hbm>> -> memref<128x256xf32, #tpu.memory_space<hbm>>
    tpu.wait_dma2 semaphore(%arg18 : memref<!tpu.dma_semaphore, #tpu.memory_space<semaphore_mem>>) src(%arg9 : memref<128x256xf32, #tpu.memory_space<vmem>>) dst(%dma_wait3A_179 : memref<128x256xf32, #tpu.memory_space<hbm>>)
    %convert_element_type3A_180 = arith.extui %gt3A_41 : i1 to i32
    %cond3A_181 = arith.constant 0 : i32
    %cond3A_182 = arith.cmpi ne, %convert_element_type3A_180, %cond3A_181 : i32
    scf.if %cond3A_182 {
      %dma_start3A_227 = arith.constant 896 : i32
      %dma_start3A_228 = tpu.memref_slice %arg7[%dma_start3A_227] : memref<1024xi32, #tpu.memory_space<vmem>> -> memref<128xi32, #tpu.memory_space<vmem>>
      %dma_start3A_229 = arith.constant 0 : i32
      %dma_start3A_230 = arith.constant 0 : i32
      %dma_start3A_231 = tpu.memref_slice %arg2[%dma_start3A_229, %dma_start3A_230] : memref<100000x256xf32, #tpu.memory_space<hbm>> -> memref<100000x256xf32, #tpu.memory_space<hbm>>
      tpu.enqueue_indirect_dma source(%dma_start3A_231 : memref<100000x256xf32, #tpu.memory_space<hbm>>) target(%arg9 : memref<128x256xf32, #tpu.memory_space<vmem>>) offsets(%dma_start3A_228 : memref<128xi32, #tpu.memory_space<vmem>>) semaphore(%arg15 : memref<!tpu.dma_semaphore, #tpu.memory_space<semaphore_mem>>)
    } else {
    }
    %convert_element_type3A_183 = arith.extui %gt3A_39 : i1 to i32
    %cond3A_184 = arith.constant 0 : i32
    %cond3A_185 = arith.cmpi ne, %convert_element_type3A_183, %cond3A_184 : i32
    scf.if %cond3A_185 {
      %dma_wait3A_227 = arith.constant 768 : i32
      %dma_wait3A_228 = tpu.memref_slice %arg7[%dma_wait3A_227] : memref<1024xi32, #tpu.memory_space<vmem>> -> memref<128xi32, #tpu.memory_space<vmem>>
      %dma_wait3A_229 = arith.constant 0 : i32
      %dma_wait3A_230 = arith.constant 0 : i32
      %dma_wait3A_231 = tpu.memref_slice %arg2[%dma_wait3A_229, %dma_wait3A_230] : memref<100000x256xf32, #tpu.memory_space<hbm>> -> memref<100000x256xf32, #tpu.memory_space<hbm>>
      tpu.wait_indirect_dma semaphore(%arg14 : memref<!tpu.dma_semaphore, #tpu.memory_space<semaphore_mem>>) src(%dma_wait3A_231 : memref<100000x256xf32, #tpu.memory_space<hbm>>) dst(%arg8 : memref<128x256xf32, #tpu.memory_space<vmem>>)
      %not3A_232 = arith.constant true
      %not3A_233 = arith.xori %ge3A_54, %not3A_232 : i1
      %convert_element_type3A_234 = arith.extui %not3A_233 : i1 to i32
      %cond3A_235 = arith.constant 0 : i32
      %cond3A_236 = arith.cmpi ne, %convert_element_type3A_234, %cond3A_235 : i32
      scf.if %cond3A_236 {
        %sub3A_245 = arith.constant 768 : i32
        %sub3A_246 = arith.subi %min3A, %sub3A_245 : i32
        %while3A = arith.constant 0 : i32
        %while3A_247 = arith.constant 128 : i32
        %while3A_248 = arith.subi %while3A_247, %sub3A_246 : i32
        %while3A_249 = arith.addi %sub3A_246, %while3A_248 : i32
        %while3A_250 = arith.constant 1 : i32
        %while3A_251 = arith.divsi %while3A_248, %while3A_250 : i32
        %while3A_252 = arith.muli %while3A_251, %while3A_250 : i32
        %while3A_253 = arith.addi %sub3A_246, %while3A_252 : i32
        %while3A_254 = arith.constant 1 : i32
        scf.for %while3A_256 = %sub3A_246 to %while3A_253 step %while3A_254  : i32 {
          %swap3A = arith.index_cast %while3A_256 : i32 to index
          %swap3A_257 = arith.constant 0 : index
          %swap3A_258 = tpu.vector_load %arg8[%swap3A, %swap3A_257] {strides = array<i32>} : memref<128x256xf32, #tpu.memory_space<vmem>>, vector<1x16xf32>,
          %swap3A_259 = vector.shape_cast %swap3A_258 : vector<1x16xf32> to vector<16xf32>
          %swap3A_260 = vector.shape_cast %broadcast_in_dim3A_24 : vector<16xf32> to vector<1x16xf32>
          tpu.vector_store %arg8[%swap3A, %swap3A_257], %swap3A_260 {strides = array<i32>} : memref<128x256xf32, #tpu.memory_space<vmem>>, vector<1x16xf32>,
          %swap3A_261 = arith.index_cast %while3A_256 : i32 to index
          %swap3A_262 = arith.constant 16 : index
          %swap3A_263 = tpu.vector_load %arg8[%swap3A_261, %swap3A_262] {strides = array<i32>} : memref<128x256xf32, #tpu.memory_space<vmem>>, vector<1x16xf32>,
          %swap3A_264 = vector.shape_cast %swap3A_263 : vector<1x16xf32> to vector<16xf32>
          %swap3A_265 = vector.shape_cast %broadcast_in_dim3A_24 : vector<16xf32> to vector<1x16xf32>
          tpu.vector_store %arg8[%swap3A_261, %swap3A_262], %swap3A_265 {strides = array<i32>} : memref<128x256xf32, #tpu.memory_space<vmem>>, vector<1x16xf32>,
          %swap3A_266 = arith.index_cast %while3A_256 : i32 to index
          %swap3A_267 = arith.constant 32 : index
          %swap3A_268 = tpu.vector_load %arg8[%swap3A_266, %swap3A_267] {strides = array<i32>} : memref<128x256xf32, #tpu.memory_space<vmem>>, vector<1x16xf32>,
          %swap3A_269 = vector.shape_cast %swap3A_268 : vector<1x16xf32> to vector<16xf32>
          %swap3A_270 = vector.shape_cast %broadcast_in_dim3A_24 : vector<16xf32> to vector<1x16xf32>
          tpu.vector_store %arg8[%swap3A_266, %swap3A_267], %swap3A_270 {strides = array<i32>} : memref<128x256xf32, #tpu.memory_space<vmem>>, vector<1x16xf32>,
          %swap3A_271 = arith.index_cast %while3A_256 : i32 to index
          %swap3A_272 = arith.constant 48 : index
          %swap3A_273 = tpu.vector_load %arg8[%swap3A_271, %swap3A_272] {strides = array<i32>} : memref<128x256xf32, #tpu.memory_space<vmem>>, vector<1x16xf32>,
          %swap3A_274 = vector.shape_cast %swap3A_273 : vector<1x16xf32> to vector<16xf32>
          %swap3A_275 = vector.shape_cast %broadcast_in_dim3A_24 : vector<16xf32> to vector<1x16xf32>
          tpu.vector_store %arg8[%swap3A_271, %swap3A_272], %swap3A_275 {strides = array<i32>} : memref<128x256xf32, #tpu.memory_space<vmem>>, vector<1x16xf32>,
          %swap3A_276 = arith.index_cast %while3A_256 : i32 to index
          %swap3A_277 = arith.constant 64 : index
          %swap3A_278 = tpu.vector_load %arg8[%swap3A_276, %swap3A_277] {strides = array<i32>} : memref<128x256xf32, #tpu.memory_space<vmem>>, vector<1x16xf32>,
          %swap3A_279 = vector.shape_cast %swap3A_278 : vector<1x16xf32> to vector<16xf32>
          %swap3A_280 = vector.shape_cast %broadcast_in_dim3A_24 : vector<16xf32> to vector<1x16xf32>
          tpu.vector_store %arg8[%swap3A_276, %swap3A_277], %swap3A_280 {strides = array<i32>} : memref<128x256xf32, #tpu.memory_space<vmem>>, vector<1x16xf32>,
          %swap3A_281 = arith.index_cast %while3A_256 : i32 to index
          %swap3A_282 = arith.constant 80 : index
          %swap3A_283 = tpu.vector_load %arg8[%swap3A_281, %swap3A_282] {strides = array<i32>} : memref<128x256xf32, #tpu.memory_space<vmem>>, vector<1x16xf32>,
          %swap3A_284 = vector.shape_cast %swap3A_283 : vector<1x16xf32> to vector<16xf32>
          %swap3A_285 = vector.shape_cast %broadcast_in_dim3A_24 : vector<16xf32> to vector<1x16xf32>
          tpu.vector_store %arg8[%swap3A_281, %swap3A_282], %swap3A_285 {strides = array<i32>} : memref<128x256xf32, #tpu.memory_space<vmem>>, vector<1x16xf32>,
          %swap3A_286 = arith.index_cast %while3A_256 : i32 to index
          %swap3A_287 = arith.constant 96 : index
          %swap3A_288 = tpu.vector_load %arg8[%swap3A_286, %swap3A_287] {strides = array<i32>} : memref<128x256xf32, #tpu.memory_space<vmem>>, vector<1x16xf32>,
          %swap3A_289 = vector.shape_cast %swap3A_288 : vector<1x16xf32> to vector<16xf32>
          %swap3A_290 = vector.shape_cast %broadcast_in_dim3A_24 : vector<16xf32> to vector<1x16xf32>
          tpu.vector_store %arg8[%swap3A_286, %swap3A_287], %swap3A_290 {strides = array<i32>} : memref<128x256xf32, #tpu.memory_space<vmem>>, vector<1x16xf32>,
          %swap3A_291 = arith.index_cast %while3A_256 : i32 to index
          %swap3A_292 = arith.constant 112 : index
          %swap3A_293 = tpu.vector_load %arg8[%swap3A_291, %swap3A_292] {strides = array<i32>} : memref<128x256xf32, #tpu.memory_space<vmem>>, vector<1x16xf32>,
          %swap3A_294 = vector.shape_cast %swap3A_293 : vector<1x16xf32> to vector<16xf32>
          %swap3A_295 = vector.shape_cast %broadcast_in_dim3A_24 : vector<16xf32> to vector<1x16xf32>
          tpu.vector_store %arg8[%swap3A_291, %swap3A_292], %swap3A_295 {strides = array<i32>} : memref<128x256xf32, #tpu.memory_space<vmem>>, vector<1x16xf32>,
          %swap3A_296 = arith.index_cast %while3A_256 : i32 to index
          %swap3A_297 = arith.constant 128 : index
          %swap3A_298 = tpu.vector_load %arg8[%swap3A_296, %swap3A_297] {strides = array<i32>} : memref<128x256xf32, #tpu.memory_space<vmem>>, vector<1x16xf32>,
          %swap3A_299 = vector.shape_cast %swap3A_298 : vector<1x16xf32> to vector<16xf32>
          %swap3A_300 = vector.shape_cast %broadcast_in_dim3A_24 : vector<16xf32> to vector<1x16xf32>
          tpu.vector_store %arg8[%swap3A_296, %swap3A_297], %swap3A_300 {strides = array<i32>} : memref<128x256xf32, #tpu.memory_space<vmem>>, vector<1x16xf32>,
          %swap3A_301 = arith.index_cast %while3A_256 : i32 to index
          %swap3A_302 = arith.constant 144 : index
          %swap3A_303 = tpu.vector_load %arg8[%swap3A_301, %swap3A_302] {strides = array<i32>} : memref<128x256xf32, #tpu.memory_space<vmem>>, vector<1x16xf32>,
          %swap3A_304 = vector.shape_cast %swap3A_303 : vector<1x16xf32> to vector<16xf32>
          %swap3A_305 = vector.shape_cast %broadcast_in_dim3A_24 : vector<16xf32> to vector<1x16xf32>
          tpu.vector_store %arg8[%swap3A_301, %swap3A_302], %swap3A_305 {strides = array<i32>} : memref<128x256xf32, #tpu.memory_space<vmem>>, vector<1x16xf32>,
          %swap3A_306 = arith.index_cast %while3A_256 : i32 to index
          %swap3A_307 = arith.constant 160 : index
          %swap3A_308 = tpu.vector_load %arg8[%swap3A_306, %swap3A_307] {strides = array<i32>} : memref<128x256xf32, #tpu.memory_space<vmem>>, vector<1x16xf32>,
          %swap3A_309 = vector.shape_cast %swap3A_308 : vector<1x16xf32> to vector<16xf32>
          %swap3A_310 = vector.shape_cast %broadcast_in_dim3A_24 : vector<16xf32> to vector<1x16xf32>
          tpu.vector_store %arg8[%swap3A_306, %swap3A_307], %swap3A_310 {strides = array<i32>} : memref<128x256xf32, #tpu.memory_space<vmem>>, vector<1x16xf32>,
          %swap3A_311 = arith.index_cast %while3A_256 : i32 to index
          %swap3A_312 = arith.constant 176 : index
          %swap3A_313 = tpu.vector_load %arg8[%swap3A_311, %swap3A_312] {strides = array<i32>} : memref<128x256xf32, #tpu.memory_space<vmem>>, vector<1x16xf32>,
          %swap3A_314 = vector.shape_cast %swap3A_313 : vector<1x16xf32> to vector<16xf32>
          %swap3A_315 = vector.shape_cast %broadcast_in_dim3A_24 : vector<16xf32> to vector<1x16xf32>
          tpu.vector_store %arg8[%swap3A_311, %swap3A_312], %swap3A_315 {strides = array<i32>} : memref<128x256xf32, #tpu.memory_space<vmem>>, vector<1x16xf32>,
          %swap3A_316 = arith.index_cast %while3A_256 : i32 to index
          %swap3A_317 = arith.constant 192 : index
          %swap3A_318 = tpu.vector_load %arg8[%swap3A_316, %swap3A_317] {strides = array<i32>} : memref<128x256xf32, #tpu.memory_space<vmem>>, vector<1x16xf32>,
          %swap3A_319 = vector.shape_cast %swap3A_318 : vector<1x16xf32> to vector<16xf32>
          %swap3A_320 = vector.shape_cast %broadcast_in_dim3A_24 : vector<16xf32> to vector<1x16xf32>
          tpu.vector_store %arg8[%swap3A_316, %swap3A_317], %swap3A_320 {strides = array<i32>} : memref<128x256xf32, #tpu.memory_space<vmem>>, vector<1x16xf32>,
          %swap3A_321 = arith.index_cast %while3A_256 : i32 to index
          %swap3A_322 = arith.constant 208 : index
          %swap3A_323 = tpu.vector_load %arg8[%swap3A_321, %swap3A_322] {strides = array<i32>} : memref<128x256xf32, #tpu.memory_space<vmem>>, vector<1x16xf32>,
          %swap3A_324 = vector.shape_cast %swap3A_323 : vector<1x16xf32> to vector<16xf32>
          %swap3A_325 = vector.shape_cast %broadcast_in_dim3A_24 : vector<16xf32> to vector<1x16xf32>
          tpu.vector_store %arg8[%swap3A_321, %swap3A_322], %swap3A_325 {strides = array<i32>} : memref<128x256xf32, #tpu.memory_space<vmem>>, vector<1x16xf32>,
          %swap3A_326 = arith.index_cast %while3A_256 : i32 to index
          %swap3A_327 = arith.constant 224 : index
          %swap3A_328 = tpu.vector_load %arg8[%swap3A_326, %swap3A_327] {strides = array<i32>} : memref<128x256xf32, #tpu.memory_space<vmem>>, vector<1x16xf32>,
          %swap3A_329 = vector.shape_cast %swap3A_328 : vector<1x16xf32> to vector<16xf32>
          %swap3A_330 = vector.shape_cast %broadcast_in_dim3A_24 : vector<16xf32> to vector<1x16xf32>
          tpu.vector_store %arg8[%swap3A_326, %swap3A_327], %swap3A_330 {strides = array<i32>} : memref<128x256xf32, #tpu.memory_space<vmem>>, vector<1x16xf32>,
          %swap3A_331 = arith.index_cast %while3A_256 : i32 to index
          %swap3A_332 = arith.constant 240 : index
          %swap3A_333 = tpu.vector_load %arg8[%swap3A_331, %swap3A_332] {strides = array<i32>} : memref<128x256xf32, #tpu.memory_space<vmem>>, vector<1x16xf32>,
          %swap3A_334 = vector.shape_cast %swap3A_333 : vector<1x16xf32> to vector<16xf32>
          %swap3A_335 = vector.shape_cast %broadcast_in_dim3A_24 : vector<16xf32> to vector<1x16xf32>
          tpu.vector_store %arg8[%swap3A_331, %swap3A_332], %swap3A_335 {strides = array<i32>} : memref<128x256xf32, #tpu.memory_space<vmem>>, vector<1x16xf32>,
        }
        %while3A_255 = arith.constant 1 : i32
        scf.for %while3A_256 = %while3A_253 to %while3A_249 step %while3A_255  : i32 {
          %swap3A = arith.index_cast %while3A_256 : i32 to index
          %swap3A_257 = arith.constant 0 : index
          %swap3A_258 = tpu.vector_load %arg8[%swap3A, %swap3A_257] {strides = array<i32>} : memref<128x256xf32, #tpu.memory_space<vmem>>, vector<1x16xf32>,
          %swap3A_259 = vector.shape_cast %swap3A_258 : vector<1x16xf32> to vector<16xf32>
          %swap3A_260 = vector.shape_cast %broadcast_in_dim3A_24 : vector<16xf32> to vector<1x16xf32>
          tpu.vector_store %arg8[%swap3A, %swap3A_257], %swap3A_260 {strides = array<i32>} : memref<128x256xf32, #tpu.memory_space<vmem>>, vector<1x16xf32>,
          %swap3A_261 = arith.index_cast %while3A_256 : i32 to index
          %swap3A_262 = arith.constant 16 : index
          %swap3A_263 = tpu.vector_load %arg8[%swap3A_261, %swap3A_262] {strides = array<i32>} : memref<128x256xf32, #tpu.memory_space<vmem>>, vector<1x16xf32>,
          %swap3A_264 = vector.shape_cast %swap3A_263 : vector<1x16xf32> to vector<16xf32>
          %swap3A_265 = vector.shape_cast %broadcast_in_dim3A_24 : vector<16xf32> to vector<1x16xf32>
          tpu.vector_store %arg8[%swap3A_261, %swap3A_262], %swap3A_265 {strides = array<i32>} : memref<128x256xf32, #tpu.memory_space<vmem>>, vector<1x16xf32>,
          %swap3A_266 = arith.index_cast %while3A_256 : i32 to index
          %swap3A_267 = arith.constant 32 : index
          %swap3A_268 = tpu.vector_load %arg8[%swap3A_266, %swap3A_267] {strides = array<i32>} : memref<128x256xf32, #tpu.memory_space<vmem>>, vector<1x16xf32>,
          %swap3A_269 = vector.shape_cast %swap3A_268 : vector<1x16xf32> to vector<16xf32>
          %swap3A_270 = vector.shape_cast %broadcast_in_dim3A_24 : vector<16xf32> to vector<1x16xf32>
          tpu.vector_store %arg8[%swap3A_266, %swap3A_267], %swap3A_270 {strides = array<i32>} : memref<128x256xf32, #tpu.memory_space<vmem>>, vector<1x16xf32>,
          %swap3A_271 = arith.index_cast %while3A_256 : i32 to index
          %swap3A_272 = arith.constant 48 : index
          %swap3A_273 = tpu.vector_load %arg8[%swap3A_271, %swap3A_272] {strides = array<i32>} : memref<128x256xf32, #tpu.memory_space<vmem>>, vector<1x16xf32>,
          %swap3A_274 = vector.shape_cast %swap3A_273 : vector<1x16xf32> to vector<16xf32>
          %swap3A_275 = vector.shape_cast %broadcast_in_dim3A_24 : vector<16xf32> to vector<1x16xf32>
          tpu.vector_store %arg8[%swap3A_271, %swap3A_272], %swap3A_275 {strides = array<i32>} : memref<128x256xf32, #tpu.memory_space<vmem>>, vector<1x16xf32>,
          %swap3A_276 = arith.index_cast %while3A_256 : i32 to index
          %swap3A_277 = arith.constant 64 : index
          %swap3A_278 = tpu.vector_load %arg8[%swap3A_276, %swap3A_277] {strides = array<i32>} : memref<128x256xf32, #tpu.memory_space<vmem>>, vector<1x16xf32>,
          %swap3A_279 = vector.shape_cast %swap3A_278 : vector<1x16xf32> to vector<16xf32>
          %swap3A_280 = vector.shape_cast %broadcast_in_dim3A_24 : vector<16xf32> to vector<1x16xf32>
          tpu.vector_store %arg8[%swap3A_276, %swap3A_277], %swap3A_280 {strides = array<i32>} : memref<128x256xf32, #tpu.memory_space<vmem>>, vector<1x16xf32>,
          %swap3A_281 = arith.index_cast %while3A_256 : i32 to index
          %swap3A_282 = arith.constant 80 : index
          %swap3A_283 = tpu.vector_load %arg8[%swap3A_281, %swap3A_282] {strides = array<i32>} : memref<128x256xf32, #tpu.memory_space<vmem>>, vector<1x16xf32>,
          %swap3A_284 = vector.shape_cast %swap3A_283 : vector<1x16xf32> to vector<16xf32>
          %swap3A_285 = vector.shape_cast %broadcast_in_dim3A_24 : vector<16xf32> to vector<1x16xf32>
          tpu.vector_store %arg8[%swap3A_281, %swap3A_282], %swap3A_285 {strides = array<i32>} : memref<128x256xf32, #tpu.memory_space<vmem>>, vector<1x16xf32>,
          %swap3A_286 = arith.index_cast %while3A_256 : i32 to index
          %swap3A_287 = arith.constant 96 : index
          %swap3A_288 = tpu.vector_load %arg8[%swap3A_286, %swap3A_287] {strides = array<i32>} : memref<128x256xf32, #tpu.memory_space<vmem>>, vector<1x16xf32>,
          %swap3A_289 = vector.shape_cast %swap3A_288 : vector<1x16xf32> to vector<16xf32>
          %swap3A_290 = vector.shape_cast %broadcast_in_dim3A_24 : vector<16xf32> to vector<1x16xf32>
          tpu.vector_store %arg8[%swap3A_286, %swap3A_287], %swap3A_290 {strides = array<i32>} : memref<128x256xf32, #tpu.memory_space<vmem>>, vector<1x16xf32>,
          %swap3A_291 = arith.index_cast %while3A_256 : i32 to index
          %swap3A_292 = arith.constant 112 : index
          %swap3A_293 = tpu.vector_load %arg8[%swap3A_291, %swap3A_292] {strides = array<i32>} : memref<128x256xf32, #tpu.memory_space<vmem>>, vector<1x16xf32>,
          %swap3A_294 = vector.shape_cast %swap3A_293 : vector<1x16xf32> to vector<16xf32>
          %swap3A_295 = vector.shape_cast %broadcast_in_dim3A_24 : vector<16xf32> to vector<1x16xf32>
          tpu.vector_store %arg8[%swap3A_291, %swap3A_292], %swap3A_295 {strides = array<i32>} : memref<128x256xf32, #tpu.memory_space<vmem>>, vector<1x16xf32>,
          %swap3A_296 = arith.index_cast %while3A_256 : i32 to index
          %swap3A_297 = arith.constant 128 : index
          %swap3A_298 = tpu.vector_load %arg8[%swap3A_296, %swap3A_297] {strides = array<i32>} : memref<128x256xf32, #tpu.memory_space<vmem>>, vector<1x16xf32>,
          %swap3A_299 = vector.shape_cast %swap3A_298 : vector<1x16xf32> to vector<16xf32>
          %swap3A_300 = vector.shape_cast %broadcast_in_dim3A_24 : vector<16xf32> to vector<1x16xf32>
          tpu.vector_store %arg8[%swap3A_296, %swap3A_297], %swap3A_300 {strides = array<i32>} : memref<128x256xf32, #tpu.memory_space<vmem>>, vector<1x16xf32>,
          %swap3A_301 = arith.index_cast %while3A_256 : i32 to index
          %swap3A_302 = arith.constant 144 : index
          %swap3A_303 = tpu.vector_load %arg8[%swap3A_301, %swap3A_302] {strides = array<i32>} : memref<128x256xf32, #tpu.memory_space<vmem>>, vector<1x16xf32>,
          %swap3A_304 = vector.shape_cast %swap3A_303 : vector<1x16xf32> to vector<16xf32>
          %swap3A_305 = vector.shape_cast %broadcast_in_dim3A_24 : vector<16xf32> to vector<1x16xf32>
          tpu.vector_store %arg8[%swap3A_301, %swap3A_302], %swap3A_305 {strides = array<i32>} : memref<128x256xf32, #tpu.memory_space<vmem>>, vector<1x16xf32>,
          %swap3A_306 = arith.index_cast %while3A_256 : i32 to index
          %swap3A_307 = arith.constant 160 : index
          %swap3A_308 = tpu.vector_load %arg8[%swap3A_306, %swap3A_307] {strides = array<i32>} : memref<128x256xf32, #tpu.memory_space<vmem>>, vector<1x16xf32>,
          %swap3A_309 = vector.shape_cast %swap3A_308 : vector<1x16xf32> to vector<16xf32>
          %swap3A_310 = vector.shape_cast %broadcast_in_dim3A_24 : vector<16xf32> to vector<1x16xf32>
          tpu.vector_store %arg8[%swap3A_306, %swap3A_307], %swap3A_310 {strides = array<i32>} : memref<128x256xf32, #tpu.memory_space<vmem>>, vector<1x16xf32>,
          %swap3A_311 = arith.index_cast %while3A_256 : i32 to index
          %swap3A_312 = arith.constant 176 : index
          %swap3A_313 = tpu.vector_load %arg8[%swap3A_311, %swap3A_312] {strides = array<i32>} : memref<128x256xf32, #tpu.memory_space<vmem>>, vector<1x16xf32>,
          %swap3A_314 = vector.shape_cast %swap3A_313 : vector<1x16xf32> to vector<16xf32>
          %swap3A_315 = vector.shape_cast %broadcast_in_dim3A_24 : vector<16xf32> to vector<1x16xf32>
          tpu.vector_store %arg8[%swap3A_311, %swap3A_312], %swap3A_315 {strides = array<i32>} : memref<128x256xf32, #tpu.memory_space<vmem>>, vector<1x16xf32>,
          %swap3A_316 = arith.index_cast %while3A_256 : i32 to index
          %swap3A_317 = arith.constant 192 : index
          %swap3A_318 = tpu.vector_load %arg8[%swap3A_316, %swap3A_317] {strides = array<i32>} : memref<128x256xf32, #tpu.memory_space<vmem>>, vector<1x16xf32>,
          %swap3A_319 = vector.shape_cast %swap3A_318 : vector<1x16xf32> to vector<16xf32>
          %swap3A_320 = vector.shape_cast %broadcast_in_dim3A_24 : vector<16xf32> to vector<1x16xf32>
          tpu.vector_store %arg8[%swap3A_316, %swap3A_317], %swap3A_320 {strides = array<i32>} : memref<128x256xf32, #tpu.memory_space<vmem>>, vector<1x16xf32>,
          %swap3A_321 = arith.index_cast %while3A_256 : i32 to index
          %swap3A_322 = arith.constant 208 : index
          %swap3A_323 = tpu.vector_load %arg8[%swap3A_321, %swap3A_322] {strides = array<i32>} : memref<128x256xf32, #tpu.memory_space<vmem>>, vector<1x16xf32>,
          %swap3A_324 = vector.shape_cast %swap3A_323 : vector<1x16xf32> to vector<16xf32>
          %swap3A_325 = vector.shape_cast %broadcast_in_dim3A_24 : vector<16xf32> to vector<1x16xf32>
          tpu.vector_store %arg8[%swap3A_321, %swap3A_322], %swap3A_325 {strides = array<i32>} : memref<128x256xf32, #tpu.memory_space<vmem>>, vector<1x16xf32>,
          %swap3A_326 = arith.index_cast %while3A_256 : i32 to index
          %swap3A_327 = arith.constant 224 : index
          %swap3A_328 = tpu.vector_load %arg8[%swap3A_326, %swap3A_327] {strides = array<i32>} : memref<128x256xf32, #tpu.memory_space<vmem>>, vector<1x16xf32>,
          %swap3A_329 = vector.shape_cast %swap3A_328 : vector<1x16xf32> to vector<16xf32>
          %swap3A_330 = vector.shape_cast %broadcast_in_dim3A_24 : vector<16xf32> to vector<1x16xf32>
          tpu.vector_store %arg8[%swap3A_326, %swap3A_327], %swap3A_330 {strides = array<i32>} : memref<128x256xf32, #tpu.memory_space<vmem>>, vector<1x16xf32>,
          %swap3A_331 = arith.index_cast %while3A_256 : i32 to index
          %swap3A_332 = arith.constant 240 : index
          %swap3A_333 = tpu.vector_load %arg8[%swap3A_331, %swap3A_332] {strides = array<i32>} : memref<128x256xf32, #tpu.memory_space<vmem>>, vector<1x16xf32>,
          %swap3A_334 = vector.shape_cast %swap3A_333 : vector<1x16xf32> to vector<16xf32>
          %swap3A_335 = vector.shape_cast %broadcast_in_dim3A_24 : vector<16xf32> to vector<1x16xf32>
          tpu.vector_store %arg8[%swap3A_331, %swap3A_332], %swap3A_335 {strides = array<i32>} : memref<128x256xf32, #tpu.memory_space<vmem>>, vector<1x16xf32>,
        }
      } else {
      }
      %add3A_237 = arith.constant 768 : i32
      %add3A_238 = arith.addi %mul3A_9, %add3A_237 : i32
      %dma_start3A_239 = arith.constant 0 : i32
      %dma_start3A_240 = tpu.memref_slice %arg5[%arg1, %add3A_238, %dma_start3A_239] : memref<16x2048x256xf32, #tpu.memory_space<hbm>> -> memref<1x128x256xf32, #tpu.memory_space<hbm>>
      %dma_start3A_241 = tpu.memref_squeeze %dma_start3A_240 : memref<1x128x256xf32, #tpu.memory_space<hbm>> -> memref<128x256xf32, #tpu.memory_space<hbm>>
      %dma_start3A_242 = arith.constant 0 : i32
      %dma_start3A_243 = tpu.memref_slice %arg5[%arg1, %add3A_238, %dma_start3A_242] : memref<16x2048x256xf32, #tpu.memory_space<hbm>> -> memref<1x128x256xf32, #tpu.memory_space<hbm>>
      %dma_start3A_244 = tpu.memref_squeeze %dma_start3A_243 : memref<1x128x256xf32, #tpu.memory_space<hbm>> -> memref<128x256xf32, #tpu.memory_space<hbm>>
      tpu.enqueue_dma source(%arg8 : memref<128x256xf32, #tpu.memory_space<vmem>>) target(%dma_start3A_244 : memref<128x256xf32, #tpu.memory_space<hbm>>) target_semaphore(%arg17 : memref<!tpu.dma_semaphore, #tpu.memory_space<semaphore_mem>>)
    } else {
    }
    %not3A_186 = arith.constant true
    %not3A_187 = arith.xori %gt3A_39, %not3A_186 : i1
    %convert_element_type3A_188 = arith.extui %not3A_187 : i1 to i32
    %cond3A_189 = arith.constant 0 : i32
    %cond3A_190 = arith.cmpi ne, %convert_element_type3A_188, %cond3A_189 : i32
    scf.if %cond3A_190 {
      %add3A_227 = arith.constant 768 : i32
      %add3A_228 = arith.addi %mul3A_9, %add3A_227 : i32
      %dma_start3A_229 = arith.constant 0 : i32
      %dma_start3A_230 = tpu.memref_slice %arg5[%arg1, %add3A_228, %dma_start3A_229] : memref<16x2048x256xf32, #tpu.memory_space<hbm>> -> memref<1x64x256xf32, #tpu.memory_space<hbm>>
      %dma_start3A_231 = tpu.memref_squeeze %dma_start3A_230 : memref<1x64x256xf32, #tpu.memory_space<hbm>> -> memref<64x256xf32, #tpu.memory_space<hbm>>
      %dma_start3A_232 = arith.constant 0 : i32
      %dma_start3A_233 = tpu.memref_slice %arg5[%arg1, %add3A_228, %dma_start3A_232] : memref<16x2048x256xf32, #tpu.memory_space<hbm>> -> memref<1x64x256xf32, #tpu.memory_space<hbm>>
      %dma_start3A_234 = tpu.memref_squeeze %dma_start3A_233 : memref<1x64x256xf32, #tpu.memory_space<hbm>> -> memref<64x256xf32, #tpu.memory_space<hbm>>
      tpu.enqueue_dma source(%arg11 : memref<64x256xf32, #tpu.memory_space<vmem>>) target(%dma_start3A_234 : memref<64x256xf32, #tpu.memory_space<hbm>>) target_semaphore(%arg17 : memref<!tpu.dma_semaphore, #tpu.memory_space<semaphore_mem>>)
      %add3A_235 = arith.constant 64 : i32
      %add3A_236 = arith.addi %add3A_228, %add3A_235 : i32
      %dma_start3A_237 = arith.constant 0 : i32
      %dma_start3A_238 = tpu.memref_slice %arg5[%arg1, %add3A_236, %dma_start3A_237] : memref<16x2048x256xf32, #tpu.memory_space<hbm>> -> memref<1x64x256xf32, #tpu.memory_space<hbm>>
      %dma_start3A_239 = tpu.memref_squeeze %dma_start3A_238 : memref<1x64x256xf32, #tpu.memory_space<hbm>> -> memref<64x256xf32, #tpu.memory_space<hbm>>
      %dma_start3A_240 = arith.constant 0 : i32
      %dma_start3A_241 = tpu.memref_slice %arg5[%arg1, %add3A_236, %dma_start3A_240] : memref<16x2048x256xf32, #tpu.memory_space<hbm>> -> memref<1x64x256xf32, #tpu.memory_space<hbm>>
      %dma_start3A_242 = tpu.memref_squeeze %dma_start3A_241 : memref<1x64x256xf32, #tpu.memory_space<hbm>> -> memref<64x256xf32, #tpu.memory_space<hbm>>
      tpu.enqueue_dma source(%arg11 : memref<64x256xf32, #tpu.memory_space<vmem>>) target(%dma_start3A_242 : memref<64x256xf32, #tpu.memory_space<hbm>>) target_semaphore(%arg17 : memref<!tpu.dma_semaphore, #tpu.memory_space<semaphore_mem>>)
    } else {
    }
    %convert_element_type3A_191 = arith.extui %gt3A_41 : i1 to i32
    %cond3A_192 = arith.constant 0 : i32
    %cond3A_193 = arith.cmpi ne, %convert_element_type3A_191, %cond3A_192 : i32
    scf.if %cond3A_193 {
      %dma_wait3A_227 = arith.constant 896 : i32
      %dma_wait3A_228 = tpu.memref_slice %arg7[%dma_wait3A_227] : memref<1024xi32, #tpu.memory_space<vmem>> -> memref<128xi32, #tpu.memory_space<vmem>>
      %dma_wait3A_229 = arith.constant 0 : i32
      %dma_wait3A_230 = arith.constant 0 : i32
      %dma_wait3A_231 = tpu.memref_slice %arg2[%dma_wait3A_229, %dma_wait3A_230] : memref<100000x256xf32, #tpu.memory_space<hbm>> -> memref<100000x256xf32, #tpu.memory_space<hbm>>
      tpu.wait_indirect_dma semaphore(%arg15 : memref<!tpu.dma_semaphore, #tpu.memory_space<semaphore_mem>>) src(%dma_wait3A_231 : memref<100000x256xf32, #tpu.memory_space<hbm>>) dst(%arg9 : memref<128x256xf32, #tpu.memory_space<vmem>>)
      %not3A_232 = arith.constant true
      %not3A_233 = arith.xori %ge3A_56, %not3A_232 : i1
      %convert_element_type3A_234 = arith.extui %not3A_233 : i1 to i32
      %cond3A_235 = arith.constant 0 : i32
      %cond3A_236 = arith.cmpi ne, %convert_element_type3A_234, %cond3A_235 : i32
      scf.if %cond3A_236 {
        %sub3A_245 = arith.constant 896 : i32
        %sub3A_246 = arith.subi %min3A, %sub3A_245 : i32
        %while3A = arith.constant 0 : i32
        %while3A_247 = arith.constant 128 : i32
        %while3A_248 = arith.subi %while3A_247, %sub3A_246 : i32
        %while3A_249 = arith.addi %sub3A_246, %while3A_248 : i32
        %while3A_250 = arith.constant 1 : i32
        %while3A_251 = arith.divsi %while3A_248, %while3A_250 : i32
        %while3A_252 = arith.muli %while3A_251, %while3A_250 : i32
        %while3A_253 = arith.addi %sub3A_246, %while3A_252 : i32
        %while3A_254 = arith.constant 1 : i32
        scf.for %while3A_256 = %sub3A_246 to %while3A_253 step %while3A_254  : i32 {
          %swap3A = arith.index_cast %while3A_256 : i32 to index
          %swap3A_257 = arith.constant 0 : index
          %swap3A_258 = tpu.vector_load %arg9[%swap3A, %swap3A_257] {strides = array<i32>} : memref<128x256xf32, #tpu.memory_space<vmem>>, vector<1x16xf32>,
          %swap3A_259 = vector.shape_cast %swap3A_258 : vector<1x16xf32> to vector<16xf32>
          %swap3A_260 = vector.shape_cast %broadcast_in_dim3A_24 : vector<16xf32> to vector<1x16xf32>
          tpu.vector_store %arg9[%swap3A, %swap3A_257], %swap3A_260 {strides = array<i32>} : memref<128x256xf32, #tpu.memory_space<vmem>>, vector<1x16xf32>,
          %swap3A_261 = arith.index_cast %while3A_256 : i32 to index
          %swap3A_262 = arith.constant 16 : index
          %swap3A_263 = tpu.vector_load %arg9[%swap3A_261, %swap3A_262] {strides = array<i32>} : memref<128x256xf32, #tpu.memory_space<vmem>>, vector<1x16xf32>,
          %swap3A_264 = vector.shape_cast %swap3A_263 : vector<1x16xf32> to vector<16xf32>
          %swap3A_265 = vector.shape_cast %broadcast_in_dim3A_24 : vector<16xf32> to vector<1x16xf32>
          tpu.vector_store %arg9[%swap3A_261, %swap3A_262], %swap3A_265 {strides = array<i32>} : memref<128x256xf32, #tpu.memory_space<vmem>>, vector<1x16xf32>,
          %swap3A_266 = arith.index_cast %while3A_256 : i32 to index
          %swap3A_267 = arith.constant 32 : index
          %swap3A_268 = tpu.vector_load %arg9[%swap3A_266, %swap3A_267] {strides = array<i32>} : memref<128x256xf32, #tpu.memory_space<vmem>>, vector<1x16xf32>,
          %swap3A_269 = vector.shape_cast %swap3A_268 : vector<1x16xf32> to vector<16xf32>
          %swap3A_270 = vector.shape_cast %broadcast_in_dim3A_24 : vector<16xf32> to vector<1x16xf32>
          tpu.vector_store %arg9[%swap3A_266, %swap3A_267], %swap3A_270 {strides = array<i32>} : memref<128x256xf32, #tpu.memory_space<vmem>>, vector<1x16xf32>,
          %swap3A_271 = arith.index_cast %while3A_256 : i32 to index
          %swap3A_272 = arith.constant 48 : index
          %swap3A_273 = tpu.vector_load %arg9[%swap3A_271, %swap3A_272] {strides = array<i32>} : memref<128x256xf32, #tpu.memory_space<vmem>>, vector<1x16xf32>,
          %swap3A_274 = vector.shape_cast %swap3A_273 : vector<1x16xf32> to vector<16xf32>
          %swap3A_275 = vector.shape_cast %broadcast_in_dim3A_24 : vector<16xf32> to vector<1x16xf32>
          tpu.vector_store %arg9[%swap3A_271, %swap3A_272], %swap3A_275 {strides = array<i32>} : memref<128x256xf32, #tpu.memory_space<vmem>>, vector<1x16xf32>,
          %swap3A_276 = arith.index_cast %while3A_256 : i32 to index
          %swap3A_277 = arith.constant 64 : index
          %swap3A_278 = tpu.vector_load %arg9[%swap3A_276, %swap3A_277] {strides = array<i32>} : memref<128x256xf32, #tpu.memory_space<vmem>>, vector<1x16xf32>,
          %swap3A_279 = vector.shape_cast %swap3A_278 : vector<1x16xf32> to vector<16xf32>
          %swap3A_280 = vector.shape_cast %broadcast_in_dim3A_24 : vector<16xf32> to vector<1x16xf32>
          tpu.vector_store %arg9[%swap3A_276, %swap3A_277], %swap3A_280 {strides = array<i32>} : memref<128x256xf32, #tpu.memory_space<vmem>>, vector<1x16xf32>,
          %swap3A_281 = arith.index_cast %while3A_256 : i32 to index
          %swap3A_282 = arith.constant 80 : index
          %swap3A_283 = tpu.vector_load %arg9[%swap3A_281, %swap3A_282] {strides = array<i32>} : memref<128x256xf32, #tpu.memory_space<vmem>>, vector<1x16xf32>,
          %swap3A_284 = vector.shape_cast %swap3A_283 : vector<1x16xf32> to vector<16xf32>
          %swap3A_285 = vector.shape_cast %broadcast_in_dim3A_24 : vector<16xf32> to vector<1x16xf32>
          tpu.vector_store %arg9[%swap3A_281, %swap3A_282], %swap3A_285 {strides = array<i32>} : memref<128x256xf32, #tpu.memory_space<vmem>>, vector<1x16xf32>,
          %swap3A_286 = arith.index_cast %while3A_256 : i32 to index
          %swap3A_287 = arith.constant 96 : index
          %swap3A_288 = tpu.vector_load %arg9[%swap3A_286, %swap3A_287] {strides = array<i32>} : memref<128x256xf32, #tpu.memory_space<vmem>>, vector<1x16xf32>,
          %swap3A_289 = vector.shape_cast %swap3A_288 : vector<1x16xf32> to vector<16xf32>
          %swap3A_290 = vector.shape_cast %broadcast_in_dim3A_24 : vector<16xf32> to vector<1x16xf32>
          tpu.vector_store %arg9[%swap3A_286, %swap3A_287], %swap3A_290 {strides = array<i32>} : memref<128x256xf32, #tpu.memory_space<vmem>>, vector<1x16xf32>,
          %swap3A_291 = arith.index_cast %while3A_256 : i32 to index
          %swap3A_292 = arith.constant 112 : index
          %swap3A_293 = tpu.vector_load %arg9[%swap3A_291, %swap3A_292] {strides = array<i32>} : memref<128x256xf32, #tpu.memory_space<vmem>>, vector<1x16xf32>,
          %swap3A_294 = vector.shape_cast %swap3A_293 : vector<1x16xf32> to vector<16xf32>
          %swap3A_295 = vector.shape_cast %broadcast_in_dim3A_24 : vector<16xf32> to vector<1x16xf32>
          tpu.vector_store %arg9[%swap3A_291, %swap3A_292], %swap3A_295 {strides = array<i32>} : memref<128x256xf32, #tpu.memory_space<vmem>>, vector<1x16xf32>,
          %swap3A_296 = arith.index_cast %while3A_256 : i32 to index
          %swap3A_297 = arith.constant 128 : index
          %swap3A_298 = tpu.vector_load %arg9[%swap3A_296, %swap3A_297] {strides = array<i32>} : memref<128x256xf32, #tpu.memory_space<vmem>>, vector<1x16xf32>,
          %swap3A_299 = vector.shape_cast %swap3A_298 : vector<1x16xf32> to vector<16xf32>
          %swap3A_300 = vector.shape_cast %broadcast_in_dim3A_24 : vector<16xf32> to vector<1x16xf32>
          tpu.vector_store %arg9[%swap3A_296, %swap3A_297], %swap3A_300 {strides = array<i32>} : memref<128x256xf32, #tpu.memory_space<vmem>>, vector<1x16xf32>,
          %swap3A_301 = arith.index_cast %while3A_256 : i32 to index
          %swap3A_302 = arith.constant 144 : index
          %swap3A_303 = tpu.vector_load %arg9[%swap3A_301, %swap3A_302] {strides = array<i32>} : memref<128x256xf32, #tpu.memory_space<vmem>>, vector<1x16xf32>,
          %swap3A_304 = vector.shape_cast %swap3A_303 : vector<1x16xf32> to vector<16xf32>
          %swap3A_305 = vector.shape_cast %broadcast_in_dim3A_24 : vector<16xf32> to vector<1x16xf32>
          tpu.vector_store %arg9[%swap3A_301, %swap3A_302], %swap3A_305 {strides = array<i32>} : memref<128x256xf32, #tpu.memory_space<vmem>>, vector<1x16xf32>,
          %swap3A_306 = arith.index_cast %while3A_256 : i32 to index
          %swap3A_307 = arith.constant 160 : index
          %swap3A_308 = tpu.vector_load %arg9[%swap3A_306, %swap3A_307] {strides = array<i32>} : memref<128x256xf32, #tpu.memory_space<vmem>>, vector<1x16xf32>,
          %swap3A_309 = vector.shape_cast %swap3A_308 : vector<1x16xf32> to vector<16xf32>
          %swap3A_310 = vector.shape_cast %broadcast_in_dim3A_24 : vector<16xf32> to vector<1x16xf32>
          tpu.vector_store %arg9[%swap3A_306, %swap3A_307], %swap3A_310 {strides = array<i32>} : memref<128x256xf32, #tpu.memory_space<vmem>>, vector<1x16xf32>,
          %swap3A_311 = arith.index_cast %while3A_256 : i32 to index
          %swap3A_312 = arith.constant 176 : index
          %swap3A_313 = tpu.vector_load %arg9[%swap3A_311, %swap3A_312] {strides = array<i32>} : memref<128x256xf32, #tpu.memory_space<vmem>>, vector<1x16xf32>,
          %swap3A_314 = vector.shape_cast %swap3A_313 : vector<1x16xf32> to vector<16xf32>
          %swap3A_315 = vector.shape_cast %broadcast_in_dim3A_24 : vector<16xf32> to vector<1x16xf32>
          tpu.vector_store %arg9[%swap3A_311, %swap3A_312], %swap3A_315 {strides = array<i32>} : memref<128x256xf32, #tpu.memory_space<vmem>>, vector<1x16xf32>,
          %swap3A_316 = arith.index_cast %while3A_256 : i32 to index
          %swap3A_317 = arith.constant 192 : index
          %swap3A_318 = tpu.vector_load %arg9[%swap3A_316, %swap3A_317] {strides = array<i32>} : memref<128x256xf32, #tpu.memory_space<vmem>>, vector<1x16xf32>,
          %swap3A_319 = vector.shape_cast %swap3A_318 : vector<1x16xf32> to vector<16xf32>
          %swap3A_320 = vector.shape_cast %broadcast_in_dim3A_24 : vector<16xf32> to vector<1x16xf32>
          tpu.vector_store %arg9[%swap3A_316, %swap3A_317], %swap3A_320 {strides = array<i32>} : memref<128x256xf32, #tpu.memory_space<vmem>>, vector<1x16xf32>,
          %swap3A_321 = arith.index_cast %while3A_256 : i32 to index
          %swap3A_322 = arith.constant 208 : index
          %swap3A_323 = tpu.vector_load %arg9[%swap3A_321, %swap3A_322] {strides = array<i32>} : memref<128x256xf32, #tpu.memory_space<vmem>>, vector<1x16xf32>,
          %swap3A_324 = vector.shape_cast %swap3A_323 : vector<1x16xf32> to vector<16xf32>
          %swap3A_325 = vector.shape_cast %broadcast_in_dim3A_24 : vector<16xf32> to vector<1x16xf32>
          tpu.vector_store %arg9[%swap3A_321, %swap3A_322], %swap3A_325 {strides = array<i32>} : memref<128x256xf32, #tpu.memory_space<vmem>>, vector<1x16xf32>,
          %swap3A_326 = arith.index_cast %while3A_256 : i32 to index
          %swap3A_327 = arith.constant 224 : index
          %swap3A_328 = tpu.vector_load %arg9[%swap3A_326, %swap3A_327] {strides = array<i32>} : memref<128x256xf32, #tpu.memory_space<vmem>>, vector<1x16xf32>,
          %swap3A_329 = vector.shape_cast %swap3A_328 : vector<1x16xf32> to vector<16xf32>
          %swap3A_330 = vector.shape_cast %broadcast_in_dim3A_24 : vector<16xf32> to vector<1x16xf32>
          tpu.vector_store %arg9[%swap3A_326, %swap3A_327], %swap3A_330 {strides = array<i32>} : memref<128x256xf32, #tpu.memory_space<vmem>>, vector<1x16xf32>,
          %swap3A_331 = arith.index_cast %while3A_256 : i32 to index
          %swap3A_332 = arith.constant 240 : index
          %swap3A_333 = tpu.vector_load %arg9[%swap3A_331, %swap3A_332] {strides = array<i32>} : memref<128x256xf32, #tpu.memory_space<vmem>>, vector<1x16xf32>,
          %swap3A_334 = vector.shape_cast %swap3A_333 : vector<1x16xf32> to vector<16xf32>
          %swap3A_335 = vector.shape_cast %broadcast_in_dim3A_24 : vector<16xf32> to vector<1x16xf32>
          tpu.vector_store %arg9[%swap3A_331, %swap3A_332], %swap3A_335 {strides = array<i32>} : memref<128x256xf32, #tpu.memory_space<vmem>>, vector<1x16xf32>,
        }
        %while3A_255 = arith.constant 1 : i32
        scf.for %while3A_256 = %while3A_253 to %while3A_249 step %while3A_255  : i32 {
          %swap3A = arith.index_cast %while3A_256 : i32 to index
          %swap3A_257 = arith.constant 0 : index
          %swap3A_258 = tpu.vector_load %arg9[%swap3A, %swap3A_257] {strides = array<i32>} : memref<128x256xf32, #tpu.memory_space<vmem>>, vector<1x16xf32>,
          %swap3A_259 = vector.shape_cast %swap3A_258 : vector<1x16xf32> to vector<16xf32>
          %swap3A_260 = vector.shape_cast %broadcast_in_dim3A_24 : vector<16xf32> to vector<1x16xf32>
          tpu.vector_store %arg9[%swap3A, %swap3A_257], %swap3A_260 {strides = array<i32>} : memref<128x256xf32, #tpu.memory_space<vmem>>, vector<1x16xf32>,
          %swap3A_261 = arith.index_cast %while3A_256 : i32 to index
          %swap3A_262 = arith.constant 16 : index
          %swap3A_263 = tpu.vector_load %arg9[%swap3A_261, %swap3A_262] {strides = array<i32>} : memref<128x256xf32, #tpu.memory_space<vmem>>, vector<1x16xf32>,
          %swap3A_264 = vector.shape_cast %swap3A_263 : vector<1x16xf32> to vector<16xf32>
          %swap3A_265 = vector.shape_cast %broadcast_in_dim3A_24 : vector<16xf32> to vector<1x16xf32>
          tpu.vector_store %arg9[%swap3A_261, %swap3A_262], %swap3A_265 {strides = array<i32>} : memref<128x256xf32, #tpu.memory_space<vmem>>, vector<1x16xf32>,
          %swap3A_266 = arith.index_cast %while3A_256 : i32 to index
          %swap3A_267 = arith.constant 32 : index
          %swap3A_268 = tpu.vector_load %arg9[%swap3A_266, %swap3A_267] {strides = array<i32>} : memref<128x256xf32, #tpu.memory_space<vmem>>, vector<1x16xf32>,
          %swap3A_269 = vector.shape_cast %swap3A_268 : vector<1x16xf32> to vector<16xf32>
          %swap3A_270 = vector.shape_cast %broadcast_in_dim3A_24 : vector<16xf32> to vector<1x16xf32>
          tpu.vector_store %arg9[%swap3A_266, %swap3A_267], %swap3A_270 {strides = array<i32>} : memref<128x256xf32, #tpu.memory_space<vmem>>, vector<1x16xf32>,
          %swap3A_271 = arith.index_cast %while3A_256 : i32 to index
          %swap3A_272 = arith.constant 48 : index
          %swap3A_273 = tpu.vector_load %arg9[%swap3A_271, %swap3A_272] {strides = array<i32>} : memref<128x256xf32, #tpu.memory_space<vmem>>, vector<1x16xf32>,
          %swap3A_274 = vector.shape_cast %swap3A_273 : vector<1x16xf32> to vector<16xf32>
          %swap3A_275 = vector.shape_cast %broadcast_in_dim3A_24 : vector<16xf32> to vector<1x16xf32>
          tpu.vector_store %arg9[%swap3A_271, %swap3A_272], %swap3A_275 {strides = array<i32>} : memref<128x256xf32, #tpu.memory_space<vmem>>, vector<1x16xf32>,
          %swap3A_276 = arith.index_cast %while3A_256 : i32 to index
          %swap3A_277 = arith.constant 64 : index
          %swap3A_278 = tpu.vector_load %arg9[%swap3A_276, %swap3A_277] {strides = array<i32>} : memref<128x256xf32, #tpu.memory_space<vmem>>, vector<1x16xf32>,
          %swap3A_279 = vector.shape_cast %swap3A_278 : vector<1x16xf32> to vector<16xf32>
          %swap3A_280 = vector.shape_cast %broadcast_in_dim3A_24 : vector<16xf32> to vector<1x16xf32>
          tpu.vector_store %arg9[%swap3A_276, %swap3A_277], %swap3A_280 {strides = array<i32>} : memref<128x256xf32, #tpu.memory_space<vmem>>, vector<1x16xf32>,
          %swap3A_281 = arith.index_cast %while3A_256 : i32 to index
          %swap3A_282 = arith.constant 80 : index
          %swap3A_283 = tpu.vector_load %arg9[%swap3A_281, %swap3A_282] {strides = array<i32>} : memref<128x256xf32, #tpu.memory_space<vmem>>, vector<1x16xf32>,
          %swap3A_284 = vector.shape_cast %swap3A_283 : vector<1x16xf32> to vector<16xf32>
          %swap3A_285 = vector.shape_cast %broadcast_in_dim3A_24 : vector<16xf32> to vector<1x16xf32>
          tpu.vector_store %arg9[%swap3A_281, %swap3A_282], %swap3A_285 {strides = array<i32>} : memref<128x256xf32, #tpu.memory_space<vmem>>, vector<1x16xf32>,
          %swap3A_286 = arith.index_cast %while3A_256 : i32 to index
          %swap3A_287 = arith.constant 96 : index
          %swap3A_288 = tpu.vector_load %arg9[%swap3A_286, %swap3A_287] {strides = array<i32>} : memref<128x256xf32, #tpu.memory_space<vmem>>, vector<1x16xf32>,
          %swap3A_289 = vector.shape_cast %swap3A_288 : vector<1x16xf32> to vector<16xf32>
          %swap3A_290 = vector.shape_cast %broadcast_in_dim3A_24 : vector<16xf32> to vector<1x16xf32>
          tpu.vector_store %arg9[%swap3A_286, %swap3A_287], %swap3A_290 {strides = array<i32>} : memref<128x256xf32, #tpu.memory_space<vmem>>, vector<1x16xf32>,
          %swap3A_291 = arith.index_cast %while3A_256 : i32 to index
          %swap3A_292 = arith.constant 112 : index
          %swap3A_293 = tpu.vector_load %arg9[%swap3A_291, %swap3A_292] {strides = array<i32>} : memref<128x256xf32, #tpu.memory_space<vmem>>, vector<1x16xf32>,
          %swap3A_294 = vector.shape_cast %swap3A_293 : vector<1x16xf32> to vector<16xf32>
          %swap3A_295 = vector.shape_cast %broadcast_in_dim3A_24 : vector<16xf32> to vector<1x16xf32>
          tpu.vector_store %arg9[%swap3A_291, %swap3A_292], %swap3A_295 {strides = array<i32>} : memref<128x256xf32, #tpu.memory_space<vmem>>, vector<1x16xf32>,
          %swap3A_296 = arith.index_cast %while3A_256 : i32 to index
          %swap3A_297 = arith.constant 128 : index
          %swap3A_298 = tpu.vector_load %arg9[%swap3A_296, %swap3A_297] {strides = array<i32>} : memref<128x256xf32, #tpu.memory_space<vmem>>, vector<1x16xf32>,
          %swap3A_299 = vector.shape_cast %swap3A_298 : vector<1x16xf32> to vector<16xf32>
          %swap3A_300 = vector.shape_cast %broadcast_in_dim3A_24 : vector<16xf32> to vector<1x16xf32>
          tpu.vector_store %arg9[%swap3A_296, %swap3A_297], %swap3A_300 {strides = array<i32>} : memref<128x256xf32, #tpu.memory_space<vmem>>, vector<1x16xf32>,
          %swap3A_301 = arith.index_cast %while3A_256 : i32 to index
          %swap3A_302 = arith.constant 144 : index
          %swap3A_303 = tpu.vector_load %arg9[%swap3A_301, %swap3A_302] {strides = array<i32>} : memref<128x256xf32, #tpu.memory_space<vmem>>, vector<1x16xf32>,
          %swap3A_304 = vector.shape_cast %swap3A_303 : vector<1x16xf32> to vector<16xf32>
          %swap3A_305 = vector.shape_cast %broadcast_in_dim3A_24 : vector<16xf32> to vector<1x16xf32>
          tpu.vector_store %arg9[%swap3A_301, %swap3A_302], %swap3A_305 {strides = array<i32>} : memref<128x256xf32, #tpu.memory_space<vmem>>, vector<1x16xf32>,
          %swap3A_306 = arith.index_cast %while3A_256 : i32 to index
          %swap3A_307 = arith.constant 160 : index
          %swap3A_308 = tpu.vector_load %arg9[%swap3A_306, %swap3A_307] {strides = array<i32>} : memref<128x256xf32, #tpu.memory_space<vmem>>, vector<1x16xf32>,
          %swap3A_309 = vector.shape_cast %swap3A_308 : vector<1x16xf32> to vector<16xf32>
          %swap3A_310 = vector.shape_cast %broadcast_in_dim3A_24 : vector<16xf32> to vector<1x16xf32>
          tpu.vector_store %arg9[%swap3A_306, %swap3A_307], %swap3A_310 {strides = array<i32>} : memref<128x256xf32, #tpu.memory_space<vmem>>, vector<1x16xf32>,
          %swap3A_311 = arith.index_cast %while3A_256 : i32 to index
          %swap3A_312 = arith.constant 176 : index
          %swap3A_313 = tpu.vector_load %arg9[%swap3A_311, %swap3A_312] {strides = array<i32>} : memref<128x256xf32, #tpu.memory_space<vmem>>, vector<1x16xf32>,
          %swap3A_314 = vector.shape_cast %swap3A_313 : vector<1x16xf32> to vector<16xf32>
          %swap3A_315 = vector.shape_cast %broadcast_in_dim3A_24 : vector<16xf32> to vector<1x16xf32>
          tpu.vector_store %arg9[%swap3A_311, %swap3A_312], %swap3A_315 {strides = array<i32>} : memref<128x256xf32, #tpu.memory_space<vmem>>, vector<1x16xf32>,
          %swap3A_316 = arith.index_cast %while3A_256 : i32 to index
          %swap3A_317 = arith.constant 192 : index
          %swap3A_318 = tpu.vector_load %arg9[%swap3A_316, %swap3A_317] {strides = array<i32>} : memref<128x256xf32, #tpu.memory_space<vmem>>, vector<1x16xf32>,
          %swap3A_319 = vector.shape_cast %swap3A_318 : vector<1x16xf32> to vector<16xf32>
          %swap3A_320 = vector.shape_cast %broadcast_in_dim3A_24 : vector<16xf32> to vector<1x16xf32>
          tpu.vector_store %arg9[%swap3A_316, %swap3A_317], %swap3A_320 {strides = array<i32>} : memref<128x256xf32, #tpu.memory_space<vmem>>, vector<1x16xf32>,
          %swap3A_321 = arith.index_cast %while3A_256 : i32 to index
          %swap3A_322 = arith.constant 208 : index
          %swap3A_323 = tpu.vector_load %arg9[%swap3A_321, %swap3A_322] {strides = array<i32>} : memref<128x256xf32, #tpu.memory_space<vmem>>, vector<1x16xf32>,
          %swap3A_324 = vector.shape_cast %swap3A_323 : vector<1x16xf32> to vector<16xf32>
          %swap3A_325 = vector.shape_cast %broadcast_in_dim3A_24 : vector<16xf32> to vector<1x16xf32>
          tpu.vector_store %arg9[%swap3A_321, %swap3A_322], %swap3A_325 {strides = array<i32>} : memref<128x256xf32, #tpu.memory_space<vmem>>, vector<1x16xf32>,
          %swap3A_326 = arith.index_cast %while3A_256 : i32 to index
          %swap3A_327 = arith.constant 224 : index
          %swap3A_328 = tpu.vector_load %arg9[%swap3A_326, %swap3A_327] {strides = array<i32>} : memref<128x256xf32, #tpu.memory_space<vmem>>, vector<1x16xf32>,
          %swap3A_329 = vector.shape_cast %swap3A_328 : vector<1x16xf32> to vector<16xf32>
          %swap3A_330 = vector.shape_cast %broadcast_in_dim3A_24 : vector<16xf32> to vector<1x16xf32>
          tpu.vector_store %arg9[%swap3A_326, %swap3A_327], %swap3A_330 {strides = array<i32>} : memref<128x256xf32, #tpu.memory_space<vmem>>, vector<1x16xf32>,
          %swap3A_331 = arith.index_cast %while3A_256 : i32 to index
          %swap3A_332 = arith.constant 240 : index
          %swap3A_333 = tpu.vector_load %arg9[%swap3A_331, %swap3A_332] {strides = array<i32>} : memref<128x256xf32, #tpu.memory_space<vmem>>, vector<1x16xf32>,
          %swap3A_334 = vector.shape_cast %swap3A_333 : vector<1x16xf32> to vector<16xf32>
          %swap3A_335 = vector.shape_cast %broadcast_in_dim3A_24 : vector<16xf32> to vector<1x16xf32>
          tpu.vector_store %arg9[%swap3A_331, %swap3A_332], %swap3A_335 {strides = array<i32>} : memref<128x256xf32, #tpu.memory_space<vmem>>, vector<1x16xf32>,
        }
      } else {
      }
      %add3A_237 = arith.constant 896 : i32
      %add3A_238 = arith.addi %mul3A_9, %add3A_237 : i32
      %dma_start3A_239 = arith.constant 0 : i32
      %dma_start3A_240 = tpu.memref_slice %arg5[%arg1, %add3A_238, %dma_start3A_239] : memref<16x2048x256xf32, #tpu.memory_space<hbm>> -> memref<1x128x256xf32, #tpu.memory_space<hbm>>
      %dma_start3A_241 = tpu.memref_squeeze %dma_start3A_240 : memref<1x128x256xf32, #tpu.memory_space<hbm>> -> memref<128x256xf32, #tpu.memory_space<hbm>>
      %dma_start3A_242 = arith.constant 0 : i32
      %dma_start3A_243 = tpu.memref_slice %arg5[%arg1, %add3A_238, %dma_start3A_242] : memref<16x2048x256xf32, #tpu.memory_space<hbm>> -> memref<1x128x256xf32, #tpu.memory_space<hbm>>
      %dma_start3A_244 = tpu.memref_squeeze %dma_start3A_243 : memref<1x128x256xf32, #tpu.memory_space<hbm>> -> memref<128x256xf32, #tpu.memory_space<hbm>>
      tpu.enqueue_dma source(%arg9 : memref<128x256xf32, #tpu.memory_space<vmem>>) target(%dma_start3A_244 : memref<128x256xf32, #tpu.memory_space<hbm>>) target_semaphore(%arg18 : memref<!tpu.dma_semaphore, #tpu.memory_space<semaphore_mem>>)
    } else {
    }
    %not3A_194 = arith.constant true
    %not3A_195 = arith.xori %gt3A_41, %not3A_194 : i1
    %convert_element_type3A_196 = arith.extui %not3A_195 : i1 to i32
    %cond3A_197 = arith.constant 0 : i32
    %cond3A_198 = arith.cmpi ne, %convert_element_type3A_196, %cond3A_197 : i32
    scf.if %cond3A_198 {
      %add3A_227 = arith.constant 896 : i32
      %add3A_228 = arith.addi %mul3A_9, %add3A_227 : i32
      %dma_start3A_229 = arith.constant 0 : i32
      %dma_start3A_230 = tpu.memref_slice %arg5[%arg1, %add3A_228, %dma_start3A_229] : memref<16x2048x256xf32, #tpu.memory_space<hbm>> -> memref<1x64x256xf32, #tpu.memory_space<hbm>>
      %dma_start3A_231 = tpu.memref_squeeze %dma_start3A_230 : memref<1x64x256xf32, #tpu.memory_space<hbm>> -> memref<64x256xf32, #tpu.memory_space<hbm>>
      %dma_start3A_232 = arith.constant 0 : i32
      %dma_start3A_233 = tpu.memref_slice %arg5[%arg1, %add3A_228, %dma_start3A_232] : memref<16x2048x256xf32, #tpu.memory_space<hbm>> -> memref<1x64x256xf32, #tpu.memory_space<hbm>>
      %dma_start3A_234 = tpu.memref_squeeze %dma_start3A_233 : memref<1x64x256xf32, #tpu.memory_space<hbm>> -> memref<64x256xf32, #tpu.memory_space<hbm>>
      tpu.enqueue_dma source(%arg11 : memref<64x256xf32, #tpu.memory_space<vmem>>) target(%dma_start3A_234 : memref<64x256xf32, #tpu.memory_space<hbm>>) target_semaphore(%arg18 : memref<!tpu.dma_semaphore, #tpu.memory_space<semaphore_mem>>)
      %add3A_235 = arith.constant 64 : i32
      %add3A_236 = arith.addi %add3A_228, %add3A_235 : i32
      %dma_start3A_237 = arith.constant 0 : i32
      %dma_start3A_238 = tpu.memref_slice %arg5[%arg1, %add3A_236, %dma_start3A_237] : memref<16x2048x256xf32, #tpu.memory_space<hbm>> -> memref<1x64x256xf32, #tpu.memory_space<hbm>>
      %dma_start3A_239 = tpu.memref_squeeze %dma_start3A_238 : memref<1x64x256xf32, #tpu.memory_space<hbm>> -> memref<64x256xf32, #tpu.memory_space<hbm>>
      %dma_start3A_240 = arith.constant 0 : i32
      %dma_start3A_241 = tpu.memref_slice %arg5[%arg1, %add3A_236, %dma_start3A_240] : memref<16x2048x256xf32, #tpu.memory_space<hbm>> -> memref<1x64x256xf32, #tpu.memory_space<hbm>>
      %dma_start3A_242 = tpu.memref_squeeze %dma_start3A_241 : memref<1x64x256xf32, #tpu.memory_space<hbm>> -> memref<64x256xf32, #tpu.memory_space<hbm>>
      tpu.enqueue_dma source(%arg11 : memref<64x256xf32, #tpu.memory_space<vmem>>) target(%dma_start3A_242 : memref<64x256xf32, #tpu.memory_space<hbm>>) target_semaphore(%arg18 : memref<!tpu.dma_semaphore, #tpu.memory_space<semaphore_mem>>)
    } else {
    }
    %add3A_199 = arith.constant 640 : i32
    %add3A_200 = arith.addi %mul3A_9, %add3A_199 : i32
    %dma_wait3A_201 = arith.constant 0 : i32
    %dma_wait3A_202 = tpu.memref_slice %arg5[%arg1, %add3A_200, %dma_wait3A_201] : memref<16x2048x256xf32, #tpu.memory_space<hbm>> -> memref<1x128x256xf32, #tpu.memory_space<hbm>>
    %dma_wait3A_203 = tpu.memref_squeeze %dma_wait3A_202 : memref<1x128x256xf32, #tpu.memory_space<hbm>> -> memref<128x256xf32, #tpu.memory_space<hbm>>
    %dma_wait3A_204 = arith.constant 0 : i32
    %dma_wait3A_205 = tpu.memref_slice %arg5[%arg1, %add3A_200, %dma_wait3A_204] : memref<16x2048x256xf32, #tpu.memory_space<hbm>> -> memref<1x128x256xf32, #tpu.memory_space<hbm>>
    %dma_wait3A_206 = tpu.memref_squeeze %dma_wait3A_205 : memref<1x128x256xf32, #tpu.memory_space<hbm>> -> memref<128x256xf32, #tpu.memory_space<hbm>>
    tpu.wait_dma2 semaphore(%arg19 : memref<!tpu.dma_semaphore, #tpu.memory_space<semaphore_mem>>) src(%arg10 : memref<128x256xf32, #tpu.memory_space<vmem>>) dst(%dma_wait3A_206 : memref<128x256xf32, #tpu.memory_space<hbm>>)
    %add3A_207 = arith.constant 768 : i32
    %add3A_208 = arith.addi %mul3A_9, %add3A_207 : i32
    %dma_wait3A_209 = arith.constant 0 : i32
    %dma_wait3A_210 = tpu.memref_slice %arg5[%arg1, %add3A_208, %dma_wait3A_209] : memref<16x2048x256xf32, #tpu.memory_space<hbm>> -> memref<1x128x256xf32, #tpu.memory_space<hbm>>
    %dma_wait3A_211 = tpu.memref_squeeze %dma_wait3A_210 : memref<1x128x256xf32, #tpu.memory_space<hbm>> -> memref<128x256xf32, #tpu.memory_space<hbm>>
    %dma_wait3A_212 = arith.constant 0 : i32
    %dma_wait3A_213 = tpu.memref_slice %arg5[%arg1, %add3A_208, %dma_wait3A_212] : memref<16x2048x256xf32, #tpu.memory_space<hbm>> -> memref<1x128x256xf32, #tpu.memory_space<hbm>>
    %dma_wait3A_214 = tpu.memref_squeeze %dma_wait3A_213 : memref<1x128x256xf32, #tpu.memory_space<hbm>> -> memref<128x256xf32, #tpu.memory_space<hbm>>
    tpu.wait_dma2 semaphore(%arg17 : memref<!tpu.dma_semaphore, #tpu.memory_space<semaphore_mem>>) src(%arg8 : memref<128x256xf32, #tpu.memory_space<vmem>>) dst(%dma_wait3A_214 : memref<128x256xf32, #tpu.memory_space<hbm>>)
    %add3A_215 = arith.constant 896 : i32
    %add3A_216 = arith.addi %mul3A_9, %add3A_215 : i32
    %dma_wait3A_217 = arith.constant 0 : i32
    %dma_wait3A_218 = tpu.memref_slice %arg5[%arg1, %add3A_216, %dma_wait3A_217] : memref<16x2048x256xf32, #tpu.memory_space<hbm>> -> memref<1x128x256xf32, #tpu.memory_space<hbm>>
    %dma_wait3A_219 = tpu.memref_squeeze %dma_wait3A_218 : memref<1x128x256xf32, #tpu.memory_space<hbm>> -> memref<128x256xf32, #tpu.memory_space<hbm>>
    %dma_wait3A_220 = arith.constant 0 : i32
    %dma_wait3A_221 = tpu.memref_slice %arg5[%arg1, %add3A_216, %dma_wait3A_220] : memref<16x2048x256xf32, #tpu.memory_space<hbm>> -> memref<1x128x256xf32, #tpu.memory_space<hbm>>
    %dma_wait3A_222 = tpu.memref_squeeze %dma_wait3A_221 : memref<1x128x256xf32, #tpu.memory_space<hbm>> -> memref<128x256xf32, #tpu.memory_space<hbm>>
    tpu.wait_dma2 semaphore(%arg18 : memref<!tpu.dma_semaphore, #tpu.memory_space<semaphore_mem>>) src(%arg9 : memref<128x256xf32, #tpu.memory_space<vmem>>) dst(%dma_wait3A_222 : memref<128x256xf32, #tpu.memory_space<hbm>>)
    %dma_wait3A_223 = tpu.memref_slice %arg6[%arg1, %mul3A_9] : memref<16x2048xf32, #tpu.memory_space<hbm>> -> memref<1x1024xf32, #tpu.memory_space<hbm>>
    %dma_wait3A_224 = tpu.memref_squeeze %dma_wait3A_223 : memref<1x1024xf32, #tpu.memory_space<hbm>> -> memref<1024xf32, #tpu.memory_space<hbm>>
    %dma_wait3A_225 = tpu.memref_slice %arg6[%arg1, %mul3A_9] : memref<16x2048xf32, #tpu.memory_space<hbm>> -> memref<1x1024xf32, #tpu.memory_space<hbm>>
    %dma_wait3A_226 = tpu.memref_squeeze %dma_wait3A_225 : memref<1x1024xf32, #tpu.memory_space<hbm>> -> memref<1024xf32, #tpu.memory_space<hbm>>
    tpu.wait_dma2 semaphore(%arg20 : memref<!tpu.dma_semaphore, #tpu.memory_space<semaphore_mem>>) src(%arg12 : memref<1024xf32, #tpu.memory_space<vmem>>) dst(%dma_wait3A_226 : memref<1024xf32, #tpu.memory_space<hbm>>)
    return
  }
}

</mosaic_0001>

<sc_bundles>
// kernel: _sampler.3.cloned.1.call-start
scs
__scs_entry_jumppad:
0x0: {  	(pc) =	sbr.rel $0x88, $3  }
0x1: {  	(tag) =	ssettag $0x0;
	lr =	simm.s32 $0x1  }
0x2: {  	[smem:$0x3F9E] =	sst lr;
	_ =	strace $0xD0000000  }
0x3: {  	_ = 	snop  }
0x4: {  	_ = 	snop  }
0x5: {  	_ = 	snop  }
0x6: {  	_ = 	snop  }
0x7: {  	_ = 	snop  }
__scs_overlays_trampoline_lowered:
0x8: {  	[smem:$0x3FAD] =	sst s0  }
0x9: {  	[smem:$0x3FAE] =	sst s1  }
0xa: {  	[smem:$0x3FAF] =	sst s2  }
0xb: {  	[smem:$0x3FB0] =	sst s3  }
0xc: {  	[smem:$0x3FB1] =	sst s4  }
0xd: {  	[smem:$0x3FB2] =	sst s5  }
0xe: {  	[smem:$0x3FB3] =	sst s6  }
0xf: {  	[smem:$0x3FB4] =	sst s7  }
0x10: {  	[smem:$0x3FB5] =	sst s8  }
0x11: {  	[smem:$0x3FB6] =	sst s9;
	s0 =	simm.s32 @!p0 $0x0  }
0x12: {  	s1 =	sld [smem:$0x3F9C];
	s0 =	simm.s32 @p0 $0x1  }
0x13: {  	[smem:$0x3FB7] =	sst s0;
	s0 =	simm.s32 @!p1 $0x0  }
0x14: {  	s2 =	sld [smem:$0x3F9B];
	s0 =	simm.s32 @p1 $0x1  }
0x15: {  	[smem:$0x3FB8] =	sst s0;
	s0 =	simm.s32 @!p2 $0x0  }
0x16: {  	s3 =	sld [smem:$0x3FDB];
	s0 =	simm.s32 @p2 $0x1  }
0x17: {  	s4 =	simm.s32 $0x1BF5;
	[smem:$0x3FBA] =	sst s0  }
0x18: {  	s0 =	sld [smem:$0x3F9D];
	_ =	swait.ge [sflag:s4], $0x0  }
0x19: {  	s7 =	sld [smem:$0x3F9E]  }
0x1a: {  	s8 =	sadd.s32 $0xFFFFE003, lr  }
0x1b: {  	s9 =	sadd.s32 $0xFFFFFEF7, lr;
	s5 =	simm.s32 $0xFFFFFFFF;
	p2 =	slt.u32 s8, $0xFFFFF086  }
0x1c: {  	p1 =	slt.u32 s9, $0xF7A;
	s5 =	simm.s32 @!p2 $0x0  }
0x1d: {  	s5 =	simm.s32 @p1 $0x1;
	p0 =	seq.s32 s7, s2  }
0x1e: {  	s7 =	smul.u32 @!p0 $0xF7A, s2;
	p2 =	seq.s32 @!p0 s5, $0x0  }
0x1f: {  	s9 =	smul.u32 $0xF7A, s1;
	s8 =	simm.s32 @!p0 $0x1BF5;
	p2 =	por !p2, p0  }
0x20: {  	[sflag:s8] =	ssyncset.s32 @!p0 $0xFFFFF086;
	s6 =	sadd.s32 @!p0 s3, s7;
	s7 =	simm.s32 @!p0 $0x108  }
0x21: {  	s3 =	sadd.s32 s3, s9;
	s6 =	sadd.s32 @!p0 $0x88, s6;
	s7 =	simm.s32 @p2 $0x1082  }
0x22: {  	[simem:s7], [sflag:s8] =	dma.local @!p0 [hbm:s6], $0xF7A  }
0x23: {  	s9 =	sor.u32 $0xD0000000, s2;
	s6 =	simm.s32 $0x108;
	_ =	swait.ge @!p0 [sflag:s8], $0x0  }
0x24: {  	s3 =	sadd.s32 $0x88, s3;
	s6 =	simm.s32 @!p1 $0x1082;
	[sflag:s4] =	ssyncset.s32 $0xFFFFF086  }
0x25: {  	[simem:s6], [sflag:s4] =	dma.local [hbm:s3], $0xF7A  }
0x26: {  	[smem:$0x3F9E] =	sst s1;
	(tag) =	ssettag s2;
	_ =	strace s9  }
0x27: {  	s1 =	sld [smem:$0x3FAE]  }
0x28: {  	s2 =	sld [smem:$0x3FAF]  }
0x29: {  	s4 =	sld [smem:$0x3FB1]  }
0x2a: {  	p0 =	seq.s32 s5, $0x0;
	s5 =	sld [smem:$0x3FB2]  }
0x2b: {  	s6 =	sld [smem:$0x3FB3]  }
0x2c: {  	s7 =	sld [smem:$0x3FB4]  }
0x2d: {  	s3 =	simm.s32 $0x108;
	s8 =	sld [smem:$0x3FB5]  }
0x2e: {  	s3 =	simm.s32 @!p0 $0x1082;
	s9 =	sld [smem:$0x3FB6]  }
0x2f: {  	lr =	sadd.s32 s0, s3;
	s0 =	sld [smem:$0x3FAD]  }
0x30: {  	s3 =	sld [smem:$0x3FB0]  }
0x31: {  	[smem:$0x3FB9] =	sst s10  }
0x32: {  	s10 =	sld [smem:$0x3FB7];
	_ =	sdelay $0x3  }
0x33: {  	p0 =	seq.s32 s10, $0x1;
	s10 =	sld [smem:$0x3FB9];
	_ =	sdelay $0x3  }
0x34: {  	[smem:$0x3FB9] =	sst s10  }
0x35: {  	s10 =	sld [smem:$0x3FB8];
	_ =	sdelay $0x3  }
0x36: {  	p1 =	seq.s32 s10, $0x1;
	s10 =	sld [smem:$0x3FB9];
	_ =	sdelay $0x3  }
0x37: {  	[smem:$0x3FB9] =	sst s10  }
0x38: {  	s10 =	sld [smem:$0x3FBA]  }
0x39: {  	_ = 	snop;
	(pc) =	sbr.ind lr, $3  }
0x3a: {  	_ = 	snop  }
0x3b: {  	_ = 	snop  }
0x3c: {  	p2 =	seq.s32 s10, $0x1;
	s10 =	sld [smem:$0x3FB9]  }
0x3d: {  	_ =	shalt  }
0x3e: {  	_ =	shalt  }
0x3f: {  	_ =	shalt  }
0x40: {  	_ =	shalt  }
0x41: {  	_ =	shalt  }
0x42: {  	_ =	shalt  }
0x43: {  	_ =	shalt  }
0x44: {  	_ =	shalt  }
0x45: {  	_ =	shalt  }
0x46: {  	_ =	shalt  }
0x47: {  	_ =	shalt  }
0x48: {  	_ =	shalt  }
0x49: {  	_ =	shalt  }
0x4a: {  	_ =	shalt  }
0x4b: {  	_ =	shalt  }
0x4c: {  	_ =	shalt  }
0x4d: {  	_ =	shalt  }
0x4e: {  	_ =	shalt  }
0x4f: {  	_ =	shalt  }
0x50: {  	_ =	shalt  }
0x51: {  	_ =	shalt  }
0x52: {  	_ =	shalt  }
0x53: {  	_ =	shalt  }
0x54: {  	_ =	shalt  }
0x55: {  	_ =	shalt  }
0x56: {  	_ =	shalt  }
0x57: {  	_ =	shalt  }
0x58: {  	_ =	shalt  }
0x59: {  	_ =	shalt  }
0x5a: {  	_ =	shalt  }
0x5b: {  	_ =	shalt  }
0x5c: {  	_ =	shalt  }
0x5d: {  	_ =	shalt  }
0x5e: {  	_ =	shalt  }
0x5f: {  	_ =	shalt  }
0x60: {  	_ =	shalt  }
0x61: {  	_ =	shalt  }
0x62: {  	_ =	shalt  }
0x63: {  	_ =	shalt  }
0x64: {  	_ =	shalt  }
0x65: {  	_ =	shalt  }
0x66: {  	_ =	shalt  }
0x67: {  	_ =	shalt  }
0x68: {  	_ =	shalt  }
0x69: {  	_ =	shalt  }
0x6a: {  	_ =	shalt  }
0x6b: {  	_ =	shalt  }
0x6c: {  	_ =	shalt  }
0x6d: {  	_ =	shalt  }
0x6e: {  	_ =	shalt  }
0x6f: {  	_ =	shalt  }
0x70: {  	_ =	shalt  }
0x71: {  	_ =	shalt  }
0x72: {  	_ =	shalt  }
0x73: {  	_ =	shalt  }
0x74: {  	_ =	shalt  }
0x75: {  	_ =	shalt  }
0x76: {  	_ =	shalt  }
0x77: {  	_ =	shalt  }
0x78: {  	_ =	shalt  }
0x79: {  	_ =	shalt  }
0x7a: {  	_ =	shalt  }
0x7b: {  	_ =	shalt  }
0x7c: {  	_ =	shalt  }
0x7d: {  	_ =	shalt  }
0x7e: {  	_ =	shalt  }
0x7f: {  	_ =	shalt  }
0x80: {  	_ =	shalt  }
0x81: {  	_ =	shalt  }
0x82: {  	_ =	shalt  }
0x83: {  	_ =	shalt  }
0x84: {  	_ =	shalt  }
0x85: {  	_ =	shalt  }
0x86: {  	_ =	shalt  }
0x87: {  	_ =	shalt  }
.Lfunc_end0:
.L_simem_size_0:
called_computation_lowered:
.L_overlay_start_0:
0x88: {  	s2 =	sld [smem:$0x3FD9]  }
0x89: {  	s3 =	sld [smem:$0x3FFE];
	_ =	sdelay $0x1  }
0x8a: {  	s1 =	srdreg.scid  }
0x8b: {  	s0 =	sand.u32 $0x1, s1  }
0x8c: {  	s15 =	sshll.u32 s0, $0xA;
	s2 =	sadd.s32 s3, s2  }
0x8d: {  	s2 =	sadd.s32 s2, s15  }
0x8e: {  	[smem:$0x3FC5] =	sst s2  }
0x8f: {  	_ = 	snop  }
0x90: {  	s2 =	sld [smem:$0x3FD0]  }
0x91: {  	s16 =	sld [smem:$0x3FC9]  }
0x92: {  	s4 =	sld [smem:$0x3FC8]  }
0x93: {  	s6 =	simm.s32 $0xA;
	s7 =	simm.s32 $0x10;
	s5 =	sld [smem:$0x3FC7]  }
0x94: {  	[smem:s7], [sflag:s6] =	dma.local [hbm:s2], $0x1  }
0x95: {  	_ =	swait.eq [sflag:s6], $0x1  }
0x96: {  	[sflag:s6] =	ssyncset.done $0x0  }
0x97: {  	s17 =	sld [smem:$0x10];
	[sflag:s6] =	ssyncadd.s32 $0xFFFFFFFF  }
0x98: {  	s18 =	sld [smem:$0x11];
	(tm) =	ssettm $0x1  }
0x99: {  	s19 =	sld [smem:$0x3FFB];
	_ =	sdelay $0x3  }
0x9a: {  	_ =	strace s19  }
0x9b: {  	s7 =	sld [smem:$0x3FFC];
	_ =	sdelay $0x3  }
0x9c: {  	_ =	strace s7  }
0x9d: {  	s7 =	sld [smem:$0x3FFD];
	_ =	sdelay $0x3  }
0x9e: {  	_ =	strace s7  }
0x9f: {  	_ =	strace $0x8FFFFFFF  }
0xa0: {  	s20 =	sld [smem:$0x3FDB];
	_ =	sdelay $0x1  }
0xa1: {  	s8 =	simm.s32 $_scs_section_size  }
0xa2: {  	s9 =	simm.s32 $_size__tile_overlayer_lowered;
	s10 =	simm.s32 $_tile_overlayer_lowered  }
0xa3: {  	s23 =	simm.s32 $0x1BFF;
	s22 =	sshll.u32 s10, $0x1;
	s7 =	sadd.s32 s8, s20  }
0xa4: {  	s11 =	simm.s32 $0x0;
	s21 =	sshll.u32 s9, $0x1;
	s9 =	sadd.s32 s22, s7  }
0xa5: {  	[timem:s11], [sflag:s23] =	dma.local [hbm:s9], s21  }
0xa6: {  	_ =	swait.ge [sflag:s23], s21  }
0xa7: {  	s8 =	ssub.s32 $0x0, s21;
	[sflag:s23] =	ssyncset.done $0x0  }
0xa8: {  	[sflag:s23] =	ssyncadd.s32 s8;
	_ =	sdelay $0x1  }
0xa9: {  	s24 =	simm.s32 $0x1B8B  }
0xaa: {  	_ =	swait.ge [sflag:s24], $0x1  }
0xab: {  	[sflag:s24] =	ssyncset.done $0x0  }
0xac: {  	s25 =	simm.s32 $0x1B8E;
	[sflag:s24] =	ssyncadd.s32 $0xFFFFFFFF  }
0xad: {  	s26 =	simm.s32 $execute0_lowered;
	[smem:$0x3FD2] =	sst s25  }
0xae: {  	s8 =	sshll.u32 s26, $0x1;
	_ =	strace $0x80000046;
	[dreg:$0x1] =	wrdreg $0xFFFFFFFF  }
0xaf: {  	s28 =	simm.s32 $_size_execute0_lowered;
	s7 =	sadd.s32 s7, s8;
	[dreg:$0x0] =	wrdreg $0x0  }
0xb0: {  	s8 =	sshll.u32 s28, $0x1;
	[dreg:$0x2] =	wrdreg s7  }
0xb1: {  	[dreg:$0x3] =	wrdreg s8  }
0xb2: {  	[dreg:$0x4] =	wrdreg $0xC0  }
0xb3: {  	_ =	task [dreg:s11], $0x5FFFF  }
0xb4: {  	[dreg:$0x1] =	wrdreg $0xFFFFFFFF  }
0xb5: {  	[dreg:$0x0] =	wrdreg $0x60  }
0xb6: {  	[dreg:$0x2] =	wrdreg s16  }
0xb7: {  	[dreg:$0x3] =	wrdreg s4  }
0xb8: {  	[dreg:$0x4] =	wrdreg s5  }
0xb9: {  	[dreg:$0x5] =	wrdreg s17  }
0xba: {  	[dreg:$0x6] =	wrdreg s18  }
0xbb: {  	[dreg:$0x7] =	wrdreg $0x9  }
0xbc: {  	_ =	task.clear_ibuf [dreg:s11], $0x8FFFF;
	_ =	strace $0x90000046  }
0xbd: {  	s29 =	simm.s32 $0x9;
	_ =	strace $0x80000048  }
0xbe: {  	_ =	swait.ge [sflag:s29], $0x1  }
0xbf: {  	[sflag:s29] =	ssyncadd.s32 $0xFFFFFFFF  }
0xc0: {  	_ =	strace $0x90000048  }
0xc1: {  	_ =	sfence  }
0xc2: {  	s30 =	sld [smem:$0x0];
	_ =	sdelay $0x2  }
0xc3: {  	s31 =	sshll.u32 s1, $0xD;
	s1 =	sshrl.u32 s1, $0x2  }
0xc4: {  	s3 =	sand.u32 $0x4000, s31;
	s1 =	sadd.s32 s1, s30  }
0xc5: {  	s0 =	sor.u32 s3, s0;
	s1 =	sshll.u32 s1, $0x11  }
0xc6: {  	s0 =	sor.u32 s1, s0  }
0xc7: {  	s0 =	sadd.s32 $0x8F2B, s0  }
0xc8: {  	[sflag:s0] =	ssyncadd.remote.s32 $0x1  }
0xc9: {  	_ =	sfence.sel $0xFFFF  }
0xca: {  	[dreg:$0x0] =	wrdreg $0xFFFFFFFF;
	(pc) =	sbr.abs _section_cstart, $3  }
0xcb: {  	[dreg:$0x1] =	wrdreg $0xFFFFFFFF  }
0xcc: {  	_ =	task.clear_ibuf [dreg:s11], $0x2FFFF;
	_ =	strace $0x9FFFFFFF  }
0xcd: {  	(tm) =	ssettm $0x7FFFFFFF  }
tec
execute0_lowered:
.L_overlay_start_1:
0x0: {  	(tag) =	ssettag $0x1  }
0x1: {  	s1 =	rddreg [dreg:$0x0]  }
0x2: {  	s0 =	rddreg [dreg:$0x1]  }
0x3: {  	s2 =	rddreg [dreg:$0x3]  }
0x4: {  	s3 =	rddreg [dreg:$0x4]  }
0x5: {  	s5 =	srdreg.scid;
	s4 =	simm.s32 $0x0;
	s10 =	stileid.u32  }
0x6: {  	s6 =	sand.u32 $0x1, s5;
	[smem:$0x7FF] =	sst s4;
	s5 =	sadd.s32 s5, s10  }
0x7: {  	s8 =	sshll.u32 s10, $0x8;
	s9 =	sshll.u32 s10, $0x4;
	s24 =	sshll.u32 s10, $0x10  }
0x8: {  	s30 =	sadd.s32 $0x2000, s2;
	s13 =	sadd.s32 $0x3000, s2;
	s14 =	sadd.s32 $0x4000, s2  }
0x9: {  	s19 =	sadd.s32 $0x5000, s2;
	s6 =	ssub.s32 $0x2, s6;
	_ =	strace $0x80000047  }
0xa: {  	s5 =	sshll.u32 s5, $0xA;
	s23 =	sor.u32 s9, s8;
	s28 =	sadd.s32 s2, s24  }
0xb: {  	s15 =	sadd.s32 s24, s30;
	s16 =	sadd.s32 s24, s13;
	s20 =	sadd.s32 s24, s19  }
0xc: {  	s9 =	simm.s32 $0x4;
	s7 =	sshrl.u32 s6, $0x1;
	s5 =	sand.u32 $0x400, s5  }
0xd: {  	s11 =	ssub.s32 s6, s7;
	s6 =	sand.u32 $0x870, s23;
	s25 =	sshll.u32 s5, $0x5  }
0xe: {  	s26 =	sor.u32 s5, s6;
	s12 =	sor.u32 s24, s25;
	s7 =	sadd.s32 s25, s28  }
0xf: {  	s6 =	sadd.s32 s0, s26;
	s10 =	sadd.s32 s3, s26;
	s3 =	sadd.s32 s25, s15  }
0x10: {  	s17 =	sadd.s32 s2, s12;
	s0 =	sadd.s32 s12, s30;
	[dreg:$0x8] =	wrdreg s3  }
0x11: {  	s15 =	sadd.s32 s24, s14;
	s23 =	sadd.s32 s12, s13;
	[dreg:$0xf] =	wrdreg s0  }
0x12: {  	s26 =	sadd.s32 $0x1000, s7;
	s13 =	simm.s32 $0x2;
	[dreg:$0x10] =	wrdreg s23  }
0x13: {  	s29 =	sadd.s32 $0x800, s17;
	s3 =	sadd.s32 s25, s16;
	[dreg:$0x13] =	wrdreg s26  }
0x14: {  	s18 =	sadd.s32 s25, s15;
	s16 =	sadd.s32 $0x6000, s2;
	[dreg:$0x6] =	wrdreg s17  }
0x15: {  	s2 =	sadd.s32 $0x7000, s2;
	s15 =	sadd.s32 s25, s20;
	[dreg:$0x7] =	wrdreg s29  }
0x16: {  	s22 =	sadd.s32 $0x1000, s17;
	s28 =	sadd.s32 $0x2800, s17;
	[dreg:$0x9] =	wrdreg s3  }
0x17: {  	s30 =	sadd.s32 $0x4800, s17;
	s31 =	sadd.s32 $0x5800, s17;
	[dreg:$0xa] =	wrdreg s18  }
0x18: {  	s0 =	sadd.s32 $0x6800, s17;
	s26 =	simm.s32 $0x6;
	[dreg:$0xb] =	wrdreg s15  }
0x19: {  	s21 =	sadd.s32 s24, s16;
	s8 =	sadd.s32 s24, s2;
	[dreg:$0xe] =	wrdreg s22  }
0x1a: {  	s24 =	sadd.s32 s12, s14;
	s22 =	sadd.s32 s12, s16;
	[dreg:$0x14] =	wrdreg s28  }
0x1b: {  	s23 =	sadd.s32 s12, s2;
	s29 =	sadd.s32 $0x3800, s17;
	[dreg:$0x16] =	wrdreg s30  }
0x1c: {  	s16 =	sadd.s32 $0x7800, s17;
	s14 =	simm.s32 $0x400;
	[dreg:$0x11] =	wrdreg s24  }
0x1d: {  	s2 =	simm.s32 $0x7;
	s15 =	sadd.s32 s25, s21;
	[dreg:$0x15] =	wrdreg s29  }
0x1e: {  	s8 =	sadd.s32 s25, s8;
	s21 =	sadd.s32 s12, s19;
	[dreg:$0xc] =	wrdreg s15  }
0x1f: {  	v0 =	vlaneseq.u32;
	s25 =	sadd.s32 $0x1800, s17;
	s12 =	simm.s32 $0x1;
	[dreg:$0xd] =	wrdreg s8  }
0x20: {  	v1 =	vimm.f32 $0.0e+00;
	vm0 =	vmmov $0xffff;
	v3 =	vshrl.u32 v0, $0x3;
	s24 =	simm.s32 $0x5;
	s17 =	simm.s32 $0x0;
	[dreg:$0x12] =	wrdreg s25  }
0x21: {  	v2 =	vand.u32 $0x7, v0;
	v4 =	vor.u32 $0x8, v0;
	v3 =	vmul.u32 $0x8, v3;
	s25 =	smax.u32 s11, $0x1;
	s15 =	simm.s32 $0x80;
	s11 =	simm.s32 $0x18400  }
.LBB2_1:
0x22: {  	[tilespmem:s4], [sflag:$0x1] =	stream.strided.gather [hbm4b:s6+s15], $0x400, s14, s15, $0x38;
	[tilespmem:$0x1C880] =	vst v63  }
0x23: {  	s3 =	rddreg [dreg:$0x2];
	s8 =	simm.s32 $0x1C800  }
0x24: {  	[tilespmem:s8], [sflag:$0x2] =	stream.linear.gather [hbm4b:s3+s4], $0x10, $0x38;
	[tilespmem:$0x1C880] =	vst v63  }
0x25: {  	_ =	swait.ge [sflag:s13], $0x10  }
0x26: {  	[sflag:s13] =	ssyncset.done $0x0  }
0x27: {  	s29 =	stileid.u32;
	[sflag:s13] =	ssyncadd.s32 $0xFFFFFFF0  }
0x28: {  	v5 =	vld [tilespmem:s29+$0x1C800];
	_ =	sdelay $0x4  }
0x29: {  	(v2sf) =	vpush v5, $0x0;
	_ =	sdelay $0xe  }
0x2a: {  	s30 =	spop (v2sf)  }
0x2b: {  	_ =	swait.ge [sflag:s12], $0x400  }
0x2c: {  	s3 =	ssub.s32 s30, s5;
	[sflag:s12] =	ssyncset.done $0x0  }
0x2d: {  	p0 =	slt.s32 s3, $0x1;
	[sflag:s12] =	ssyncadd.s32 $0xFFFFFC00  }
0x2e: {  	v6 =	vld @!p0 [tilespmem:$0x0];
	_ =	sdelay $0x4  }
0x2f: {  	v7 =	vshll.u32 @!p0 v6, $0x1  }
0x30: {  	v8 =	vlaneseq.u32 @!p0;
	v6 =	vand.u32 @!p0 $0x7, v6;
	v7 =	vand.u32 @!p0 $0xFFFFFFF0, v7  }
0x31: {  	v9 =	vshrl.u32 @!p0 v8, $0x3;
	v6 =	vor.u32 @!p0 v6, v7;
	v7 =	vand.u32 @!p0 $0x7, v8  }
0x32: {  	v9 =	vmul.u32 @!p0 $0x8, v9;
	v10 =	vperm.xlane @!p0 v6, v7  }
0x33: {  	v8 =	vor.u32 @!p0 $0x8, v8  }
0x34: {  	v6 =	vperm.xlane @!p0 v6, v8;
	v10 =	vadd.s32 @!p0 v9, v10;
	_ =	sdelay $0x1  }
0x35: {  	v6 =	vadd.s32 @!p0 v9, v6;
	_ =	sdelay $0x1  }
0x36: {  	vm1 =	vmmov @!p0 $0xffff;
	s18 =	simm.s32 @!p0 $0x0;
	s19 =	simm.s32 @!p0 $0x400  }
0x37: {  	[tilespmem:s19], [sflag:$0x1] =	stream.indirect_vreg.gather @!p0 [hbm4b:s1+s18], $0x80, v10, vm1, $0xb8;
	[tilespmem:$0x1C880] =	vst v63  }
0x38: {  	s19 =	simm.s32 @!p0 $0xC00  }
0x39: {  	[tilespmem:s19], [sflag:$0x1] =	stream.indirect_vreg.gather @!p0 [hbm4b:s1+s18], $0x80, v6, vm1, $0xb8;
	[tilespmem:$0x1C880] =	vst v63  }
0x3a: {  	v6 =	vld @!p0 [tilespmem:$0x10];
	_ =	sdelay $0x4  }
0x3b: {  	v10 =	vshll.u32 @!p0 v6, $0x1  }
0x3c: {  	v6 =	vand.u32 @!p0 $0x7, v6;
	v10 =	vand.u32 @!p0 $0xFFFFFFF0, v10  }
0x3d: {  	v6 =	vor.u32 @!p0 v6, v10  }
0x3e: {  	v10 =	vperm.xlane @!p0 v6, v7;
	_ =	sdelay $0x1  }
0x3f: {  	v6 =	vperm.xlane @!p0 v6, v8;
	v10 =	vadd.s32 @!p0 v9, v10;
	_ =	sdelay $0x1  }
0x40: {  	v6 =	vadd.s32 @!p0 v9, v6;
	_ =	sdelay $0x1  }
0x41: {  	s19 =	simm.s32 @!p0 $0x1400  }
0x42: {  	[tilespmem:s19], [sflag:$0x1] =	stream.indirect_vreg.gather @!p0 [hbm4b:s1+s18], $0x80, v10, vm1, $0xb8;
	[tilespmem:$0x1C880] =	vst v63  }
0x43: {  	s19 =	simm.s32 @!p0 $0x1C00  }
0x44: {  	[tilespmem:s19], [sflag:$0x1] =	stream.indirect_vreg.gather @!p0 [hbm4b:s1+s18], $0x80, v6, vm1, $0xb8;
	[tilespmem:$0x1C880] =	vst v63  }
0x45: {  	v6 =	vld @!p0 [tilespmem:$0x20];
	_ =	sdelay $0x4  }
0x46: {  	v10 =	vshll.u32 @!p0 v6, $0x1  }
0x47: {  	v6 =	vand.u32 @!p0 $0x7, v6;
	v10 =	vand.u32 @!p0 $0xFFFFFFF0, v10  }
0x48: {  	v6 =	vor.u32 @!p0 v6, v10  }
0x49: {  	v10 =	vperm.xlane @!p0 v6, v7;
	_ =	sdelay $0x1  }
0x4a: {  	v6 =	vperm.xlane @!p0 v6, v8;
	v10 =	vadd.s32 @!p0 v9, v10;
	_ =	sdelay $0x1  }
0x4b: {  	v6 =	vadd.s32 @!p0 v9, v6;
	_ =	sdelay $0x1  }
0x4c: {  	s19 =	simm.s32 @!p0 $0x2400  }
0x4d: {  	[tilespmem:s19], [sflag:$0x1] =	stream.indirect_vreg.gather @!p0 [hbm4b:s1+s18], $0x80, v10, vm1, $0xb8;
	[tilespmem:$0x1C880] =	vst v63  }
0x4e: {  	s19 =	simm.s32 @!p0 $0x2C00  }
0x4f: {  	[tilespmem:s19], [sflag:$0x1] =	stream.indirect_vreg.gather @!p0 [hbm4b:s1+s18], $0x80, v6, vm1, $0xb8;
	[tilespmem:$0x1C880] =	vst v63  }
0x50: {  	v6 =	vld @!p0 [tilespmem:$0x30];
	_ =	sdelay $0x4  }
0x51: {  	v10 =	vshll.u32 @!p0 v6, $0x1  }
0x52: {  	v6 =	vand.u32 @!p0 $0x7, v6;
	v10 =	vand.u32 @!p0 $0xFFFFFFF0, v10  }
0x53: {  	v6 =	vor.u32 @!p0 v6, v10  }
0x54: {  	v10 =	vperm.xlane @!p0 v6, v7;
	_ =	sdelay $0x1  }
0x55: {  	v6 =	vperm.xlane @!p0 v6, v8;
	v10 =	vadd.s32 @!p0 v9, v10;
	_ =	sdelay $0x1  }
0x56: {  	v6 =	vadd.s32 @!p0 v9, v6;
	_ =	sdelay $0x1  }
0x57: {  	s19 =	simm.s32 @!p0 $0x3400  }
0x58: {  	[tilespmem:s19], [sflag:$0x1] =	stream.indirect_vreg.gather @!p0 [hbm4b:s1+s18], $0x80, v10, vm1, $0xb8;
	[tilespmem:$0x1C880] =	vst v63  }
0x59: {  	s19 =	simm.s32 @!p0 $0x3C00  }
0x5a: {  	[tilespmem:s19], [sflag:$0x1] =	stream.indirect_vreg.gather @!p0 [hbm4b:s1+s18], $0x80, v6, vm1, $0xb8;
	[tilespmem:$0x1C880] =	vst v63  }
0x5b: {  	v6 =	vld @!p0 [tilespmem:$0x40];
	_ =	sdelay $0x4  }
0x5c: {  	v10 =	vshll.u32 @!p0 v6, $0x1  }
0x5d: {  	v6 =	vand.u32 @!p0 $0x7, v6;
	v10 =	vand.u32 @!p0 $0xFFFFFFF0, v10  }
0x5e: {  	v6 =	vor.u32 @!p0 v6, v10  }
0x5f: {  	v10 =	vperm.xlane @!p0 v6, v7;
	_ =	sdelay $0x1  }
0x60: {  	v6 =	vperm.xlane @!p0 v6, v8;
	v10 =	vadd.s32 @!p0 v9, v10;
	_ =	sdelay $0x1  }
0x61: {  	v6 =	vadd.s32 @!p0 v9, v6;
	_ =	sdelay $0x1  }
0x62: {  	s19 =	simm.s32 @!p0 $0x4400  }
0x63: {  	[tilespmem:s19], [sflag:$0x1] =	stream.indirect_vreg.gather @!p0 [hbm4b:s1+s18], $0x80, v10, vm1, $0xb8;
	[tilespmem:$0x1C880] =	vst v63  }
0x64: {  	s19 =	simm.s32 @!p0 $0x4C00  }
0x65: {  	[tilespmem:s19], [sflag:$0x1] =	stream.indirect_vreg.gather @!p0 [hbm4b:s1+s18], $0x80, v6, vm1, $0xb8;
	[tilespmem:$0x1C880] =	vst v63  }
0x66: {  	v6 =	vld @!p0 [tilespmem:$0x50];
	_ =	sdelay $0x4  }
0x67: {  	v10 =	vshll.u32 @!p0 v6, $0x1  }
0x68: {  	v6 =	vand.u32 @!p0 $0x7, v6;
	v10 =	vand.u32 @!p0 $0xFFFFFFF0, v10  }
0x69: {  	v6 =	vor.u32 @!p0 v6, v10  }
0x6a: {  	v10 =	vperm.xlane @!p0 v6, v7;
	_ =	sdelay $0x1  }
0x6b: {  	v6 =	vperm.xlane @!p0 v6, v8;
	v10 =	vadd.s32 @!p0 v9, v10;
	_ =	sdelay $0x1  }
0x6c: {  	v6 =	vadd.s32 @!p0 v9, v6;
	_ =	sdelay $0x1  }
0x6d: {  	s19 =	simm.s32 @!p0 $0x5400  }
0x6e: {  	[tilespmem:s19], [sflag:$0x1] =	stream.indirect_vreg.gather @!p0 [hbm4b:s1+s18], $0x80, v10, vm1, $0xb8;
	[tilespmem:$0x1C880] =	vst v63  }
0x6f: {  	s19 =	simm.s32 @!p0 $0x5C00  }
0x70: {  	[tilespmem:s19], [sflag:$0x1] =	stream.indirect_vreg.gather @!p0 [hbm4b:s1+s18], $0x80, v6, vm1, $0xb8;
	[tilespmem:$0x1C880] =	vst v63  }
0x71: {  	v6 =	vld @!p0 [tilespmem:$0x60];
	_ =	sdelay $0x4  }
0x72: {  	v10 =	vshll.u32 @!p0 v6, $0x1  }
0x73: {  	v6 =	vand.u32 @!p0 $0x7, v6;
	v10 =	vand.u32 @!p0 $0xFFFFFFF0, v10  }
0x74: {  	v6 =	vor.u32 @!p0 v6, v10  }
0x75: {  	v10 =	vperm.xlane @!p0 v6, v7;
	_ =	sdelay $0x1  }
0x76: {  	v6 =	vperm.xlane @!p0 v6, v8;
	v10 =	vadd.s32 @!p0 v9, v10;
	_ =	sdelay $0x1  }
0x77: {  	v6 =	vadd.s32 @!p0 v9, v6;
	_ =	sdelay $0x1  }
0x78: {  	s19 =	simm.s32 @!p0 $0x6400  }
0x79: {  	[tilespmem:s19], [sflag:$0x1] =	stream.indirect_vreg.gather @!p0 [hbm4b:s1+s18], $0x80, v10, vm1, $0xb8;
	[tilespmem:$0x1C880] =	vst v63  }
0x7a: {  	s19 =	simm.s32 @!p0 $0x6C00  }
0x7b: {  	[tilespmem:s19], [sflag:$0x1] =	stream.indirect_vreg.gather @!p0 [hbm4b:s1+s18], $0x80, v6, vm1, $0xb8;
	[tilespmem:$0x1C880] =	vst v63  }
0x7c: {  	v6 =	vld @!p0 [tilespmem:$0x70];
	_ =	sdelay $0x4  }
0x7d: {  	v10 =	vshll.u32 @!p0 v6, $0x1  }
0x7e: {  	v6 =	vand.u32 @!p0 $0x7, v6;
	v10 =	vand.u32 @!p0 $0xFFFFFFF0, v10  }
0x7f: {  	v6 =	vor.u32 @!p0 v6, v10  }
0x80: {  	v7 =	vperm.xlane @!p0 v6, v7;
	_ =	sdelay $0x1  }
0x81: {  	v6 =	vperm.xlane @!p0 v6, v8;
	v7 =	vadd.s32 @!p0 v9, v7;
	_ =	sdelay $0x1  }
0x82: {  	v6 =	vadd.s32 @!p0 v9, v6;
	_ =	sdelay $0x1  }
0x83: {  	p1 =	slt.s32 @!p0 s3, $0x81;
	s19 =	simm.s32 @!p0 $0x7400  }
0x84: {  	[tilespmem:s19], [sflag:$0x1] =	stream.indirect_vreg.gather @!p0 [hbm4b:s1+s18], $0x80, v7, vm1, $0xb8;
	[tilespmem:$0x1C880] =	vst v63  }
0x85: {  	p1 =	por p0, p1;
	s19 =	simm.s32 @!p0 $0x7C00  }
0x86: {  	[tilespmem:s19], [sflag:$0x1] =	stream.indirect_vreg.gather @!p0 [hbm4b:s1+s18], $0x80, v6, vm1, $0xb8;
	[tilespmem:$0x1C880] =	vst v63  }
0x87: {  	v6 =	vld @!p1 [tilespmem:$0x80];
	_ =	sdelay $0x4  }
0x88: {  	v7 =	vshll.u32 @!p1 v6, $0x1  }
0x89: {  	v8 =	vlaneseq.u32 @!p1;
	v6 =	vand.u32 @!p1 $0x7, v6;
	v7 =	vand.u32 @!p1 $0xFFFFFFF0, v7  }
0x8a: {  	v9 =	vshrl.u32 @!p1 v8, $0x3;
	v6 =	vor.u32 @!p1 v6, v7;
	v7 =	vand.u32 @!p1 $0x7, v8  }
0x8b: {  	v9 =	vmul.u32 @!p1 $0x8, v9;
	v10 =	vperm.xlane @!p1 v6, v7  }
0x8c: {  	v8 =	vor.u32 @!p1 $0x8, v8  }
0x8d: {  	v6 =	vperm.xlane @!p1 v6, v8;
	v10 =	vadd.s32 @!p1 v9, v10;
	_ =	sdelay $0x1  }
0x8e: {  	v6 =	vadd.s32 @!p1 v9, v6;
	_ =	sdelay $0x1  }
0x8f: {  	vm1 =	vmmov @!p1 $0xffff;
	s18 =	simm.s32 @!p1 $0x0;
	s19 =	simm.s32 @!p1 $0x8400  }
0x90: {  	[tilespmem:s19], [sflag:$0x2] =	stream.indirect_vreg.gather @!p1 [hbm4b:s1+s18], $0x80, v10, vm1, $0xb8;
	[tilespmem:$0x1C880] =	vst v63  }
0x91: {  	s19 =	simm.s32 @!p1 $0x8C00  }
0x92: {  	[tilespmem:s19], [sflag:$0x2] =	stream.indirect_vreg.gather @!p1 [hbm4b:s1+s18], $0x80, v6, vm1, $0xb8;
	[tilespmem:$0x1C880] =	vst v63  }
0x93: {  	v6 =	vld @!p1 [tilespmem:$0x90];
	_ =	sdelay $0x4  }
0x94: {  	v10 =	vshll.u32 @!p1 v6, $0x1  }
0x95: {  	v6 =	vand.u32 @!p1 $0x7, v6;
	v10 =	vand.u32 @!p1 $0xFFFFFFF0, v10  }
0x96: {  	v6 =	vor.u32 @!p1 v6, v10  }
0x97: {  	v10 =	vperm.xlane @!p1 v6, v7;
	_ =	sdelay $0x1  }
0x98: {  	v6 =	vperm.xlane @!p1 v6, v8;
	v10 =	vadd.s32 @!p1 v9, v10;
	_ =	sdelay $0x1  }
0x99: {  	v6 =	vadd.s32 @!p1 v9, v6;
	_ =	sdelay $0x1  }
0x9a: {  	s19 =	simm.s32 @!p1 $0x9400  }
0x9b: {  	[tilespmem:s19], [sflag:$0x2] =	stream.indirect_vreg.gather @!p1 [hbm4b:s1+s18], $0x80, v10, vm1, $0xb8;
	[tilespmem:$0x1C880] =	vst v63  }
0x9c: {  	s19 =	simm.s32 @!p1 $0x9C00  }
0x9d: {  	[tilespmem:s19], [sflag:$0x2] =	stream.indirect_vreg.gather @!p1 [hbm4b:s1+s18], $0x80, v6, vm1, $0xb8;
	[tilespmem:$0x1C880] =	vst v63  }
0x9e: {  	v6 =	vld @!p1 [tilespmem:$0xA0];
	_ =	sdelay $0x4  }
0x9f: {  	v10 =	vshll.u32 @!p1 v6, $0x1  }
0xa0: {  	v6 =	vand.u32 @!p1 $0x7, v6;
	v10 =	vand.u32 @!p1 $0xFFFFFFF0, v10  }
0xa1: {  	v6 =	vor.u32 @!p1 v6, v10  }
0xa2: {  	v10 =	vperm.xlane @!p1 v6, v7;
	_ =	sdelay $0x1  }
0xa3: {  	v6 =	vperm.xlane @!p1 v6, v8;
	v10 =	vadd.s32 @!p1 v9, v10;
	_ =	sdelay $0x1  }
0xa4: {  	v6 =	vadd.s32 @!p1 v9, v6;
	_ =	sdelay $0x1  }
0xa5: {  	s19 =	simm.s32 @!p1 $0xA400  }
0xa6: {  	[tilespmem:s19], [sflag:$0x2] =	stream.indirect_vreg.gather @!p1 [hbm4b:s1+s18], $0x80, v10, vm1, $0xb8;
	[tilespmem:$0x1C880] =	vst v63  }
0xa7: {  	s19 =	simm.s32 @!p1 $0xAC00  }
0xa8: {  	[tilespmem:s19], [sflag:$0x2] =	stream.indirect_vreg.gather @!p1 [hbm4b:s1+s18], $0x80, v6, vm1, $0xb8;
	[tilespmem:$0x1C880] =	vst v63  }
0xa9: {  	v6 =	vld @!p1 [tilespmem:$0xB0];
	_ =	sdelay $0x4  }
0xaa: {  	v10 =	vshll.u32 @!p1 v6, $0x1  }
0xab: {  	v6 =	vand.u32 @!p1 $0x7, v6;
	v10 =	vand.u32 @!p1 $0xFFFFFFF0, v10  }
0xac: {  	v6 =	vor.u32 @!p1 v6, v10  }
0xad: {  	v10 =	vperm.xlane @!p1 v6, v7;
	_ =	sdelay $0x1  }
0xae: {  	v6 =	vperm.xlane @!p1 v6, v8;
	v10 =	vadd.s32 @!p1 v9, v10;
	_ =	sdelay $0x1  }
0xaf: {  	v6 =	vadd.s32 @!p1 v9, v6;
	_ =	sdelay $0x1  }
0xb0: {  	s19 =	simm.s32 @!p1 $0xB400  }
0xb1: {  	[tilespmem:s19], [sflag:$0x2] =	stream.indirect_vreg.gather @!p1 [hbm4b:s1+s18], $0x80, v10, vm1, $0xb8;
	[tilespmem:$0x1C880] =	vst v63  }
0xb2: {  	s19 =	simm.s32 @!p1 $0xBC00  }
0xb3: {  	[tilespmem:s19], [sflag:$0x2] =	stream.indirect_vreg.gather @!p1 [hbm4b:s1+s18], $0x80, v6, vm1, $0xb8;
	[tilespmem:$0x1C880] =	vst v63  }
0xb4: {  	v6 =	vld @!p1 [tilespmem:$0xC0];
	_ =	sdelay $0x4  }
0xb5: {  	v10 =	vshll.u32 @!p1 v6, $0x1  }
0xb6: {  	v6 =	vand.u32 @!p1 $0x7, v6;
	v10 =	vand.u32 @!p1 $0xFFFFFFF0, v10  }
0xb7: {  	v6 =	vor.u32 @!p1 v6, v10  }
0xb8: {  	v10 =	vperm.xlane @!p1 v6, v7;
	_ =	sdelay $0x1  }
0xb9: {  	v6 =	vperm.xlane @!p1 v6, v8;
	v10 =	vadd.s32 @!p1 v9, v10;
	_ =	sdelay $0x1  }
0xba: {  	v6 =	vadd.s32 @!p1 v9, v6;
	_ =	sdelay $0x1  }
0xbb: {  	s19 =	simm.s32 @!p1 $0xC400  }
0xbc: {  	[tilespmem:s19], [sflag:$0x2] =	stream.indirect_vreg.gather @!p1 [hbm4b:s1+s18], $0x80, v10, vm1, $0xb8;
	[tilespmem:$0x1C880] =	vst v63  }
0xbd: {  	s19 =	simm.s32 @!p1 $0xCC00  }
0xbe: {  	[tilespmem:s19], [sflag:$0x2] =	stream.indirect_vreg.gather @!p1 [hbm4b:s1+s18], $0x80, v6, vm1, $0xb8;
	[tilespmem:$0x1C880] =	vst v63  }
0xbf: {  	v6 =	vld @!p1 [tilespmem:$0xD0];
	_ =	sdelay $0x4  }
0xc0: {  	v10 =	vshll.u32 @!p1 v6, $0x1  }
0xc1: {  	v6 =	vand.u32 @!p1 $0x7, v6;
	v10 =	vand.u32 @!p1 $0xFFFFFFF0, v10  }
0xc2: {  	v6 =	vor.u32 @!p1 v6, v10  }
0xc3: {  	v10 =	vperm.xlane @!p1 v6, v7;
	_ =	sdelay $0x1  }
0xc4: {  	v6 =	vperm.xlane @!p1 v6, v8;
	v10 =	vadd.s32 @!p1 v9, v10;
	_ =	sdelay $0x1  }
0xc5: {  	v6 =	vadd.s32 @!p1 v9, v6;
	_ =	sdelay $0x1  }
0xc6: {  	s19 =	simm.s32 @!p1 $0xD400  }
0xc7: {  	[tilespmem:s19], [sflag:$0x2] =	stream.indirect_vreg.gather @!p1 [hbm4b:s1+s18], $0x80, v10, vm1, $0xb8;
	[tilespmem:$0x1C880] =	vst v63  }
0xc8: {  	s19 =	simm.s32 @!p1 $0xDC00  }
0xc9: {  	[tilespmem:s19], [sflag:$0x2] =	stream.indirect_vreg.gather @!p1 [hbm4b:s1+s18], $0x80, v6, vm1, $0xb8;
	[tilespmem:$0x1C880] =	vst v63  }
0xca: {  	v6 =	vld @!p1 [tilespmem:$0xE0];
	_ =	sdelay $0x4  }
0xcb: {  	v10 =	vshll.u32 @!p1 v6, $0x1  }
0xcc: {  	v6 =	vand.u32 @!p1 $0x7, v6;
	v10 =	vand.u32 @!p1 $0xFFFFFFF0, v10  }
0xcd: {  	v6 =	vor.u32 @!p1 v6, v10  }
0xce: {  	v10 =	vperm.xlane @!p1 v6, v7;
	_ =	sdelay $0x1  }
0xcf: {  	v6 =	vperm.xlane @!p1 v6, v8;
	v10 =	vadd.s32 @!p1 v9, v10;
	_ =	sdelay $0x1  }
0xd0: {  	v6 =	vadd.s32 @!p1 v9, v6;
	_ =	sdelay $0x1  }
0xd1: {  	s19 =	simm.s32 @!p1 $0xE400  }
0xd2: {  	[tilespmem:s19], [sflag:$0x2] =	stream.indirect_vreg.gather @!p1 [hbm4b:s1+s18], $0x80, v10, vm1, $0xb8;
	[tilespmem:$0x1C880] =	vst v63  }
0xd3: {  	s19 =	simm.s32 @!p1 $0xEC00  }
0xd4: {  	[tilespmem:s19], [sflag:$0x2] =	stream.indirect_vreg.gather @!p1 [hbm4b:s1+s18], $0x80, v6, vm1, $0xb8;
	[tilespmem:$0x1C880] =	vst v63  }
0xd5: {  	v6 =	vld @!p1 [tilespmem:$0xF0];
	_ =	sdelay $0x4  }
0xd6: {  	v10 =	vshll.u32 @!p1 v6, $0x1  }
0xd7: {  	v6 =	vand.u32 @!p1 $0x7, v6;
	v10 =	vand.u32 @!p1 $0xFFFFFFF0, v10  }
0xd8: {  	v6 =	vor.u32 @!p1 v6, v10  }
0xd9: {  	v7 =	vperm.xlane @!p1 v6, v7;
	_ =	sdelay $0x1  }
0xda: {  	v6 =	vperm.xlane @!p1 v6, v8;
	v7 =	vadd.s32 @!p1 v9, v7;
	_ =	sdelay $0x1  }
0xdb: {  	v6 =	vadd.s32 @!p1 v9, v6;
	_ =	sdelay $0x1  }
0xdc: {  	s19 =	simm.s32 @!p1 $0xF400  }
0xdd: {  	[tilespmem:s19], [sflag:$0x2] =	stream.indirect_vreg.gather @!p1 [hbm4b:s1+s18], $0x80, v7, vm1, $0xb8;
	[tilespmem:$0x1C880] =	vst v63  }
0xde: {  	p3 =	sgt.u32 @!p1 s3, $0x380;
	s19 =	simm.s32 @!p1 $0xFC00  }
0xdf: {  	[tilespmem:s19], [sflag:$0x2] =	stream.indirect_vreg.gather @!p1 [hbm4b:s1+s18], $0x80, v6, vm1, $0xb8;
	[tilespmem:$0x1C880] =	vst v63  }
0xe0: {  	p1 =	por p1, !p3  }
.Ltmp0:
0xe1: {  	_ = 	snop;
	(pc) =	sbr.rel @!p1 .LBB2_5-.Ltmp0, $4  }
0xe2: {  	_ = 	snop  }
0xe3: {  	p2 =	sgt.s32 s3, $0x0;
	s18 =	smov.u32 s3  }
0xe4: {  	s18 =	simm.s32 @!p2 $0x0  }
0xe5: {  	s18 =	smin.u32 s18, $0x400  }
0xe6: {  	s19 =	simm.s32 $0x0  }
0xe7: {  	s20 =	sand.u32 $0x3800, s19;
	s19 =	sand.u32 $0x380, s19  }
0xe8: {  	s28 =	sor.u32 s19, s20  }
0xe9: {  	[tilespmem:s28+$0x18870] =	vst v1  }
0xea: {  	[tilespmem:s28+$0x18400] =	vst v1  }
0xeb: {  	[tilespmem:s28+$0x18410] =	vst v1  }
0xec: {  	[tilespmem:s28+$0x18420] =	vst v1  }
0xed: {  	[tilespmem:s28+$0x18430] =	vst v1  }
0xee: {  	[tilespmem:s28+$0x18440] =	vst v1  }
0xef: {  	[tilespmem:s28+$0x18450] =	vst v1  }
0xf0: {  	[tilespmem:s28+$0x18460] =	vst v1  }
0xf1: {  	[tilespmem:s28+$0x18470] =	vst v1  }
0xf2: {  	[tilespmem:s28+$0x18800] =	vst v1  }
0xf3: {  	[tilespmem:s28+$0x18810] =	vst v1  }
0xf4: {  	[tilespmem:s28+$0x18820] =	vst v1  }
0xf5: {  	[tilespmem:s28+$0x18830] =	vst v1  }
0xf6: {  	s8 =	simm.s32 $0x100;
	s19 =	simm.s32 $0x80;
	[tilespmem:s28+$0x18840] =	vst v1  }
0xf7: {  	s29 =	sand.u32 $0x3800, s8;
	s20 =	simm.s32 $0x200;
	s30 =	sand.u32 $0x380, s19;
	[tilespmem:s28+$0x18850] =	vst v1  }
.LBB2_3:
0xf8: {  	p1 =	sne.s32 s20, $0x3F00;
	[tilespmem:s28+$0x18860] =	vst v1;
	s28 =	sor.u32 s30, s29  }
0xf9: {  	[tilespmem:s28+$0x18870] =	vst v1  }
0xfa: {  	[tilespmem:s28+$0x18400] =	vst v1  }
0xfb: {  	[tilespmem:s28+$0x18410] =	vst v1  }
0xfc: {  	[tilespmem:s28+$0x18420] =	vst v1  }
0xfd: {  	[tilespmem:s28+$0x18430] =	vst v1  }
0xfe: {  	[tilespmem:s28+$0x18440] =	vst v1  }
0xff: {  	[tilespmem:s28+$0x18450] =	vst v1  }
0x100: {  	[tilespmem:s28+$0x18460] =	vst v1  }
0x101: {  	[tilespmem:s28+$0x18470] =	vst v1  }
0x102: {  	[tilespmem:s28+$0x18800] =	vst v1  }
.Ltmp1:
0x103: {  	[tilespmem:s28+$0x18810] =	vst v1;
	(pc) =	sbr.rel @p1 .LBB2_3-.Ltmp1, $4  }
0x104: {  	[tilespmem:s28+$0x18820] =	vst v1  }
0x105: {  	[tilespmem:s28+$0x18830] =	vst v1  }
0x106: {  	s19 =	sadd.s32 $0x80, s19;
	[tilespmem:s28+$0x18840] =	vst v1  }
0x107: {  	s29 =	sand.u32 $0x3800, s20;
	s20 =	sadd.s32 $0x100, s20;
	s30 =	sand.u32 $0x380, s19;
	[tilespmem:s28+$0x18850] =	vst v1  }
0x108: {  	s19 =	sor.u32 s30, s29;
	[tilespmem:s28+$0x18860] =	vst v1  }
0x109: {  	[tilespmem:s19+$0x18870] =	vst v1  }
0x10a: {  	[tilespmem:s19+$0x18400] =	vst v1  }
0x10b: {  	[tilespmem:s19+$0x18410] =	vst v1  }
0x10c: {  	[tilespmem:s19+$0x18420] =	vst v1  }
0x10d: {  	[tilespmem:s19+$0x18430] =	vst v1  }
0x10e: {  	[tilespmem:s19+$0x18440] =	vst v1  }
0x10f: {  	[tilespmem:s19+$0x18450] =	vst v1  }
0x110: {  	[tilespmem:s19+$0x18460] =	vst v1  }
0x111: {  	[tilespmem:s19+$0x18470] =	vst v1  }
0x112: {  	[tilespmem:s19+$0x18800] =	vst v1  }
0x113: {  	[tilespmem:s19+$0x18810] =	vst v1  }
.Ltmp2:
0x114: {  	[tilespmem:s19+$0x18820] =	vst v1;
	(pc) =	sbr.rel @p0 .LBB2_70-.Ltmp2, $4  }
0x115: {  	[tilespmem:s19+$0x18830] =	vst v1  }
0x116: {  	[tilespmem:s19+$0x18840] =	vst v1  }
0x117: {  	[tilespmem:s19+$0x18850] =	vst v1  }
0x118: {  	[tilespmem:s19+$0x18860] =	vst v1  }
.LBB2_5:
0x119: {  	p0 =	sgt.u32 s3, $0x7F  }
.Ltmp3:
0x11a: {  	_ = 	snop;
	(pc) =	sbr.rel @p0 .LBB2_11-.Ltmp3, $4  }
0x11b: {  	_ = 	snop  }
0x11c: {  	_ =	swait.ge [sflag:s12], $0x8000  }
0x11d: {  	[sflag:s12] =	ssyncset.done $0x0  }
0x11e: {  	[sflag:s12] =	ssyncadd.s32 $0xFFFF8000  }
0x11f: {  	s20 =	sshll.u32 s18, $0x8  }
0x120: {  	p1 =	seq.s32 s20, $0x7F00  }
.Ltmp4:
0x121: {  	_ = 	snop;
	(pc) =	sbr.rel @p1 .LBB2_7-.Ltmp4, $3  }
0x122: {  	_ =	sdelay $0x1  }
0x123: {  	s19 =	sshll.u32 s18, $0x7;
	p0 =	por $0x0, $0x0  }
0x124: {  	s29 =	sand.u32 $0x7800, s20;
	s30 =	sand.u32 $0x380, s19;
	s20 =	sadd.s32 $0x100, s20  }
0x125: {  	s28 =	sor.u32 s30, s29  }
0x126: {  	[tilespmem:s28+$0x870] =	vst v1  }
0x127: {  	[tilespmem:s28+$0x400] =	vst v1  }
0x128: {  	[tilespmem:s28+$0x410] =	vst v1  }
0x129: {  	[tilespmem:s28+$0x420] =	vst v1  }
0x12a: {  	[tilespmem:s28+$0x430] =	vst v1  }
0x12b: {  	[tilespmem:s28+$0x440] =	vst v1  }
0x12c: {  	[tilespmem:s28+$0x450] =	vst v1  }
0x12d: {  	[tilespmem:s28+$0x460] =	vst v1  }
0x12e: {  	[tilespmem:s28+$0x470] =	vst v1  }
0x12f: {  	p1 =	seq.s32 s20, $0x7F00;
	[tilespmem:s28+$0x800] =	vst v1  }
.Ltmp5:
0x130: {  	[tilespmem:s28+$0x810] =	vst v1;
	(pc) =	sbr.rel @p1 .LBB2_10-.Ltmp5, $4  }
0x131: {  	[tilespmem:s28+$0x820] =	vst v1  }
0x132: {  	[tilespmem:s28+$0x830] =	vst v1  }
0x133: {  	s19 =	sadd.s32 $0x80, s19;
	s29 =	sand.u32 $0x7800, s20;
	[tilespmem:s28+$0x840] =	vst v1  }
0x134: {  	s20 =	sadd.s32 $0x100, s20;
	p0 =	por $0x1, $0x1;
	s30 =	sand.u32 $0x380, s19;
	[tilespmem:s28+$0x850] =	vst v1  }
.LBB2_9:
0x135: {  	p1 =	seq.s32 s20, $0x7F00;
	[tilespmem:s28+$0x860] =	vst v1;
	s28 =	sor.u32 s30, s29  }
0x136: {  	[tilespmem:s28+$0x870] =	vst v1  }
0x137: {  	[tilespmem:s28+$0x400] =	vst v1  }
0x138: {  	[tilespmem:s28+$0x410] =	vst v1  }
0x139: {  	[tilespmem:s28+$0x420] =	vst v1  }
0x13a: {  	[tilespmem:s28+$0x430] =	vst v1  }
0x13b: {  	[tilespmem:s28+$0x440] =	vst v1  }
0x13c: {  	[tilespmem:s28+$0x450] =	vst v1  }
0x13d: {  	[tilespmem:s28+$0x460] =	vst v1  }
0x13e: {  	[tilespmem:s28+$0x470] =	vst v1  }
0x13f: {  	[tilespmem:s28+$0x800] =	vst v1  }
.Ltmp6:
0x140: {  	[tilespmem:s28+$0x810] =	vst v1;
	(pc) =	sbr.rel @!p1 .LBB2_9-.Ltmp6, $4  }
0x141: {  	[tilespmem:s28+$0x820] =	vst v1  }
0x142: {  	[tilespmem:s28+$0x830] =	vst v1  }
0x143: {  	s19 =	sadd.s32 $0x80, s19;
	[tilespmem:s28+$0x840] =	vst v1  }
0x144: {  	s29 =	sand.u32 $0x7800, s20;
	s20 =	sadd.s32 $0x100, s20;
	s30 =	sand.u32 $0x380, s19;
	[tilespmem:s28+$0x850] =	vst v1  }
.LBB2_10:
0x145: {  	s19 =	sor.u32 s30, s29;
	[tilespmem:s28+$0x860] =	vst @p0 v1  }
0x146: {  	[tilespmem:s19+$0x870] =	vst v1  }
0x147: {  	[tilespmem:s19+$0x400] =	vst v1  }
0x148: {  	[tilespmem:s19+$0x410] =	vst v1  }
0x149: {  	[tilespmem:s19+$0x420] =	vst v1  }
0x14a: {  	[tilespmem:s19+$0x430] =	vst v1  }
0x14b: {  	[tilespmem:s19+$0x440] =	vst v1  }
0x14c: {  	[tilespmem:s19+$0x450] =	vst v1  }
0x14d: {  	[tilespmem:s19+$0x460] =	vst v1  }
0x14e: {  	[tilespmem:s19+$0x470] =	vst v1  }
0x14f: {  	[tilespmem:s19+$0x800] =	vst v1  }
0x150: {  	[tilespmem:s19+$0x810] =	vst v1  }
0x151: {  	[tilespmem:s19+$0x820] =	vst v1  }
0x152: {  	[tilespmem:s19+$0x830] =	vst v1  }
0x153: {  	[tilespmem:s19+$0x840] =	vst v1  }
0x154: {  	[tilespmem:s19+$0x850] =	vst v1  }
0x155: {  	[tilespmem:s19+$0x860] =	vst v1  }
.LBB2_11:
0x156: {  	p0 =	slt.s32 s3, $0x101  }
.Ltmp7:
0x157: {  	_ = 	snop;
	(pc) =	sbr.rel @p0 .LBB2_13-.Ltmp7, $2  }
0x158: {  	_ =	sdelay $0x2  }
0x159: {  	[hbm4b:s7+s4] =	stream.linear.scatter [tilespmem:s14], [sflag:$0x4], $0x8000, $0x38;
	[tilespmem:$0x1C880] =	vst v63  }
0x15a: {  	v6 =	vld [tilespmem:$0x100];
	_ =	sdelay $0x4  }
0x15b: {  	v7 =	vshll.u32 v6, $0x1  }
0x15c: {  	v6 =	vand.u32 $0x7, v6;
	v7 =	vand.u32 $0xFFFFFFF0, v7  }
0x15d: {  	v6 =	vor.u32 v6, v7  }
0x15e: {  	v7 =	vperm.xlane v6, v2;
	_ =	sdelay $0x1  }
0x15f: {  	v6 =	vperm.xlane v6, v4;
	v7 =	vadd.s32 v3, v7;
	_ =	sdelay $0x1  }
0x160: {  	v6 =	vadd.s32 v3, v6;
	_ =	sdelay $0x1  }
0x161: {  	s8 =	simm.s32 $0x10400  }
0x162: {  	[tilespmem:s8], [sflag:$0x3] =	stream.indirect_vreg.gather [hbm4b:s1+s4], $0x80, v7, vm0, $0xb8;
	[tilespmem:$0x1C880] =	vst v63  }
0x163: {  	s19 =	simm.s32 $0x10C00  }
0x164: {  	[tilespmem:s19], [sflag:$0x3] =	stream.indirect_vreg.gather [hbm4b:s1+s4], $0x80, v6, vm0, $0xb8;
	[tilespmem:$0x1C880] =	vst v63  }
0x165: {  	v6 =	vld [tilespmem:$0x110];
	_ =	sdelay $0x4  }
0x166: {  	v7 =	vshll.u32 v6, $0x1  }
0x167: {  	v6 =	vand.u32 $0x7, v6;
	v7 =	vand.u32 $0xFFFFFFF0, v7  }
0x168: {  	v6 =	vor.u32 v6, v7  }
0x169: {  	v7 =	vperm.xlane v6, v2;
	_ =	sdelay $0x1  }
0x16a: {  	v6 =	vperm.xlane v6, v4;
	v7 =	vadd.s32 v3, v7;
	_ =	sdelay $0x1  }
0x16b: {  	v6 =	vadd.s32 v3, v6;
	_ =	sdelay $0x1  }
0x16c: {  	s20 =	simm.s32 $0x11400  }
0x16d: {  	[tilespmem:s20], [sflag:$0x3] =	stream.indirect_vreg.gather [hbm4b:s1+s4], $0x80, v7, vm0, $0xb8;
	[tilespmem:$0x1C880] =	vst v63  }
0x16e: {  	s28 =	simm.s32 $0x11C00  }
0x16f: {  	[tilespmem:s28], [sflag:$0x3] =	stream.indirect_vreg.gather [hbm4b:s1+s4], $0x80, v6, vm0, $0xb8;
	[tilespmem:$0x1C880] =	vst v63  }
0x170: {  	v6 =	vld [tilespmem:$0x120];
	_ =	sdelay $0x4  }
0x171: {  	v7 =	vshll.u32 v6, $0x1  }
0x172: {  	v6 =	vand.u32 $0x7, v6;
	v7 =	vand.u32 $0xFFFFFFF0, v7  }
0x173: {  	v6 =	vor.u32 v6, v7  }
0x174: {  	v7 =	vperm.xlane v6, v2;
	_ =	sdelay $0x1  }
0x175: {  	v6 =	vperm.xlane v6, v4;
	v7 =	vadd.s32 v3, v7;
	_ =	sdelay $0x1  }
0x176: {  	v6 =	vadd.s32 v3, v6;
	_ =	sdelay $0x1  }
0x177: {  	s29 =	simm.s32 $0x12400  }
0x178: {  	[tilespmem:s29], [sflag:$0x3] =	stream.indirect_vreg.gather [hbm4b:s1+s4], $0x80, v7, vm0, $0xb8;
	[tilespmem:$0x1C880] =	vst v63  }
0x179: {  	s30 =	simm.s32 $0x12C00  }
0x17a: {  	[tilespmem:s30], [sflag:$0x3] =	stream.indirect_vreg.gather [hbm4b:s1+s4], $0x80, v6, vm0, $0xb8;
	[tilespmem:$0x1C880] =	vst v63  }
0x17b: {  	v6 =	vld [tilespmem:$0x130];
	_ =	sdelay $0x4  }
0x17c: {  	v7 =	vshll.u32 v6, $0x1  }
0x17d: {  	v6 =	vand.u32 $0x7, v6;
	v7 =	vand.u32 $0xFFFFFFF0, v7  }
0x17e: {  	v6 =	vor.u32 v6, v7  }
0x17f: {  	v7 =	vperm.xlane v6, v2;
	_ =	sdelay $0x1  }
0x180: {  	v6 =	vperm.xlane v6, v4;
	v7 =	vadd.s32 v3, v7;
	_ =	sdelay $0x1  }
0x181: {  	v6 =	vadd.s32 v3, v6;
	_ =	sdelay $0x1  }
0x182: {  	s19 =	simm.s32 $0x13400  }
0x183: {  	[tilespmem:s19], [sflag:$0x3] =	stream.indirect_vreg.gather [hbm4b:s1+s4], $0x80, v7, vm0, $0xb8;
	[tilespmem:$0x1C880] =	vst v63  }
0x184: {  	s20 =	simm.s32 $0x13C00  }
0x185: {  	[tilespmem:s20], [sflag:$0x3] =	stream.indirect_vreg.gather [hbm4b:s1+s4], $0x80, v6, vm0, $0xb8;
	[tilespmem:$0x1C880] =	vst v63  }
0x186: {  	v6 =	vld [tilespmem:$0x140];
	_ =	sdelay $0x4  }
0x187: {  	v7 =	vshll.u32 v6, $0x1  }
0x188: {  	v6 =	vand.u32 $0x7, v6;
	v7 =	vand.u32 $0xFFFFFFF0, v7  }
0x189: {  	v6 =	vor.u32 v6, v7  }
0x18a: {  	v7 =	vperm.xlane v6, v2;
	_ =	sdelay $0x1  }
0x18b: {  	v6 =	vperm.xlane v6, v4;
	v7 =	vadd.s32 v3, v7;
	_ =	sdelay $0x1  }
0x18c: {  	v6 =	vadd.s32 v3, v6;
	_ =	sdelay $0x1  }
0x18d: {  	s28 =	simm.s32 $0x14400  }
0x18e: {  	[tilespmem:s28], [sflag:$0x3] =	stream.indirect_vreg.gather [hbm4b:s1+s4], $0x80, v7, vm0, $0xb8;
	[tilespmem:$0x1C880] =	vst v63  }
0x18f: {  	s29 =	simm.s32 $0x14C00  }
0x190: {  	[tilespmem:s29], [sflag:$0x3] =	stream.indirect_vreg.gather [hbm4b:s1+s4], $0x80, v6, vm0, $0xb8;
	[tilespmem:$0x1C880] =	vst v63  }
0x191: {  	v6 =	vld [tilespmem:$0x150];
	_ =	sdelay $0x4  }
0x192: {  	v7 =	vshll.u32 v6, $0x1  }
0x193: {  	v6 =	vand.u32 $0x7, v6;
	v7 =	vand.u32 $0xFFFFFFF0, v7  }
0x194: {  	v6 =	vor.u32 v6, v7  }
0x195: {  	v7 =	vperm.xlane v6, v2;
	_ =	sdelay $0x1  }
0x196: {  	v6 =	vperm.xlane v6, v4;
	v7 =	vadd.s32 v3, v7;
	_ =	sdelay $0x1  }
0x197: {  	v6 =	vadd.s32 v3, v6;
	_ =	sdelay $0x1  }
0x198: {  	s30 =	simm.s32 $0x15400  }
0x199: {  	[tilespmem:s30], [sflag:$0x3] =	stream.indirect_vreg.gather [hbm4b:s1+s4], $0x80, v7, vm0, $0xb8;
	[tilespmem:$0x1C880] =	vst v63  }
0x19a: {  	s19 =	simm.s32 $0x15C00  }
0x19b: {  	[tilespmem:s19], [sflag:$0x3] =	stream.indirect_vreg.gather [hbm4b:s1+s4], $0x80, v6, vm0, $0xb8;
	[tilespmem:$0x1C880] =	vst v63  }
0x19c: {  	v6 =	vld [tilespmem:$0x160];
	_ =	sdelay $0x4  }
0x19d: {  	v7 =	vshll.u32 v6, $0x1  }
0x19e: {  	v6 =	vand.u32 $0x7, v6;
	v7 =	vand.u32 $0xFFFFFFF0, v7  }
0x19f: {  	v6 =	vor.u32 v6, v7  }
0x1a0: {  	v7 =	vperm.xlane v6, v2;
	_ =	sdelay $0x1  }
0x1a1: {  	v6 =	vperm.xlane v6, v4;
	v7 =	vadd.s32 v3, v7;
	_ =	sdelay $0x1  }
0x1a2: {  	v6 =	vadd.s32 v3, v6;
	_ =	sdelay $0x1  }
0x1a3: {  	s20 =	simm.s32 $0x16400  }
0x1a4: {  	[tilespmem:s20], [sflag:$0x3] =	stream.indirect_vreg.gather [hbm4b:s1+s4], $0x80, v7, vm0, $0xb8;
	[tilespmem:$0x1C880] =	vst v63  }
0x1a5: {  	s28 =	simm.s32 $0x16C00  }
0x1a6: {  	[tilespmem:s28], [sflag:$0x3] =	stream.indirect_vreg.gather [hbm4b:s1+s4], $0x80, v6, vm0, $0xb8;
	[tilespmem:$0x1C880] =	vst v63  }
0x1a7: {  	v6 =	vld [tilespmem:$0x170];
	_ =	sdelay $0x4  }
0x1a8: {  	v7 =	vshll.u32 v6, $0x1  }
0x1a9: {  	v6 =	vand.u32 $0x7, v6;
	v7 =	vand.u32 $0xFFFFFFF0, v7  }
0x1aa: {  	v6 =	vor.u32 v6, v7  }
0x1ab: {  	v7 =	vperm.xlane v6, v2;
	_ =	sdelay $0x1  }
0x1ac: {  	v6 =	vperm.xlane v6, v4;
	v7 =	vadd.s32 v3, v7;
	_ =	sdelay $0x1  }
0x1ad: {  	v6 =	vadd.s32 v3, v6  }
.Ltmp8:
0x1ae: {  	_ = 	snop;
	(pc) =	sbr.rel .LBB2_13-.Ltmp8, $4  }
0x1af: {  	s29 =	simm.s32 $0x17400  }
0x1b0: {  	[tilespmem:s29], [sflag:$0x3] =	stream.indirect_vreg.gather [hbm4b:s1+s4], $0x80, v7, vm0, $0xb8;
	[tilespmem:$0x1C880] =	vst v63  }
0x1b1: {  	s30 =	simm.s32 $0x17C00  }
0x1b2: {  	[tilespmem:s30], [sflag:$0x3] =	stream.indirect_vreg.gather [hbm4b:s1+s4], $0x80, v6, vm0, $0xb8;
	[tilespmem:$0x1C880] =	vst v63  }
.LBB2_70:
0x1b3: {  	s8 =	rddreg [dreg:$0x6]  }
0x1b4: {  	[hbm4b:s8+s4] =	stream.linear.scatter [tilespmem:s11], [sflag:$0x4], $0x4000, $0x38;
	[tilespmem:$0x1C880] =	vst v63  }
0x1b5: {  	s30 =	rddreg [dreg:$0x7]  }
0x1b6: {  	[hbm4b:s30+s4] =	stream.linear.scatter [tilespmem:s11], [sflag:$0x4], $0x4000, $0x38;
	[tilespmem:$0x1C880] =	vst v63  }
.LBB2_13:
0x1b7: {  	v5 =	vbroadcast v5, $0x0  }
0x1b8: {  	v6 =	vor.u32 s5, v0  }
0x1b9: {  	vm1 =	vlt.s32 v6, v5  }
0x1ba: {  	s19 =	simm.s32 $0x40;
	s28 =	simm.s32 $0x0;
	s20 =	smov.u32 s5;
	v6 =	vsel vm1, $0x3F800000, v1  }
.LBB2_14:
0x1bb: {  	p0 =	sne.s32 s19, $0xFC0  }
0x1bc: {  	[tilespmem:s28+$0x1C400] =	vst v6;
	s20 =	sadd.s32 $0x10, s20;
	s28 =	smov.u32 s19;
	s19 =	sadd.s32 $0x40, s19  }
.Ltmp9:
0x1bd: {  	(pc) =	sbr.rel @p0 .LBB2_14-.Ltmp9, $4  }
0x1be: {  	_ = 	snop  }
0x1bf: {  	v6 =	vor.u32 s20, v0  }
0x1c0: {  	vm1 =	vlt.s32 v6, v5  }
0x1c1: {  	s28 =	sshra.s32 s28, $0x2;
	v6 =	vsel vm1, $0x3F800000, v1  }
0x1c2: {  	p0 =	slt.s32 s3, $0x81  }
.Ltmp10:
0x1c3: {  	_ = 	snop;
	(pc) =	sbr.rel @p0 .LBB2_29-.Ltmp10, $3  }
0x1c4: {  	_ =	sdelay $0x1  }
0x1c5: {  	[tilespmem:s28+$0x1C400] =	vst v6;
	s8 =	simm.s32 $0x1C400  }
0x1c6: {  	[hbm4b:s10+s15] =	stream.strided.scatter [tilespmem:s8], [sflag:$0x7], $0x400, s14, s15, $0x38;
	[tilespmem:$0x1C880] =	vst v63  }
0x1c7: {  	p0 =	sgt.u32 s3, $0xFF  }
.Ltmp11:
0x1c8: {  	_ = 	snop;
	(pc) =	sbr.rel @p0 .LBB2_20-.Ltmp11, $4  }
0x1c9: {  	_ = 	snop  }
0x1ca: {  	_ =	swait.ge [sflag:s13], $0x8000  }
0x1cb: {  	[sflag:s13] =	ssyncset.done $0x0  }
0x1cc: {  	[sflag:s13] =	ssyncadd.s32 $0xFFFF8000  }
0x1cd: {  	s19 =	sshll.u32 s18, $0x7;
	s20 =	sshll.u32 s18, $0x8  }
0x1ce: {  	s29 =	sadd.s32 $0xFFFFC000, s19;
	s20 =	sadd.s32 $0xFFFF8000, s20  }
0x1cf: {  	s8 =	sand.u32 $0xFFFFF800, s20;
	s28 =	sand.u32 $0x380, s29  }
0x1d0: {  	s28 =	sor.u32 s28, s8  }
0x1d1: {  	[tilespmem:s28+$0x8870] =	vst v1  }
0x1d2: {  	[tilespmem:s28+$0x8400] =	vst v1  }
0x1d3: {  	[tilespmem:s28+$0x8410] =	vst v1  }
0x1d4: {  	[tilespmem:s28+$0x8420] =	vst v1  }
0x1d5: {  	[tilespmem:s28+$0x8430] =	vst v1  }
0x1d6: {  	[tilespmem:s28+$0x8440] =	vst v1  }
0x1d7: {  	s30 =	sadd.s32 $0xFFFFFF7F, s18;
	[tilespmem:s28+$0x8450] =	vst v1  }
0x1d8: {  	s19 =	sadd.s32 $0x1, s30;
	[tilespmem:s28+$0x8460] =	vst v1  }
0x1d9: {  	p0 =	slt.s32 s19, $0x7F;
	[tilespmem:s28+$0x8470] =	vst v1  }
.Ltmp12:
0x1da: {  	[tilespmem:s28+$0x8800] =	vst v1;
	(pc) =	sbr.rel @!p0 .LBB2_19-.Ltmp12, $4  }
0x1db: {  	[tilespmem:s28+$0x8810] =	vst v1  }
0x1dc: {  	[tilespmem:s28+$0x8820] =	vst v1  }
0x1dd: {  	[tilespmem:s28+$0x8830] =	vst v1  }
0x1de: {  	s29 =	sadd.s32 $0x80, s29;
	s20 =	sadd.s32 $0x100, s20;
	[tilespmem:s28+$0x8840] =	vst v1  }
.LBB2_18:
0x1df: {  	s30 =	sand.u32 $0xFFFFF800, s20;
	s8 =	sand.u32 $0x380, s29;
	s19 =	sadd.s32 $0x1, s19;
	[tilespmem:s28+$0x8850] =	vst v1  }
0x1e0: {  	p0 =	slt.s32 s19, $0x7F;
	[tilespmem:s28+$0x8860] =	vst v1;
	s28 =	sor.u32 s8, s30  }
0x1e1: {  	[tilespmem:s28+$0x8870] =	vst v1  }
0x1e2: {  	[tilespmem:s28+$0x8400] =	vst v1  }
0x1e3: {  	[tilespmem:s28+$0x8410] =	vst v1  }
0x1e4: {  	[tilespmem:s28+$0x8420] =	vst v1  }
0x1e5: {  	[tilespmem:s28+$0x8430] =	vst v1  }
0x1e6: {  	[tilespmem:s28+$0x8440] =	vst v1  }
0x1e7: {  	[tilespmem:s28+$0x8450] =	vst v1  }
0x1e8: {  	[tilespmem:s28+$0x8460] =	vst v1  }
0x1e9: {  	[tilespmem:s28+$0x8470] =	vst v1  }
.Ltmp13:
0x1ea: {  	[tilespmem:s28+$0x8800] =	vst v1;
	(pc) =	sbr.rel @p0 .LBB2_18-.Ltmp13, $4  }
0x1eb: {  	[tilespmem:s28+$0x8810] =	vst v1  }
0x1ec: {  	[tilespmem:s28+$0x8820] =	vst v1  }
0x1ed: {  	[tilespmem:s28+$0x8830] =	vst v1  }
0x1ee: {  	s29 =	sadd.s32 $0x80, s29;
	s20 =	sadd.s32 $0x100, s20;
	[tilespmem:s28+$0x8840] =	vst v1  }
.LBB2_19:
0x1ef: {  	[tilespmem:s28+$0x8850] =	vst v1  }
0x1f0: {  	[tilespmem:s28+$0x8860] =	vst v1  }
.LBB2_20:
0x1f1: {  	p0 =	sgt.s32 s3, $0x180  }
.Ltmp14:
0x1f2: {  	s8 =	rddreg [dreg:$0x13];
	s19 =	simm.s32 $0x8400;
	(pc) =	sbr.rel @!p0 .LBB2_22-.Ltmp14, $4  }
0x1f3: {  	[hbm4b:s8+s4] =	stream.linear.scatter [tilespmem:s19], [sflag:$0x5], $0x8000, $0x38;
	[tilespmem:$0x1C880] =	vst v63  }
0x1f4: {  	_ =	swait.ge [sflag:s9], $0x8000  }
0x1f5: {  	[sflag:s9] =	ssyncset.done $0x0  }
0x1f6: {  	[sflag:s9] =	ssyncadd.s32 $0xFFFF8000  }
0x1f7: {  	v5 =	vld [tilespmem:$0x180];
	_ =	sdelay $0x4  }
0x1f8: {  	v6 =	vshll.u32 v5, $0x1  }
0x1f9: {  	v5 =	vand.u32 $0x7, v5;
	v6 =	vand.u32 $0xFFFFFFF0, v6  }
0x1fa: {  	v5 =	vor.u32 v5, v6  }
0x1fb: {  	v6 =	vperm.xlane v5, v2;
	_ =	sdelay $0x1  }
0x1fc: {  	v5 =	vperm.xlane v5, v4;
	v6 =	vadd.s32 v3, v6;
	_ =	sdelay $0x1  }
0x1fd: {  	v5 =	vadd.s32 v3, v5;
	_ =	sdelay $0x2  }
0x1fe: {  	[tilespmem:s14], [sflag:$0x1] =	stream.indirect_vreg.gather [hbm4b:s1+s4], $0x80, v6, vm0, $0xb8;
	[tilespmem:$0x1C880] =	vst v63  }
0x1ff: {  	s8 =	simm.s32 $0xC00  }
0x200: {  	[tilespmem:s8], [sflag:$0x1] =	stream.indirect_vreg.gather [hbm4b:s1+s4], $0x80, v5, vm0, $0xb8;
	[tilespmem:$0x1C880] =	vst v63  }
0x201: {  	v5 =	vld [tilespmem:$0x190];
	_ =	sdelay $0x4  }
0x202: {  	v6 =	vshll.u32 v5, $0x1  }
0x203: {  	v5 =	vand.u32 $0x7, v5;
	v6 =	vand.u32 $0xFFFFFFF0, v6  }
0x204: {  	v5 =	vor.u32 v5, v6  }
0x205: {  	v6 =	vperm.xlane v5, v2;
	_ =	sdelay $0x1  }
0x206: {  	v5 =	vperm.xlane v5, v4;
	v6 =	vadd.s32 v3, v6;
	_ =	sdelay $0x1  }
0x207: {  	v5 =	vadd.s32 v3, v5;
	_ =	sdelay $0x1  }
0x208: {  	s20 =	simm.s32 $0x1400  }
0x209: {  	[tilespmem:s20], [sflag:$0x1] =	stream.indirect_vreg.gather [hbm4b:s1+s4], $0x80, v6, vm0, $0xb8;
	[tilespmem:$0x1C880] =	vst v63  }
0x20a: {  	s28 =	simm.s32 $0x1C00  }
0x20b: {  	[tilespmem:s28], [sflag:$0x1] =	stream.indirect_vreg.gather [hbm4b:s1+s4], $0x80, v5, vm0, $0xb8;
	[tilespmem:$0x1C880] =	vst v63  }
0x20c: {  	v5 =	vld [tilespmem:$0x1A0];
	_ =	sdelay $0x4  }
0x20d: {  	v6 =	vshll.u32 v5, $0x1  }
0x20e: {  	v5 =	vand.u32 $0x7, v5;
	v6 =	vand.u32 $0xFFFFFFF0, v6  }
0x20f: {  	v5 =	vor.u32 v5, v6  }
0x210: {  	v6 =	vperm.xlane v5, v2;
	_ =	sdelay $0x1  }
0x211: {  	v5 =	vperm.xlane v5, v4;
	v6 =	vadd.s32 v3, v6;
	_ =	sdelay $0x1  }
0x212: {  	v5 =	vadd.s32 v3, v5;
	_ =	sdelay $0x1  }
0x213: {  	s29 =	simm.s32 $0x2400  }
0x214: {  	[tilespmem:s29], [sflag:$0x1] =	stream.indirect_vreg.gather [hbm4b:s1+s4], $0x80, v6, vm0, $0xb8;
	[tilespmem:$0x1C880] =	vst v63  }
0x215: {  	s30 =	simm.s32 $0x2C00  }
0x216: {  	[tilespmem:s30], [sflag:$0x1] =	stream.indirect_vreg.gather [hbm4b:s1+s4], $0x80, v5, vm0, $0xb8;
	[tilespmem:$0x1C880] =	vst v63  }
0x217: {  	v5 =	vld [tilespmem:$0x1B0];
	_ =	sdelay $0x4  }
0x218: {  	v6 =	vshll.u32 v5, $0x1  }
0x219: {  	v5 =	vand.u32 $0x7, v5;
	v6 =	vand.u32 $0xFFFFFFF0, v6  }
0x21a: {  	v5 =	vor.u32 v5, v6  }
0x21b: {  	v6 =	vperm.xlane v5, v2;
	_ =	sdelay $0x1  }
0x21c: {  	v5 =	vperm.xlane v5, v4;
	v6 =	vadd.s32 v3, v6;
	_ =	sdelay $0x1  }
0x21d: {  	v5 =	vadd.s32 v3, v5;
	_ =	sdelay $0x1  }
0x21e: {  	s19 =	simm.s32 $0x3400  }
0x21f: {  	[tilespmem:s19], [sflag:$0x1] =	stream.indirect_vreg.gather [hbm4b:s1+s4], $0x80, v6, vm0, $0xb8;
	[tilespmem:$0x1C880] =	vst v63  }
0x220: {  	s20 =	simm.s32 $0x3C00  }
0x221: {  	[tilespmem:s20], [sflag:$0x1] =	stream.indirect_vreg.gather [hbm4b:s1+s4], $0x80, v5, vm0, $0xb8;
	[tilespmem:$0x1C880] =	vst v63  }
0x222: {  	v5 =	vld [tilespmem:$0x1C0];
	_ =	sdelay $0x4  }
0x223: {  	v6 =	vshll.u32 v5, $0x1  }
0x224: {  	v5 =	vand.u32 $0x7, v5;
	v6 =	vand.u32 $0xFFFFFFF0, v6  }
0x225: {  	v5 =	vor.u32 v5, v6  }
0x226: {  	v6 =	vperm.xlane v5, v2;
	_ =	sdelay $0x1  }
0x227: {  	v5 =	vperm.xlane v5, v4;
	v6 =	vadd.s32 v3, v6;
	_ =	sdelay $0x1  }
0x228: {  	v5 =	vadd.s32 v3, v5;
	_ =	sdelay $0x1  }
0x229: {  	s28 =	simm.s32 $0x4400  }
0x22a: {  	[tilespmem:s28], [sflag:$0x1] =	stream.indirect_vreg.gather [hbm4b:s1+s4], $0x80, v6, vm0, $0xb8;
	[tilespmem:$0x1C880] =	vst v63  }
0x22b: {  	s29 =	simm.s32 $0x4C00  }
0x22c: {  	[tilespmem:s29], [sflag:$0x1] =	stream.indirect_vreg.gather [hbm4b:s1+s4], $0x80, v5, vm0, $0xb8;
	[tilespmem:$0x1C880] =	vst v63  }
0x22d: {  	v5 =	vld [tilespmem:$0x1D0];
	_ =	sdelay $0x4  }
0x22e: {  	v6 =	vshll.u32 v5, $0x1  }
0x22f: {  	v5 =	vand.u32 $0x7, v5;
	v6 =	vand.u32 $0xFFFFFFF0, v6  }
0x230: {  	v5 =	vor.u32 v5, v6  }
0x231: {  	v6 =	vperm.xlane v5, v2;
	_ =	sdelay $0x1  }
0x232: {  	v5 =	vperm.xlane v5, v4;
	v6 =	vadd.s32 v3, v6;
	_ =	sdelay $0x1  }
0x233: {  	v5 =	vadd.s32 v3, v5;
	_ =	sdelay $0x1  }
0x234: {  	s30 =	simm.s32 $0x5400  }
0x235: {  	[tilespmem:s30], [sflag:$0x1] =	stream.indirect_vreg.gather [hbm4b:s1+s4], $0x80, v6, vm0, $0xb8;
	[tilespmem:$0x1C880] =	vst v63  }
0x236: {  	s19 =	simm.s32 $0x5C00  }
0x237: {  	[tilespmem:s19], [sflag:$0x1] =	stream.indirect_vreg.gather [hbm4b:s1+s4], $0x80, v5, vm0, $0xb8;
	[tilespmem:$0x1C880] =	vst v63  }
0x238: {  	v5 =	vld [tilespmem:$0x1E0];
	_ =	sdelay $0x4  }
0x239: {  	v6 =	vshll.u32 v5, $0x1  }
0x23a: {  	v5 =	vand.u32 $0x7, v5;
	v6 =	vand.u32 $0xFFFFFFF0, v6  }
0x23b: {  	v5 =	vor.u32 v5, v6  }
0x23c: {  	v6 =	vperm.xlane v5, v2;
	_ =	sdelay $0x1  }
0x23d: {  	v5 =	vperm.xlane v5, v4;
	v6 =	vadd.s32 v3, v6;
	_ =	sdelay $0x1  }
0x23e: {  	v5 =	vadd.s32 v3, v5;
	_ =	sdelay $0x1  }
0x23f: {  	s20 =	simm.s32 $0x6400  }
0x240: {  	[tilespmem:s20], [sflag:$0x1] =	stream.indirect_vreg.gather [hbm4b:s1+s4], $0x80, v6, vm0, $0xb8;
	[tilespmem:$0x1C880] =	vst v63  }
0x241: {  	s28 =	simm.s32 $0x6C00  }
0x242: {  	[tilespmem:s28], [sflag:$0x1] =	stream.indirect_vreg.gather [hbm4b:s1+s4], $0x80, v5, vm0, $0xb8;
	[tilespmem:$0x1C880] =	vst v63  }
0x243: {  	v5 =	vld [tilespmem:$0x1F0];
	_ =	sdelay $0x4  }
0x244: {  	v6 =	vshll.u32 v5, $0x1  }
0x245: {  	v5 =	vand.u32 $0x7, v5;
	v6 =	vand.u32 $0xFFFFFFF0, v6  }
0x246: {  	v5 =	vor.u32 v5, v6  }
0x247: {  	v6 =	vperm.xlane v5, v2;
	_ =	sdelay $0x1  }
0x248: {  	v5 =	vperm.xlane v5, v4;
	v6 =	vadd.s32 v3, v6;
	_ =	sdelay $0x1  }
0x249: {  	v5 =	vadd.s32 v3, v5  }
.Ltmp15:
0x24a: {  	_ = 	snop;
	(pc) =	sbr.rel .LBB2_23-.Ltmp15, $4  }
0x24b: {  	s29 =	simm.s32 $0x7400  }
0x24c: {  	[tilespmem:s29], [sflag:$0x1] =	stream.indirect_vreg.gather [hbm4b:s1+s4], $0x80, v6, vm0, $0xb8;
	[tilespmem:$0x1C880] =	vst v63  }
0x24d: {  	s30 =	simm.s32 $0x7C00  }
0x24e: {  	[tilespmem:s30], [sflag:$0x1] =	stream.indirect_vreg.gather [hbm4b:s1+s4], $0x80, v5, vm0, $0xb8;
	[tilespmem:$0x1C880] =	vst v63  }
.LBB2_29:
0x24f: {  	s3 =	rddreg [dreg:$0xe]  }
0x250: {  	[hbm4b:s3+s4] =	stream.linear.scatter [tilespmem:s11], [sflag:$0x5], $0x4000, $0x38;
	[tilespmem:$0x1C880] =	vst v63  }
0x251: {  	s30 =	rddreg [dreg:$0x12]  }
0x252: {  	[hbm4b:s30+s4] =	stream.linear.scatter [tilespmem:s11], [sflag:$0x5], $0x4000, $0x38;
	[tilespmem:$0x1C880] =	vst v63  }
0x253: {  	_ =	swait.ge [sflag:s9], $0x8000  }
0x254: {  	[sflag:s9] =	ssyncset.done $0x0  }
0x255: {  	[sflag:s9] =	ssyncadd.s32 $0xFFFF8000  }
.LBB2_30:
0x256: {  	s3 =	rddreg [dreg:$0xf]  }
0x257: {  	[hbm4b:s3+s4] =	stream.linear.scatter [tilespmem:s11], [sflag:$0x6], $0x4000, $0x38;
	[tilespmem:$0x1C880] =	vst v63  }
0x258: {  	s30 =	rddreg [dreg:$0x14]  }
0x259: {  	[hbm4b:s30+s4] =	stream.linear.scatter [tilespmem:s11], [sflag:$0x6], $0x4000, $0x38;
	[tilespmem:$0x1C880] =	vst v63  }
0x25a: {  	_ =	swait.ge [sflag:s24], $0x8000  }
0x25b: {  	[sflag:s24] =	ssyncset.done $0x0  }
0x25c: {  	[sflag:s24] =	ssyncadd.s32 $0xFFFF8000  }
.LBB2_31:
0x25d: {  	s3 =	rddreg [dreg:$0x10]  }
0x25e: {  	[hbm4b:s3+s4] =	stream.linear.scatter [tilespmem:s11], [sflag:$0x4], $0x4000, $0x38;
	[tilespmem:$0x1C880] =	vst v63  }
0x25f: {  	s30 =	rddreg [dreg:$0x15]  }
0x260: {  	[hbm4b:s30+s4] =	stream.linear.scatter [tilespmem:s11], [sflag:$0x4], $0x4000, $0x38;
	[tilespmem:$0x1C880] =	vst v63  }
0x261: {  	_ =	swait.ge [sflag:s26], $0x8000  }
0x262: {  	[sflag:s26] =	ssyncset.done $0x0  }
0x263: {  	[sflag:s26] =	ssyncadd.s32 $0xFFFF8000  }
.LBB2_32:
0x264: {  	s3 =	rddreg [dreg:$0x11]  }
0x265: {  	[hbm4b:s3+s4] =	stream.linear.scatter [tilespmem:s11], [sflag:$0x5], $0x4000, $0x38;
	[tilespmem:$0x1C880] =	vst v63  }
0x266: {  	s30 =	rddreg [dreg:$0x16]  }
0x267: {  	[hbm4b:s30+s4] =	stream.linear.scatter [tilespmem:s11], [sflag:$0x5], $0x4000, $0x38;
	[tilespmem:$0x1C880] =	vst v63  }
0x268: {  	_ =	swait.ge [sflag:s9], $0x8000  }
0x269: {  	[sflag:s9] =	ssyncset.done $0x0  }
0x26a: {  	[sflag:s9] =	ssyncadd.s32 $0xFFFF8000  }
.LBB2_33:
0x26b: {  	[hbm4b:s21+s4] =	stream.linear.scatter [tilespmem:s11], [sflag:$0x6], $0x4000, $0x38;
	[tilespmem:$0x1C880] =	vst v63  }
0x26c: {  	_ = 	snop  }
0x26d: {  	[hbm4b:s31+s4] =	stream.linear.scatter [tilespmem:s11], [sflag:$0x6], $0x4000, $0x38;
	[tilespmem:$0x1C880] =	vst v63  }
0x26e: {  	_ =	swait.ge [sflag:s24], $0x8000  }
0x26f: {  	[sflag:s24] =	ssyncset.done $0x0  }
0x270: {  	[sflag:s24] =	ssyncadd.s32 $0xFFFF8000  }
.LBB2_34:
0x271: {  	[hbm4b:s22+s4] =	stream.linear.scatter [tilespmem:s11], [sflag:$0x4], $0x4000, $0x38;
	[tilespmem:$0x1C880] =	vst v63  }
0x272: {  	_ = 	snop  }
0x273: {  	[hbm4b:s0+s4] =	stream.linear.scatter [tilespmem:s11], [sflag:$0x4], $0x4000, $0x38;
	[tilespmem:$0x1C880] =	vst v63  }
.LBB2_35:
0x274: {  	[hbm4b:s23+s4] =	stream.linear.scatter [tilespmem:s11], [sflag:$0x5], $0x4000, $0x38;
	[tilespmem:$0x1C880] =	vst v63  }
0x275: {  	_ = 	snop  }
0x276: {  	[hbm4b:s16+s4] =	stream.linear.scatter [tilespmem:s11], [sflag:$0x5], $0x4000, $0x38;
	[tilespmem:$0x1C880] =	vst v63  }
.LBB2_68:
0x277: {  	_ =	swait.ge [sflag:s26], $0x8000  }
0x278: {  	[sflag:s26] =	ssyncset.done $0x0  }
0x279: {  	[sflag:s26] =	ssyncadd.s32 $0xFFFF8000  }
0x27a: {  	_ =	swait.ge [sflag:s9], $0x8000  }
0x27b: {  	[sflag:s9] =	ssyncset.done $0x0  }
0x27c: {  	s17 =	sadd.s32 $0x1, s17;
	[sflag:s9] =	ssyncadd.s32 $0xFFFF8000  }
0x27d: {  	p0 =	sne.s32 s17, s25;
	_ =	swait.ge [sflag:s24], $0x8000  }
.Ltmp16:
0x27e: {  	[sflag:s24] =	ssyncset.done $0x0;
	(pc) =	sbr.rel @p0 .LBB2_1-.Ltmp16, $4  }
.Ltmp17:
0x27f: {  	[sflag:s24] =	ssyncadd.s32 $0xFFFF8000;
	(pc) =	sbr.rel @!p0 .LBB2_69-.Ltmp17, $4  }
0x280: {  	_ =	swait.ge [sflag:s2], $0x400  }
0x281: {  	[sflag:s2] =	ssyncset.done $0x0  }
0x282: {  	[sflag:s2] =	ssyncadd.s32 $0xFFFFFC00  }
0x283: {  	_ = 	snop  }
.LBB2_22:
0x284: {  	p0 =	slt.s32 s3, $0x101  }
.Ltmp18:
0x285: {  	_ = 	snop;
	(pc) =	sbr.rel @p0 .LBB2_30-.Ltmp18, $1  }
0x286: {  	_ =	sdelay $0x3  }
.LBB2_23:
0x287: {  	p0 =	sgt.u32 s3, $0x17F  }
.Ltmp19:
0x288: {  	_ = 	snop;
	(pc) =	sbr.rel @p0 .LBB2_27-.Ltmp19, $4  }
0x289: {  	s8 =	simm.s32 $0x3  }
0x28a: {  	_ =	swait.ge [sflag:s8], $0x8000  }
0x28b: {  	[sflag:s8] =	ssyncset.done $0x0  }
0x28c: {  	[sflag:s8] =	ssyncadd.s32 $0xFFFF8000  }
0x28d: {  	s8 =	sshll.u32 s18, $0x7;
	s19 =	sshll.u32 s18, $0x8  }
0x28e: {  	s8 =	sadd.s32 $0xFFFF8000, s8;
	s20 =	sadd.s32 $0xFFFF0000, s19  }
0x28f: {  	s19 =	sand.u32 $0xFFFFF800, s20;
	s28 =	sand.u32 $0x380, s8  }
0x290: {  	s19 =	sor.u32 s28, s19  }
0x291: {  	s28 =	sadd.s32 $0x10400, s19;
	[tilespmem:s19+$0x10400] =	vst v1  }
0x292: {  	[tilespmem:s28+$0x10] =	vst v1  }
0x293: {  	[tilespmem:s28+$0x20] =	vst v1  }
0x294: {  	[tilespmem:s28+$0x30] =	vst v1  }
0x295: {  	[tilespmem:s28+$0x40] =	vst v1  }
0x296: {  	[tilespmem:s28+$0x50] =	vst v1  }
0x297: {  	s30 =	sadd.s32 $0xFFFFFEFF, s18;
	[tilespmem:s28+$0x60] =	vst v1  }
0x298: {  	s19 =	sadd.s32 $0x1, s30;
	[tilespmem:s28+$0x70] =	vst v1  }
0x299: {  	[tilespmem:s28+$0x400] =	vst v1;
	p0 =	slt.s32 s19, $0x7F  }
.Ltmp20:
0x29a: {  	[tilespmem:s28+$0x410] =	vst v1;
	(pc) =	sbr.rel @!p0 .LBB2_26-.Ltmp20, $4  }
0x29b: {  	[tilespmem:s28+$0x420] =	vst v1  }
0x29c: {  	[tilespmem:s28+$0x430] =	vst v1  }
0x29d: {  	[tilespmem:s28+$0x440] =	vst v1  }
0x29e: {  	s29 =	sadd.s32 $0x80, s8;
	s20 =	sadd.s32 $0x100, s20;
	[tilespmem:s28+$0x450] =	vst v1  }
.LBB2_25:
0x29f: {  	s8 =	sand.u32 $0xFFFFF800, s20;
	s30 =	sand.u32 $0x380, s29;
	s19 =	sadd.s32 $0x1, s19;
	[tilespmem:s28+$0x460] =	vst v1  }
0x2a0: {  	s8 =	sor.u32 s30, s8;
	p0 =	slt.s32 s19, $0x7F;
	[tilespmem:s28+$0x470] =	vst v1  }
0x2a1: {  	s28 =	sadd.s32 $0x10400, s8;
	[tilespmem:s8+$0x10400] =	vst v1  }
0x2a2: {  	[tilespmem:s28+$0x10] =	vst v1  }
0x2a3: {  	[tilespmem:s28+$0x20] =	vst v1  }
0x2a4: {  	[tilespmem:s28+$0x30] =	vst v1  }
0x2a5: {  	[tilespmem:s28+$0x40] =	vst v1  }
0x2a6: {  	[tilespmem:s28+$0x50] =	vst v1  }
0x2a7: {  	[tilespmem:s28+$0x60] =	vst v1  }
0x2a8: {  	[tilespmem:s28+$0x70] =	vst v1  }
0x2a9: {  	[tilespmem:s28+$0x400] =	vst v1  }
.Ltmp21:
0x2aa: {  	[tilespmem:s28+$0x410] =	vst v1;
	(pc) =	sbr.rel @p0 .LBB2_25-.Ltmp21, $4  }
0x2ab: {  	[tilespmem:s28+$0x420] =	vst v1  }
0x2ac: {  	[tilespmem:s28+$0x430] =	vst v1  }
0x2ad: {  	[tilespmem:s28+$0x440] =	vst v1  }
0x2ae: {  	s29 =	sadd.s32 $0x80, s29;
	s20 =	sadd.s32 $0x100, s20;
	[tilespmem:s28+$0x450] =	vst v1  }
.LBB2_26:
0x2af: {  	[tilespmem:s28+$0x460] =	vst v1  }
0x2b0: {  	[tilespmem:s28+$0x470] =	vst v1  }
.LBB2_27:
0x2b1: {  	p0 =	slt.s32 s3, $0x201  }
.Ltmp22:
0x2b2: {  	s8 =	rddreg [dreg:$0x8];
	s19 =	simm.s32 $0x10400;
	(pc) =	sbr.rel @p0 .LBB2_36-.Ltmp22, $4  }
0x2b3: {  	[hbm4b:s8+s4] =	stream.linear.scatter [tilespmem:s19], [sflag:$0x6], $0x8000, $0x38;
	[tilespmem:$0x1C880] =	vst v63  }
0x2b4: {  	_ =	swait.ge [sflag:s24], $0x8000  }
0x2b5: {  	[sflag:s24] =	ssyncset.done $0x0  }
0x2b6: {  	[sflag:s24] =	ssyncadd.s32 $0xFFFF8000  }
0x2b7: {  	v5 =	vld [tilespmem:$0x200];
	_ =	sdelay $0x4  }
0x2b8: {  	v6 =	vshll.u32 v5, $0x1  }
0x2b9: {  	v5 =	vand.u32 $0x7, v5;
	v6 =	vand.u32 $0xFFFFFFF0, v6  }
0x2ba: {  	v5 =	vor.u32 v5, v6  }
0x2bb: {  	v6 =	vperm.xlane v5, v2;
	_ =	sdelay $0x1  }
0x2bc: {  	v5 =	vperm.xlane v5, v4;
	v6 =	vadd.s32 v3, v6;
	_ =	sdelay $0x1  }
0x2bd: {  	v5 =	vadd.s32 v3, v5;
	_ =	sdelay $0x1  }
0x2be: {  	s8 =	simm.s32 $0x8400  }
0x2bf: {  	[tilespmem:s8], [sflag:$0x2] =	stream.indirect_vreg.gather [hbm4b:s1+s4], $0x80, v6, vm0, $0xb8;
	[tilespmem:$0x1C880] =	vst v63  }
0x2c0: {  	s19 =	simm.s32 $0x8C00  }
0x2c1: {  	[tilespmem:s19], [sflag:$0x2] =	stream.indirect_vreg.gather [hbm4b:s1+s4], $0x80, v5, vm0, $0xb8;
	[tilespmem:$0x1C880] =	vst v63  }
0x2c2: {  	v5 =	vld [tilespmem:$0x210];
	_ =	sdelay $0x4  }
0x2c3: {  	v6 =	vshll.u32 v5, $0x1  }
0x2c4: {  	v5 =	vand.u32 $0x7, v5;
	v6 =	vand.u32 $0xFFFFFFF0, v6  }
0x2c5: {  	v5 =	vor.u32 v5, v6  }
0x2c6: {  	v6 =	vperm.xlane v5, v2;
	_ =	sdelay $0x1  }
0x2c7: {  	v5 =	vperm.xlane v5, v4;
	v6 =	vadd.s32 v3, v6;
	_ =	sdelay $0x1  }
0x2c8: {  	v5 =	vadd.s32 v3, v5;
	_ =	sdelay $0x1  }
0x2c9: {  	s20 =	simm.s32 $0x9400  }
0x2ca: {  	[tilespmem:s20], [sflag:$0x2] =	stream.indirect_vreg.gather [hbm4b:s1+s4], $0x80, v6, vm0, $0xb8;
	[tilespmem:$0x1C880] =	vst v63  }
0x2cb: {  	s28 =	simm.s32 $0x9C00  }
0x2cc: {  	[tilespmem:s28], [sflag:$0x2] =	stream.indirect_vreg.gather [hbm4b:s1+s4], $0x80, v5, vm0, $0xb8;
	[tilespmem:$0x1C880] =	vst v63  }
0x2cd: {  	v5 =	vld [tilespmem:$0x220];
	_ =	sdelay $0x4  }
0x2ce: {  	v6 =	vshll.u32 v5, $0x1  }
0x2cf: {  	v5 =	vand.u32 $0x7, v5;
	v6 =	vand.u32 $0xFFFFFFF0, v6  }
0x2d0: {  	v5 =	vor.u32 v5, v6  }
0x2d1: {  	v6 =	vperm.xlane v5, v2;
	_ =	sdelay $0x1  }
0x2d2: {  	v5 =	vperm.xlane v5, v4;
	v6 =	vadd.s32 v3, v6;
	_ =	sdelay $0x1  }
0x2d3: {  	v5 =	vadd.s32 v3, v5;
	_ =	sdelay $0x1  }
0x2d4: {  	s29 =	simm.s32 $0xA400  }
0x2d5: {  	[tilespmem:s29], [sflag:$0x2] =	stream.indirect_vreg.gather [hbm4b:s1+s4], $0x80, v6, vm0, $0xb8;
	[tilespmem:$0x1C880] =	vst v63  }
0x2d6: {  	s30 =	simm.s32 $0xAC00  }
0x2d7: {  	[tilespmem:s30], [sflag:$0x2] =	stream.indirect_vreg.gather [hbm4b:s1+s4], $0x80, v5, vm0, $0xb8;
	[tilespmem:$0x1C880] =	vst v63  }
0x2d8: {  	v5 =	vld [tilespmem:$0x230];
	_ =	sdelay $0x4  }
0x2d9: {  	v6 =	vshll.u32 v5, $0x1  }
0x2da: {  	v5 =	vand.u32 $0x7, v5;
	v6 =	vand.u32 $0xFFFFFFF0, v6  }
0x2db: {  	v5 =	vor.u32 v5, v6  }
0x2dc: {  	v6 =	vperm.xlane v5, v2;
	_ =	sdelay $0x1  }
0x2dd: {  	v5 =	vperm.xlane v5, v4;
	v6 =	vadd.s32 v3, v6;
	_ =	sdelay $0x1  }
0x2de: {  	v5 =	vadd.s32 v3, v5;
	_ =	sdelay $0x1  }
0x2df: {  	s19 =	simm.s32 $0xB400  }
0x2e0: {  	[tilespmem:s19], [sflag:$0x2] =	stream.indirect_vreg.gather [hbm4b:s1+s4], $0x80, v6, vm0, $0xb8;
	[tilespmem:$0x1C880] =	vst v63  }
0x2e1: {  	s20 =	simm.s32 $0xBC00  }
0x2e2: {  	[tilespmem:s20], [sflag:$0x2] =	stream.indirect_vreg.gather [hbm4b:s1+s4], $0x80, v5, vm0, $0xb8;
	[tilespmem:$0x1C880] =	vst v63  }
0x2e3: {  	v5 =	vld [tilespmem:$0x240];
	_ =	sdelay $0x4  }
0x2e4: {  	v6 =	vshll.u32 v5, $0x1  }
0x2e5: {  	v5 =	vand.u32 $0x7, v5;
	v6 =	vand.u32 $0xFFFFFFF0, v6  }
0x2e6: {  	v5 =	vor.u32 v5, v6  }
0x2e7: {  	v6 =	vperm.xlane v5, v2;
	_ =	sdelay $0x1  }
0x2e8: {  	v5 =	vperm.xlane v5, v4;
	v6 =	vadd.s32 v3, v6;
	_ =	sdelay $0x1  }
0x2e9: {  	v5 =	vadd.s32 v3, v5;
	_ =	sdelay $0x1  }
0x2ea: {  	s28 =	simm.s32 $0xC400  }
0x2eb: {  	[tilespmem:s28], [sflag:$0x2] =	stream.indirect_vreg.gather [hbm4b:s1+s4], $0x80, v6, vm0, $0xb8;
	[tilespmem:$0x1C880] =	vst v63  }
0x2ec: {  	s29 =	simm.s32 $0xCC00  }
0x2ed: {  	[tilespmem:s29], [sflag:$0x2] =	stream.indirect_vreg.gather [hbm4b:s1+s4], $0x80, v5, vm0, $0xb8;
	[tilespmem:$0x1C880] =	vst v63  }
0x2ee: {  	v5 =	vld [tilespmem:$0x250];
	_ =	sdelay $0x4  }
0x2ef: {  	v6 =	vshll.u32 v5, $0x1  }
0x2f0: {  	v5 =	vand.u32 $0x7, v5;
	v6 =	vand.u32 $0xFFFFFFF0, v6  }
0x2f1: {  	v5 =	vor.u32 v5, v6  }
0x2f2: {  	v6 =	vperm.xlane v5, v2;
	_ =	sdelay $0x1  }
0x2f3: {  	v5 =	vperm.xlane v5, v4;
	v6 =	vadd.s32 v3, v6;
	_ =	sdelay $0x1  }
0x2f4: {  	v5 =	vadd.s32 v3, v5;
	_ =	sdelay $0x1  }
0x2f5: {  	s30 =	simm.s32 $0xD400  }
0x2f6: {  	[tilespmem:s30], [sflag:$0x2] =	stream.indirect_vreg.gather [hbm4b:s1+s4], $0x80, v6, vm0, $0xb8;
	[tilespmem:$0x1C880] =	vst v63  }
0x2f7: {  	s19 =	simm.s32 $0xDC00  }
0x2f8: {  	[tilespmem:s19], [sflag:$0x2] =	stream.indirect_vreg.gather [hbm4b:s1+s4], $0x80, v5, vm0, $0xb8;
	[tilespmem:$0x1C880] =	vst v63  }
0x2f9: {  	v5 =	vld [tilespmem:$0x260];
	_ =	sdelay $0x4  }
0x2fa: {  	v6 =	vshll.u32 v5, $0x1  }
0x2fb: {  	v5 =	vand.u32 $0x7, v5;
	v6 =	vand.u32 $0xFFFFFFF0, v6  }
0x2fc: {  	v5 =	vor.u32 v5, v6  }
0x2fd: {  	v6 =	vperm.xlane v5, v2;
	_ =	sdelay $0x1  }
0x2fe: {  	v5 =	vperm.xlane v5, v4;
	v6 =	vadd.s32 v3, v6;
	_ =	sdelay $0x1  }
0x2ff: {  	v5 =	vadd.s32 v3, v5;
	_ =	sdelay $0x1  }
0x300: {  	s20 =	simm.s32 $0xE400  }
0x301: {  	[tilespmem:s20], [sflag:$0x2] =	stream.indirect_vreg.gather [hbm4b:s1+s4], $0x80, v6, vm0, $0xb8;
	[tilespmem:$0x1C880] =	vst v63  }
0x302: {  	s28 =	simm.s32 $0xEC00  }
0x303: {  	[tilespmem:s28], [sflag:$0x2] =	stream.indirect_vreg.gather [hbm4b:s1+s4], $0x80, v5, vm0, $0xb8;
	[tilespmem:$0x1C880] =	vst v63  }
0x304: {  	v5 =	vld [tilespmem:$0x270];
	_ =	sdelay $0x4  }
0x305: {  	v6 =	vshll.u32 v5, $0x1  }
0x306: {  	v5 =	vand.u32 $0x7, v5;
	v6 =	vand.u32 $0xFFFFFFF0, v6  }
0x307: {  	v5 =	vor.u32 v5, v6  }
0x308: {  	v6 =	vperm.xlane v5, v2;
	_ =	sdelay $0x1  }
0x309: {  	v5 =	vperm.xlane v5, v4;
	v6 =	vadd.s32 v3, v6;
	_ =	sdelay $0x1  }
0x30a: {  	v5 =	vadd.s32 v3, v5  }
.Ltmp23:
0x30b: {  	_ = 	snop;
	(pc) =	sbr.rel .LBB2_37-.Ltmp23, $4  }
0x30c: {  	s29 =	simm.s32 $0xF400  }
0x30d: {  	[tilespmem:s29], [sflag:$0x2] =	stream.indirect_vreg.gather [hbm4b:s1+s4], $0x80, v6, vm0, $0xb8;
	[tilespmem:$0x1C880] =	vst v63  }
0x30e: {  	s30 =	simm.s32 $0xFC00  }
0x30f: {  	[tilespmem:s30], [sflag:$0x2] =	stream.indirect_vreg.gather [hbm4b:s1+s4], $0x80, v5, vm0, $0xb8;
	[tilespmem:$0x1C880] =	vst v63  }
.LBB2_36:
0x310: {  	p1 =	slt.s32 s3, $0x181  }
.Ltmp24:
0x311: {  	_ = 	snop;
	(pc) =	sbr.rel @p1 .LBB2_31-.Ltmp24, $1  }
0x312: {  	_ =	sdelay $0x3  }
.LBB2_37:
0x313: {  	p1 =	sgt.u32 s3, $0x1FF  }
.Ltmp25:
0x314: {  	_ = 	snop;
	(pc) =	sbr.rel @p1 .LBB2_41-.Ltmp25, $4  }
0x315: {  	_ = 	snop  }
0x316: {  	_ =	swait.ge [sflag:s12], $0x8000  }
0x317: {  	[sflag:s12] =	ssyncset.done $0x0  }
0x318: {  	[sflag:s12] =	ssyncadd.s32 $0xFFFF8000  }
0x319: {  	s8 =	sshll.u32 s18, $0x7;
	s19 =	sshll.u32 s18, $0x8  }
0x31a: {  	s8 =	sadd.s32 $0xFFFF4000, s8;
	s29 =	sadd.s32 $0xFFFE8000, s19  }
0x31b: {  	s19 =	sand.u32 $0xFFFFF800, s29;
	s20 =	sand.u32 $0x380, s8  }
0x31c: {  	s28 =	sor.u32 s20, s19  }
0x31d: {  	[tilespmem:s28+$0x870] =	vst v1  }
0x31e: {  	[tilespmem:s28+$0x400] =	vst v1  }
0x31f: {  	[tilespmem:s28+$0x410] =	vst v1  }
0x320: {  	[tilespmem:s28+$0x420] =	vst v1  }
0x321: {  	[tilespmem:s28+$0x430] =	vst v1  }
0x322: {  	[tilespmem:s28+$0x440] =	vst v1  }
0x323: {  	s30 =	sadd.s32 $0xFFFFFE7F, s18;
	[tilespmem:s28+$0x450] =	vst v1  }
0x324: {  	s19 =	sadd.s32 $0x1, s30;
	[tilespmem:s28+$0x460] =	vst v1  }
0x325: {  	[tilespmem:s28+$0x470] =	vst v1;
	p1 =	slt.s32 s19, $0x7F  }
.Ltmp26:
0x326: {  	[tilespmem:s28+$0x800] =	vst v1;
	(pc) =	sbr.rel @!p1 .LBB2_40-.Ltmp26, $4  }
0x327: {  	[tilespmem:s28+$0x810] =	vst v1  }
0x328: {  	[tilespmem:s28+$0x820] =	vst v1  }
0x329: {  	[tilespmem:s28+$0x830] =	vst v1  }
0x32a: {  	s29 =	sadd.s32 $0x100, s29;
	s20 =	sadd.s32 $0x80, s8;
	[tilespmem:s28+$0x840] =	vst v1  }
.LBB2_39:
0x32b: {  	s8 =	sand.u32 $0xFFFFF800, s29;
	s30 =	sand.u32 $0x380, s20;
	s19 =	sadd.s32 $0x1, s19;
	[tilespmem:s28+$0x850] =	vst v1  }
0x32c: {  	p1 =	slt.s32 s19, $0x7F;
	[tilespmem:s28+$0x860] =	vst v1;
	s28 =	sor.u32 s30, s8  }
0x32d: {  	[tilespmem:s28+$0x870] =	vst v1  }
0x32e: {  	[tilespmem:s28+$0x400] =	vst v1  }
0x32f: {  	[tilespmem:s28+$0x410] =	vst v1  }
0x330: {  	[tilespmem:s28+$0x420] =	vst v1  }
0x331: {  	[tilespmem:s28+$0x430] =	vst v1  }
0x332: {  	[tilespmem:s28+$0x440] =	vst v1  }
0x333: {  	[tilespmem:s28+$0x450] =	vst v1  }
0x334: {  	[tilespmem:s28+$0x460] =	vst v1  }
0x335: {  	[tilespmem:s28+$0x470] =	vst v1  }
.Ltmp27:
0x336: {  	[tilespmem:s28+$0x800] =	vst v1;
	(pc) =	sbr.rel @p1 .LBB2_39-.Ltmp27, $4  }
0x337: {  	[tilespmem:s28+$0x810] =	vst v1  }
0x338: {  	[tilespmem:s28+$0x820] =	vst v1  }
0x339: {  	[tilespmem:s28+$0x830] =	vst v1  }
0x33a: {  	s20 =	sadd.s32 $0x80, s20;
	s29 =	sadd.s32 $0x100, s29;
	[tilespmem:s28+$0x840] =	vst v1  }
.LBB2_40:
0x33b: {  	[tilespmem:s28+$0x850] =	vst v1  }
0x33c: {  	[tilespmem:s28+$0x860] =	vst v1  }
.LBB2_41:
0x33d: {  	p1 =	slt.s32 s3, $0x281  }
.Ltmp28:
0x33e: {  	s8 =	rddreg [dreg:$0x9];
	(pc) =	sbr.rel @p1 .LBB2_43-.Ltmp28, $4  }
0x33f: {  	[hbm4b:s8+s4] =	stream.linear.scatter [tilespmem:s14], [sflag:$0x4], $0x8000, $0x38;
	[tilespmem:$0x1C880] =	vst v63  }
0x340: {  	_ =	swait.ge [sflag:s26], $0x8000  }
0x341: {  	[sflag:s26] =	ssyncset.done $0x0  }
0x342: {  	[sflag:s26] =	ssyncadd.s32 $0xFFFF8000  }
0x343: {  	v5 =	vld [tilespmem:$0x280];
	_ =	sdelay $0x4  }
0x344: {  	v6 =	vshll.u32 v5, $0x1  }
0x345: {  	v5 =	vand.u32 $0x7, v5;
	v6 =	vand.u32 $0xFFFFFFF0, v6  }
0x346: {  	v5 =	vor.u32 v5, v6  }
0x347: {  	v6 =	vperm.xlane v5, v2;
	_ =	sdelay $0x1  }
0x348: {  	v5 =	vperm.xlane v5, v4;
	v6 =	vadd.s32 v3, v6;
	_ =	sdelay $0x1  }
0x349: {  	v5 =	vadd.s32 v3, v5;
	_ =	sdelay $0x1  }
0x34a: {  	s8 =	simm.s32 $0x10400  }
0x34b: {  	[tilespmem:s8], [sflag:$0x3] =	stream.indirect_vreg.gather [hbm4b:s1+s4], $0x80, v6, vm0, $0xb8;
	[tilespmem:$0x1C880] =	vst v63  }
0x34c: {  	s19 =	simm.s32 $0x10C00  }
0x34d: {  	[tilespmem:s19], [sflag:$0x3] =	stream.indirect_vreg.gather [hbm4b:s1+s4], $0x80, v5, vm0, $0xb8;
	[tilespmem:$0x1C880] =	vst v63  }
0x34e: {  	v5 =	vld [tilespmem:$0x290];
	_ =	sdelay $0x4  }
0x34f: {  	v6 =	vshll.u32 v5, $0x1  }
0x350: {  	v5 =	vand.u32 $0x7, v5;
	v6 =	vand.u32 $0xFFFFFFF0, v6  }
0x351: {  	v5 =	vor.u32 v5, v6  }
0x352: {  	v6 =	vperm.xlane v5, v2;
	_ =	sdelay $0x1  }
0x353: {  	v5 =	vperm.xlane v5, v4;
	v6 =	vadd.s32 v3, v6;
	_ =	sdelay $0x1  }
0x354: {  	v5 =	vadd.s32 v3, v5;
	_ =	sdelay $0x1  }
0x355: {  	s20 =	simm.s32 $0x11400  }
0x356: {  	[tilespmem:s20], [sflag:$0x3] =	stream.indirect_vreg.gather [hbm4b:s1+s4], $0x80, v6, vm0, $0xb8;
	[tilespmem:$0x1C880] =	vst v63  }
0x357: {  	s28 =	simm.s32 $0x11C00  }
0x358: {  	[tilespmem:s28], [sflag:$0x3] =	stream.indirect_vreg.gather [hbm4b:s1+s4], $0x80, v5, vm0, $0xb8;
	[tilespmem:$0x1C880] =	vst v63  }
0x359: {  	v5 =	vld [tilespmem:$0x2A0];
	_ =	sdelay $0x4  }
0x35a: {  	v6 =	vshll.u32 v5, $0x1  }
0x35b: {  	v5 =	vand.u32 $0x7, v5;
	v6 =	vand.u32 $0xFFFFFFF0, v6  }
0x35c: {  	v5 =	vor.u32 v5, v6  }
0x35d: {  	v6 =	vperm.xlane v5, v2;
	_ =	sdelay $0x1  }
0x35e: {  	v5 =	vperm.xlane v5, v4;
	v6 =	vadd.s32 v3, v6;
	_ =	sdelay $0x1  }
0x35f: {  	v5 =	vadd.s32 v3, v5;
	_ =	sdelay $0x1  }
0x360: {  	s29 =	simm.s32 $0x12400  }
0x361: {  	[tilespmem:s29], [sflag:$0x3] =	stream.indirect_vreg.gather [hbm4b:s1+s4], $0x80, v6, vm0, $0xb8;
	[tilespmem:$0x1C880] =	vst v63  }
0x362: {  	s30 =	simm.s32 $0x12C00  }
0x363: {  	[tilespmem:s30], [sflag:$0x3] =	stream.indirect_vreg.gather [hbm4b:s1+s4], $0x80, v5, vm0, $0xb8;
	[tilespmem:$0x1C880] =	vst v63  }
0x364: {  	v5 =	vld [tilespmem:$0x2B0];
	_ =	sdelay $0x4  }
0x365: {  	v6 =	vshll.u32 v5, $0x1  }
0x366: {  	v5 =	vand.u32 $0x7, v5;
	v6 =	vand.u32 $0xFFFFFFF0, v6  }
0x367: {  	v5 =	vor.u32 v5, v6  }
0x368: {  	v6 =	vperm.xlane v5, v2;
	_ =	sdelay $0x1  }
0x369: {  	v5 =	vperm.xlane v5, v4;
	v6 =	vadd.s32 v3, v6;
	_ =	sdelay $0x1  }
0x36a: {  	v5 =	vadd.s32 v3, v5;
	_ =	sdelay $0x1  }
0x36b: {  	s19 =	simm.s32 $0x13400  }
0x36c: {  	[tilespmem:s19], [sflag:$0x3] =	stream.indirect_vreg.gather [hbm4b:s1+s4], $0x80, v6, vm0, $0xb8;
	[tilespmem:$0x1C880] =	vst v63  }
0x36d: {  	s20 =	simm.s32 $0x13C00  }
0x36e: {  	[tilespmem:s20], [sflag:$0x3] =	stream.indirect_vreg.gather [hbm4b:s1+s4], $0x80, v5, vm0, $0xb8;
	[tilespmem:$0x1C880] =	vst v63  }
0x36f: {  	v5 =	vld [tilespmem:$0x2C0];
	_ =	sdelay $0x4  }
0x370: {  	v6 =	vshll.u32 v5, $0x1  }
0x371: {  	v5 =	vand.u32 $0x7, v5;
	v6 =	vand.u32 $0xFFFFFFF0, v6  }
0x372: {  	v5 =	vor.u32 v5, v6  }
0x373: {  	v6 =	vperm.xlane v5, v2;
	_ =	sdelay $0x1  }
0x374: {  	v5 =	vperm.xlane v5, v4;
	v6 =	vadd.s32 v3, v6;
	_ =	sdelay $0x1  }
0x375: {  	v5 =	vadd.s32 v3, v5;
	_ =	sdelay $0x1  }
0x376: {  	s28 =	simm.s32 $0x14400  }
0x377: {  	[tilespmem:s28], [sflag:$0x3] =	stream.indirect_vreg.gather [hbm4b:s1+s4], $0x80, v6, vm0, $0xb8;
	[tilespmem:$0x1C880] =	vst v63  }
0x378: {  	s29 =	simm.s32 $0x14C00  }
0x379: {  	[tilespmem:s29], [sflag:$0x3] =	stream.indirect_vreg.gather [hbm4b:s1+s4], $0x80, v5, vm0, $0xb8;
	[tilespmem:$0x1C880] =	vst v63  }
0x37a: {  	v5 =	vld [tilespmem:$0x2D0];
	_ =	sdelay $0x4  }
0x37b: {  	v6 =	vshll.u32 v5, $0x1  }
0x37c: {  	v5 =	vand.u32 $0x7, v5;
	v6 =	vand.u32 $0xFFFFFFF0, v6  }
0x37d: {  	v5 =	vor.u32 v5, v6  }
0x37e: {  	v6 =	vperm.xlane v5, v2;
	_ =	sdelay $0x1  }
0x37f: {  	v5 =	vperm.xlane v5, v4;
	v6 =	vadd.s32 v3, v6;
	_ =	sdelay $0x1  }
0x380: {  	v5 =	vadd.s32 v3, v5;
	_ =	sdelay $0x1  }
0x381: {  	s30 =	simm.s32 $0x15400  }
0x382: {  	[tilespmem:s30], [sflag:$0x3] =	stream.indirect_vreg.gather [hbm4b:s1+s4], $0x80, v6, vm0, $0xb8;
	[tilespmem:$0x1C880] =	vst v63  }
0x383: {  	s19 =	simm.s32 $0x15C00  }
0x384: {  	[tilespmem:s19], [sflag:$0x3] =	stream.indirect_vreg.gather [hbm4b:s1+s4], $0x80, v5, vm0, $0xb8;
	[tilespmem:$0x1C880] =	vst v63  }
0x385: {  	v5 =	vld [tilespmem:$0x2E0];
	_ =	sdelay $0x4  }
0x386: {  	v6 =	vshll.u32 v5, $0x1  }
0x387: {  	v5 =	vand.u32 $0x7, v5;
	v6 =	vand.u32 $0xFFFFFFF0, v6  }
0x388: {  	v5 =	vor.u32 v5, v6  }
0x389: {  	v6 =	vperm.xlane v5, v2;
	_ =	sdelay $0x1  }
0x38a: {  	v5 =	vperm.xlane v5, v4;
	v6 =	vadd.s32 v3, v6;
	_ =	sdelay $0x1  }
0x38b: {  	v5 =	vadd.s32 v3, v5;
	_ =	sdelay $0x1  }
0x38c: {  	s20 =	simm.s32 $0x16400  }
0x38d: {  	[tilespmem:s20], [sflag:$0x3] =	stream.indirect_vreg.gather [hbm4b:s1+s4], $0x80, v6, vm0, $0xb8;
	[tilespmem:$0x1C880] =	vst v63  }
0x38e: {  	s28 =	simm.s32 $0x16C00  }
0x38f: {  	[tilespmem:s28], [sflag:$0x3] =	stream.indirect_vreg.gather [hbm4b:s1+s4], $0x80, v5, vm0, $0xb8;
	[tilespmem:$0x1C880] =	vst v63  }
0x390: {  	v5 =	vld [tilespmem:$0x2F0];
	_ =	sdelay $0x4  }
0x391: {  	v6 =	vshll.u32 v5, $0x1  }
0x392: {  	v5 =	vand.u32 $0x7, v5;
	v6 =	vand.u32 $0xFFFFFFF0, v6  }
0x393: {  	v5 =	vor.u32 v5, v6  }
0x394: {  	v6 =	vperm.xlane v5, v2;
	_ =	sdelay $0x1  }
0x395: {  	v5 =	vperm.xlane v5, v4;
	v6 =	vadd.s32 v3, v6;
	_ =	sdelay $0x1  }
0x396: {  	v5 =	vadd.s32 v3, v5  }
.Ltmp29:
0x397: {  	_ = 	snop;
	(pc) =	sbr.rel .LBB2_44-.Ltmp29, $4  }
0x398: {  	s29 =	simm.s32 $0x17400  }
0x399: {  	[tilespmem:s29], [sflag:$0x3] =	stream.indirect_vreg.gather [hbm4b:s1+s4], $0x80, v6, vm0, $0xb8;
	[tilespmem:$0x1C880] =	vst v63  }
0x39a: {  	s30 =	simm.s32 $0x17C00  }
0x39b: {  	[tilespmem:s30], [sflag:$0x3] =	stream.indirect_vreg.gather [hbm4b:s1+s4], $0x80, v5, vm0, $0xb8;
	[tilespmem:$0x1C880] =	vst v63  }
.LBB2_43:
.Ltmp30:
0x39c: {  	(pc) =	sbr.rel @p0 .LBB2_32-.Ltmp30, $1  }
0x39d: {  	_ =	sdelay $0x3  }
.LBB2_44:
0x39e: {  	p0 =	sgt.u32 s3, $0x27F  }
.Ltmp31:
0x39f: {  	_ = 	snop;
	(pc) =	sbr.rel @p0 .LBB2_48-.Ltmp31, $4  }
0x3a0: {  	_ = 	snop  }
0x3a1: {  	_ =	swait.ge [sflag:s13], $0x8000  }
0x3a2: {  	[sflag:s13] =	ssyncset.done $0x0  }
0x3a3: {  	[sflag:s13] =	ssyncadd.s32 $0xFFFF8000  }
0x3a4: {  	s8 =	sshll.u32 s18, $0x7;
	s19 =	sshll.u32 s18, $0x8  }
0x3a5: {  	s8 =	sadd.s32 $0xFFFF0000, s8;
	s29 =	sadd.s32 $0xFFFE0000, s19  }
0x3a6: {  	s19 =	sand.u32 $0xFFFFF800, s29;
	s20 =	sand.u32 $0x380, s8  }
0x3a7: {  	s28 =	sor.u32 s20, s19  }
0x3a8: {  	[tilespmem:s28+$0x8870] =	vst v1  }
0x3a9: {  	[tilespmem:s28+$0x8400] =	vst v1  }
0x3aa: {  	[tilespmem:s28+$0x8410] =	vst v1  }
0x3ab: {  	[tilespmem:s28+$0x8420] =	vst v1  }
0x3ac: {  	[tilespmem:s28+$0x8430] =	vst v1  }
0x3ad: {  	[tilespmem:s28+$0x8440] =	vst v1  }
0x3ae: {  	s30 =	sadd.s32 $0xFFFFFDFF, s18;
	[tilespmem:s28+$0x8450] =	vst v1  }
0x3af: {  	s19 =	sadd.s32 $0x1, s30;
	[tilespmem:s28+$0x8460] =	vst v1  }
0x3b0: {  	[tilespmem:s28+$0x8470] =	vst v1;
	p0 =	slt.s32 s19, $0x7F  }
.Ltmp32:
0x3b1: {  	[tilespmem:s28+$0x8800] =	vst v1;
	(pc) =	sbr.rel @!p0 .LBB2_47-.Ltmp32, $4  }
0x3b2: {  	[tilespmem:s28+$0x8810] =	vst v1  }
0x3b3: {  	[tilespmem:s28+$0x8820] =	vst v1  }
0x3b4: {  	[tilespmem:s28+$0x8830] =	vst v1  }
0x3b5: {  	s29 =	sadd.s32 $0x100, s29;
	s20 =	sadd.s32 $0x80, s8;
	[tilespmem:s28+$0x8840] =	vst v1  }
.LBB2_46:
0x3b6: {  	s8 =	sand.u32 $0xFFFFF800, s29;
	s30 =	sand.u32 $0x380, s20;
	s19 =	sadd.s32 $0x1, s19;
	[tilespmem:s28+$0x8850] =	vst v1  }
0x3b7: {  	p0 =	slt.s32 s19, $0x7F;
	[tilespmem:s28+$0x8860] =	vst v1;
	s28 =	sor.u32 s30, s8  }
0x3b8: {  	[tilespmem:s28+$0x8870] =	vst v1  }
0x3b9: {  	[tilespmem:s28+$0x8400] =	vst v1  }
0x3ba: {  	[tilespmem:s28+$0x8410] =	vst v1  }
0x3bb: {  	[tilespmem:s28+$0x8420] =	vst v1  }
0x3bc: {  	[tilespmem:s28+$0x8430] =	vst v1  }
0x3bd: {  	[tilespmem:s28+$0x8440] =	vst v1  }
0x3be: {  	[tilespmem:s28+$0x8450] =	vst v1  }
0x3bf: {  	[tilespmem:s28+$0x8460] =	vst v1  }
0x3c0: {  	[tilespmem:s28+$0x8470] =	vst v1  }
.Ltmp33:
0x3c1: {  	[tilespmem:s28+$0x8800] =	vst v1;
	(pc) =	sbr.rel @p0 .LBB2_46-.Ltmp33, $4  }
0x3c2: {  	[tilespmem:s28+$0x8810] =	vst v1  }
0x3c3: {  	[tilespmem:s28+$0x8820] =	vst v1  }
0x3c4: {  	[tilespmem:s28+$0x8830] =	vst v1  }
0x3c5: {  	s20 =	sadd.s32 $0x80, s20;
	s29 =	sadd.s32 $0x100, s29;
	[tilespmem:s28+$0x8840] =	vst v1  }
.LBB2_47:
0x3c6: {  	[tilespmem:s28+$0x8850] =	vst v1  }
0x3c7: {  	[tilespmem:s28+$0x8860] =	vst v1  }
.LBB2_48:
0x3c8: {  	p0 =	slt.s32 s3, $0x301  }
.Ltmp34:
0x3c9: {  	s8 =	rddreg [dreg:$0xa];
	s19 =	simm.s32 $0x8400;
	(pc) =	sbr.rel @p0 .LBB2_50-.Ltmp34, $4  }
0x3ca: {  	[hbm4b:s8+s4] =	stream.linear.scatter [tilespmem:s19], [sflag:$0x5], $0x8000, $0x38;
	[tilespmem:$0x1C880] =	vst v63  }
0x3cb: {  	_ =	swait.ge [sflag:s9], $0x8000  }
0x3cc: {  	[sflag:s9] =	ssyncset.done $0x0  }
0x3cd: {  	[sflag:s9] =	ssyncadd.s32 $0xFFFF8000  }
0x3ce: {  	v5 =	vld [tilespmem:$0x300];
	_ =	sdelay $0x4  }
0x3cf: {  	v6 =	vshll.u32 v5, $0x1  }
0x3d0: {  	v5 =	vand.u32 $0x7, v5;
	v6 =	vand.u32 $0xFFFFFFF0, v6  }
0x3d1: {  	v5 =	vor.u32 v5, v6  }
0x3d2: {  	v6 =	vperm.xlane v5, v2;
	_ =	sdelay $0x1  }
0x3d3: {  	v5 =	vperm.xlane v5, v4;
	v6 =	vadd.s32 v3, v6;
	_ =	sdelay $0x1  }
0x3d4: {  	v5 =	vadd.s32 v3, v5;
	_ =	sdelay $0x2  }
0x3d5: {  	[tilespmem:s14], [sflag:$0x1] =	stream.indirect_vreg.gather [hbm4b:s1+s4], $0x80, v6, vm0, $0xb8;
	[tilespmem:$0x1C880] =	vst v63  }
0x3d6: {  	s8 =	simm.s32 $0xC00  }
0x3d7: {  	[tilespmem:s8], [sflag:$0x1] =	stream.indirect_vreg.gather [hbm4b:s1+s4], $0x80, v5, vm0, $0xb8;
	[tilespmem:$0x1C880] =	vst v63  }
0x3d8: {  	v5 =	vld [tilespmem:$0x310];
	_ =	sdelay $0x4  }
0x3d9: {  	v6 =	vshll.u32 v5, $0x1  }
0x3da: {  	v5 =	vand.u32 $0x7, v5;
	v6 =	vand.u32 $0xFFFFFFF0, v6  }
0x3db: {  	v5 =	vor.u32 v5, v6  }
0x3dc: {  	v6 =	vperm.xlane v5, v2;
	_ =	sdelay $0x1  }
0x3dd: {  	v5 =	vperm.xlane v5, v4;
	v6 =	vadd.s32 v3, v6;
	_ =	sdelay $0x1  }
0x3de: {  	v5 =	vadd.s32 v3, v5;
	_ =	sdelay $0x1  }
0x3df: {  	s20 =	simm.s32 $0x1400  }
0x3e0: {  	[tilespmem:s20], [sflag:$0x1] =	stream.indirect_vreg.gather [hbm4b:s1+s4], $0x80, v6, vm0, $0xb8;
	[tilespmem:$0x1C880] =	vst v63  }
0x3e1: {  	s28 =	simm.s32 $0x1C00  }
0x3e2: {  	[tilespmem:s28], [sflag:$0x1] =	stream.indirect_vreg.gather [hbm4b:s1+s4], $0x80, v5, vm0, $0xb8;
	[tilespmem:$0x1C880] =	vst v63  }
0x3e3: {  	v5 =	vld [tilespmem:$0x320];
	_ =	sdelay $0x4  }
0x3e4: {  	v6 =	vshll.u32 v5, $0x1  }
0x3e5: {  	v5 =	vand.u32 $0x7, v5;
	v6 =	vand.u32 $0xFFFFFFF0, v6  }
0x3e6: {  	v5 =	vor.u32 v5, v6  }
0x3e7: {  	v6 =	vperm.xlane v5, v2;
	_ =	sdelay $0x1  }
0x3e8: {  	v5 =	vperm.xlane v5, v4;
	v6 =	vadd.s32 v3, v6;
	_ =	sdelay $0x1  }
0x3e9: {  	v5 =	vadd.s32 v3, v5;
	_ =	sdelay $0x1  }
0x3ea: {  	s29 =	simm.s32 $0x2400  }
0x3eb: {  	[tilespmem:s29], [sflag:$0x1] =	stream.indirect_vreg.gather [hbm4b:s1+s4], $0x80, v6, vm0, $0xb8;
	[tilespmem:$0x1C880] =	vst v63  }
0x3ec: {  	s30 =	simm.s32 $0x2C00  }
0x3ed: {  	[tilespmem:s30], [sflag:$0x1] =	stream.indirect_vreg.gather [hbm4b:s1+s4], $0x80, v5, vm0, $0xb8;
	[tilespmem:$0x1C880] =	vst v63  }
0x3ee: {  	v5 =	vld [tilespmem:$0x330];
	_ =	sdelay $0x4  }
0x3ef: {  	v6 =	vshll.u32 v5, $0x1  }
0x3f0: {  	v5 =	vand.u32 $0x7, v5;
	v6 =	vand.u32 $0xFFFFFFF0, v6  }
0x3f1: {  	v5 =	vor.u32 v5, v6  }
0x3f2: {  	v6 =	vperm.xlane v5, v2;
	_ =	sdelay $0x1  }
0x3f3: {  	v5 =	vperm.xlane v5, v4;
	v6 =	vadd.s32 v3, v6;
	_ =	sdelay $0x1  }
0x3f4: {  	v5 =	vadd.s32 v3, v5;
	_ =	sdelay $0x1  }
0x3f5: {  	s19 =	simm.s32 $0x3400  }
0x3f6: {  	[tilespmem:s19], [sflag:$0x1] =	stream.indirect_vreg.gather [hbm4b:s1+s4], $0x80, v6, vm0, $0xb8;
	[tilespmem:$0x1C880] =	vst v63  }
0x3f7: {  	s20 =	simm.s32 $0x3C00  }
0x3f8: {  	[tilespmem:s20], [sflag:$0x1] =	stream.indirect_vreg.gather [hbm4b:s1+s4], $0x80, v5, vm0, $0xb8;
	[tilespmem:$0x1C880] =	vst v63  }
0x3f9: {  	v5 =	vld [tilespmem:$0x340];
	_ =	sdelay $0x4  }
0x3fa: {  	v6 =	vshll.u32 v5, $0x1  }
0x3fb: {  	v5 =	vand.u32 $0x7, v5;
	v6 =	vand.u32 $0xFFFFFFF0, v6  }
0x3fc: {  	v5 =	vor.u32 v5, v6  }
0x3fd: {  	v6 =	vperm.xlane v5, v2;
	_ =	sdelay $0x1  }
0x3fe: {  	v5 =	vperm.xlane v5, v4;
	v6 =	vadd.s32 v3, v6;
	_ =	sdelay $0x1  }
0x3ff: {  	v5 =	vadd.s32 v3, v5;
	_ =	sdelay $0x1  }
0x400: {  	s28 =	simm.s32 $0x4400  }
0x401: {  	[tilespmem:s28], [sflag:$0x1] =	stream.indirect_vreg.gather [hbm4b:s1+s4], $0x80, v6, vm0, $0xb8;
	[tilespmem:$0x1C880] =	vst v63  }
0x402: {  	s29 =	simm.s32 $0x4C00  }
0x403: {  	[tilespmem:s29], [sflag:$0x1] =	stream.indirect_vreg.gather [hbm4b:s1+s4], $0x80, v5, vm0, $0xb8;
	[tilespmem:$0x1C880] =	vst v63  }
0x404: {  	v5 =	vld [tilespmem:$0x350];
	_ =	sdelay $0x4  }
0x405: {  	v6 =	vshll.u32 v5, $0x1  }
0x406: {  	v5 =	vand.u32 $0x7, v5;
	v6 =	vand.u32 $0xFFFFFFF0, v6  }
0x407: {  	v5 =	vor.u32 v5, v6  }
0x408: {  	v6 =	vperm.xlane v5, v2;
	_ =	sdelay $0x1  }
0x409: {  	v5 =	vperm.xlane v5, v4;
	v6 =	vadd.s32 v3, v6;
	_ =	sdelay $0x1  }
0x40a: {  	v5 =	vadd.s32 v3, v5;
	_ =	sdelay $0x1  }
0x40b: {  	s30 =	simm.s32 $0x5400  }
0x40c: {  	[tilespmem:s30], [sflag:$0x1] =	stream.indirect_vreg.gather [hbm4b:s1+s4], $0x80, v6, vm0, $0xb8;
	[tilespmem:$0x1C880] =	vst v63  }
0x40d: {  	s19 =	simm.s32 $0x5C00  }
0x40e: {  	[tilespmem:s19], [sflag:$0x1] =	stream.indirect_vreg.gather [hbm4b:s1+s4], $0x80, v5, vm0, $0xb8;
	[tilespmem:$0x1C880] =	vst v63  }
0x40f: {  	v5 =	vld [tilespmem:$0x360];
	_ =	sdelay $0x4  }
0x410: {  	v6 =	vshll.u32 v5, $0x1  }
0x411: {  	v5 =	vand.u32 $0x7, v5;
	v6 =	vand.u32 $0xFFFFFFF0, v6  }
0x412: {  	v5 =	vor.u32 v5, v6  }
0x413: {  	v6 =	vperm.xlane v5, v2;
	_ =	sdelay $0x1  }
0x414: {  	v5 =	vperm.xlane v5, v4;
	v6 =	vadd.s32 v3, v6;
	_ =	sdelay $0x1  }
0x415: {  	v5 =	vadd.s32 v3, v5;
	_ =	sdelay $0x1  }
0x416: {  	s20 =	simm.s32 $0x6400  }
0x417: {  	[tilespmem:s20], [sflag:$0x1] =	stream.indirect_vreg.gather [hbm4b:s1+s4], $0x80, v6, vm0, $0xb8;
	[tilespmem:$0x1C880] =	vst v63  }
0x418: {  	s28 =	simm.s32 $0x6C00  }
0x419: {  	[tilespmem:s28], [sflag:$0x1] =	stream.indirect_vreg.gather [hbm4b:s1+s4], $0x80, v5, vm0, $0xb8;
	[tilespmem:$0x1C880] =	vst v63  }
0x41a: {  	v5 =	vld [tilespmem:$0x370];
	_ =	sdelay $0x4  }
0x41b: {  	v6 =	vshll.u32 v5, $0x1  }
0x41c: {  	v5 =	vand.u32 $0x7, v5;
	v6 =	vand.u32 $0xFFFFFFF0, v6  }
0x41d: {  	v5 =	vor.u32 v5, v6  }
0x41e: {  	v6 =	vperm.xlane v5, v2;
	_ =	sdelay $0x1  }
0x41f: {  	v5 =	vperm.xlane v5, v4;
	v6 =	vadd.s32 v3, v6;
	_ =	sdelay $0x1  }
0x420: {  	v5 =	vadd.s32 v3, v5  }
.Ltmp35:
0x421: {  	_ = 	snop;
	(pc) =	sbr.rel .LBB2_51-.Ltmp35, $4  }
0x422: {  	s29 =	simm.s32 $0x7400  }
0x423: {  	[tilespmem:s29], [sflag:$0x1] =	stream.indirect_vreg.gather [hbm4b:s1+s4], $0x80, v6, vm0, $0xb8;
	[tilespmem:$0x1C880] =	vst v63  }
0x424: {  	s30 =	simm.s32 $0x7C00  }
0x425: {  	[tilespmem:s30], [sflag:$0x1] =	stream.indirect_vreg.gather [hbm4b:s1+s4], $0x80, v5, vm0, $0xb8;
	[tilespmem:$0x1C880] =	vst v63  }
.LBB2_50:
.Ltmp36:
0x426: {  	(pc) =	sbr.rel @p1 .LBB2_33-.Ltmp36, $1  }
0x427: {  	_ =	sdelay $0x3  }
.LBB2_51:
0x428: {  	p1 =	sgt.u32 s3, $0x2FF  }
.Ltmp37:
0x429: {  	_ = 	snop;
	(pc) =	sbr.rel @p1 .LBB2_55-.Ltmp37, $4  }
0x42a: {  	s8 =	simm.s32 $0x3  }
0x42b: {  	_ =	swait.ge [sflag:s8], $0x8000  }
0x42c: {  	[sflag:s8] =	ssyncset.done $0x0  }
0x42d: {  	[sflag:s8] =	ssyncadd.s32 $0xFFFF8000  }
0x42e: {  	s8 =	sshll.u32 s18, $0x7;
	s19 =	sshll.u32 s18, $0x8  }
0x42f: {  	s8 =	sadd.s32 $0xFFFEC000, s8;
	s20 =	sadd.s32 $0xFFFD8000, s19  }
0x430: {  	s19 =	sand.u32 $0xFFFFF800, s20;
	s28 =	sand.u32 $0x380, s8  }
0x431: {  	s19 =	sor.u32 s28, s19  }
0x432: {  	s28 =	sadd.s32 $0x10400, s19;
	[tilespmem:s19+$0x10400] =	vst v1  }
0x433: {  	[tilespmem:s28+$0x10] =	vst v1  }
0x434: {  	[tilespmem:s28+$0x20] =	vst v1  }
0x435: {  	[tilespmem:s28+$0x30] =	vst v1  }
0x436: {  	[tilespmem:s28+$0x40] =	vst v1  }
0x437: {  	[tilespmem:s28+$0x50] =	vst v1  }
0x438: {  	s30 =	sadd.s32 $0xFFFFFD7F, s18;
	[tilespmem:s28+$0x60] =	vst v1  }
0x439: {  	s19 =	sadd.s32 $0x1, s30;
	[tilespmem:s28+$0x70] =	vst v1  }
0x43a: {  	[tilespmem:s28+$0x400] =	vst v1;
	p1 =	slt.s32 s19, $0x7F  }
.Ltmp38:
0x43b: {  	[tilespmem:s28+$0x410] =	vst v1;
	(pc) =	sbr.rel @!p1 .LBB2_54-.Ltmp38, $4  }
0x43c: {  	[tilespmem:s28+$0x420] =	vst v1  }
0x43d: {  	[tilespmem:s28+$0x430] =	vst v1  }
0x43e: {  	[tilespmem:s28+$0x440] =	vst v1  }
0x43f: {  	s29 =	sadd.s32 $0x80, s8;
	s20 =	sadd.s32 $0x100, s20;
	[tilespmem:s28+$0x450] =	vst v1  }
.LBB2_53:
0x440: {  	s8 =	sand.u32 $0xFFFFF800, s20;
	s30 =	sand.u32 $0x380, s29;
	s19 =	sadd.s32 $0x1, s19;
	[tilespmem:s28+$0x460] =	vst v1  }
0x441: {  	s8 =	sor.u32 s30, s8;
	p1 =	slt.s32 s19, $0x7F;
	[tilespmem:s28+$0x470] =	vst v1  }
0x442: {  	s28 =	sadd.s32 $0x10400, s8;
	[tilespmem:s8+$0x10400] =	vst v1  }
0x443: {  	[tilespmem:s28+$0x10] =	vst v1  }
0x444: {  	[tilespmem:s28+$0x20] =	vst v1  }
0x445: {  	[tilespmem:s28+$0x30] =	vst v1  }
0x446: {  	[tilespmem:s28+$0x40] =	vst v1  }
0x447: {  	[tilespmem:s28+$0x50] =	vst v1  }
0x448: {  	[tilespmem:s28+$0x60] =	vst v1  }
0x449: {  	[tilespmem:s28+$0x70] =	vst v1  }
0x44a: {  	[tilespmem:s28+$0x400] =	vst v1  }
.Ltmp39:
0x44b: {  	[tilespmem:s28+$0x410] =	vst v1;
	(pc) =	sbr.rel @p1 .LBB2_53-.Ltmp39, $4  }
0x44c: {  	[tilespmem:s28+$0x420] =	vst v1  }
0x44d: {  	[tilespmem:s28+$0x430] =	vst v1  }
0x44e: {  	[tilespmem:s28+$0x440] =	vst v1  }
0x44f: {  	s29 =	sadd.s32 $0x80, s29;
	s20 =	sadd.s32 $0x100, s20;
	[tilespmem:s28+$0x450] =	vst v1  }
.LBB2_54:
0x450: {  	[tilespmem:s28+$0x460] =	vst v1  }
0x451: {  	[tilespmem:s28+$0x470] =	vst v1  }
.LBB2_55:
0x452: {  	p1 =	slt.s32 s3, $0x381  }
.Ltmp40:
0x453: {  	s8 =	rddreg [dreg:$0xb];
	s19 =	simm.s32 $0x10400;
	(pc) =	sbr.rel @p1 .LBB2_57-.Ltmp40, $4  }
0x454: {  	[hbm4b:s8+s4] =	stream.linear.scatter [tilespmem:s19], [sflag:$0x6], $0x8000, $0x38;
	[tilespmem:$0x1C880] =	vst v63  }
0x455: {  	_ =	swait.ge [sflag:s24], $0x8000  }
0x456: {  	[sflag:s24] =	ssyncset.done $0x0  }
0x457: {  	[sflag:s24] =	ssyncadd.s32 $0xFFFF8000  }
0x458: {  	v5 =	vld [tilespmem:$0x380];
	_ =	sdelay $0x4  }
0x459: {  	v6 =	vshll.u32 v5, $0x1  }
0x45a: {  	v5 =	vand.u32 $0x7, v5;
	v6 =	vand.u32 $0xFFFFFFF0, v6  }
0x45b: {  	v5 =	vor.u32 v5, v6  }
0x45c: {  	v6 =	vperm.xlane v5, v2;
	_ =	sdelay $0x1  }
0x45d: {  	v5 =	vperm.xlane v5, v4;
	v6 =	vadd.s32 v3, v6;
	_ =	sdelay $0x1  }
0x45e: {  	v5 =	vadd.s32 v3, v5;
	_ =	sdelay $0x1  }
0x45f: {  	s8 =	simm.s32 $0x8400  }
0x460: {  	[tilespmem:s8], [sflag:$0x2] =	stream.indirect_vreg.gather [hbm4b:s1+s4], $0x80, v6, vm0, $0xb8;
	[tilespmem:$0x1C880] =	vst v63  }
0x461: {  	s19 =	simm.s32 $0x8C00  }
0x462: {  	[tilespmem:s19], [sflag:$0x2] =	stream.indirect_vreg.gather [hbm4b:s1+s4], $0x80, v5, vm0, $0xb8;
	[tilespmem:$0x1C880] =	vst v63  }
0x463: {  	v5 =	vld [tilespmem:$0x390];
	_ =	sdelay $0x4  }
0x464: {  	v6 =	vshll.u32 v5, $0x1  }
0x465: {  	v5 =	vand.u32 $0x7, v5;
	v6 =	vand.u32 $0xFFFFFFF0, v6  }
0x466: {  	v5 =	vor.u32 v5, v6  }
0x467: {  	v6 =	vperm.xlane v5, v2;
	_ =	sdelay $0x1  }
0x468: {  	v5 =	vperm.xlane v5, v4;
	v6 =	vadd.s32 v3, v6;
	_ =	sdelay $0x1  }
0x469: {  	v5 =	vadd.s32 v3, v5;
	_ =	sdelay $0x1  }
0x46a: {  	s20 =	simm.s32 $0x9400  }
0x46b: {  	[tilespmem:s20], [sflag:$0x2] =	stream.indirect_vreg.gather [hbm4b:s1+s4], $0x80, v6, vm0, $0xb8;
	[tilespmem:$0x1C880] =	vst v63  }
0x46c: {  	s28 =	simm.s32 $0x9C00  }
0x46d: {  	[tilespmem:s28], [sflag:$0x2] =	stream.indirect_vreg.gather [hbm4b:s1+s4], $0x80, v5, vm0, $0xb8;
	[tilespmem:$0x1C880] =	vst v63  }
0x46e: {  	v5 =	vld [tilespmem:$0x3A0];
	_ =	sdelay $0x4  }
0x46f: {  	v6 =	vshll.u32 v5, $0x1  }
0x470: {  	v5 =	vand.u32 $0x7, v5;
	v6 =	vand.u32 $0xFFFFFFF0, v6  }
0x471: {  	v5 =	vor.u32 v5, v6  }
0x472: {  	v6 =	vperm.xlane v5, v2;
	_ =	sdelay $0x1  }
0x473: {  	v5 =	vperm.xlane v5, v4;
	v6 =	vadd.s32 v3, v6;
	_ =	sdelay $0x1  }
0x474: {  	v5 =	vadd.s32 v3, v5;
	_ =	sdelay $0x1  }
0x475: {  	s29 =	simm.s32 $0xA400  }
0x476: {  	[tilespmem:s29], [sflag:$0x2] =	stream.indirect_vreg.gather [hbm4b:s1+s4], $0x80, v6, vm0, $0xb8;
	[tilespmem:$0x1C880] =	vst v63  }
0x477: {  	s30 =	simm.s32 $0xAC00  }
0x478: {  	[tilespmem:s30], [sflag:$0x2] =	stream.indirect_vreg.gather [hbm4b:s1+s4], $0x80, v5, vm0, $0xb8;
	[tilespmem:$0x1C880] =	vst v63  }
0x479: {  	v5 =	vld [tilespmem:$0x3B0];
	_ =	sdelay $0x4  }
0x47a: {  	v6 =	vshll.u32 v5, $0x1  }
0x47b: {  	v5 =	vand.u32 $0x7, v5;
	v6 =	vand.u32 $0xFFFFFFF0, v6  }
0x47c: {  	v5 =	vor.u32 v5, v6  }
0x47d: {  	v6 =	vperm.xlane v5, v2;
	_ =	sdelay $0x1  }
0x47e: {  	v5 =	vperm.xlane v5, v4;
	v6 =	vadd.s32 v3, v6;
	_ =	sdelay $0x1  }
0x47f: {  	v5 =	vadd.s32 v3, v5;
	_ =	sdelay $0x1  }
0x480: {  	s19 =	simm.s32 $0xB400  }
0x481: {  	[tilespmem:s19], [sflag:$0x2] =	stream.indirect_vreg.gather [hbm4b:s1+s4], $0x80, v6, vm0, $0xb8;
	[tilespmem:$0x1C880] =	vst v63  }
0x482: {  	s20 =	simm.s32 $0xBC00  }
0x483: {  	[tilespmem:s20], [sflag:$0x2] =	stream.indirect_vreg.gather [hbm4b:s1+s4], $0x80, v5, vm0, $0xb8;
	[tilespmem:$0x1C880] =	vst v63  }
0x484: {  	v5 =	vld [tilespmem:$0x3C0];
	_ =	sdelay $0x4  }
0x485: {  	v6 =	vshll.u32 v5, $0x1  }
0x486: {  	v5 =	vand.u32 $0x7, v5;
	v6 =	vand.u32 $0xFFFFFFF0, v6  }
0x487: {  	v5 =	vor.u32 v5, v6  }
0x488: {  	v6 =	vperm.xlane v5, v2;
	_ =	sdelay $0x1  }
0x489: {  	v5 =	vperm.xlane v5, v4;
	v6 =	vadd.s32 v3, v6;
	_ =	sdelay $0x1  }
0x48a: {  	v5 =	vadd.s32 v3, v5;
	_ =	sdelay $0x1  }
0x48b: {  	s28 =	simm.s32 $0xC400  }
0x48c: {  	[tilespmem:s28], [sflag:$0x2] =	stream.indirect_vreg.gather [hbm4b:s1+s4], $0x80, v6, vm0, $0xb8;
	[tilespmem:$0x1C880] =	vst v63  }
0x48d: {  	s29 =	simm.s32 $0xCC00  }
0x48e: {  	[tilespmem:s29], [sflag:$0x2] =	stream.indirect_vreg.gather [hbm4b:s1+s4], $0x80, v5, vm0, $0xb8;
	[tilespmem:$0x1C880] =	vst v63  }
0x48f: {  	v5 =	vld [tilespmem:$0x3D0];
	_ =	sdelay $0x4  }
0x490: {  	v6 =	vshll.u32 v5, $0x1  }
0x491: {  	v5 =	vand.u32 $0x7, v5;
	v6 =	vand.u32 $0xFFFFFFF0, v6  }
0x492: {  	v5 =	vor.u32 v5, v6  }
0x493: {  	v6 =	vperm.xlane v5, v2;
	_ =	sdelay $0x1  }
0x494: {  	v5 =	vperm.xlane v5, v4;
	v6 =	vadd.s32 v3, v6;
	_ =	sdelay $0x1  }
0x495: {  	v5 =	vadd.s32 v3, v5;
	_ =	sdelay $0x1  }
0x496: {  	s30 =	simm.s32 $0xD400  }
0x497: {  	[tilespmem:s30], [sflag:$0x2] =	stream.indirect_vreg.gather [hbm4b:s1+s4], $0x80, v6, vm0, $0xb8;
	[tilespmem:$0x1C880] =	vst v63  }
0x498: {  	s19 =	simm.s32 $0xDC00  }
0x499: {  	[tilespmem:s19], [sflag:$0x2] =	stream.indirect_vreg.gather [hbm4b:s1+s4], $0x80, v5, vm0, $0xb8;
	[tilespmem:$0x1C880] =	vst v63  }
0x49a: {  	v5 =	vld [tilespmem:$0x3E0];
	_ =	sdelay $0x4  }
0x49b: {  	v6 =	vshll.u32 v5, $0x1  }
0x49c: {  	v5 =	vand.u32 $0x7, v5;
	v6 =	vand.u32 $0xFFFFFFF0, v6  }
0x49d: {  	v5 =	vor.u32 v5, v6  }
0x49e: {  	v6 =	vperm.xlane v5, v2;
	_ =	sdelay $0x1  }
0x49f: {  	v5 =	vperm.xlane v5, v4;
	v6 =	vadd.s32 v3, v6;
	_ =	sdelay $0x1  }
0x4a0: {  	v5 =	vadd.s32 v3, v5;
	_ =	sdelay $0x1  }
0x4a1: {  	s20 =	simm.s32 $0xE400  }
0x4a2: {  	[tilespmem:s20], [sflag:$0x2] =	stream.indirect_vreg.gather [hbm4b:s1+s4], $0x80, v6, vm0, $0xb8;
	[tilespmem:$0x1C880] =	vst v63  }
0x4a3: {  	s28 =	simm.s32 $0xEC00  }
0x4a4: {  	[tilespmem:s28], [sflag:$0x2] =	stream.indirect_vreg.gather [hbm4b:s1+s4], $0x80, v5, vm0, $0xb8;
	[tilespmem:$0x1C880] =	vst v63  }
0x4a5: {  	v5 =	vld [tilespmem:$0x3F0];
	_ =	sdelay $0x4  }
0x4a6: {  	v6 =	vshll.u32 v5, $0x1  }
0x4a7: {  	v5 =	vand.u32 $0x7, v5;
	v6 =	vand.u32 $0xFFFFFFF0, v6  }
0x4a8: {  	v5 =	vor.u32 v5, v6  }
0x4a9: {  	v6 =	vperm.xlane v5, v2;
	_ =	sdelay $0x1  }
0x4aa: {  	v5 =	vperm.xlane v5, v4;
	v6 =	vadd.s32 v3, v6;
	_ =	sdelay $0x1  }
0x4ab: {  	v5 =	vadd.s32 v3, v5  }
.Ltmp41:
0x4ac: {  	_ = 	snop;
	(pc) =	sbr.rel .LBB2_58-.Ltmp41, $4  }
0x4ad: {  	s29 =	simm.s32 $0xF400  }
0x4ae: {  	[tilespmem:s29], [sflag:$0x2] =	stream.indirect_vreg.gather [hbm4b:s1+s4], $0x80, v6, vm0, $0xb8;
	[tilespmem:$0x1C880] =	vst v63  }
0x4af: {  	s30 =	simm.s32 $0xFC00  }
0x4b0: {  	[tilespmem:s30], [sflag:$0x2] =	stream.indirect_vreg.gather [hbm4b:s1+s4], $0x80, v5, vm0, $0xb8;
	[tilespmem:$0x1C880] =	vst v63  }
.LBB2_57:
.Ltmp42:
0x4b1: {  	(pc) =	sbr.rel @p0 .LBB2_34-.Ltmp42, $1  }
0x4b2: {  	_ =	sdelay $0x3  }
.LBB2_58:
0x4b3: {  	p0 =	sgt.u32 s3, $0x37F  }
.Ltmp43:
0x4b4: {  	_ = 	snop;
	(pc) =	sbr.rel @p0 .LBB2_62-.Ltmp43, $4  }
0x4b5: {  	_ = 	snop  }
0x4b6: {  	_ =	swait.ge [sflag:s12], $0x8000  }
0x4b7: {  	[sflag:s12] =	ssyncset.done $0x0  }
0x4b8: {  	[sflag:s12] =	ssyncadd.s32 $0xFFFF8000  }
0x4b9: {  	s8 =	sshll.u32 s18, $0x7;
	s19 =	sshll.u32 s18, $0x8  }
0x4ba: {  	s8 =	sadd.s32 $0xFFFE8000, s8;
	s29 =	sadd.s32 $0xFFFD0000, s19  }
0x4bb: {  	s19 =	sand.u32 $0xFFFFF800, s29;
	s20 =	sand.u32 $0x380, s8  }
0x4bc: {  	s28 =	sor.u32 s20, s19  }
0x4bd: {  	[tilespmem:s28+$0x870] =	vst v1  }
0x4be: {  	[tilespmem:s28+$0x400] =	vst v1  }
0x4bf: {  	[tilespmem:s28+$0x410] =	vst v1  }
0x4c0: {  	[tilespmem:s28+$0x420] =	vst v1  }
0x4c1: {  	[tilespmem:s28+$0x430] =	vst v1  }
0x4c2: {  	[tilespmem:s28+$0x440] =	vst v1  }
0x4c3: {  	s30 =	sadd.s32 $0xFFFFFCFF, s18;
	[tilespmem:s28+$0x450] =	vst v1  }
0x4c4: {  	s19 =	sadd.s32 $0x1, s30;
	[tilespmem:s28+$0x460] =	vst v1  }
0x4c5: {  	[tilespmem:s28+$0x470] =	vst v1;
	p0 =	slt.s32 s19, $0x7F  }
.Ltmp44:
0x4c6: {  	[tilespmem:s28+$0x800] =	vst v1;
	(pc) =	sbr.rel @!p0 .LBB2_61-.Ltmp44, $4  }
0x4c7: {  	[tilespmem:s28+$0x810] =	vst v1  }
0x4c8: {  	[tilespmem:s28+$0x820] =	vst v1  }
0x4c9: {  	[tilespmem:s28+$0x830] =	vst v1  }
0x4ca: {  	s29 =	sadd.s32 $0x100, s29;
	s20 =	sadd.s32 $0x80, s8;
	[tilespmem:s28+$0x840] =	vst v1  }
.LBB2_60:
0x4cb: {  	s8 =	sand.u32 $0xFFFFF800, s29;
	s30 =	sand.u32 $0x380, s20;
	s19 =	sadd.s32 $0x1, s19;
	[tilespmem:s28+$0x850] =	vst v1  }
0x4cc: {  	p0 =	slt.s32 s19, $0x7F;
	[tilespmem:s28+$0x860] =	vst v1;
	s28 =	sor.u32 s30, s8  }
0x4cd: {  	[tilespmem:s28+$0x870] =	vst v1  }
0x4ce: {  	[tilespmem:s28+$0x400] =	vst v1  }
0x4cf: {  	[tilespmem:s28+$0x410] =	vst v1  }
0x4d0: {  	[tilespmem:s28+$0x420] =	vst v1  }
0x4d1: {  	[tilespmem:s28+$0x430] =	vst v1  }
0x4d2: {  	[tilespmem:s28+$0x440] =	vst v1  }
0x4d3: {  	[tilespmem:s28+$0x450] =	vst v1  }
0x4d4: {  	[tilespmem:s28+$0x460] =	vst v1  }
0x4d5: {  	[tilespmem:s28+$0x470] =	vst v1  }
.Ltmp45:
0x4d6: {  	[tilespmem:s28+$0x800] =	vst v1;
	(pc) =	sbr.rel @p0 .LBB2_60-.Ltmp45, $4  }
0x4d7: {  	[tilespmem:s28+$0x810] =	vst v1  }
0x4d8: {  	[tilespmem:s28+$0x820] =	vst v1  }
0x4d9: {  	[tilespmem:s28+$0x830] =	vst v1  }
0x4da: {  	s20 =	sadd.s32 $0x80, s20;
	s29 =	sadd.s32 $0x100, s29;
	[tilespmem:s28+$0x840] =	vst v1  }
.LBB2_61:
0x4db: {  	[tilespmem:s28+$0x850] =	vst v1  }
0x4dc: {  	[tilespmem:s28+$0x860] =	vst v1  }
.LBB2_62:
.Ltmp46:
0x4dd: {  	(pc) =	sbr.rel @p1 .LBB2_35-.Ltmp46, $3  }
0x4de: {  	_ =	sdelay $0x1  }
0x4df: {  	s8 =	rddreg [dreg:$0xc]  }
0x4e0: {  	[hbm4b:s8+s4] =	stream.linear.scatter [tilespmem:s14], [sflag:$0x4], $0x8000, $0x38;
	[tilespmem:$0x1C880] =	vst v63  }
0x4e1: {  	p0 =	sgt.u32 s3, $0x3FF  }
.Ltmp47:
0x4e2: {  	_ = 	snop;
	(pc) =	sbr.rel @p0 .LBB2_67-.Ltmp47, $4  }
0x4e3: {  	_ = 	snop  }
0x4e4: {  	_ =	swait.ge [sflag:s13], $0x8000  }
0x4e5: {  	[sflag:s13] =	ssyncset.done $0x0  }
0x4e6: {  	[sflag:s13] =	ssyncadd.s32 $0xFFFF8000  }
0x4e7: {  	s3 =	sshll.u32 s18, $0x7;
	s8 =	sshll.u32 s18, $0x8  }
0x4e8: {  	s19 =	sadd.s32 $0xFFFE4000, s3;
	s8 =	sadd.s32 $0xFFFC8000, s8  }
0x4e9: {  	s29 =	sand.u32 $0xFFFFF800, s8;
	s20 =	sand.u32 $0x380, s19  }
0x4ea: {  	s3 =	sor.u32 s20, s29  }
0x4eb: {  	[tilespmem:s3+$0x8870] =	vst v1  }
0x4ec: {  	[tilespmem:s3+$0x8400] =	vst v1  }
0x4ed: {  	[tilespmem:s3+$0x8410] =	vst v1  }
0x4ee: {  	[tilespmem:s3+$0x8420] =	vst v1  }
0x4ef: {  	[tilespmem:s3+$0x8430] =	vst v1  }
0x4f0: {  	[tilespmem:s3+$0x8440] =	vst v1  }
0x4f1: {  	s30 =	sadd.s32 $0xFFFFFC7F, s18;
	[tilespmem:s3+$0x8450] =	vst v1  }
0x4f2: {  	s18 =	sadd.s32 $0x1, s30;
	[tilespmem:s3+$0x8460] =	vst v1  }
0x4f3: {  	p0 =	slt.s32 s18, $0x7F;
	[tilespmem:s3+$0x8470] =	vst v1  }
.Ltmp48:
0x4f4: {  	[tilespmem:s3+$0x8800] =	vst v1;
	(pc) =	sbr.rel @!p0 .LBB2_66-.Ltmp48, $4  }
0x4f5: {  	[tilespmem:s3+$0x8810] =	vst v1  }
0x4f6: {  	[tilespmem:s3+$0x8820] =	vst v1  }
0x4f7: {  	[tilespmem:s3+$0x8830] =	vst v1  }
0x4f8: {  	s19 =	sadd.s32 $0x80, s19;
	s20 =	sadd.s32 $0x100, s8;
	[tilespmem:s3+$0x8840] =	vst v1  }
.LBB2_65:
0x4f9: {  	s8 =	sand.u32 $0xFFFFF800, s20;
	s28 =	sand.u32 $0x380, s19;
	s18 =	sadd.s32 $0x1, s18;
	[tilespmem:s3+$0x8850] =	vst v1  }
0x4fa: {  	p0 =	slt.s32 s18, $0x7F;
	[tilespmem:s3+$0x8860] =	vst v1;
	s3 =	sor.u32 s28, s8  }
0x4fb: {  	[tilespmem:s3+$0x8870] =	vst v1  }
0x4fc: {  	[tilespmem:s3+$0x8400] =	vst v1  }
0x4fd: {  	[tilespmem:s3+$0x8410] =	vst v1  }
0x4fe: {  	[tilespmem:s3+$0x8420] =	vst v1  }
0x4ff: {  	[tilespmem:s3+$0x8430] =	vst v1  }
0x500: {  	[tilespmem:s3+$0x8440] =	vst v1  }
0x501: {  	[tilespmem:s3+$0x8450] =	vst v1  }
0x502: {  	[tilespmem:s3+$0x8460] =	vst v1  }
0x503: {  	[tilespmem:s3+$0x8470] =	vst v1  }
.Ltmp49:
0x504: {  	[tilespmem:s3+$0x8800] =	vst v1;
	(pc) =	sbr.rel @p0 .LBB2_65-.Ltmp49, $4  }
0x505: {  	[tilespmem:s3+$0x8810] =	vst v1  }
0x506: {  	[tilespmem:s3+$0x8820] =	vst v1  }
0x507: {  	[tilespmem:s3+$0x8830] =	vst v1  }
0x508: {  	s19 =	sadd.s32 $0x80, s19;
	s20 =	sadd.s32 $0x100, s20;
	[tilespmem:s3+$0x8840] =	vst v1  }
.LBB2_66:
0x509: {  	[tilespmem:s3+$0x8850] =	vst v1  }
0x50a: {  	[tilespmem:s3+$0x8860] =	vst v1  }
.LBB2_67:
.Ltmp50:
0x50b: {  	(pc) =	sbr.rel .LBB2_68-.Ltmp50, $3  }
0x50c: {  	_ =	sdelay $0x1  }
0x50d: {  	s3 =	rddreg [dreg:$0xd];
	s8 =	simm.s32 $0x8400  }
0x50e: {  	[hbm4b:s3+s4] =	stream.linear.scatter [tilespmem:s8], [sflag:$0x5], $0x8000, $0x38;
	[tilespmem:$0x1C880] =	vst v63  }
.LBB2_7:
.Ltmp51:
0x50f: {  	(pc) =	sbr.rel .LBB2_10-.Ltmp51, $2  }
0x510: {  	_ =	sdelay $0x2  }
0x511: {  	_ = 	snop  }
.LBB2_69:
0x512: {  	_ =	sfence.sel $0x180000  }
0x513: {  	[bflag:$0x0] =	sbarrier.arrive $0xFFFF  }
0x514: {  	_ =	strace $0x90000047  }
0x515: {  	s0 =	stileid.u32;
	[bflag:$0x2] =	sbarrier.arrive $0xFFFF  }
0x516: {  	p0 =	sne.s32 s0, $0x0;
	s0 =	rddreg [dreg:$0x5]  }
0x517: {  	s0 =	sadd.s32 @!p0 $0x100000, s0  }
0x518: {  	[sflag:s0] =	ssyncadd.tile.s32 @!p0 $0x1;
	_ =	shalt  }
.Lfunc_end2:
_tile_overlayer_lowered:
.L_overlay_start_2:
0x519: {  	(tag) =	ssettag $0x2  }
0x51a: {  	s0 =	rddreg [dreg:$0x0];
	s2 =	stileid.u32  }
0x51b: {  	s1 =	rddreg [dreg:$0x1];
	p0 =	sne.s32 s2, $0x0  }
0x51c: {  	s3 =	rddreg [dreg:$0x2];
	[bflag:$0x3] =	sbarrier.arrive $0xFFFF;
	s2 =	simm.s32 @!p0 $0x1C08  }
0x51d: {  	[timem:s3], [sflag:s2] =	dma.local @!p0 [hbm:s0], s1  }
0x51e: {  	s0 =	simm.s32 @!p0 $0x8  }
0x51f: {  	_ =	swait.ge @!p0 [sflag:s0], s1  }
0x520: {  	s1 =	ssub.s32 @!p0 $0x0, s1;
	[sflag:s0] =	ssyncset.done @!p0 $0x0  }
0x521: {  	[sflag:s0] =	ssyncadd.s32 @!p0 s1  }
0x522: {  	[bflag:$0x3] =	sbarrier.arrive $0xFFFF  }
0x523: {  	_ =	shalt  }

</sc_bundles>
